<compile_context>
chip_gen: v7x
topology: tpu7x:2x2x1
jax: 0.10.2.dev20260603
libtpu: 0.0.44.dev20260713+nightly
codegen_flags: <defaults>
</compile_context>

<pallas_src>
import jax
import jax.numpy as jnp
from jax import lax
from jax.experimental import pallas as pl
from jax.experimental.pallas import tpu as pltpu
from jax.experimental.pallas import tpu_sc as plsc

N_USERS = 1000000
N_ITEMS = 1000000
D = 64
B = 16384

NC = 2
NS = 16
NW = NC * NS
BPW = B // NW
CHUNK = 128
NCHUNK = BPW // CHUNK
R = 7
NSUP = BPW // R
REM = BPW - NSUP * R
SLAB = 128


def _sc_body(u3_hbm, i3_hbm, Ut_hbm, Vt_hbm, ub_hbm, vb_hbm,
             gb_hbm, out_hbm,
             uflat_v, iflat_v, uslab_v, vslab_v,
             ubr_v, vbr_v, out_v, gb_v, sem, s0, s1, s2, s3, s4, s5, s6):
    wid = lax.axis_index("s") * NC + lax.axis_index("c")
    base = wid * BPW

    pltpu.sync_copy(u3_hbm.at[wid], uflat_v)
    pltpu.sync_copy(i3_hbm.at[wid], iflat_v)
    pltpu.sync_copy(gb_hbm, gb_v)
    gb = gb_v[...]
    lanes0 = jnp.arange(16, dtype=jnp.int32)
    mask128 = ~jnp.int32(127)
    sems = [s0, s1, s2, s3, s4, s5, s6]

    def fire(l, j):
        uvec = uflat_v[pl.ds((l // 16) * 16, 16)]
        ivec = iflat_v[pl.ds((l // 16) * 16, 16)]
        onel = jnp.where(lanes0 == l % 16, jnp.int32(1), jnp.int32(0))
        su = pl.multiple_of(jnp.sum(uvec * onel) & mask128, 128)
        si = pl.multiple_of(jnp.sum(ivec * onel) & mask128, 128)
        pltpu.async_copy(Ut_hbm.at[:, pl.ds(su, SLAB)], uslab_v.at[j], sems[j])
        pltpu.async_copy(Vt_hbm.at[:, pl.ds(si, SLAB)], vslab_v.at[j], sems[j])

    for j in range(R):
        fire(jnp.int32(j), j)

    bcopies = []
    for c in range(NCHUNK):
        rows = pl.ds(c * CHUNK, CHUNK)
        bcopies.append(pltpu.async_copy(ub_hbm.at[uflat_v.at[rows]], ubr_v.at[rows], sem))
        bcopies.append(pltpu.async_copy(vb_hbm.at[iflat_v.at[rows]], vbr_v.at[rows], sem))
    for cp in bcopies:
        cp.wait()

    def consume(l, j, acc, may_fire):
        pltpu.make_async_copy(
            Ut_hbm.at[:, pl.ds(0, SLAB)], uslab_v.at[j], sems[j]).wait()
        pltpu.make_async_copy(
            Vt_hbm.at[:, pl.ds(0, SLAB)], vslab_v.at[j], sems[j]).wait()

        uvec = uflat_v[pl.ds((l // 16) * 16, 16)]
        ivec = iflat_v[pl.ds((l // 16) * 16, 16)]
        lane = l % 16
        onel = jnp.where(lanes0 == lane, jnp.int32(1), jnp.int32(0))
        cu = jnp.full((16,), jnp.sum((uvec & 127) * onel), jnp.int32)
        cv = jnp.full((16,), jnp.sum((ivec & 127) * onel), jnp.int32)
        jv = jnp.full((16,), j, jnp.int32)
        psum = jnp.zeros((16,), jnp.float32)
        for c in range(D // 16):
            dvec = lanes0 + c * 16
            psum = psum + (plsc.load_gather(uslab_v, [jv, dvec, cu])
                           * plsc.load_gather(vslab_v, [jv, dvec, cv]))
        acc = jnp.where(lanes0 == lane, jnp.sum(psum), acc)

        if may_fire:
            @pl.when(l + R < BPW)
            def _():
                fire(l + R, j)

        is15 = lane == 15

        @pl.when(is15)
        def _():
            jj = l // 16
            out_v[pl.ds(jj * 16, 16)] = (acc + ubr_v[pl.ds(jj * 16, 16)]
                                         + vbr_v[pl.ds(jj * 16, 16)] + gb)
        return jnp.where(jnp.full((16,), is15), jnp.zeros((16,), jnp.float32), acc)

    def super_iter(k, acc):
        for j in range(R):
            acc = consume(k * R + j, j, acc, True)
        return acc

    acc = lax.fori_loop(0, NSUP, super_iter, jnp.zeros((16,), jnp.float32))
    for j in range(REM):
        acc = consume(jnp.int32(NSUP * R + j), j, acc, False)

    pltpu.sync_copy(out_v, out_hbm.at[pl.ds(base, BPW)])


@jax.jit
def _mf_scores(u3, i3, Ut, Vt, ubf, vbf, gb1):
    mesh = plsc.VectorSubcoreMesh(core_axis_name="c", subcore_axis_name="s")
    kern = pl.kernel(
        _sc_body,
        out_type=jax.ShapeDtypeStruct((B,), jnp.float32),
        mesh=mesh,
        compiler_params=pltpu.CompilerParams(
            needs_layout_passes=False, use_tc_tiling_on_sc=True),
        scratch_types=[
            pltpu.VMEM((BPW,), jnp.int32),
            pltpu.VMEM((BPW,), jnp.int32),
            pltpu.VMEM((R, D, SLAB), jnp.float32),
            pltpu.VMEM((R, D, SLAB), jnp.float32),
            pltpu.VMEM((BPW,), jnp.float32),
            pltpu.VMEM((BPW,), jnp.float32),
            pltpu.VMEM((BPW,), jnp.float32),
            pltpu.VMEM((16,), jnp.float32),
        ] + [pltpu.SemaphoreType.DMA] * (1 + R),
    )
    return kern(u3, i3, Ut, Vt, ubf, vbf, gb1)


def kernel(u, i, U, V, ub, vb, gb):
    u3 = u.reshape(NW, BPW)
    i3 = i.reshape(NW, BPW)
    gb1 = jnp.broadcast_to(jnp.asarray(gb, jnp.float32), (16,))
    return _mf_scores(u3, i3, U.T, V.T,
                      ub.reshape(N_USERS), vb.reshape(N_ITEMS), gb1)

# --- scband reference (transcript-rebuilt; emitter-appended) ---
"""Pipeline reference for scband-mf-62405874811875 (READ-ONLY COPY).

The authoritative reference and input builder live on the scoring server;
editing this copy changes nothing except your own understanding.
"""

import jax, jax.numpy as jnp
import numpy as np

N_USERS = 1000000
N_ITEMS = 1000000
D = 64
B = 16384

def setup_inputs(seed: int = 0) -> dict:
    key = jax.random.key(seed)
    k_u, k_i, k_U, k_V = jax.random.split(key, 4)
    u = jax.random.randint(k_u, (B,), 0, N_USERS, dtype=jnp.int64 if jax.config.jax_enable_x64 else jnp.int32).astype(jnp.int32)
    i = jax.random.randint(k_i, (B,), 0, N_ITEMS, dtype=jnp.int32)
    U = jax.random.normal(k_U, (N_USERS, D), dtype=jnp.float32) * 0.01
    V = jax.random.normal(k_V, (N_ITEMS, D), dtype=jnp.float32) * 0.01
    ub = jnp.zeros((N_USERS, 1), dtype=jnp.float32)
    vb = jnp.zeros((N_ITEMS, 1), dtype=jnp.float32)
    gb = jnp.asarray(0.0, dtype=jnp.float32)
    return {"u": u, "i": i, "U": U, "V": V, "ub": ub, "vb": vb, "gb": gb}

def reference(u, i, U, V, ub, vb, gb):
    uvec = jnp.take(U, u, axis=0)            # (B, D) embedding gather
    ivec = jnp.take(V, i, axis=0)            # (B, D)
    s = jnp.sum(uvec * ivec, axis=1)         # (B,) dot-product scores
    s = s + jnp.squeeze(jnp.take(ub, u, axis=0), axis=1) \
          + jnp.squeeze(jnp.take(vb, i, axis=0), axis=1) + gb
    return s

if __name__ == "__main__":
    import jax
    _d = setup_inputs()
    print(jax.jit(kernel)(*tuple(_d.values())))

</pallas_src>

<mosaic_0001>
#map = affine_map<(d0, d1) -> (0, 0)>
#map1 = affine_map<(d0, d1) -> (0)>
module attributes {stable_mosaic.version = 14 : i64} {
  func.func @_sc_body(%arg0: i32, %arg1: i32, %arg2: memref<32x512xi32, #tpu.memory_space<hbm>>, %arg3: memref<32x512xi32, #tpu.memory_space<hbm>>, %arg4: memref<64x1000000xf32, #tpu.memory_space<hbm>>, %arg5: memref<64x1000000xf32, #tpu.memory_space<hbm>>, %arg6: memref<1000000xf32, #tpu.memory_space<hbm>>, %arg7: memref<1000000xf32, #tpu.memory_space<hbm>>, %arg8: memref<16xf32, #tpu.memory_space<hbm>>, %arg9: memref<16384xf32, #tpu.memory_space<hbm>>, %arg10: memref<512xi32, #tpu.memory_space<vmem>>, %arg11: memref<512xi32, #tpu.memory_space<vmem>>, %arg12: memref<7x64x128xf32, #tpu.memory_space<vmem>>, %arg13: memref<7x64x128xf32, #tpu.memory_space<vmem>>, %arg14: memref<512xf32, #tpu.memory_space<vmem>>, %arg15: memref<512xf32, #tpu.memory_space<vmem>>, %arg16: memref<512xf32, #tpu.memory_space<vmem>>, %arg17: memref<16xf32, #tpu.memory_space<vmem>>, %arg18: memref<!tpu.dma_semaphore, #tpu.memory_space<semaphore_mem>>, %arg19: memref<!tpu.dma_semaphore, #tpu.memory_space<semaphore_mem>>, %arg20: memref<!tpu.dma_semaphore, #tpu.memory_space<semaphore_mem>>, %arg21: memref<!tpu.dma_semaphore, #tpu.memory_space<semaphore_mem>>, %arg22: memref<!tpu.dma_semaphore, #tpu.memory_space<semaphore_mem>>, %arg23: memref<!tpu.dma_semaphore, #tpu.memory_space<semaphore_mem>>, %arg24: memref<!tpu.dma_semaphore, #tpu.memory_space<semaphore_mem>>, %arg25: memref<!tpu.dma_semaphore, #tpu.memory_space<semaphore_mem>>) attributes {dimension_semantics = [#tpu.dimension_semantics<core_parallel>, #tpu.dimension_semantics<subcore_parallel>], iteration_bounds = array<i64: 2, 16>, scalar_prefetch = 0 : i64, scratch_operands = 16 : i64, tpu.core_type = #tpu.core_type<sc_vector_subcore>, window_params = [{transform_indices = #map}, {transform_indices = #map}, {transform_indices = #map}, {transform_indices = #map}, {transform_indices = #map1}, {transform_indices = #map1}, {transform_indices = #map1}, {transform_indices = #map1}]} {
    %mul3A = arith.constant 2 : i32
    %mul3A_0 = arith.muli %arg1, %mul3A : i32
    %add3A = arith.addi %mul3A_0, %arg0 : i32
    %mul3A_1 = arith.constant 512 : i32
    %mul3A_2 = arith.muli %add3A, %mul3A_1 : i32
    "tpu.region"() ({
      %run_scoped3A = tpu.sem_alloc : memref<!tpu.dma_semaphore, #tpu.memory_space<semaphore_mem>>
      %dma_start3A_1125 = arith.constant 0 : i32
      %dma_start3A_1126 = tpu.memref_slice %arg2[%add3A, %dma_start3A_1125] : memref<32x512xi32, #tpu.memory_space<hbm>> -> memref<1x512xi32, #tpu.memory_space<hbm>>
      %dma_start3A_1127 = tpu.memref_squeeze %dma_start3A_1126 : memref<1x512xi32, #tpu.memory_space<hbm>> -> memref<512xi32, #tpu.memory_space<hbm>>
      %dma_start3A_1128 = arith.constant 0 : i32
      %dma_start3A_1129 = tpu.memref_slice %arg2[%add3A, %dma_start3A_1128] : memref<32x512xi32, #tpu.memory_space<hbm>> -> memref<1x512xi32, #tpu.memory_space<hbm>>
      %dma_start3A_1130 = tpu.memref_squeeze %dma_start3A_1129 : memref<1x512xi32, #tpu.memory_space<hbm>> -> memref<512xi32, #tpu.memory_space<hbm>>
      tpu.enqueue_dma source(%dma_start3A_1130 : memref<512xi32, #tpu.memory_space<hbm>>) target(%arg10 : memref<512xi32, #tpu.memory_space<vmem>>) target_semaphore(%run_scoped3A : memref<!tpu.dma_semaphore, #tpu.memory_space<semaphore_mem>>)
      %dma_wait3A_1131 = arith.constant 0 : i32
      %dma_wait3A_1132 = tpu.memref_slice %arg2[%add3A, %dma_wait3A_1131] : memref<32x512xi32, #tpu.memory_space<hbm>> -> memref<1x512xi32, #tpu.memory_space<hbm>>
      %dma_wait3A_1133 = tpu.memref_squeeze %dma_wait3A_1132 : memref<1x512xi32, #tpu.memory_space<hbm>> -> memref<512xi32, #tpu.memory_space<hbm>>
      %dma_wait3A_1134 = arith.constant 0 : i32
      %dma_wait3A_1135 = tpu.memref_slice %arg2[%add3A, %dma_wait3A_1134] : memref<32x512xi32, #tpu.memory_space<hbm>> -> memref<1x512xi32, #tpu.memory_space<hbm>>
      %dma_wait3A_1136 = tpu.memref_squeeze %dma_wait3A_1135 : memref<1x512xi32, #tpu.memory_space<hbm>> -> memref<512xi32, #tpu.memory_space<hbm>>
      tpu.wait_dma2 semaphore(%run_scoped3A : memref<!tpu.dma_semaphore, #tpu.memory_space<semaphore_mem>>) src(%dma_wait3A_1136 : memref<512xi32, #tpu.memory_space<hbm>>) dst(%arg10 : memref<512xi32, #tpu.memory_space<vmem>>)
      tpu.yield
    }) : () -> ()
    "tpu.region"() ({
      %run_scoped3A = tpu.sem_alloc : memref<!tpu.dma_semaphore, #tpu.memory_space<semaphore_mem>>
      %dma_start3A_1125 = arith.constant 0 : i32
      %dma_start3A_1126 = tpu.memref_slice %arg3[%add3A, %dma_start3A_1125] : memref<32x512xi32, #tpu.memory_space<hbm>> -> memref<1x512xi32, #tpu.memory_space<hbm>>
      %dma_start3A_1127 = tpu.memref_squeeze %dma_start3A_1126 : memref<1x512xi32, #tpu.memory_space<hbm>> -> memref<512xi32, #tpu.memory_space<hbm>>
      %dma_start3A_1128 = arith.constant 0 : i32
      %dma_start3A_1129 = tpu.memref_slice %arg3[%add3A, %dma_start3A_1128] : memref<32x512xi32, #tpu.memory_space<hbm>> -> memref<1x512xi32, #tpu.memory_space<hbm>>
      %dma_start3A_1130 = tpu.memref_squeeze %dma_start3A_1129 : memref<1x512xi32, #tpu.memory_space<hbm>> -> memref<512xi32, #tpu.memory_space<hbm>>
      tpu.enqueue_dma source(%dma_start3A_1130 : memref<512xi32, #tpu.memory_space<hbm>>) target(%arg11 : memref<512xi32, #tpu.memory_space<vmem>>) target_semaphore(%run_scoped3A : memref<!tpu.dma_semaphore, #tpu.memory_space<semaphore_mem>>)
      %dma_wait3A_1131 = arith.constant 0 : i32
      %dma_wait3A_1132 = tpu.memref_slice %arg3[%add3A, %dma_wait3A_1131] : memref<32x512xi32, #tpu.memory_space<hbm>> -> memref<1x512xi32, #tpu.memory_space<hbm>>
      %dma_wait3A_1133 = tpu.memref_squeeze %dma_wait3A_1132 : memref<1x512xi32, #tpu.memory_space<hbm>> -> memref<512xi32, #tpu.memory_space<hbm>>
      %dma_wait3A_1134 = arith.constant 0 : i32
      %dma_wait3A_1135 = tpu.memref_slice %arg3[%add3A, %dma_wait3A_1134] : memref<32x512xi32, #tpu.memory_space<hbm>> -> memref<1x512xi32, #tpu.memory_space<hbm>>
      %dma_wait3A_1136 = tpu.memref_squeeze %dma_wait3A_1135 : memref<1x512xi32, #tpu.memory_space<hbm>> -> memref<512xi32, #tpu.memory_space<hbm>>
      tpu.wait_dma2 semaphore(%run_scoped3A : memref<!tpu.dma_semaphore, #tpu.memory_space<semaphore_mem>>) src(%dma_wait3A_1136 : memref<512xi32, #tpu.memory_space<hbm>>) dst(%arg11 : memref<512xi32, #tpu.memory_space<vmem>>)
      tpu.yield
    }) : () -> ()
    "tpu.region"() ({
      %run_scoped3A = tpu.sem_alloc : memref<!tpu.dma_semaphore, #tpu.memory_space<semaphore_mem>>
      tpu.enqueue_dma source(%arg8 : memref<16xf32, #tpu.memory_space<hbm>>) target(%arg17 : memref<16xf32, #tpu.memory_space<vmem>>) target_semaphore(%run_scoped3A : memref<!tpu.dma_semaphore, #tpu.memory_space<semaphore_mem>>)
      tpu.wait_dma2 semaphore(%run_scoped3A : memref<!tpu.dma_semaphore, #tpu.memory_space<semaphore_mem>>) src(%arg8 : memref<16xf32, #tpu.memory_space<hbm>>) dst(%arg17 : memref<16xf32, #tpu.memory_space<vmem>>)
      tpu.yield
    }) : () -> ()
    %get3A = arith.constant 0 : index
    %get3A_3 = tpu.vector_load %arg17[%get3A] {strides = array<i32>} : memref<16xf32, #tpu.memory_space<vmem>>, vector<16xf32>,
    %iota3A = tpu.iota {dimensions = array<i32: 0>} : vector<16xi32>
    %not3A = arith.constant 127 : i32
    %not3A_4 = arith.constant -1 : i32
    %not3A_5 = arith.xori %not3A, %not3A_4 : i32
    %jit3A = arith.constant 0 : i32
    %jit3A_6 = arith.constant 16 : i32
    %div3A = arith.divsi %jit3A, %jit3A_6 : i32
    %sign3A = arith.constant 0 : i32
    %sign3A_7 = arith.cmpi sgt, %jit3A, %sign3A : i32
    %sign3A_8 = arith.extui %sign3A_7 : i1 to i32
    %sign3A_9 = arith.constant 0 : i32
    %sign3A_10 = arith.cmpi slt, %jit3A, %sign3A_9 : i32
    %sign3A_11 = arith.extui %sign3A_10 : i1 to i32
    %sign3A_12 = arith.subi %sign3A_8, %sign3A_11 : i32
    %sign3A_13 = arith.constant 0 : i32
    %sign3A_14 = arith.cmpi sgt, %jit3A_6, %sign3A_13 : i32
    %sign3A_15 = arith.extui %sign3A_14 : i1 to i32
    %sign3A_16 = arith.constant 0 : i32
    %sign3A_17 = arith.cmpi slt, %jit3A_6, %sign3A_16 : i32
    %sign3A_18 = arith.extui %sign3A_17 : i1 to i32
    %sign3A_19 = arith.subi %sign3A_15, %sign3A_18 : i32
    %ne3A = arith.cmpi ne, %sign3A_12, %sign3A_19 : i32
    %rem3A = arith.remsi %jit3A, %jit3A_6 : i32
    %ne3A_20 = arith.constant 0 : i32
    %ne3A_21 = arith.cmpi ne, %rem3A, %ne3A_20 : i32
    %and3A = arith.andi %ne3A, %ne3A_21 : i1
    %sub3A = arith.constant 1 : i32
    %sub3A_22 = arith.subi %div3A, %sub3A : i32
    %select_n3A = arith.select %and3A, %sub3A_22, %div3A : i32
    %mul3A_23 = arith.constant 16 : i32
    %mul3A_24 = arith.muli %select_n3A, %mul3A_23 : i32
    %get3A_25 = arith.index_cast %mul3A_24 : i32 to index
    %get3A_26 = tpu.vector_load %arg10[%get3A_25] {strides = array<i32>} : memref<512xi32, #tpu.memory_space<vmem>>, vector<16xi32>,
    %jit3A_27 = arith.constant 0 : i32
    %jit3A_28 = arith.constant 16 : i32
    %div3A_29 = arith.divsi %jit3A_27, %jit3A_28 : i32
    %sign3A_30 = arith.constant 0 : i32
    %sign3A_31 = arith.cmpi sgt, %jit3A_27, %sign3A_30 : i32
    %sign3A_32 = arith.extui %sign3A_31 : i1 to i32
    %sign3A_33 = arith.constant 0 : i32
    %sign3A_34 = arith.cmpi slt, %jit3A_27, %sign3A_33 : i32
    %sign3A_35 = arith.extui %sign3A_34 : i1 to i32
    %sign3A_36 = arith.subi %sign3A_32, %sign3A_35 : i32
    %sign3A_37 = arith.constant 0 : i32
    %sign3A_38 = arith.cmpi sgt, %jit3A_28, %sign3A_37 : i32
    %sign3A_39 = arith.extui %sign3A_38 : i1 to i32
    %sign3A_40 = arith.constant 0 : i32
    %sign3A_41 = arith.cmpi slt, %jit3A_28, %sign3A_40 : i32
    %sign3A_42 = arith.extui %sign3A_41 : i1 to i32
    %sign3A_43 = arith.subi %sign3A_39, %sign3A_42 : i32
    %ne3A_44 = arith.cmpi ne, %sign3A_36, %sign3A_43 : i32
    %rem3A_45 = arith.remsi %jit3A_27, %jit3A_28 : i32
    %ne3A_46 = arith.constant 0 : i32
    %ne3A_47 = arith.cmpi ne, %rem3A_45, %ne3A_46 : i32
    %and3A_48 = arith.andi %ne3A_44, %ne3A_47 : i1
    %sub3A_49 = arith.constant 1 : i32
    %sub3A_50 = arith.subi %div3A_29, %sub3A_49 : i32
    %select_n3A_51 = arith.select %and3A_48, %sub3A_50, %div3A_29 : i32
    %mul3A_52 = arith.constant 16 : i32
    %mul3A_53 = arith.muli %select_n3A_51, %mul3A_52 : i32
    %get3A_54 = arith.index_cast %mul3A_53 : i32 to index
    %get3A_55 = tpu.vector_load %arg11[%get3A_54] {strides = array<i32>} : memref<512xi32, #tpu.memory_space<vmem>>, vector<16xi32>,
    %jit3A_56 = arith.constant 0 : i32
    %jit3A_57 = arith.constant 16 : i32
    %eq3A = arith.constant 0 : i32
    %eq3A_58 = arith.cmpi eq, %jit3A_57, %eq3A : i32
    %jit3A_59 = arith.constant 1 : i32
    %select_n3A_60 = arith.select %eq3A_58, %jit3A_59, %jit3A_57 : i32
    %rem3A_61 = arith.remsi %jit3A_56, %select_n3A_60 : i32
    %ne3A_62 = arith.constant 0 : i32
    %ne3A_63 = arith.cmpi ne, %rem3A_61, %ne3A_62 : i32
    %lt3A = arith.constant 0 : i32
    %lt3A_64 = arith.cmpi slt, %rem3A_61, %lt3A : i32
    %lt3A_65 = arith.constant 0 : i32
    %lt3A_66 = arith.cmpi slt, %select_n3A_60, %lt3A_65 : i32
    %ne3A_67 = arith.xori %lt3A_64, %lt3A_66 : i1
    %and3A_68 = arith.andi %ne3A_67, %ne3A_63 : i1
    %add3A_69 = arith.addi %rem3A_61, %select_n3A_60 : i32
    %select_n3A_70 = arith.select %and3A_68, %add3A_69, %rem3A_61 : i32
    %eq3A_71 = vector.broadcast %select_n3A_70 : i32 to vector<16xi32>
    %eq3A_72 = arith.cmpi eq, %iota3A, %eq3A_71 : vector<16xi32>
    %jit3A_73 = arith.constant 1 : i32
    %jit3A_74 = arith.constant 0 : i32
    %broadcast_in_dim3A = vector.broadcast %jit3A_73 : i32 to vector<16xi32>
    %broadcast_in_dim3A_75 = vector.broadcast %jit3A_74 : i32 to vector<16xi32>
    %select_n3A_76 = arith.select %eq3A_72, %broadcast_in_dim3A, %broadcast_in_dim3A_75 : vector<16xi1>, vector<16xi32>
    %mul3A_77 = arith.muli %get3A_26, %select_n3A_76 : vector<16xi32>
    %reduce_sum3A = arith.constant true
    %reduce_sum3A_78 = vector.broadcast %reduce_sum3A : i1 to vector<16xi1>
    %reduce_sum3A_79 = tpu.scan <sum>, %mul3A_77 masked %reduce_sum3A_78 : vector<16xi32>, vector<16xi1> -> vector<16xi32>
    %reduce_sum3A_80 = vector.extract %reduce_sum3A_79[15] : i32 from vector<16xi32>
    %and3A_81 = arith.andi %reduce_sum3A_80, %not3A_5 : i32
    %multiple_of3A = tpu.assume_multiple %and3A_81, 128 : i32
    %mul3A_82 = arith.muli %get3A_55, %select_n3A_76 : vector<16xi32>
    %reduce_sum3A_83 = arith.constant true
    %reduce_sum3A_84 = vector.broadcast %reduce_sum3A_83 : i1 to vector<16xi1>
    %reduce_sum3A_85 = tpu.scan <sum>, %mul3A_82 masked %reduce_sum3A_84 : vector<16xi32>, vector<16xi1> -> vector<16xi32>
    %reduce_sum3A_86 = vector.extract %reduce_sum3A_85[15] : i32 from vector<16xi32>
    %and3A_87 = arith.andi %reduce_sum3A_86, %not3A_5 : i32
    %multiple_of3A_88 = tpu.assume_multiple %and3A_87, 128 : i32
    %dma_start3A = arith.constant 0 : i32
    %dma_start3A_89 = arith.constant 0 : i32
    %dma_start3A_90 = arith.constant 0 : i32
    %dma_start3A_91 = tpu.memref_slice %arg12[%dma_start3A, %dma_start3A_89, %dma_start3A_90] : memref<7x64x128xf32, #tpu.memory_space<vmem>> -> memref<1x64x128xf32, #tpu.memory_space<vmem>>
    %dma_start3A_92 = tpu.memref_squeeze %dma_start3A_91 : memref<1x64x128xf32, #tpu.memory_space<vmem>> -> memref<64x128xf32, #tpu.memory_space<vmem>>
    %dma_start3A_93 = arith.constant 0 : i32
    %dma_start3A_94 = tpu.memref_slice %arg4[%dma_start3A_93, %multiple_of3A] : memref<64x1000000xf32, #tpu.memory_space<hbm>> -> memref<64x128xf32, #tpu.memory_space<hbm>>
    %dma_start3A_95 = arith.constant 0 : i32
    %dma_start3A_96 = arith.constant 0 : i32
    %dma_start3A_97 = tpu.memref_slice %arg12[%dma_start3A, %dma_start3A_95, %dma_start3A_96] : memref<7x64x128xf32, #tpu.memory_space<vmem>> -> memref<1x64x128xf32, #tpu.memory_space<vmem>>
    %dma_start3A_98 = tpu.memref_squeeze %dma_start3A_97 : memref<1x64x128xf32, #tpu.memory_space<vmem>> -> memref<64x128xf32, #tpu.memory_space<vmem>>
    %dma_start3A_99 = arith.constant 0 : i32
    %dma_start3A_100 = tpu.memref_slice %arg4[%dma_start3A_99, %multiple_of3A] : memref<64x1000000xf32, #tpu.memory_space<hbm>> -> memref<64x128xf32, #tpu.memory_space<hbm>>
    tpu.enqueue_dma source(%dma_start3A_100 : memref<64x128xf32, #tpu.memory_space<hbm>>) target(%dma_start3A_98 : memref<64x128xf32, #tpu.memory_space<vmem>>) target_semaphore(%arg19 : memref<!tpu.dma_semaphore, #tpu.memory_space<semaphore_mem>>)
    %dma_start3A_101 = arith.constant 0 : i32
    %dma_start3A_102 = arith.constant 0 : i32
    %dma_start3A_103 = arith.constant 0 : i32
    %dma_start3A_104 = tpu.memref_slice %arg13[%dma_start3A_101, %dma_start3A_102, %dma_start3A_103] : memref<7x64x128xf32, #tpu.memory_space<vmem>> -> memref<1x64x128xf32, #tpu.memory_space<vmem>>
    %dma_start3A_105 = tpu.memref_squeeze %dma_start3A_104 : memref<1x64x128xf32, #tpu.memory_space<vmem>> -> memref<64x128xf32, #tpu.memory_space<vmem>>
    %dma_start3A_106 = arith.constant 0 : i32
    %dma_start3A_107 = tpu.memref_slice %arg5[%dma_start3A_106, %multiple_of3A_88] : memref<64x1000000xf32, #tpu.memory_space<hbm>> -> memref<64x128xf32, #tpu.memory_space<hbm>>
    %dma_start3A_108 = arith.constant 0 : i32
    %dma_start3A_109 = arith.constant 0 : i32
    %dma_start3A_110 = tpu.memref_slice %arg13[%dma_start3A_101, %dma_start3A_108, %dma_start3A_109] : memref<7x64x128xf32, #tpu.memory_space<vmem>> -> memref<1x64x128xf32, #tpu.memory_space<vmem>>
    %dma_start3A_111 = tpu.memref_squeeze %dma_start3A_110 : memref<1x64x128xf32, #tpu.memory_space<vmem>> -> memref<64x128xf32, #tpu.memory_space<vmem>>
    %dma_start3A_112 = arith.constant 0 : i32
    %dma_start3A_113 = tpu.memref_slice %arg5[%dma_start3A_112, %multiple_of3A_88] : memref<64x1000000xf32, #tpu.memory_space<hbm>> -> memref<64x128xf32, #tpu.memory_space<hbm>>
    tpu.enqueue_dma source(%dma_start3A_113 : memref<64x128xf32, #tpu.memory_space<hbm>>) target(%dma_start3A_111 : memref<64x128xf32, #tpu.memory_space<vmem>>) target_semaphore(%arg19 : memref<!tpu.dma_semaphore, #tpu.memory_space<semaphore_mem>>)
    %jit3A_114 = arith.constant 1 : i32
    %jit3A_115 = arith.constant 16 : i32
    %div3A_116 = arith.divsi %jit3A_114, %jit3A_115 : i32
    %sign3A_117 = arith.constant 0 : i32
    %sign3A_118 = arith.cmpi sgt, %jit3A_114, %sign3A_117 : i32
    %sign3A_119 = arith.extui %sign3A_118 : i1 to i32
    %sign3A_120 = arith.constant 0 : i32
    %sign3A_121 = arith.cmpi slt, %jit3A_114, %sign3A_120 : i32
    %sign3A_122 = arith.extui %sign3A_121 : i1 to i32
    %sign3A_123 = arith.subi %sign3A_119, %sign3A_122 : i32
    %sign3A_124 = arith.constant 0 : i32
    %sign3A_125 = arith.cmpi sgt, %jit3A_115, %sign3A_124 : i32
    %sign3A_126 = arith.extui %sign3A_125 : i1 to i32
    %sign3A_127 = arith.constant 0 : i32
    %sign3A_128 = arith.cmpi slt, %jit3A_115, %sign3A_127 : i32
    %sign3A_129 = arith.extui %sign3A_128 : i1 to i32
    %sign3A_130 = arith.subi %sign3A_126, %sign3A_129 : i32
    %ne3A_131 = arith.cmpi ne, %sign3A_123, %sign3A_130 : i32
    %rem3A_132 = arith.remsi %jit3A_114, %jit3A_115 : i32
    %ne3A_133 = arith.constant 0 : i32
    %ne3A_134 = arith.cmpi ne, %rem3A_132, %ne3A_133 : i32
    %and3A_135 = arith.andi %ne3A_131, %ne3A_134 : i1
    %sub3A_136 = arith.constant 1 : i32
    %sub3A_137 = arith.subi %div3A_116, %sub3A_136 : i32
    %select_n3A_138 = arith.select %and3A_135, %sub3A_137, %div3A_116 : i32
    %mul3A_139 = arith.constant 16 : i32
    %mul3A_140 = arith.muli %select_n3A_138, %mul3A_139 : i32
    %get3A_141 = arith.index_cast %mul3A_140 : i32 to index
    %get3A_142 = tpu.vector_load %arg10[%get3A_141] {strides = array<i32>} : memref<512xi32, #tpu.memory_space<vmem>>, vector<16xi32>,
    %jit3A_143 = arith.constant 1 : i32
    %jit3A_144 = arith.constant 16 : i32
    %div3A_145 = arith.divsi %jit3A_143, %jit3A_144 : i32
    %sign3A_146 = arith.constant 0 : i32
    %sign3A_147 = arith.cmpi sgt, %jit3A_143, %sign3A_146 : i32
    %sign3A_148 = arith.extui %sign3A_147 : i1 to i32
    %sign3A_149 = arith.constant 0 : i32
    %sign3A_150 = arith.cmpi slt, %jit3A_143, %sign3A_149 : i32
    %sign3A_151 = arith.extui %sign3A_150 : i1 to i32
    %sign3A_152 = arith.subi %sign3A_148, %sign3A_151 : i32
    %sign3A_153 = arith.constant 0 : i32
    %sign3A_154 = arith.cmpi sgt, %jit3A_144, %sign3A_153 : i32
    %sign3A_155 = arith.extui %sign3A_154 : i1 to i32
    %sign3A_156 = arith.constant 0 : i32
    %sign3A_157 = arith.cmpi slt, %jit3A_144, %sign3A_156 : i32
    %sign3A_158 = arith.extui %sign3A_157 : i1 to i32
    %sign3A_159 = arith.subi %sign3A_155, %sign3A_158 : i32
    %ne3A_160 = arith.cmpi ne, %sign3A_152, %sign3A_159 : i32
    %rem3A_161 = arith.remsi %jit3A_143, %jit3A_144 : i32
    %ne3A_162 = arith.constant 0 : i32
    %ne3A_163 = arith.cmpi ne, %rem3A_161, %ne3A_162 : i32
    %and3A_164 = arith.andi %ne3A_160, %ne3A_163 : i1
    %sub3A_165 = arith.constant 1 : i32
    %sub3A_166 = arith.subi %div3A_145, %sub3A_165 : i32
    %select_n3A_167 = arith.select %and3A_164, %sub3A_166, %div3A_145 : i32
    %mul3A_168 = arith.constant 16 : i32
    %mul3A_169 = arith.muli %select_n3A_167, %mul3A_168 : i32
    %get3A_170 = arith.index_cast %mul3A_169 : i32 to index
    %get3A_171 = tpu.vector_load %arg11[%get3A_170] {strides = array<i32>} : memref<512xi32, #tpu.memory_space<vmem>>, vector<16xi32>,
    %jit3A_172 = arith.constant 1 : i32
    %jit3A_173 = arith.constant 16 : i32
    %eq3A_174 = arith.constant 0 : i32
    %eq3A_175 = arith.cmpi eq, %jit3A_173, %eq3A_174 : i32
    %jit3A_176 = arith.constant 1 : i32
    %select_n3A_177 = arith.select %eq3A_175, %jit3A_176, %jit3A_173 : i32
    %rem3A_178 = arith.remsi %jit3A_172, %select_n3A_177 : i32
    %ne3A_179 = arith.constant 0 : i32
    %ne3A_180 = arith.cmpi ne, %rem3A_178, %ne3A_179 : i32
    %lt3A_181 = arith.constant 0 : i32
    %lt3A_182 = arith.cmpi slt, %rem3A_178, %lt3A_181 : i32
    %lt3A_183 = arith.constant 0 : i32
    %lt3A_184 = arith.cmpi slt, %select_n3A_177, %lt3A_183 : i32
    %ne3A_185 = arith.xori %lt3A_182, %lt3A_184 : i1
    %and3A_186 = arith.andi %ne3A_185, %ne3A_180 : i1
    %add3A_187 = arith.addi %rem3A_178, %select_n3A_177 : i32
    %select_n3A_188 = arith.select %and3A_186, %add3A_187, %rem3A_178 : i32
    %eq3A_189 = vector.broadcast %select_n3A_188 : i32 to vector<16xi32>
    %eq3A_190 = arith.cmpi eq, %iota3A, %eq3A_189 : vector<16xi32>
    %jit3A_191 = arith.constant 1 : i32
    %jit3A_192 = arith.constant 0 : i32
    %broadcast_in_dim3A_193 = vector.broadcast %jit3A_191 : i32 to vector<16xi32>
    %broadcast_in_dim3A_194 = vector.broadcast %jit3A_192 : i32 to vector<16xi32>
    %select_n3A_195 = arith.select %eq3A_190, %broadcast_in_dim3A_193, %broadcast_in_dim3A_194 : vector<16xi1>, vector<16xi32>
    %mul3A_196 = arith.muli %get3A_142, %select_n3A_195 : vector<16xi32>
    %reduce_sum3A_197 = arith.constant true
    %reduce_sum3A_198 = vector.broadcast %reduce_sum3A_197 : i1 to vector<16xi1>
    %reduce_sum3A_199 = tpu.scan <sum>, %mul3A_196 masked %reduce_sum3A_198 : vector<16xi32>, vector<16xi1> -> vector<16xi32>
    %reduce_sum3A_200 = vector.extract %reduce_sum3A_199[15] : i32 from vector<16xi32>
    %and3A_201 = arith.andi %reduce_sum3A_200, %not3A_5 : i32
    %multiple_of3A_202 = tpu.assume_multiple %and3A_201, 128 : i32
    %mul3A_203 = arith.muli %get3A_171, %select_n3A_195 : vector<16xi32>
    %reduce_sum3A_204 = arith.constant true
    %reduce_sum3A_205 = vector.broadcast %reduce_sum3A_204 : i1 to vector<16xi1>
    %reduce_sum3A_206 = tpu.scan <sum>, %mul3A_203 masked %reduce_sum3A_205 : vector<16xi32>, vector<16xi1> -> vector<16xi32>
    %reduce_sum3A_207 = vector.extract %reduce_sum3A_206[15] : i32 from vector<16xi32>
    %and3A_208 = arith.andi %reduce_sum3A_207, %not3A_5 : i32
    %multiple_of3A_209 = tpu.assume_multiple %and3A_208, 128 : i32
    %dma_start3A_210 = arith.constant 1 : i32
    %dma_start3A_211 = arith.constant 0 : i32
    %dma_start3A_212 = arith.constant 0 : i32
    %dma_start3A_213 = tpu.memref_slice %arg12[%dma_start3A_210, %dma_start3A_211, %dma_start3A_212] : memref<7x64x128xf32, #tpu.memory_space<vmem>> -> memref<1x64x128xf32, #tpu.memory_space<vmem>>
    %dma_start3A_214 = tpu.memref_squeeze %dma_start3A_213 : memref<1x64x128xf32, #tpu.memory_space<vmem>> -> memref<64x128xf32, #tpu.memory_space<vmem>>
    %dma_start3A_215 = arith.constant 0 : i32
    %dma_start3A_216 = tpu.memref_slice %arg4[%dma_start3A_215, %multiple_of3A_202] : memref<64x1000000xf32, #tpu.memory_space<hbm>> -> memref<64x128xf32, #tpu.memory_space<hbm>>
    %dma_start3A_217 = arith.constant 0 : i32
    %dma_start3A_218 = arith.constant 0 : i32
    %dma_start3A_219 = tpu.memref_slice %arg12[%dma_start3A_210, %dma_start3A_217, %dma_start3A_218] : memref<7x64x128xf32, #tpu.memory_space<vmem>> -> memref<1x64x128xf32, #tpu.memory_space<vmem>>
    %dma_start3A_220 = tpu.memref_squeeze %dma_start3A_219 : memref<1x64x128xf32, #tpu.memory_space<vmem>> -> memref<64x128xf32, #tpu.memory_space<vmem>>
    %dma_start3A_221 = arith.constant 0 : i32
    %dma_start3A_222 = tpu.memref_slice %arg4[%dma_start3A_221, %multiple_of3A_202] : memref<64x1000000xf32, #tpu.memory_space<hbm>> -> memref<64x128xf32, #tpu.memory_space<hbm>>
    tpu.enqueue_dma source(%dma_start3A_222 : memref<64x128xf32, #tpu.memory_space<hbm>>) target(%dma_start3A_220 : memref<64x128xf32, #tpu.memory_space<vmem>>) target_semaphore(%arg20 : memref<!tpu.dma_semaphore, #tpu.memory_space<semaphore_mem>>)
    %dma_start3A_223 = arith.constant 1 : i32
    %dma_start3A_224 = arith.constant 0 : i32
    %dma_start3A_225 = arith.constant 0 : i32
    %dma_start3A_226 = tpu.memref_slice %arg13[%dma_start3A_223, %dma_start3A_224, %dma_start3A_225] : memref<7x64x128xf32, #tpu.memory_space<vmem>> -> memref<1x64x128xf32, #tpu.memory_space<vmem>>
    %dma_start3A_227 = tpu.memref_squeeze %dma_start3A_226 : memref<1x64x128xf32, #tpu.memory_space<vmem>> -> memref<64x128xf32, #tpu.memory_space<vmem>>
    %dma_start3A_228 = arith.constant 0 : i32
    %dma_start3A_229 = tpu.memref_slice %arg5[%dma_start3A_228, %multiple_of3A_209] : memref<64x1000000xf32, #tpu.memory_space<hbm>> -> memref<64x128xf32, #tpu.memory_space<hbm>>
    %dma_start3A_230 = arith.constant 0 : i32
    %dma_start3A_231 = arith.constant 0 : i32
    %dma_start3A_232 = tpu.memref_slice %arg13[%dma_start3A_223, %dma_start3A_230, %dma_start3A_231] : memref<7x64x128xf32, #tpu.memory_space<vmem>> -> memref<1x64x128xf32, #tpu.memory_space<vmem>>
    %dma_start3A_233 = tpu.memref_squeeze %dma_start3A_232 : memref<1x64x128xf32, #tpu.memory_space<vmem>> -> memref<64x128xf32, #tpu.memory_space<vmem>>
    %dma_start3A_234 = arith.constant 0 : i32
    %dma_start3A_235 = tpu.memref_slice %arg5[%dma_start3A_234, %multiple_of3A_209] : memref<64x1000000xf32, #tpu.memory_space<hbm>> -> memref<64x128xf32, #tpu.memory_space<hbm>>
    tpu.enqueue_dma source(%dma_start3A_235 : memref<64x128xf32, #tpu.memory_space<hbm>>) target(%dma_start3A_233 : memref<64x128xf32, #tpu.memory_space<vmem>>) target_semaphore(%arg20 : memref<!tpu.dma_semaphore, #tpu.memory_space<semaphore_mem>>)
    %jit3A_236 = arith.constant 2 : i32
    %jit3A_237 = arith.constant 16 : i32
    %div3A_238 = arith.divsi %jit3A_236, %jit3A_237 : i32
    %sign3A_239 = arith.constant 0 : i32
    %sign3A_240 = arith.cmpi sgt, %jit3A_236, %sign3A_239 : i32
    %sign3A_241 = arith.extui %sign3A_240 : i1 to i32
    %sign3A_242 = arith.constant 0 : i32
    %sign3A_243 = arith.cmpi slt, %jit3A_236, %sign3A_242 : i32
    %sign3A_244 = arith.extui %sign3A_243 : i1 to i32
    %sign3A_245 = arith.subi %sign3A_241, %sign3A_244 : i32
    %sign3A_246 = arith.constant 0 : i32
    %sign3A_247 = arith.cmpi sgt, %jit3A_237, %sign3A_246 : i32
    %sign3A_248 = arith.extui %sign3A_247 : i1 to i32
    %sign3A_249 = arith.constant 0 : i32
    %sign3A_250 = arith.cmpi slt, %jit3A_237, %sign3A_249 : i32
    %sign3A_251 = arith.extui %sign3A_250 : i1 to i32
    %sign3A_252 = arith.subi %sign3A_248, %sign3A_251 : i32
    %ne3A_253 = arith.cmpi ne, %sign3A_245, %sign3A_252 : i32
    %rem3A_254 = arith.remsi %jit3A_236, %jit3A_237 : i32
    %ne3A_255 = arith.constant 0 : i32
    %ne3A_256 = arith.cmpi ne, %rem3A_254, %ne3A_255 : i32
    %and3A_257 = arith.andi %ne3A_253, %ne3A_256 : i1
    %sub3A_258 = arith.constant 1 : i32
    %sub3A_259 = arith.subi %div3A_238, %sub3A_258 : i32
    %select_n3A_260 = arith.select %and3A_257, %sub3A_259, %div3A_238 : i32
    %mul3A_261 = arith.constant 16 : i32
    %mul3A_262 = arith.muli %select_n3A_260, %mul3A_261 : i32
    %get3A_263 = arith.index_cast %mul3A_262 : i32 to index
    %get3A_264 = tpu.vector_load %arg10[%get3A_263] {strides = array<i32>} : memref<512xi32, #tpu.memory_space<vmem>>, vector<16xi32>,
    %jit3A_265 = arith.constant 2 : i32
    %jit3A_266 = arith.constant 16 : i32
    %div3A_267 = arith.divsi %jit3A_265, %jit3A_266 : i32
    %sign3A_268 = arith.constant 0 : i32
    %sign3A_269 = arith.cmpi sgt, %jit3A_265, %sign3A_268 : i32
    %sign3A_270 = arith.extui %sign3A_269 : i1 to i32
    %sign3A_271 = arith.constant 0 : i32
    %sign3A_272 = arith.cmpi slt, %jit3A_265, %sign3A_271 : i32
    %sign3A_273 = arith.extui %sign3A_272 : i1 to i32
    %sign3A_274 = arith.subi %sign3A_270, %sign3A_273 : i32
    %sign3A_275 = arith.constant 0 : i32
    %sign3A_276 = arith.cmpi sgt, %jit3A_266, %sign3A_275 : i32
    %sign3A_277 = arith.extui %sign3A_276 : i1 to i32
    %sign3A_278 = arith.constant 0 : i32
    %sign3A_279 = arith.cmpi slt, %jit3A_266, %sign3A_278 : i32
    %sign3A_280 = arith.extui %sign3A_279 : i1 to i32
    %sign3A_281 = arith.subi %sign3A_277, %sign3A_280 : i32
    %ne3A_282 = arith.cmpi ne, %sign3A_274, %sign3A_281 : i32
    %rem3A_283 = arith.remsi %jit3A_265, %jit3A_266 : i32
    %ne3A_284 = arith.constant 0 : i32
    %ne3A_285 = arith.cmpi ne, %rem3A_283, %ne3A_284 : i32
    %and3A_286 = arith.andi %ne3A_282, %ne3A_285 : i1
    %sub3A_287 = arith.constant 1 : i32
    %sub3A_288 = arith.subi %div3A_267, %sub3A_287 : i32
    %select_n3A_289 = arith.select %and3A_286, %sub3A_288, %div3A_267 : i32
    %mul3A_290 = arith.constant 16 : i32
    %mul3A_291 = arith.muli %select_n3A_289, %mul3A_290 : i32
    %get3A_292 = arith.index_cast %mul3A_291 : i32 to index
    %get3A_293 = tpu.vector_load %arg11[%get3A_292] {strides = array<i32>} : memref<512xi32, #tpu.memory_space<vmem>>, vector<16xi32>,
    %jit3A_294 = arith.constant 2 : i32
    %jit3A_295 = arith.constant 16 : i32
    %eq3A_296 = arith.constant 0 : i32
    %eq3A_297 = arith.cmpi eq, %jit3A_295, %eq3A_296 : i32
    %jit3A_298 = arith.constant 1 : i32
    %select_n3A_299 = arith.select %eq3A_297, %jit3A_298, %jit3A_295 : i32
    %rem3A_300 = arith.remsi %jit3A_294, %select_n3A_299 : i32
    %ne3A_301 = arith.constant 0 : i32
    %ne3A_302 = arith.cmpi ne, %rem3A_300, %ne3A_301 : i32
    %lt3A_303 = arith.constant 0 : i32
    %lt3A_304 = arith.cmpi slt, %rem3A_300, %lt3A_303 : i32
    %lt3A_305 = arith.constant 0 : i32
    %lt3A_306 = arith.cmpi slt, %select_n3A_299, %lt3A_305 : i32
    %ne3A_307 = arith.xori %lt3A_304, %lt3A_306 : i1
    %and3A_308 = arith.andi %ne3A_307, %ne3A_302 : i1
    %add3A_309 = arith.addi %rem3A_300, %select_n3A_299 : i32
    %select_n3A_310 = arith.select %and3A_308, %add3A_309, %rem3A_300 : i32
    %eq3A_311 = vector.broadcast %select_n3A_310 : i32 to vector<16xi32>
    %eq3A_312 = arith.cmpi eq, %iota3A, %eq3A_311 : vector<16xi32>
    %jit3A_313 = arith.constant 1 : i32
    %jit3A_314 = arith.constant 0 : i32
    %broadcast_in_dim3A_315 = vector.broadcast %jit3A_313 : i32 to vector<16xi32>
    %broadcast_in_dim3A_316 = vector.broadcast %jit3A_314 : i32 to vector<16xi32>
    %select_n3A_317 = arith.select %eq3A_312, %broadcast_in_dim3A_315, %broadcast_in_dim3A_316 : vector<16xi1>, vector<16xi32>
    %mul3A_318 = arith.muli %get3A_264, %select_n3A_317 : vector<16xi32>
    %reduce_sum3A_319 = arith.constant true
    %reduce_sum3A_320 = vector.broadcast %reduce_sum3A_319 : i1 to vector<16xi1>
    %reduce_sum3A_321 = tpu.scan <sum>, %mul3A_318 masked %reduce_sum3A_320 : vector<16xi32>, vector<16xi1> -> vector<16xi32>
    %reduce_sum3A_322 = vector.extract %reduce_sum3A_321[15] : i32 from vector<16xi32>
    %and3A_323 = arith.andi %reduce_sum3A_322, %not3A_5 : i32
    %multiple_of3A_324 = tpu.assume_multiple %and3A_323, 128 : i32
    %mul3A_325 = arith.muli %get3A_293, %select_n3A_317 : vector<16xi32>
    %reduce_sum3A_326 = arith.constant true
    %reduce_sum3A_327 = vector.broadcast %reduce_sum3A_326 : i1 to vector<16xi1>
    %reduce_sum3A_328 = tpu.scan <sum>, %mul3A_325 masked %reduce_sum3A_327 : vector<16xi32>, vector<16xi1> -> vector<16xi32>
    %reduce_sum3A_329 = vector.extract %reduce_sum3A_328[15] : i32 from vector<16xi32>
    %and3A_330 = arith.andi %reduce_sum3A_329, %not3A_5 : i32
    %multiple_of3A_331 = tpu.assume_multiple %and3A_330, 128 : i32
    %dma_start3A_332 = arith.constant 2 : i32
    %dma_start3A_333 = arith.constant 0 : i32
    %dma_start3A_334 = arith.constant 0 : i32
    %dma_start3A_335 = tpu.memref_slice %arg12[%dma_start3A_332, %dma_start3A_333, %dma_start3A_334] : memref<7x64x128xf32, #tpu.memory_space<vmem>> -> memref<1x64x128xf32, #tpu.memory_space<vmem>>
    %dma_start3A_336 = tpu.memref_squeeze %dma_start3A_335 : memref<1x64x128xf32, #tpu.memory_space<vmem>> -> memref<64x128xf32, #tpu.memory_space<vmem>>
    %dma_start3A_337 = arith.constant 0 : i32
    %dma_start3A_338 = tpu.memref_slice %arg4[%dma_start3A_337, %multiple_of3A_324] : memref<64x1000000xf32, #tpu.memory_space<hbm>> -> memref<64x128xf32, #tpu.memory_space<hbm>>
    %dma_start3A_339 = arith.constant 0 : i32
    %dma_start3A_340 = arith.constant 0 : i32
    %dma_start3A_341 = tpu.memref_slice %arg12[%dma_start3A_332, %dma_start3A_339, %dma_start3A_340] : memref<7x64x128xf32, #tpu.memory_space<vmem>> -> memref<1x64x128xf32, #tpu.memory_space<vmem>>
    %dma_start3A_342 = tpu.memref_squeeze %dma_start3A_341 : memref<1x64x128xf32, #tpu.memory_space<vmem>> -> memref<64x128xf32, #tpu.memory_space<vmem>>
    %dma_start3A_343 = arith.constant 0 : i32
    %dma_start3A_344 = tpu.memref_slice %arg4[%dma_start3A_343, %multiple_of3A_324] : memref<64x1000000xf32, #tpu.memory_space<hbm>> -> memref<64x128xf32, #tpu.memory_space<hbm>>
    tpu.enqueue_dma source(%dma_start3A_344 : memref<64x128xf32, #tpu.memory_space<hbm>>) target(%dma_start3A_342 : memref<64x128xf32, #tpu.memory_space<vmem>>) target_semaphore(%arg21 : memref<!tpu.dma_semaphore, #tpu.memory_space<semaphore_mem>>)
    %dma_start3A_345 = arith.constant 2 : i32
    %dma_start3A_346 = arith.constant 0 : i32
    %dma_start3A_347 = arith.constant 0 : i32
    %dma_start3A_348 = tpu.memref_slice %arg13[%dma_start3A_345, %dma_start3A_346, %dma_start3A_347] : memref<7x64x128xf32, #tpu.memory_space<vmem>> -> memref<1x64x128xf32, #tpu.memory_space<vmem>>
    %dma_start3A_349 = tpu.memref_squeeze %dma_start3A_348 : memref<1x64x128xf32, #tpu.memory_space<vmem>> -> memref<64x128xf32, #tpu.memory_space<vmem>>
    %dma_start3A_350 = arith.constant 0 : i32
    %dma_start3A_351 = tpu.memref_slice %arg5[%dma_start3A_350, %multiple_of3A_331] : memref<64x1000000xf32, #tpu.memory_space<hbm>> -> memref<64x128xf32, #tpu.memory_space<hbm>>
    %dma_start3A_352 = arith.constant 0 : i32
    %dma_start3A_353 = arith.constant 0 : i32
    %dma_start3A_354 = tpu.memref_slice %arg13[%dma_start3A_345, %dma_start3A_352, %dma_start3A_353] : memref<7x64x128xf32, #tpu.memory_space<vmem>> -> memref<1x64x128xf32, #tpu.memory_space<vmem>>
    %dma_start3A_355 = tpu.memref_squeeze %dma_start3A_354 : memref<1x64x128xf32, #tpu.memory_space<vmem>> -> memref<64x128xf32, #tpu.memory_space<vmem>>
    %dma_start3A_356 = arith.constant 0 : i32
    %dma_start3A_357 = tpu.memref_slice %arg5[%dma_start3A_356, %multiple_of3A_331] : memref<64x1000000xf32, #tpu.memory_space<hbm>> -> memref<64x128xf32, #tpu.memory_space<hbm>>
    tpu.enqueue_dma source(%dma_start3A_357 : memref<64x128xf32, #tpu.memory_space<hbm>>) target(%dma_start3A_355 : memref<64x128xf32, #tpu.memory_space<vmem>>) target_semaphore(%arg21 : memref<!tpu.dma_semaphore, #tpu.memory_space<semaphore_mem>>)
    %jit3A_358 = arith.constant 3 : i32
    %jit3A_359 = arith.constant 16 : i32
    %div3A_360 = arith.divsi %jit3A_358, %jit3A_359 : i32
    %sign3A_361 = arith.constant 0 : i32
    %sign3A_362 = arith.cmpi sgt, %jit3A_358, %sign3A_361 : i32
    %sign3A_363 = arith.extui %sign3A_362 : i1 to i32
    %sign3A_364 = arith.constant 0 : i32
    %sign3A_365 = arith.cmpi slt, %jit3A_358, %sign3A_364 : i32
    %sign3A_366 = arith.extui %sign3A_365 : i1 to i32
    %sign3A_367 = arith.subi %sign3A_363, %sign3A_366 : i32
    %sign3A_368 = arith.constant 0 : i32
    %sign3A_369 = arith.cmpi sgt, %jit3A_359, %sign3A_368 : i32
    %sign3A_370 = arith.extui %sign3A_369 : i1 to i32
    %sign3A_371 = arith.constant 0 : i32
    %sign3A_372 = arith.cmpi slt, %jit3A_359, %sign3A_371 : i32
    %sign3A_373 = arith.extui %sign3A_372 : i1 to i32
    %sign3A_374 = arith.subi %sign3A_370, %sign3A_373 : i32
    %ne3A_375 = arith.cmpi ne, %sign3A_367, %sign3A_374 : i32
    %rem3A_376 = arith.remsi %jit3A_358, %jit3A_359 : i32
    %ne3A_377 = arith.constant 0 : i32
    %ne3A_378 = arith.cmpi ne, %rem3A_376, %ne3A_377 : i32
    %and3A_379 = arith.andi %ne3A_375, %ne3A_378 : i1
    %sub3A_380 = arith.constant 1 : i32
    %sub3A_381 = arith.subi %div3A_360, %sub3A_380 : i32
    %select_n3A_382 = arith.select %and3A_379, %sub3A_381, %div3A_360 : i32
    %mul3A_383 = arith.constant 16 : i32
    %mul3A_384 = arith.muli %select_n3A_382, %mul3A_383 : i32
    %get3A_385 = arith.index_cast %mul3A_384 : i32 to index
    %get3A_386 = tpu.vector_load %arg10[%get3A_385] {strides = array<i32>} : memref<512xi32, #tpu.memory_space<vmem>>, vector<16xi32>,
    %jit3A_387 = arith.constant 3 : i32
    %jit3A_388 = arith.constant 16 : i32
    %div3A_389 = arith.divsi %jit3A_387, %jit3A_388 : i32
    %sign3A_390 = arith.constant 0 : i32
    %sign3A_391 = arith.cmpi sgt, %jit3A_387, %sign3A_390 : i32
    %sign3A_392 = arith.extui %sign3A_391 : i1 to i32
    %sign3A_393 = arith.constant 0 : i32
    %sign3A_394 = arith.cmpi slt, %jit3A_387, %sign3A_393 : i32
    %sign3A_395 = arith.extui %sign3A_394 : i1 to i32
    %sign3A_396 = arith.subi %sign3A_392, %sign3A_395 : i32
    %sign3A_397 = arith.constant 0 : i32
    %sign3A_398 = arith.cmpi sgt, %jit3A_388, %sign3A_397 : i32
    %sign3A_399 = arith.extui %sign3A_398 : i1 to i32
    %sign3A_400 = arith.constant 0 : i32
    %sign3A_401 = arith.cmpi slt, %jit3A_388, %sign3A_400 : i32
    %sign3A_402 = arith.extui %sign3A_401 : i1 to i32
    %sign3A_403 = arith.subi %sign3A_399, %sign3A_402 : i32
    %ne3A_404 = arith.cmpi ne, %sign3A_396, %sign3A_403 : i32
    %rem3A_405 = arith.remsi %jit3A_387, %jit3A_388 : i32
    %ne3A_406 = arith.constant 0 : i32
    %ne3A_407 = arith.cmpi ne, %rem3A_405, %ne3A_406 : i32
    %and3A_408 = arith.andi %ne3A_404, %ne3A_407 : i1
    %sub3A_409 = arith.constant 1 : i32
    %sub3A_410 = arith.subi %div3A_389, %sub3A_409 : i32
    %select_n3A_411 = arith.select %and3A_408, %sub3A_410, %div3A_389 : i32
    %mul3A_412 = arith.constant 16 : i32
    %mul3A_413 = arith.muli %select_n3A_411, %mul3A_412 : i32
    %get3A_414 = arith.index_cast %mul3A_413 : i32 to index
    %get3A_415 = tpu.vector_load %arg11[%get3A_414] {strides = array<i32>} : memref<512xi32, #tpu.memory_space<vmem>>, vector<16xi32>,
    %jit3A_416 = arith.constant 3 : i32
    %jit3A_417 = arith.constant 16 : i32
    %eq3A_418 = arith.constant 0 : i32
    %eq3A_419 = arith.cmpi eq, %jit3A_417, %eq3A_418 : i32
    %jit3A_420 = arith.constant 1 : i32
    %select_n3A_421 = arith.select %eq3A_419, %jit3A_420, %jit3A_417 : i32
    %rem3A_422 = arith.remsi %jit3A_416, %select_n3A_421 : i32
    %ne3A_423 = arith.constant 0 : i32
    %ne3A_424 = arith.cmpi ne, %rem3A_422, %ne3A_423 : i32
    %lt3A_425 = arith.constant 0 : i32
    %lt3A_426 = arith.cmpi slt, %rem3A_422, %lt3A_425 : i32
    %lt3A_427 = arith.constant 0 : i32
    %lt3A_428 = arith.cmpi slt, %select_n3A_421, %lt3A_427 : i32
    %ne3A_429 = arith.xori %lt3A_426, %lt3A_428 : i1
    %and3A_430 = arith.andi %ne3A_429, %ne3A_424 : i1
    %add3A_431 = arith.addi %rem3A_422, %select_n3A_421 : i32
    %select_n3A_432 = arith.select %and3A_430, %add3A_431, %rem3A_422 : i32
    %eq3A_433 = vector.broadcast %select_n3A_432 : i32 to vector<16xi32>
    %eq3A_434 = arith.cmpi eq, %iota3A, %eq3A_433 : vector<16xi32>
    %jit3A_435 = arith.constant 1 : i32
    %jit3A_436 = arith.constant 0 : i32
    %broadcast_in_dim3A_437 = vector.broadcast %jit3A_435 : i32 to vector<16xi32>
    %broadcast_in_dim3A_438 = vector.broadcast %jit3A_436 : i32 to vector<16xi32>
    %select_n3A_439 = arith.select %eq3A_434, %broadcast_in_dim3A_437, %broadcast_in_dim3A_438 : vector<16xi1>, vector<16xi32>
    %mul3A_440 = arith.muli %get3A_386, %select_n3A_439 : vector<16xi32>
    %reduce_sum3A_441 = arith.constant true
    %reduce_sum3A_442 = vector.broadcast %reduce_sum3A_441 : i1 to vector<16xi1>
    %reduce_sum3A_443 = tpu.scan <sum>, %mul3A_440 masked %reduce_sum3A_442 : vector<16xi32>, vector<16xi1> -> vector<16xi32>
    %reduce_sum3A_444 = vector.extract %reduce_sum3A_443[15] : i32 from vector<16xi32>
    %and3A_445 = arith.andi %reduce_sum3A_444, %not3A_5 : i32
    %multiple_of3A_446 = tpu.assume_multiple %and3A_445, 128 : i32
    %mul3A_447 = arith.muli %get3A_415, %select_n3A_439 : vector<16xi32>
    %reduce_sum3A_448 = arith.constant true
    %reduce_sum3A_449 = vector.broadcast %reduce_sum3A_448 : i1 to vector<16xi1>
    %reduce_sum3A_450 = tpu.scan <sum>, %mul3A_447 masked %reduce_sum3A_449 : vector<16xi32>, vector<16xi1> -> vector<16xi32>
    %reduce_sum3A_451 = vector.extract %reduce_sum3A_450[15] : i32 from vector<16xi32>
    %and3A_452 = arith.andi %reduce_sum3A_451, %not3A_5 : i32
    %multiple_of3A_453 = tpu.assume_multiple %and3A_452, 128 : i32
    %dma_start3A_454 = arith.constant 3 : i32
    %dma_start3A_455 = arith.constant 0 : i32
    %dma_start3A_456 = arith.constant 0 : i32
    %dma_start3A_457 = tpu.memref_slice %arg12[%dma_start3A_454, %dma_start3A_455, %dma_start3A_456] : memref<7x64x128xf32, #tpu.memory_space<vmem>> -> memref<1x64x128xf32, #tpu.memory_space<vmem>>
    %dma_start3A_458 = tpu.memref_squeeze %dma_start3A_457 : memref<1x64x128xf32, #tpu.memory_space<vmem>> -> memref<64x128xf32, #tpu.memory_space<vmem>>
    %dma_start3A_459 = arith.constant 0 : i32
    %dma_start3A_460 = tpu.memref_slice %arg4[%dma_start3A_459, %multiple_of3A_446] : memref<64x1000000xf32, #tpu.memory_space<hbm>> -> memref<64x128xf32, #tpu.memory_space<hbm>>
    %dma_start3A_461 = arith.constant 0 : i32
    %dma_start3A_462 = arith.constant 0 : i32
    %dma_start3A_463 = tpu.memref_slice %arg12[%dma_start3A_454, %dma_start3A_461, %dma_start3A_462] : memref<7x64x128xf32, #tpu.memory_space<vmem>> -> memref<1x64x128xf32, #tpu.memory_space<vmem>>
    %dma_start3A_464 = tpu.memref_squeeze %dma_start3A_463 : memref<1x64x128xf32, #tpu.memory_space<vmem>> -> memref<64x128xf32, #tpu.memory_space<vmem>>
    %dma_start3A_465 = arith.constant 0 : i32
    %dma_start3A_466 = tpu.memref_slice %arg4[%dma_start3A_465, %multiple_of3A_446] : memref<64x1000000xf32, #tpu.memory_space<hbm>> -> memref<64x128xf32, #tpu.memory_space<hbm>>
    tpu.enqueue_dma source(%dma_start3A_466 : memref<64x128xf32, #tpu.memory_space<hbm>>) target(%dma_start3A_464 : memref<64x128xf32, #tpu.memory_space<vmem>>) target_semaphore(%arg22 : memref<!tpu.dma_semaphore, #tpu.memory_space<semaphore_mem>>)
    %dma_start3A_467 = arith.constant 3 : i32
    %dma_start3A_468 = arith.constant 0 : i32
    %dma_start3A_469 = arith.constant 0 : i32
    %dma_start3A_470 = tpu.memref_slice %arg13[%dma_start3A_467, %dma_start3A_468, %dma_start3A_469] : memref<7x64x128xf32, #tpu.memory_space<vmem>> -> memref<1x64x128xf32, #tpu.memory_space<vmem>>
    %dma_start3A_471 = tpu.memref_squeeze %dma_start3A_470 : memref<1x64x128xf32, #tpu.memory_space<vmem>> -> memref<64x128xf32, #tpu.memory_space<vmem>>
    %dma_start3A_472 = arith.constant 0 : i32
    %dma_start3A_473 = tpu.memref_slice %arg5[%dma_start3A_472, %multiple_of3A_453] : memref<64x1000000xf32, #tpu.memory_space<hbm>> -> memref<64x128xf32, #tpu.memory_space<hbm>>
    %dma_start3A_474 = arith.constant 0 : i32
    %dma_start3A_475 = arith.constant 0 : i32
    %dma_start3A_476 = tpu.memref_slice %arg13[%dma_start3A_467, %dma_start3A_474, %dma_start3A_475] : memref<7x64x128xf32, #tpu.memory_space<vmem>> -> memref<1x64x128xf32, #tpu.memory_space<vmem>>
    %dma_start3A_477 = tpu.memref_squeeze %dma_start3A_476 : memref<1x64x128xf32, #tpu.memory_space<vmem>> -> memref<64x128xf32, #tpu.memory_space<vmem>>
    %dma_start3A_478 = arith.constant 0 : i32
    %dma_start3A_479 = tpu.memref_slice %arg5[%dma_start3A_478, %multiple_of3A_453] : memref<64x1000000xf32, #tpu.memory_space<hbm>> -> memref<64x128xf32, #tpu.memory_space<hbm>>
    tpu.enqueue_dma source(%dma_start3A_479 : memref<64x128xf32, #tpu.memory_space<hbm>>) target(%dma_start3A_477 : memref<64x128xf32, #tpu.memory_space<vmem>>) target_semaphore(%arg22 : memref<!tpu.dma_semaphore, #tpu.memory_space<semaphore_mem>>)
    %jit3A_480 = arith.constant 4 : i32
    %jit3A_481 = arith.constant 16 : i32
    %div3A_482 = arith.divsi %jit3A_480, %jit3A_481 : i32
    %sign3A_483 = arith.constant 0 : i32
    %sign3A_484 = arith.cmpi sgt, %jit3A_480, %sign3A_483 : i32
    %sign3A_485 = arith.extui %sign3A_484 : i1 to i32
    %sign3A_486 = arith.constant 0 : i32
    %sign3A_487 = arith.cmpi slt, %jit3A_480, %sign3A_486 : i32
    %sign3A_488 = arith.extui %sign3A_487 : i1 to i32
    %sign3A_489 = arith.subi %sign3A_485, %sign3A_488 : i32
    %sign3A_490 = arith.constant 0 : i32
    %sign3A_491 = arith.cmpi sgt, %jit3A_481, %sign3A_490 : i32
    %sign3A_492 = arith.extui %sign3A_491 : i1 to i32
    %sign3A_493 = arith.constant 0 : i32
    %sign3A_494 = arith.cmpi slt, %jit3A_481, %sign3A_493 : i32
    %sign3A_495 = arith.extui %sign3A_494 : i1 to i32
    %sign3A_496 = arith.subi %sign3A_492, %sign3A_495 : i32
    %ne3A_497 = arith.cmpi ne, %sign3A_489, %sign3A_496 : i32
    %rem3A_498 = arith.remsi %jit3A_480, %jit3A_481 : i32
    %ne3A_499 = arith.constant 0 : i32
    %ne3A_500 = arith.cmpi ne, %rem3A_498, %ne3A_499 : i32
    %and3A_501 = arith.andi %ne3A_497, %ne3A_500 : i1
    %sub3A_502 = arith.constant 1 : i32
    %sub3A_503 = arith.subi %div3A_482, %sub3A_502 : i32
    %select_n3A_504 = arith.select %and3A_501, %sub3A_503, %div3A_482 : i32
    %mul3A_505 = arith.constant 16 : i32
    %mul3A_506 = arith.muli %select_n3A_504, %mul3A_505 : i32
    %get3A_507 = arith.index_cast %mul3A_506 : i32 to index
    %get3A_508 = tpu.vector_load %arg10[%get3A_507] {strides = array<i32>} : memref<512xi32, #tpu.memory_space<vmem>>, vector<16xi32>,
    %jit3A_509 = arith.constant 4 : i32
    %jit3A_510 = arith.constant 16 : i32
    %div3A_511 = arith.divsi %jit3A_509, %jit3A_510 : i32
    %sign3A_512 = arith.constant 0 : i32
    %sign3A_513 = arith.cmpi sgt, %jit3A_509, %sign3A_512 : i32
    %sign3A_514 = arith.extui %sign3A_513 : i1 to i32
    %sign3A_515 = arith.constant 0 : i32
    %sign3A_516 = arith.cmpi slt, %jit3A_509, %sign3A_515 : i32
    %sign3A_517 = arith.extui %sign3A_516 : i1 to i32
    %sign3A_518 = arith.subi %sign3A_514, %sign3A_517 : i32
    %sign3A_519 = arith.constant 0 : i32
    %sign3A_520 = arith.cmpi sgt, %jit3A_510, %sign3A_519 : i32
    %sign3A_521 = arith.extui %sign3A_520 : i1 to i32
    %sign3A_522 = arith.constant 0 : i32
    %sign3A_523 = arith.cmpi slt, %jit3A_510, %sign3A_522 : i32
    %sign3A_524 = arith.extui %sign3A_523 : i1 to i32
    %sign3A_525 = arith.subi %sign3A_521, %sign3A_524 : i32
    %ne3A_526 = arith.cmpi ne, %sign3A_518, %sign3A_525 : i32
    %rem3A_527 = arith.remsi %jit3A_509, %jit3A_510 : i32
    %ne3A_528 = arith.constant 0 : i32
    %ne3A_529 = arith.cmpi ne, %rem3A_527, %ne3A_528 : i32
    %and3A_530 = arith.andi %ne3A_526, %ne3A_529 : i1
    %sub3A_531 = arith.constant 1 : i32
    %sub3A_532 = arith.subi %div3A_511, %sub3A_531 : i32
    %select_n3A_533 = arith.select %and3A_530, %sub3A_532, %div3A_511 : i32
    %mul3A_534 = arith.constant 16 : i32
    %mul3A_535 = arith.muli %select_n3A_533, %mul3A_534 : i32
    %get3A_536 = arith.index_cast %mul3A_535 : i32 to index
    %get3A_537 = tpu.vector_load %arg11[%get3A_536] {strides = array<i32>} : memref<512xi32, #tpu.memory_space<vmem>>, vector<16xi32>,
    %jit3A_538 = arith.constant 4 : i32
    %jit3A_539 = arith.constant 16 : i32
    %eq3A_540 = arith.constant 0 : i32
    %eq3A_541 = arith.cmpi eq, %jit3A_539, %eq3A_540 : i32
    %jit3A_542 = arith.constant 1 : i32
    %select_n3A_543 = arith.select %eq3A_541, %jit3A_542, %jit3A_539 : i32
    %rem3A_544 = arith.remsi %jit3A_538, %select_n3A_543 : i32
    %ne3A_545 = arith.constant 0 : i32
    %ne3A_546 = arith.cmpi ne, %rem3A_544, %ne3A_545 : i32
    %lt3A_547 = arith.constant 0 : i32
    %lt3A_548 = arith.cmpi slt, %rem3A_544, %lt3A_547 : i32
    %lt3A_549 = arith.constant 0 : i32
    %lt3A_550 = arith.cmpi slt, %select_n3A_543, %lt3A_549 : i32
    %ne3A_551 = arith.xori %lt3A_548, %lt3A_550 : i1
    %and3A_552 = arith.andi %ne3A_551, %ne3A_546 : i1
    %add3A_553 = arith.addi %rem3A_544, %select_n3A_543 : i32
    %select_n3A_554 = arith.select %and3A_552, %add3A_553, %rem3A_544 : i32
    %eq3A_555 = vector.broadcast %select_n3A_554 : i32 to vector<16xi32>
    %eq3A_556 = arith.cmpi eq, %iota3A, %eq3A_555 : vector<16xi32>
    %jit3A_557 = arith.constant 1 : i32
    %jit3A_558 = arith.constant 0 : i32
    %broadcast_in_dim3A_559 = vector.broadcast %jit3A_557 : i32 to vector<16xi32>
    %broadcast_in_dim3A_560 = vector.broadcast %jit3A_558 : i32 to vector<16xi32>
    %select_n3A_561 = arith.select %eq3A_556, %broadcast_in_dim3A_559, %broadcast_in_dim3A_560 : vector<16xi1>, vector<16xi32>
    %mul3A_562 = arith.muli %get3A_508, %select_n3A_561 : vector<16xi32>
    %reduce_sum3A_563 = arith.constant true
    %reduce_sum3A_564 = vector.broadcast %reduce_sum3A_563 : i1 to vector<16xi1>
    %reduce_sum3A_565 = tpu.scan <sum>, %mul3A_562 masked %reduce_sum3A_564 : vector<16xi32>, vector<16xi1> -> vector<16xi32>
    %reduce_sum3A_566 = vector.extract %reduce_sum3A_565[15] : i32 from vector<16xi32>
    %and3A_567 = arith.andi %reduce_sum3A_566, %not3A_5 : i32
    %multiple_of3A_568 = tpu.assume_multiple %and3A_567, 128 : i32
    %mul3A_569 = arith.muli %get3A_537, %select_n3A_561 : vector<16xi32>
    %reduce_sum3A_570 = arith.constant true
    %reduce_sum3A_571 = vector.broadcast %reduce_sum3A_570 : i1 to vector<16xi1>
    %reduce_sum3A_572 = tpu.scan <sum>, %mul3A_569 masked %reduce_sum3A_571 : vector<16xi32>, vector<16xi1> -> vector<16xi32>
    %reduce_sum3A_573 = vector.extract %reduce_sum3A_572[15] : i32 from vector<16xi32>
    %and3A_574 = arith.andi %reduce_sum3A_573, %not3A_5 : i32
    %multiple_of3A_575 = tpu.assume_multiple %and3A_574, 128 : i32
    %dma_start3A_576 = arith.constant 4 : i32
    %dma_start3A_577 = arith.constant 0 : i32
    %dma_start3A_578 = arith.constant 0 : i32
    %dma_start3A_579 = tpu.memref_slice %arg12[%dma_start3A_576, %dma_start3A_577, %dma_start3A_578] : memref<7x64x128xf32, #tpu.memory_space<vmem>> -> memref<1x64x128xf32, #tpu.memory_space<vmem>>
    %dma_start3A_580 = tpu.memref_squeeze %dma_start3A_579 : memref<1x64x128xf32, #tpu.memory_space<vmem>> -> memref<64x128xf32, #tpu.memory_space<vmem>>
    %dma_start3A_581 = arith.constant 0 : i32
    %dma_start3A_582 = tpu.memref_slice %arg4[%dma_start3A_581, %multiple_of3A_568] : memref<64x1000000xf32, #tpu.memory_space<hbm>> -> memref<64x128xf32, #tpu.memory_space<hbm>>
    %dma_start3A_583 = arith.constant 0 : i32
    %dma_start3A_584 = arith.constant 0 : i32
    %dma_start3A_585 = tpu.memref_slice %arg12[%dma_start3A_576, %dma_start3A_583, %dma_start3A_584] : memref<7x64x128xf32, #tpu.memory_space<vmem>> -> memref<1x64x128xf32, #tpu.memory_space<vmem>>
    %dma_start3A_586 = tpu.memref_squeeze %dma_start3A_585 : memref<1x64x128xf32, #tpu.memory_space<vmem>> -> memref<64x128xf32, #tpu.memory_space<vmem>>
    %dma_start3A_587 = arith.constant 0 : i32
    %dma_start3A_588 = tpu.memref_slice %arg4[%dma_start3A_587, %multiple_of3A_568] : memref<64x1000000xf32, #tpu.memory_space<hbm>> -> memref<64x128xf32, #tpu.memory_space<hbm>>
    tpu.enqueue_dma source(%dma_start3A_588 : memref<64x128xf32, #tpu.memory_space<hbm>>) target(%dma_start3A_586 : memref<64x128xf32, #tpu.memory_space<vmem>>) target_semaphore(%arg23 : memref<!tpu.dma_semaphore, #tpu.memory_space<semaphore_mem>>)
    %dma_start3A_589 = arith.constant 4 : i32
    %dma_start3A_590 = arith.constant 0 : i32
    %dma_start3A_591 = arith.constant 0 : i32
    %dma_start3A_592 = tpu.memref_slice %arg13[%dma_start3A_589, %dma_start3A_590, %dma_start3A_591] : memref<7x64x128xf32, #tpu.memory_space<vmem>> -> memref<1x64x128xf32, #tpu.memory_space<vmem>>
    %dma_start3A_593 = tpu.memref_squeeze %dma_start3A_592 : memref<1x64x128xf32, #tpu.memory_space<vmem>> -> memref<64x128xf32, #tpu.memory_space<vmem>>
    %dma_start3A_594 = arith.constant 0 : i32
    %dma_start3A_595 = tpu.memref_slice %arg5[%dma_start3A_594, %multiple_of3A_575] : memref<64x1000000xf32, #tpu.memory_space<hbm>> -> memref<64x128xf32, #tpu.memory_space<hbm>>
    %dma_start3A_596 = arith.constant 0 : i32
    %dma_start3A_597 = arith.constant 0 : i32
    %dma_start3A_598 = tpu.memref_slice %arg13[%dma_start3A_589, %dma_start3A_596, %dma_start3A_597] : memref<7x64x128xf32, #tpu.memory_space<vmem>> -> memref<1x64x128xf32, #tpu.memory_space<vmem>>
    %dma_start3A_599 = tpu.memref_squeeze %dma_start3A_598 : memref<1x64x128xf32, #tpu.memory_space<vmem>> -> memref<64x128xf32, #tpu.memory_space<vmem>>
    %dma_start3A_600 = arith.constant 0 : i32
    %dma_start3A_601 = tpu.memref_slice %arg5[%dma_start3A_600, %multiple_of3A_575] : memref<64x1000000xf32, #tpu.memory_space<hbm>> -> memref<64x128xf32, #tpu.memory_space<hbm>>
    tpu.enqueue_dma source(%dma_start3A_601 : memref<64x128xf32, #tpu.memory_space<hbm>>) target(%dma_start3A_599 : memref<64x128xf32, #tpu.memory_space<vmem>>) target_semaphore(%arg23 : memref<!tpu.dma_semaphore, #tpu.memory_space<semaphore_mem>>)
    %jit3A_602 = arith.constant 5 : i32
    %jit3A_603 = arith.constant 16 : i32
    %div3A_604 = arith.divsi %jit3A_602, %jit3A_603 : i32
    %sign3A_605 = arith.constant 0 : i32
    %sign3A_606 = arith.cmpi sgt, %jit3A_602, %sign3A_605 : i32
    %sign3A_607 = arith.extui %sign3A_606 : i1 to i32
    %sign3A_608 = arith.constant 0 : i32
    %sign3A_609 = arith.cmpi slt, %jit3A_602, %sign3A_608 : i32
    %sign3A_610 = arith.extui %sign3A_609 : i1 to i32
    %sign3A_611 = arith.subi %sign3A_607, %sign3A_610 : i32
    %sign3A_612 = arith.constant 0 : i32
    %sign3A_613 = arith.cmpi sgt, %jit3A_603, %sign3A_612 : i32
    %sign3A_614 = arith.extui %sign3A_613 : i1 to i32
    %sign3A_615 = arith.constant 0 : i32
    %sign3A_616 = arith.cmpi slt, %jit3A_603, %sign3A_615 : i32
    %sign3A_617 = arith.extui %sign3A_616 : i1 to i32
    %sign3A_618 = arith.subi %sign3A_614, %sign3A_617 : i32
    %ne3A_619 = arith.cmpi ne, %sign3A_611, %sign3A_618 : i32
    %rem3A_620 = arith.remsi %jit3A_602, %jit3A_603 : i32
    %ne3A_621 = arith.constant 0 : i32
    %ne3A_622 = arith.cmpi ne, %rem3A_620, %ne3A_621 : i32
    %and3A_623 = arith.andi %ne3A_619, %ne3A_622 : i1
    %sub3A_624 = arith.constant 1 : i32
    %sub3A_625 = arith.subi %div3A_604, %sub3A_624 : i32
    %select_n3A_626 = arith.select %and3A_623, %sub3A_625, %div3A_604 : i32
    %mul3A_627 = arith.constant 16 : i32
    %mul3A_628 = arith.muli %select_n3A_626, %mul3A_627 : i32
    %get3A_629 = arith.index_cast %mul3A_628 : i32 to index
    %get3A_630 = tpu.vector_load %arg10[%get3A_629] {strides = array<i32>} : memref<512xi32, #tpu.memory_space<vmem>>, vector<16xi32>,
    %jit3A_631 = arith.constant 5 : i32
    %jit3A_632 = arith.constant 16 : i32
    %div3A_633 = arith.divsi %jit3A_631, %jit3A_632 : i32
    %sign3A_634 = arith.constant 0 : i32
    %sign3A_635 = arith.cmpi sgt, %jit3A_631, %sign3A_634 : i32
    %sign3A_636 = arith.extui %sign3A_635 : i1 to i32
    %sign3A_637 = arith.constant 0 : i32
    %sign3A_638 = arith.cmpi slt, %jit3A_631, %sign3A_637 : i32
    %sign3A_639 = arith.extui %sign3A_638 : i1 to i32
    %sign3A_640 = arith.subi %sign3A_636, %sign3A_639 : i32
    %sign3A_641 = arith.constant 0 : i32
    %sign3A_642 = arith.cmpi sgt, %jit3A_632, %sign3A_641 : i32
    %sign3A_643 = arith.extui %sign3A_642 : i1 to i32
    %sign3A_644 = arith.constant 0 : i32
    %sign3A_645 = arith.cmpi slt, %jit3A_632, %sign3A_644 : i32
    %sign3A_646 = arith.extui %sign3A_645 : i1 to i32
    %sign3A_647 = arith.subi %sign3A_643, %sign3A_646 : i32
    %ne3A_648 = arith.cmpi ne, %sign3A_640, %sign3A_647 : i32
    %rem3A_649 = arith.remsi %jit3A_631, %jit3A_632 : i32
    %ne3A_650 = arith.constant 0 : i32
    %ne3A_651 = arith.cmpi ne, %rem3A_649, %ne3A_650 : i32
    %and3A_652 = arith.andi %ne3A_648, %ne3A_651 : i1
    %sub3A_653 = arith.constant 1 : i32
    %sub3A_654 = arith.subi %div3A_633, %sub3A_653 : i32
    %select_n3A_655 = arith.select %and3A_652, %sub3A_654, %div3A_633 : i32
    %mul3A_656 = arith.constant 16 : i32
    %mul3A_657 = arith.muli %select_n3A_655, %mul3A_656 : i32
    %get3A_658 = arith.index_cast %mul3A_657 : i32 to index
    %get3A_659 = tpu.vector_load %arg11[%get3A_658] {strides = array<i32>} : memref<512xi32, #tpu.memory_space<vmem>>, vector<16xi32>,
    %jit3A_660 = arith.constant 5 : i32
    %jit3A_661 = arith.constant 16 : i32
    %eq3A_662 = arith.constant 0 : i32
    %eq3A_663 = arith.cmpi eq, %jit3A_661, %eq3A_662 : i32
    %jit3A_664 = arith.constant 1 : i32
    %select_n3A_665 = arith.select %eq3A_663, %jit3A_664, %jit3A_661 : i32
    %rem3A_666 = arith.remsi %jit3A_660, %select_n3A_665 : i32
    %ne3A_667 = arith.constant 0 : i32
    %ne3A_668 = arith.cmpi ne, %rem3A_666, %ne3A_667 : i32
    %lt3A_669 = arith.constant 0 : i32
    %lt3A_670 = arith.cmpi slt, %rem3A_666, %lt3A_669 : i32
    %lt3A_671 = arith.constant 0 : i32
    %lt3A_672 = arith.cmpi slt, %select_n3A_665, %lt3A_671 : i32
    %ne3A_673 = arith.xori %lt3A_670, %lt3A_672 : i1
    %and3A_674 = arith.andi %ne3A_673, %ne3A_668 : i1
    %add3A_675 = arith.addi %rem3A_666, %select_n3A_665 : i32
    %select_n3A_676 = arith.select %and3A_674, %add3A_675, %rem3A_666 : i32
    %eq3A_677 = vector.broadcast %select_n3A_676 : i32 to vector<16xi32>
    %eq3A_678 = arith.cmpi eq, %iota3A, %eq3A_677 : vector<16xi32>
    %jit3A_679 = arith.constant 1 : i32
    %jit3A_680 = arith.constant 0 : i32
    %broadcast_in_dim3A_681 = vector.broadcast %jit3A_679 : i32 to vector<16xi32>
    %broadcast_in_dim3A_682 = vector.broadcast %jit3A_680 : i32 to vector<16xi32>
    %select_n3A_683 = arith.select %eq3A_678, %broadcast_in_dim3A_681, %broadcast_in_dim3A_682 : vector<16xi1>, vector<16xi32>
    %mul3A_684 = arith.muli %get3A_630, %select_n3A_683 : vector<16xi32>
    %reduce_sum3A_685 = arith.constant true
    %reduce_sum3A_686 = vector.broadcast %reduce_sum3A_685 : i1 to vector<16xi1>
    %reduce_sum3A_687 = tpu.scan <sum>, %mul3A_684 masked %reduce_sum3A_686 : vector<16xi32>, vector<16xi1> -> vector<16xi32>
    %reduce_sum3A_688 = vector.extract %reduce_sum3A_687[15] : i32 from vector<16xi32>
    %and3A_689 = arith.andi %reduce_sum3A_688, %not3A_5 : i32
    %multiple_of3A_690 = tpu.assume_multiple %and3A_689, 128 : i32
    %mul3A_691 = arith.muli %get3A_659, %select_n3A_683 : vector<16xi32>
    %reduce_sum3A_692 = arith.constant true
    %reduce_sum3A_693 = vector.broadcast %reduce_sum3A_692 : i1 to vector<16xi1>
    %reduce_sum3A_694 = tpu.scan <sum>, %mul3A_691 masked %reduce_sum3A_693 : vector<16xi32>, vector<16xi1> -> vector<16xi32>
    %reduce_sum3A_695 = vector.extract %reduce_sum3A_694[15] : i32 from vector<16xi32>
    %and3A_696 = arith.andi %reduce_sum3A_695, %not3A_5 : i32
    %multiple_of3A_697 = tpu.assume_multiple %and3A_696, 128 : i32
    %dma_start3A_698 = arith.constant 5 : i32
    %dma_start3A_699 = arith.constant 0 : i32
    %dma_start3A_700 = arith.constant 0 : i32
    %dma_start3A_701 = tpu.memref_slice %arg12[%dma_start3A_698, %dma_start3A_699, %dma_start3A_700] : memref<7x64x128xf32, #tpu.memory_space<vmem>> -> memref<1x64x128xf32, #tpu.memory_space<vmem>>
    %dma_start3A_702 = tpu.memref_squeeze %dma_start3A_701 : memref<1x64x128xf32, #tpu.memory_space<vmem>> -> memref<64x128xf32, #tpu.memory_space<vmem>>
    %dma_start3A_703 = arith.constant 0 : i32
    %dma_start3A_704 = tpu.memref_slice %arg4[%dma_start3A_703, %multiple_of3A_690] : memref<64x1000000xf32, #tpu.memory_space<hbm>> -> memref<64x128xf32, #tpu.memory_space<hbm>>
    %dma_start3A_705 = arith.constant 0 : i32
    %dma_start3A_706 = arith.constant 0 : i32
    %dma_start3A_707 = tpu.memref_slice %arg12[%dma_start3A_698, %dma_start3A_705, %dma_start3A_706] : memref<7x64x128xf32, #tpu.memory_space<vmem>> -> memref<1x64x128xf32, #tpu.memory_space<vmem>>
    %dma_start3A_708 = tpu.memref_squeeze %dma_start3A_707 : memref<1x64x128xf32, #tpu.memory_space<vmem>> -> memref<64x128xf32, #tpu.memory_space<vmem>>
    %dma_start3A_709 = arith.constant 0 : i32
    %dma_start3A_710 = tpu.memref_slice %arg4[%dma_start3A_709, %multiple_of3A_690] : memref<64x1000000xf32, #tpu.memory_space<hbm>> -> memref<64x128xf32, #tpu.memory_space<hbm>>
    tpu.enqueue_dma source(%dma_start3A_710 : memref<64x128xf32, #tpu.memory_space<hbm>>) target(%dma_start3A_708 : memref<64x128xf32, #tpu.memory_space<vmem>>) target_semaphore(%arg24 : memref<!tpu.dma_semaphore, #tpu.memory_space<semaphore_mem>>)
    %dma_start3A_711 = arith.constant 5 : i32
    %dma_start3A_712 = arith.constant 0 : i32
    %dma_start3A_713 = arith.constant 0 : i32
    %dma_start3A_714 = tpu.memref_slice %arg13[%dma_start3A_711, %dma_start3A_712, %dma_start3A_713] : memref<7x64x128xf32, #tpu.memory_space<vmem>> -> memref<1x64x128xf32, #tpu.memory_space<vmem>>
    %dma_start3A_715 = tpu.memref_squeeze %dma_start3A_714 : memref<1x64x128xf32, #tpu.memory_space<vmem>> -> memref<64x128xf32, #tpu.memory_space<vmem>>
    %dma_start3A_716 = arith.constant 0 : i32
    %dma_start3A_717 = tpu.memref_slice %arg5[%dma_start3A_716, %multiple_of3A_697] : memref<64x1000000xf32, #tpu.memory_space<hbm>> -> memref<64x128xf32, #tpu.memory_space<hbm>>
    %dma_start3A_718 = arith.constant 0 : i32
    %dma_start3A_719 = arith.constant 0 : i32
    %dma_start3A_720 = tpu.memref_slice %arg13[%dma_start3A_711, %dma_start3A_718, %dma_start3A_719] : memref<7x64x128xf32, #tpu.memory_space<vmem>> -> memref<1x64x128xf32, #tpu.memory_space<vmem>>
    %dma_start3A_721 = tpu.memref_squeeze %dma_start3A_720 : memref<1x64x128xf32, #tpu.memory_space<vmem>> -> memref<64x128xf32, #tpu.memory_space<vmem>>
    %dma_start3A_722 = arith.constant 0 : i32
    %dma_start3A_723 = tpu.memref_slice %arg5[%dma_start3A_722, %multiple_of3A_697] : memref<64x1000000xf32, #tpu.memory_space<hbm>> -> memref<64x128xf32, #tpu.memory_space<hbm>>
    tpu.enqueue_dma source(%dma_start3A_723 : memref<64x128xf32, #tpu.memory_space<hbm>>) target(%dma_start3A_721 : memref<64x128xf32, #tpu.memory_space<vmem>>) target_semaphore(%arg24 : memref<!tpu.dma_semaphore, #tpu.memory_space<semaphore_mem>>)
    %jit3A_724 = arith.constant 6 : i32
    %jit3A_725 = arith.constant 16 : i32
    %div3A_726 = arith.divsi %jit3A_724, %jit3A_725 : i32
    %sign3A_727 = arith.constant 0 : i32
    %sign3A_728 = arith.cmpi sgt, %jit3A_724, %sign3A_727 : i32
    %sign3A_729 = arith.extui %sign3A_728 : i1 to i32
    %sign3A_730 = arith.constant 0 : i32
    %sign3A_731 = arith.cmpi slt, %jit3A_724, %sign3A_730 : i32
    %sign3A_732 = arith.extui %sign3A_731 : i1 to i32
    %sign3A_733 = arith.subi %sign3A_729, %sign3A_732 : i32
    %sign3A_734 = arith.constant 0 : i32
    %sign3A_735 = arith.cmpi sgt, %jit3A_725, %sign3A_734 : i32
    %sign3A_736 = arith.extui %sign3A_735 : i1 to i32
    %sign3A_737 = arith.constant 0 : i32
    %sign3A_738 = arith.cmpi slt, %jit3A_725, %sign3A_737 : i32
    %sign3A_739 = arith.extui %sign3A_738 : i1 to i32
    %sign3A_740 = arith.subi %sign3A_736, %sign3A_739 : i32
    %ne3A_741 = arith.cmpi ne, %sign3A_733, %sign3A_740 : i32
    %rem3A_742 = arith.remsi %jit3A_724, %jit3A_725 : i32
    %ne3A_743 = arith.constant 0 : i32
    %ne3A_744 = arith.cmpi ne, %rem3A_742, %ne3A_743 : i32
    %and3A_745 = arith.andi %ne3A_741, %ne3A_744 : i1
    %sub3A_746 = arith.constant 1 : i32
    %sub3A_747 = arith.subi %div3A_726, %sub3A_746 : i32
    %select_n3A_748 = arith.select %and3A_745, %sub3A_747, %div3A_726 : i32
    %mul3A_749 = arith.constant 16 : i32
    %mul3A_750 = arith.muli %select_n3A_748, %mul3A_749 : i32
    %get3A_751 = arith.index_cast %mul3A_750 : i32 to index
    %get3A_752 = tpu.vector_load %arg10[%get3A_751] {strides = array<i32>} : memref<512xi32, #tpu.memory_space<vmem>>, vector<16xi32>,
    %jit3A_753 = arith.constant 6 : i32
    %jit3A_754 = arith.constant 16 : i32
    %div3A_755 = arith.divsi %jit3A_753, %jit3A_754 : i32
    %sign3A_756 = arith.constant 0 : i32
    %sign3A_757 = arith.cmpi sgt, %jit3A_753, %sign3A_756 : i32
    %sign3A_758 = arith.extui %sign3A_757 : i1 to i32
    %sign3A_759 = arith.constant 0 : i32
    %sign3A_760 = arith.cmpi slt, %jit3A_753, %sign3A_759 : i32
    %sign3A_761 = arith.extui %sign3A_760 : i1 to i32
    %sign3A_762 = arith.subi %sign3A_758, %sign3A_761 : i32
    %sign3A_763 = arith.constant 0 : i32
    %sign3A_764 = arith.cmpi sgt, %jit3A_754, %sign3A_763 : i32
    %sign3A_765 = arith.extui %sign3A_764 : i1 to i32
    %sign3A_766 = arith.constant 0 : i32
    %sign3A_767 = arith.cmpi slt, %jit3A_754, %sign3A_766 : i32
    %sign3A_768 = arith.extui %sign3A_767 : i1 to i32
    %sign3A_769 = arith.subi %sign3A_765, %sign3A_768 : i32
    %ne3A_770 = arith.cmpi ne, %sign3A_762, %sign3A_769 : i32
    %rem3A_771 = arith.remsi %jit3A_753, %jit3A_754 : i32
    %ne3A_772 = arith.constant 0 : i32
    %ne3A_773 = arith.cmpi ne, %rem3A_771, %ne3A_772 : i32
    %and3A_774 = arith.andi %ne3A_770, %ne3A_773 : i1
    %sub3A_775 = arith.constant 1 : i32
    %sub3A_776 = arith.subi %div3A_755, %sub3A_775 : i32
    %select_n3A_777 = arith.select %and3A_774, %sub3A_776, %div3A_755 : i32
    %mul3A_778 = arith.constant 16 : i32
    %mul3A_779 = arith.muli %select_n3A_777, %mul3A_778 : i32
    %get3A_780 = arith.index_cast %mul3A_779 : i32 to index
    %get3A_781 = tpu.vector_load %arg11[%get3A_780] {strides = array<i32>} : memref<512xi32, #tpu.memory_space<vmem>>, vector<16xi32>,
    %jit3A_782 = arith.constant 6 : i32
    %jit3A_783 = arith.constant 16 : i32
    %eq3A_784 = arith.constant 0 : i32
    %eq3A_785 = arith.cmpi eq, %jit3A_783, %eq3A_784 : i32
    %jit3A_786 = arith.constant 1 : i32
    %select_n3A_787 = arith.select %eq3A_785, %jit3A_786, %jit3A_783 : i32
    %rem3A_788 = arith.remsi %jit3A_782, %select_n3A_787 : i32
    %ne3A_789 = arith.constant 0 : i32
    %ne3A_790 = arith.cmpi ne, %rem3A_788, %ne3A_789 : i32
    %lt3A_791 = arith.constant 0 : i32
    %lt3A_792 = arith.cmpi slt, %rem3A_788, %lt3A_791 : i32
    %lt3A_793 = arith.constant 0 : i32
    %lt3A_794 = arith.cmpi slt, %select_n3A_787, %lt3A_793 : i32
    %ne3A_795 = arith.xori %lt3A_792, %lt3A_794 : i1
    %and3A_796 = arith.andi %ne3A_795, %ne3A_790 : i1
    %add3A_797 = arith.addi %rem3A_788, %select_n3A_787 : i32
    %select_n3A_798 = arith.select %and3A_796, %add3A_797, %rem3A_788 : i32
    %eq3A_799 = vector.broadcast %select_n3A_798 : i32 to vector<16xi32>
    %eq3A_800 = arith.cmpi eq, %iota3A, %eq3A_799 : vector<16xi32>
    %jit3A_801 = arith.constant 1 : i32
    %jit3A_802 = arith.constant 0 : i32
    %broadcast_in_dim3A_803 = vector.broadcast %jit3A_801 : i32 to vector<16xi32>
    %broadcast_in_dim3A_804 = vector.broadcast %jit3A_802 : i32 to vector<16xi32>
    %select_n3A_805 = arith.select %eq3A_800, %broadcast_in_dim3A_803, %broadcast_in_dim3A_804 : vector<16xi1>, vector<16xi32>
    %mul3A_806 = arith.muli %get3A_752, %select_n3A_805 : vector<16xi32>
    %reduce_sum3A_807 = arith.constant true
    %reduce_sum3A_808 = vector.broadcast %reduce_sum3A_807 : i1 to vector<16xi1>
    %reduce_sum3A_809 = tpu.scan <sum>, %mul3A_806 masked %reduce_sum3A_808 : vector<16xi32>, vector<16xi1> -> vector<16xi32>
    %reduce_sum3A_810 = vector.extract %reduce_sum3A_809[15] : i32 from vector<16xi32>
    %and3A_811 = arith.andi %reduce_sum3A_810, %not3A_5 : i32
    %multiple_of3A_812 = tpu.assume_multiple %and3A_811, 128 : i32
    %mul3A_813 = arith.muli %get3A_781, %select_n3A_805 : vector<16xi32>
    %reduce_sum3A_814 = arith.constant true
    %reduce_sum3A_815 = vector.broadcast %reduce_sum3A_814 : i1 to vector<16xi1>
    %reduce_sum3A_816 = tpu.scan <sum>, %mul3A_813 masked %reduce_sum3A_815 : vector<16xi32>, vector<16xi1> -> vector<16xi32>
    %reduce_sum3A_817 = vector.extract %reduce_sum3A_816[15] : i32 from vector<16xi32>
    %and3A_818 = arith.andi %reduce_sum3A_817, %not3A_5 : i32
    %multiple_of3A_819 = tpu.assume_multiple %and3A_818, 128 : i32
    %dma_start3A_820 = arith.constant 6 : i32
    %dma_start3A_821 = arith.constant 0 : i32
    %dma_start3A_822 = arith.constant 0 : i32
    %dma_start3A_823 = tpu.memref_slice %arg12[%dma_start3A_820, %dma_start3A_821, %dma_start3A_822] : memref<7x64x128xf32, #tpu.memory_space<vmem>> -> memref<1x64x128xf32, #tpu.memory_space<vmem>>
    %dma_start3A_824 = tpu.memref_squeeze %dma_start3A_823 : memref<1x64x128xf32, #tpu.memory_space<vmem>> -> memref<64x128xf32, #tpu.memory_space<vmem>>
    %dma_start3A_825 = arith.constant 0 : i32
    %dma_start3A_826 = tpu.memref_slice %arg4[%dma_start3A_825, %multiple_of3A_812] : memref<64x1000000xf32, #tpu.memory_space<hbm>> -> memref<64x128xf32, #tpu.memory_space<hbm>>
    %dma_start3A_827 = arith.constant 0 : i32
    %dma_start3A_828 = arith.constant 0 : i32
    %dma_start3A_829 = tpu.memref_slice %arg12[%dma_start3A_820, %dma_start3A_827, %dma_start3A_828] : memref<7x64x128xf32, #tpu.memory_space<vmem>> -> memref<1x64x128xf32, #tpu.memory_space<vmem>>
    %dma_start3A_830 = tpu.memref_squeeze %dma_start3A_829 : memref<1x64x128xf32, #tpu.memory_space<vmem>> -> memref<64x128xf32, #tpu.memory_space<vmem>>
    %dma_start3A_831 = arith.constant 0 : i32
    %dma_start3A_832 = tpu.memref_slice %arg4[%dma_start3A_831, %multiple_of3A_812] : memref<64x1000000xf32, #tpu.memory_space<hbm>> -> memref<64x128xf32, #tpu.memory_space<hbm>>
    tpu.enqueue_dma source(%dma_start3A_832 : memref<64x128xf32, #tpu.memory_space<hbm>>) target(%dma_start3A_830 : memref<64x128xf32, #tpu.memory_space<vmem>>) target_semaphore(%arg25 : memref<!tpu.dma_semaphore, #tpu.memory_space<semaphore_mem>>)
    %dma_start3A_833 = arith.constant 6 : i32
    %dma_start3A_834 = arith.constant 0 : i32
    %dma_start3A_835 = arith.constant 0 : i32
    %dma_start3A_836 = tpu.memref_slice %arg13[%dma_start3A_833, %dma_start3A_834, %dma_start3A_835] : memref<7x64x128xf32, #tpu.memory_space<vmem>> -> memref<1x64x128xf32, #tpu.memory_space<vmem>>
    %dma_start3A_837 = tpu.memref_squeeze %dma_start3A_836 : memref<1x64x128xf32, #tpu.memory_space<vmem>> -> memref<64x128xf32, #tpu.memory_space<vmem>>
    %dma_start3A_838 = arith.constant 0 : i32
    %dma_start3A_839 = tpu.memref_slice %arg5[%dma_start3A_838, %multiple_of3A_819] : memref<64x1000000xf32, #tpu.memory_space<hbm>> -> memref<64x128xf32, #tpu.memory_space<hbm>>
    %dma_start3A_840 = arith.constant 0 : i32
    %dma_start3A_841 = arith.constant 0 : i32
    %dma_start3A_842 = tpu.memref_slice %arg13[%dma_start3A_833, %dma_start3A_840, %dma_start3A_841] : memref<7x64x128xf32, #tpu.memory_space<vmem>> -> memref<1x64x128xf32, #tpu.memory_space<vmem>>
    %dma_start3A_843 = tpu.memref_squeeze %dma_start3A_842 : memref<1x64x128xf32, #tpu.memory_space<vmem>> -> memref<64x128xf32, #tpu.memory_space<vmem>>
    %dma_start3A_844 = arith.constant 0 : i32
    %dma_start3A_845 = tpu.memref_slice %arg5[%dma_start3A_844, %multiple_of3A_819] : memref<64x1000000xf32, #tpu.memory_space<hbm>> -> memref<64x128xf32, #tpu.memory_space<hbm>>
    tpu.enqueue_dma source(%dma_start3A_845 : memref<64x128xf32, #tpu.memory_space<hbm>>) target(%dma_start3A_843 : memref<64x128xf32, #tpu.memory_space<vmem>>) target_semaphore(%arg25 : memref<!tpu.dma_semaphore, #tpu.memory_space<semaphore_mem>>)
    %dma_start3A_846 = arith.constant 0 : i32
    %dma_start3A_847 = tpu.memref_slice %arg14[%dma_start3A_846] : memref<512xf32, #tpu.memory_space<vmem>> -> memref<128xf32, #tpu.memory_space<vmem>>
    %dma_start3A_848 = arith.constant 0 : i32
    %dma_start3A_849 = tpu.memref_slice %arg10[%dma_start3A_848] : memref<512xi32, #tpu.memory_space<vmem>> -> memref<128xi32, #tpu.memory_space<vmem>>
    %dma_start3A_850 = arith.constant 0 : i32
    %dma_start3A_851 = tpu.memref_slice %arg6[%dma_start3A_850] : memref<1000000xf32, #tpu.memory_space<hbm>> -> memref<1000000xf32, #tpu.memory_space<hbm>>
    tpu.enqueue_indirect_dma source(%dma_start3A_851 : memref<1000000xf32, #tpu.memory_space<hbm>>) target(%dma_start3A_847 : memref<128xf32, #tpu.memory_space<vmem>>) offsets(%dma_start3A_849 : memref<128xi32, #tpu.memory_space<vmem>>) semaphore(%arg18 : memref<!tpu.dma_semaphore, #tpu.memory_space<semaphore_mem>>)
    %dma_start3A_852 = arith.constant 0 : i32
    %dma_start3A_853 = tpu.memref_slice %arg15[%dma_start3A_852] : memref<512xf32, #tpu.memory_space<vmem>> -> memref<128xf32, #tpu.memory_space<vmem>>
    %dma_start3A_854 = arith.constant 0 : i32
    %dma_start3A_855 = tpu.memref_slice %arg11[%dma_start3A_854] : memref<512xi32, #tpu.memory_space<vmem>> -> memref<128xi32, #tpu.memory_space<vmem>>
    %dma_start3A_856 = arith.constant 0 : i32
    %dma_start3A_857 = tpu.memref_slice %arg7[%dma_start3A_856] : memref<1000000xf32, #tpu.memory_space<hbm>> -> memref<1000000xf32, #tpu.memory_space<hbm>>
    tpu.enqueue_indirect_dma source(%dma_start3A_857 : memref<1000000xf32, #tpu.memory_space<hbm>>) target(%dma_start3A_853 : memref<128xf32, #tpu.memory_space<vmem>>) offsets(%dma_start3A_855 : memref<128xi32, #tpu.memory_space<vmem>>) semaphore(%arg18 : memref<!tpu.dma_semaphore, #tpu.memory_space<semaphore_mem>>)
    %dma_start3A_858 = arith.constant 128 : i32
    %dma_start3A_859 = tpu.memref_slice %arg14[%dma_start3A_858] : memref<512xf32, #tpu.memory_space<vmem>> -> memref<128xf32, #tpu.memory_space<vmem>>
    %dma_start3A_860 = arith.constant 128 : i32
    %dma_start3A_861 = tpu.memref_slice %arg10[%dma_start3A_860] : memref<512xi32, #tpu.memory_space<vmem>> -> memref<128xi32, #tpu.memory_space<vmem>>
    %dma_start3A_862 = arith.constant 0 : i32
    %dma_start3A_863 = tpu.memref_slice %arg6[%dma_start3A_862] : memref<1000000xf32, #tpu.memory_space<hbm>> -> memref<1000000xf32, #tpu.memory_space<hbm>>
    tpu.enqueue_indirect_dma source(%dma_start3A_863 : memref<1000000xf32, #tpu.memory_space<hbm>>) target(%dma_start3A_859 : memref<128xf32, #tpu.memory_space<vmem>>) offsets(%dma_start3A_861 : memref<128xi32, #tpu.memory_space<vmem>>) semaphore(%arg18 : memref<!tpu.dma_semaphore, #tpu.memory_space<semaphore_mem>>)
    %dma_start3A_864 = arith.constant 128 : i32
    %dma_start3A_865 = tpu.memref_slice %arg15[%dma_start3A_864] : memref<512xf32, #tpu.memory_space<vmem>> -> memref<128xf32, #tpu.memory_space<vmem>>
    %dma_start3A_866 = arith.constant 128 : i32
    %dma_start3A_867 = tpu.memref_slice %arg11[%dma_start3A_866] : memref<512xi32, #tpu.memory_space<vmem>> -> memref<128xi32, #tpu.memory_space<vmem>>
    %dma_start3A_868 = arith.constant 0 : i32
    %dma_start3A_869 = tpu.memref_slice %arg7[%dma_start3A_868] : memref<1000000xf32, #tpu.memory_space<hbm>> -> memref<1000000xf32, #tpu.memory_space<hbm>>
    tpu.enqueue_indirect_dma source(%dma_start3A_869 : memref<1000000xf32, #tpu.memory_space<hbm>>) target(%dma_start3A_865 : memref<128xf32, #tpu.memory_space<vmem>>) offsets(%dma_start3A_867 : memref<128xi32, #tpu.memory_space<vmem>>) semaphore(%arg18 : memref<!tpu.dma_semaphore, #tpu.memory_space<semaphore_mem>>)
    %dma_start3A_870 = arith.constant 256 : i32
    %dma_start3A_871 = tpu.memref_slice %arg14[%dma_start3A_870] : memref<512xf32, #tpu.memory_space<vmem>> -> memref<128xf32, #tpu.memory_space<vmem>>
    %dma_start3A_872 = arith.constant 256 : i32
    %dma_start3A_873 = tpu.memref_slice %arg10[%dma_start3A_872] : memref<512xi32, #tpu.memory_space<vmem>> -> memref<128xi32, #tpu.memory_space<vmem>>
    %dma_start3A_874 = arith.constant 0 : i32
    %dma_start3A_875 = tpu.memref_slice %arg6[%dma_start3A_874] : memref<1000000xf32, #tpu.memory_space<hbm>> -> memref<1000000xf32, #tpu.memory_space<hbm>>
    tpu.enqueue_indirect_dma source(%dma_start3A_875 : memref<1000000xf32, #tpu.memory_space<hbm>>) target(%dma_start3A_871 : memref<128xf32, #tpu.memory_space<vmem>>) offsets(%dma_start3A_873 : memref<128xi32, #tpu.memory_space<vmem>>) semaphore(%arg18 : memref<!tpu.dma_semaphore, #tpu.memory_space<semaphore_mem>>)
    %dma_start3A_876 = arith.constant 256 : i32
    %dma_start3A_877 = tpu.memref_slice %arg15[%dma_start3A_876] : memref<512xf32, #tpu.memory_space<vmem>> -> memref<128xf32, #tpu.memory_space<vmem>>
    %dma_start3A_878 = arith.constant 256 : i32
    %dma_start3A_879 = tpu.memref_slice %arg11[%dma_start3A_878] : memref<512xi32, #tpu.memory_space<vmem>> -> memref<128xi32, #tpu.memory_space<vmem>>
    %dma_start3A_880 = arith.constant 0 : i32
    %dma_start3A_881 = tpu.memref_slice %arg7[%dma_start3A_880] : memref<1000000xf32, #tpu.memory_space<hbm>> -> memref<1000000xf32, #tpu.memory_space<hbm>>
    tpu.enqueue_indirect_dma source(%dma_start3A_881 : memref<1000000xf32, #tpu.memory_space<hbm>>) target(%dma_start3A_877 : memref<128xf32, #tpu.memory_space<vmem>>) offsets(%dma_start3A_879 : memref<128xi32, #tpu.memory_space<vmem>>) semaphore(%arg18 : memref<!tpu.dma_semaphore, #tpu.memory_space<semaphore_mem>>)
    %dma_start3A_882 = arith.constant 384 : i32
    %dma_start3A_883 = tpu.memref_slice %arg14[%dma_start3A_882] : memref<512xf32, #tpu.memory_space<vmem>> -> memref<128xf32, #tpu.memory_space<vmem>>
    %dma_start3A_884 = arith.constant 384 : i32
    %dma_start3A_885 = tpu.memref_slice %arg10[%dma_start3A_884] : memref<512xi32, #tpu.memory_space<vmem>> -> memref<128xi32, #tpu.memory_space<vmem>>
    %dma_start3A_886 = arith.constant 0 : i32
    %dma_start3A_887 = tpu.memref_slice %arg6[%dma_start3A_886] : memref<1000000xf32, #tpu.memory_space<hbm>> -> memref<1000000xf32, #tpu.memory_space<hbm>>
    tpu.enqueue_indirect_dma source(%dma_start3A_887 : memref<1000000xf32, #tpu.memory_space<hbm>>) target(%dma_start3A_883 : memref<128xf32, #tpu.memory_space<vmem>>) offsets(%dma_start3A_885 : memref<128xi32, #tpu.memory_space<vmem>>) semaphore(%arg18 : memref<!tpu.dma_semaphore, #tpu.memory_space<semaphore_mem>>)
    %dma_start3A_888 = arith.constant 384 : i32
    %dma_start3A_889 = tpu.memref_slice %arg15[%dma_start3A_888] : memref<512xf32, #tpu.memory_space<vmem>> -> memref<128xf32, #tpu.memory_space<vmem>>
    %dma_start3A_890 = arith.constant 384 : i32
    %dma_start3A_891 = tpu.memref_slice %arg11[%dma_start3A_890] : memref<512xi32, #tpu.memory_space<vmem>> -> memref<128xi32, #tpu.memory_space<vmem>>
    %dma_start3A_892 = arith.constant 0 : i32
    %dma_start3A_893 = tpu.memref_slice %arg7[%dma_start3A_892] : memref<1000000xf32, #tpu.memory_space<hbm>> -> memref<1000000xf32, #tpu.memory_space<hbm>>
    tpu.enqueue_indirect_dma source(%dma_start3A_893 : memref<1000000xf32, #tpu.memory_space<hbm>>) target(%dma_start3A_889 : memref<128xf32, #tpu.memory_space<vmem>>) offsets(%dma_start3A_891 : memref<128xi32, #tpu.memory_space<vmem>>) semaphore(%arg18 : memref<!tpu.dma_semaphore, #tpu.memory_space<semaphore_mem>>)
    %dma_wait3A = arith.constant 0 : i32
    %dma_wait3A_894 = tpu.memref_slice %arg14[%dma_wait3A] : memref<512xf32, #tpu.memory_space<vmem>> -> memref<128xf32, #tpu.memory_space<vmem>>
    %dma_wait3A_895 = arith.constant 0 : i32
    %dma_wait3A_896 = tpu.memref_slice %arg10[%dma_wait3A_895] : memref<512xi32, #tpu.memory_space<vmem>> -> memref<128xi32, #tpu.memory_space<vmem>>
    %dma_wait3A_897 = arith.constant 0 : i32
    %dma_wait3A_898 = tpu.memref_slice %arg6[%dma_wait3A_897] : memref<1000000xf32, #tpu.memory_space<hbm>> -> memref<1000000xf32, #tpu.memory_space<hbm>>
    tpu.wait_indirect_dma semaphore(%arg18 : memref<!tpu.dma_semaphore, #tpu.memory_space<semaphore_mem>>) src(%dma_wait3A_898 : memref<1000000xf32, #tpu.memory_space<hbm>>) dst(%dma_wait3A_894 : memref<128xf32, #tpu.memory_space<vmem>>)
    %dma_wait3A_899 = arith.constant 0 : i32
    %dma_wait3A_900 = tpu.memref_slice %arg15[%dma_wait3A_899] : memref<512xf32, #tpu.memory_space<vmem>> -> memref<128xf32, #tpu.memory_space<vmem>>
    %dma_wait3A_901 = arith.constant 0 : i32
    %dma_wait3A_902 = tpu.memref_slice %arg11[%dma_wait3A_901] : memref<512xi32, #tpu.memory_space<vmem>> -> memref<128xi32, #tpu.memory_space<vmem>>
    %dma_wait3A_903 = arith.constant 0 : i32
    %dma_wait3A_904 = tpu.memref_slice %arg7[%dma_wait3A_903] : memref<1000000xf32, #tpu.memory_space<hbm>> -> memref<1000000xf32, #tpu.memory_space<hbm>>
    tpu.wait_indirect_dma semaphore(%arg18 : memref<!tpu.dma_semaphore, #tpu.memory_space<semaphore_mem>>) src(%dma_wait3A_904 : memref<1000000xf32, #tpu.memory_space<hbm>>) dst(%dma_wait3A_900 : memref<128xf32, #tpu.memory_space<vmem>>)
    %dma_wait3A_905 = arith.constant 128 : i32
    %dma_wait3A_906 = tpu.memref_slice %arg14[%dma_wait3A_905] : memref<512xf32, #tpu.memory_space<vmem>> -> memref<128xf32, #tpu.memory_space<vmem>>
    %dma_wait3A_907 = arith.constant 128 : i32
    %dma_wait3A_908 = tpu.memref_slice %arg10[%dma_wait3A_907] : memref<512xi32, #tpu.memory_space<vmem>> -> memref<128xi32, #tpu.memory_space<vmem>>
    %dma_wait3A_909 = arith.constant 0 : i32
    %dma_wait3A_910 = tpu.memref_slice %arg6[%dma_wait3A_909] : memref<1000000xf32, #tpu.memory_space<hbm>> -> memref<1000000xf32, #tpu.memory_space<hbm>>
    tpu.wait_indirect_dma semaphore(%arg18 : memref<!tpu.dma_semaphore, #tpu.memory_space<semaphore_mem>>) src(%dma_wait3A_910 : memref<1000000xf32, #tpu.memory_space<hbm>>) dst(%dma_wait3A_906 : memref<128xf32, #tpu.memory_space<vmem>>)
    %dma_wait3A_911 = arith.constant 128 : i32
    %dma_wait3A_912 = tpu.memref_slice %arg15[%dma_wait3A_911] : memref<512xf32, #tpu.memory_space<vmem>> -> memref<128xf32, #tpu.memory_space<vmem>>
    %dma_wait3A_913 = arith.constant 128 : i32
    %dma_wait3A_914 = tpu.memref_slice %arg11[%dma_wait3A_913] : memref<512xi32, #tpu.memory_space<vmem>> -> memref<128xi32, #tpu.memory_space<vmem>>
    %dma_wait3A_915 = arith.constant 0 : i32
    %dma_wait3A_916 = tpu.memref_slice %arg7[%dma_wait3A_915] : memref<1000000xf32, #tpu.memory_space<hbm>> -> memref<1000000xf32, #tpu.memory_space<hbm>>
    tpu.wait_indirect_dma semaphore(%arg18 : memref<!tpu.dma_semaphore, #tpu.memory_space<semaphore_mem>>) src(%dma_wait3A_916 : memref<1000000xf32, #tpu.memory_space<hbm>>) dst(%dma_wait3A_912 : memref<128xf32, #tpu.memory_space<vmem>>)
    %dma_wait3A_917 = arith.constant 256 : i32
    %dma_wait3A_918 = tpu.memref_slice %arg14[%dma_wait3A_917] : memref<512xf32, #tpu.memory_space<vmem>> -> memref<128xf32, #tpu.memory_space<vmem>>
    %dma_wait3A_919 = arith.constant 256 : i32
    %dma_wait3A_920 = tpu.memref_slice %arg10[%dma_wait3A_919] : memref<512xi32, #tpu.memory_space<vmem>> -> memref<128xi32, #tpu.memory_space<vmem>>
    %dma_wait3A_921 = arith.constant 0 : i32
    %dma_wait3A_922 = tpu.memref_slice %arg6[%dma_wait3A_921] : memref<1000000xf32, #tpu.memory_space<hbm>> -> memref<1000000xf32, #tpu.memory_space<hbm>>
    tpu.wait_indirect_dma semaphore(%arg18 : memref<!tpu.dma_semaphore, #tpu.memory_space<semaphore_mem>>) src(%dma_wait3A_922 : memref<1000000xf32, #tpu.memory_space<hbm>>) dst(%dma_wait3A_918 : memref<128xf32, #tpu.memory_space<vmem>>)
    %dma_wait3A_923 = arith.constant 256 : i32
    %dma_wait3A_924 = tpu.memref_slice %arg15[%dma_wait3A_923] : memref<512xf32, #tpu.memory_space<vmem>> -> memref<128xf32, #tpu.memory_space<vmem>>
    %dma_wait3A_925 = arith.constant 256 : i32
    %dma_wait3A_926 = tpu.memref_slice %arg11[%dma_wait3A_925] : memref<512xi32, #tpu.memory_space<vmem>> -> memref<128xi32, #tpu.memory_space<vmem>>
    %dma_wait3A_927 = arith.constant 0 : i32
    %dma_wait3A_928 = tpu.memref_slice %arg7[%dma_wait3A_927] : memref<1000000xf32, #tpu.memory_space<hbm>> -> memref<1000000xf32, #tpu.memory_space<hbm>>
    tpu.wait_indirect_dma semaphore(%arg18 : memref<!tpu.dma_semaphore, #tpu.memory_space<semaphore_mem>>) src(%dma_wait3A_928 : memref<1000000xf32, #tpu.memory_space<hbm>>) dst(%dma_wait3A_924 : memref<128xf32, #tpu.memory_space<vmem>>)
    %dma_wait3A_929 = arith.constant 384 : i32
    %dma_wait3A_930 = tpu.memref_slice %arg14[%dma_wait3A_929] : memref<512xf32, #tpu.memory_space<vmem>> -> memref<128xf32, #tpu.memory_space<vmem>>
    %dma_wait3A_931 = arith.constant 384 : i32
    %dma_wait3A_932 = tpu.memref_slice %arg10[%dma_wait3A_931] : memref<512xi32, #tpu.memory_space<vmem>> -> memref<128xi32, #tpu.memory_space<vmem>>
    %dma_wait3A_933 = arith.constant 0 : i32
    %dma_wait3A_934 = tpu.memref_slice %arg6[%dma_wait3A_933] : memref<1000000xf32, #tpu.memory_space<hbm>> -> memref<1000000xf32, #tpu.memory_space<hbm>>
    tpu.wait_indirect_dma semaphore(%arg18 : memref<!tpu.dma_semaphore, #tpu.memory_space<semaphore_mem>>) src(%dma_wait3A_934 : memref<1000000xf32, #tpu.memory_space<hbm>>) dst(%dma_wait3A_930 : memref<128xf32, #tpu.memory_space<vmem>>)
    %dma_wait3A_935 = arith.constant 384 : i32
    %dma_wait3A_936 = tpu.memref_slice %arg15[%dma_wait3A_935] : memref<512xf32, #tpu.memory_space<vmem>> -> memref<128xf32, #tpu.memory_space<vmem>>
    %dma_wait3A_937 = arith.constant 384 : i32
    %dma_wait3A_938 = tpu.memref_slice %arg11[%dma_wait3A_937] : memref<512xi32, #tpu.memory_space<vmem>> -> memref<128xi32, #tpu.memory_space<vmem>>
    %dma_wait3A_939 = arith.constant 0 : i32
    %dma_wait3A_940 = tpu.memref_slice %arg7[%dma_wait3A_939] : memref<1000000xf32, #tpu.memory_space<hbm>> -> memref<1000000xf32, #tpu.memory_space<hbm>>
    tpu.wait_indirect_dma semaphore(%arg18 : memref<!tpu.dma_semaphore, #tpu.memory_space<semaphore_mem>>) src(%dma_wait3A_940 : memref<1000000xf32, #tpu.memory_space<hbm>>) dst(%dma_wait3A_936 : memref<128xf32, #tpu.memory_space<vmem>>)
    %broadcast_in_dim3A_941 = arith.constant 0.000000e+00 : f32
    %broadcast_in_dim3A_942 = vector.broadcast %broadcast_in_dim3A_941 : f32 to vector<16xf32>
    %scan3A = arith.constant 0 : i32
    %scan3A_943 = arith.constant 73 : i32
    %scan3A_944 = arith.addi %scan3A, %scan3A_943 : i32
    %scan3A_945 = arith.constant 1 : i32
    %scan3A_946 = scf.for %scan3A_1125 = %scan3A to %scan3A_944 step %scan3A_945 iter_args(%scan3A_1126 = %broadcast_in_dim3A_942) -> (vector<16xf32>)  : i32 {
      %mul3A_1127 = arith.constant 7 : i32
      %mul3A_1128 = arith.muli %scan3A_1125, %mul3A_1127 : i32
      %add3A_1129 = arith.constant 0 : i32
      %add3A_1130 = arith.addi %mul3A_1128, %add3A_1129 : i32
      %dma_wait3A_1131 = arith.constant 0 : i32
      %dma_wait3A_1132 = arith.constant 0 : i32
      %dma_wait3A_1133 = arith.constant 0 : i32
      %dma_wait3A_1134 = tpu.memref_slice %arg12[%dma_wait3A_1131, %dma_wait3A_1132, %dma_wait3A_1133] : memref<7x64x128xf32, #tpu.memory_space<vmem>> -> memref<1x64x128xf32, #tpu.memory_space<vmem>>
      %dma_wait3A_1135 = tpu.memref_squeeze %dma_wait3A_1134 : memref<1x64x128xf32, #tpu.memory_space<vmem>> -> memref<64x128xf32, #tpu.memory_space<vmem>>
      %dma_wait3A_1136 = arith.constant 0 : i32
      %dma_wait3A_1137 = arith.constant 0 : i32
      %dma_wait3A_1138 = tpu.memref_slice %arg4[%dma_wait3A_1136, %dma_wait3A_1137] : memref<64x1000000xf32, #tpu.memory_space<hbm>> -> memref<64x128xf32, #tpu.memory_space<hbm>>
      %dma_wait3A_1139 = arith.constant 0 : i32
      %dma_wait3A_1140 = arith.constant 0 : i32
      %dma_wait3A_1141 = tpu.memref_slice %arg12[%dma_wait3A_1131, %dma_wait3A_1139, %dma_wait3A_1140] : memref<7x64x128xf32, #tpu.memory_space<vmem>> -> memref<1x64x128xf32, #tpu.memory_space<vmem>>
      %dma_wait3A_1142 = tpu.memref_squeeze %dma_wait3A_1141 : memref<1x64x128xf32, #tpu.memory_space<vmem>> -> memref<64x128xf32, #tpu.memory_space<vmem>>
      %dma_wait3A_1143 = arith.constant 0 : i32
      %dma_wait3A_1144 = arith.constant 0 : i32
      %dma_wait3A_1145 = tpu.memref_slice %arg4[%dma_wait3A_1143, %dma_wait3A_1144] : memref<64x1000000xf32, #tpu.memory_space<hbm>> -> memref<64x128xf32, #tpu.memory_space<hbm>>
      tpu.wait_dma2 semaphore(%arg19 : memref<!tpu.dma_semaphore, #tpu.memory_space<semaphore_mem>>) src(%dma_wait3A_1145 : memref<64x128xf32, #tpu.memory_space<hbm>>) dst(%dma_wait3A_1142 : memref<64x128xf32, #tpu.memory_space<vmem>>)
      %dma_wait3A_1146 = arith.constant 0 : i32
      %dma_wait3A_1147 = arith.constant 0 : i32
      %dma_wait3A_1148 = arith.constant 0 : i32
      %dma_wait3A_1149 = tpu.memref_slice %arg13[%dma_wait3A_1146, %dma_wait3A_1147, %dma_wait3A_1148] : memref<7x64x128xf32, #tpu.memory_space<vmem>> -> memref<1x64x128xf32, #tpu.memory_space<vmem>>
      %dma_wait3A_1150 = tpu.memref_squeeze %dma_wait3A_1149 : memref<1x64x128xf32, #tpu.memory_space<vmem>> -> memref<64x128xf32, #tpu.memory_space<vmem>>
      %dma_wait3A_1151 = arith.constant 0 : i32
      %dma_wait3A_1152 = arith.constant 0 : i32
      %dma_wait3A_1153 = tpu.memref_slice %arg5[%dma_wait3A_1151, %dma_wait3A_1152] : memref<64x1000000xf32, #tpu.memory_space<hbm>> -> memref<64x128xf32, #tpu.memory_space<hbm>>
      %dma_wait3A_1154 = arith.constant 0 : i32
      %dma_wait3A_1155 = arith.constant 0 : i32
      %dma_wait3A_1156 = tpu.memref_slice %arg13[%dma_wait3A_1146, %dma_wait3A_1154, %dma_wait3A_1155] : memref<7x64x128xf32, #tpu.memory_space<vmem>> -> memref<1x64x128xf32, #tpu.memory_space<vmem>>
      %dma_wait3A_1157 = tpu.memref_squeeze %dma_wait3A_1156 : memref<1x64x128xf32, #tpu.memory_space<vmem>> -> memref<64x128xf32, #tpu.memory_space<vmem>>
      %dma_wait3A_1158 = arith.constant 0 : i32
      %dma_wait3A_1159 = arith.constant 0 : i32
      %dma_wait3A_1160 = tpu.memref_slice %arg5[%dma_wait3A_1158, %dma_wait3A_1159] : memref<64x1000000xf32, #tpu.memory_space<hbm>> -> memref<64x128xf32, #tpu.memory_space<hbm>>
      tpu.wait_dma2 semaphore(%arg19 : memref<!tpu.dma_semaphore, #tpu.memory_space<semaphore_mem>>) src(%dma_wait3A_1160 : memref<64x128xf32, #tpu.memory_space<hbm>>) dst(%dma_wait3A_1157 : memref<64x128xf32, #tpu.memory_space<vmem>>)
      %jit3A_1161 = arith.constant 16 : i32
      %div3A_1162 = arith.divsi %add3A_1130, %jit3A_1161 : i32
      %sign3A_1163 = arith.constant 0 : i32
      %sign3A_1164 = arith.cmpi sgt, %add3A_1130, %sign3A_1163 : i32
      %sign3A_1165 = arith.extui %sign3A_1164 : i1 to i32
      %sign3A_1166 = arith.constant 0 : i32
      %sign3A_1167 = arith.cmpi slt, %add3A_1130, %sign3A_1166 : i32
      %sign3A_1168 = arith.extui %sign3A_1167 : i1 to i32
      %sign3A_1169 = arith.subi %sign3A_1165, %sign3A_1168 : i32
      %sign3A_1170 = arith.constant 0 : i32
      %sign3A_1171 = arith.cmpi sgt, %jit3A_1161, %sign3A_1170 : i32
      %sign3A_1172 = arith.extui %sign3A_1171 : i1 to i32
      %sign3A_1173 = arith.constant 0 : i32
      %sign3A_1174 = arith.cmpi slt, %jit3A_1161, %sign3A_1173 : i32
      %sign3A_1175 = arith.extui %sign3A_1174 : i1 to i32
      %sign3A_1176 = arith.subi %sign3A_1172, %sign3A_1175 : i32
      %ne3A_1177 = arith.cmpi ne, %sign3A_1169, %sign3A_1176 : i32
      %rem3A_1178 = arith.remsi %add3A_1130, %jit3A_1161 : i32
      %ne3A_1179 = arith.constant 0 : i32
      %ne3A_1180 = arith.cmpi ne, %rem3A_1178, %ne3A_1179 : i32
      %and3A_1181 = arith.andi %ne3A_1177, %ne3A_1180 : i1
      %sub3A_1182 = arith.constant 1 : i32
      %sub3A_1183 = arith.subi %div3A_1162, %sub3A_1182 : i32
      %select_n3A_1184 = arith.select %and3A_1181, %sub3A_1183, %div3A_1162 : i32
      %mul3A_1185 = arith.constant 16 : i32
      %mul3A_1186 = arith.muli %select_n3A_1184, %mul3A_1185 : i32
      %get3A_1187 = arith.index_cast %mul3A_1186 : i32 to index
      %get3A_1188 = tpu.vector_load %arg10[%get3A_1187] {strides = array<i32>} : memref<512xi32, #tpu.memory_space<vmem>>, vector<16xi32>,
      %jit3A_1189 = arith.constant 16 : i32
      %div3A_1190 = arith.divsi %add3A_1130, %jit3A_1189 : i32
      %sign3A_1191 = arith.constant 0 : i32
      %sign3A_1192 = arith.cmpi sgt, %add3A_1130, %sign3A_1191 : i32
      %sign3A_1193 = arith.extui %sign3A_1192 : i1 to i32
      %sign3A_1194 = arith.constant 0 : i32
      %sign3A_1195 = arith.cmpi slt, %add3A_1130, %sign3A_1194 : i32
      %sign3A_1196 = arith.extui %sign3A_1195 : i1 to i32
      %sign3A_1197 = arith.subi %sign3A_1193, %sign3A_1196 : i32
      %sign3A_1198 = arith.constant 0 : i32
      %sign3A_1199 = arith.cmpi sgt, %jit3A_1189, %sign3A_1198 : i32
      %sign3A_1200 = arith.extui %sign3A_1199 : i1 to i32
      %sign3A_1201 = arith.constant 0 : i32
      %sign3A_1202 = arith.cmpi slt, %jit3A_1189, %sign3A_1201 : i32
      %sign3A_1203 = arith.extui %sign3A_1202 : i1 to i32
      %sign3A_1204 = arith.subi %sign3A_1200, %sign3A_1203 : i32
      %ne3A_1205 = arith.cmpi ne, %sign3A_1197, %sign3A_1204 : i32
      %rem3A_1206 = arith.remsi %add3A_1130, %jit3A_1189 : i32
      %ne3A_1207 = arith.constant 0 : i32
      %ne3A_1208 = arith.cmpi ne, %rem3A_1206, %ne3A_1207 : i32
      %and3A_1209 = arith.andi %ne3A_1205, %ne3A_1208 : i1
      %sub3A_1210 = arith.constant 1 : i32
      %sub3A_1211 = arith.subi %div3A_1190, %sub3A_1210 : i32
      %select_n3A_1212 = arith.select %and3A_1209, %sub3A_1211, %div3A_1190 : i32
      %mul3A_1213 = arith.constant 16 : i32
      %mul3A_1214 = arith.muli %select_n3A_1212, %mul3A_1213 : i32
      %get3A_1215 = arith.index_cast %mul3A_1214 : i32 to index
      %get3A_1216 = tpu.vector_load %arg11[%get3A_1215] {strides = array<i32>} : memref<512xi32, #tpu.memory_space<vmem>>, vector<16xi32>,
      %jit3A_1217 = arith.constant 16 : i32
      %eq3A_1218 = arith.constant 0 : i32
      %eq3A_1219 = arith.cmpi eq, %jit3A_1217, %eq3A_1218 : i32
      %jit3A_1220 = arith.constant 1 : i32
      %select_n3A_1221 = arith.select %eq3A_1219, %jit3A_1220, %jit3A_1217 : i32
      %rem3A_1222 = arith.remsi %add3A_1130, %select_n3A_1221 : i32
      %ne3A_1223 = arith.constant 0 : i32
      %ne3A_1224 = arith.cmpi ne, %rem3A_1222, %ne3A_1223 : i32
      %lt3A_1225 = arith.constant 0 : i32
      %lt3A_1226 = arith.cmpi slt, %rem3A_1222, %lt3A_1225 : i32
      %lt3A_1227 = arith.constant 0 : i32
      %lt3A_1228 = arith.cmpi slt, %select_n3A_1221, %lt3A_1227 : i32
      %ne3A_1229 = arith.xori %lt3A_1226, %lt3A_1228 : i1
      %and3A_1230 = arith.andi %ne3A_1229, %ne3A_1224 : i1
      %add3A_1231 = arith.addi %rem3A_1222, %select_n3A_1221 : i32
      %select_n3A_1232 = arith.select %and3A_1230, %add3A_1231, %rem3A_1222 : i32
      %eq3A_1233 = vector.broadcast %select_n3A_1232 : i32 to vector<16xi32>
      %eq3A_1234 = arith.cmpi eq, %iota3A, %eq3A_1233 : vector<16xi32>
      %jit3A_1235 = arith.constant 1 : i32
      %jit3A_1236 = arith.constant 0 : i32
      %broadcast_in_dim3A_1237 = vector.broadcast %jit3A_1235 : i32 to vector<16xi32>
      %broadcast_in_dim3A_1238 = vector.broadcast %jit3A_1236 : i32 to vector<16xi32>
      %select_n3A_1239 = arith.select %eq3A_1234, %broadcast_in_dim3A_1237, %broadcast_in_dim3A_1238 : vector<16xi1>, vector<16xi32>
      %and3A_1240 = arith.constant 127 : i32
      %and3A_1241 = vector.broadcast %and3A_1240 : i32 to vector<16xi32>
      %and3A_1242 = arith.andi %get3A_1188, %and3A_1241 : vector<16xi32>
      %mul3A_1243 = arith.muli %and3A_1242, %select_n3A_1239 : vector<16xi32>
      %reduce_sum3A_1244 = arith.constant true
      %reduce_sum3A_1245 = vector.broadcast %reduce_sum3A_1244 : i1 to vector<16xi1>
      %reduce_sum3A_1246 = tpu.scan <sum>, %mul3A_1243 masked %reduce_sum3A_1245 : vector<16xi32>, vector<16xi1> -> vector<16xi32>
      %reduce_sum3A_1247 = vector.extract %reduce_sum3A_1246[15] : i32 from vector<16xi32>
      %broadcast_in_dim3A_1248 = vector.broadcast %reduce_sum3A_1247 : i32 to vector<16xi32>
      %and3A_1249 = arith.constant 127 : i32
      %and3A_1250 = vector.broadcast %and3A_1249 : i32 to vector<16xi32>
      %and3A_1251 = arith.andi %get3A_1216, %and3A_1250 : vector<16xi32>
      %mul3A_1252 = arith.muli %and3A_1251, %select_n3A_1239 : vector<16xi32>
      %reduce_sum3A_1253 = arith.constant true
      %reduce_sum3A_1254 = vector.broadcast %reduce_sum3A_1253 : i1 to vector<16xi1>
      %reduce_sum3A_1255 = tpu.scan <sum>, %mul3A_1252 masked %reduce_sum3A_1254 : vector<16xi32>, vector<16xi1> -> vector<16xi32>
      %reduce_sum3A_1256 = vector.extract %reduce_sum3A_1255[15] : i32 from vector<16xi32>
      %broadcast_in_dim3A_1257 = vector.broadcast %reduce_sum3A_1256 : i32 to vector<16xi32>
      %broadcast_in_dim3A_1258 = arith.constant 0 : i32
      %broadcast_in_dim3A_1259 = vector.broadcast %broadcast_in_dim3A_1258 : i32 to vector<16xi32>
      %broadcast_in_dim3A_1260 = arith.constant 0.000000e+00 : f32
      %broadcast_in_dim3A_1261 = vector.broadcast %broadcast_in_dim3A_1260 : f32 to vector<16xf32>
      %add3A_1262 = arith.constant 0 : i32
      %add3A_1263 = vector.broadcast %add3A_1262 : i32 to vector<16xi32>
      %add3A_1264 = arith.addi %iota3A, %add3A_1263 : vector<16xi32>
      %gather3A_1265 = tpu.vector_load_idx %arg12[%broadcast_in_dim3A_1259, %add3A_1264, %broadcast_in_dim3A_1248] : memref<7x64x128xf32, #tpu.memory_space<vmem>>[vector<16xi32>, vector<16xi32>, vector<16xi32>], vector<16xf32>,
      %gather3A_1266 = tpu.vector_load_idx %arg13[%broadcast_in_dim3A_1259, %add3A_1264, %broadcast_in_dim3A_1257] : memref<7x64x128xf32, #tpu.memory_space<vmem>>[vector<16xi32>, vector<16xi32>, vector<16xi32>], vector<16xf32>,
      %mul3A_1267 = arith.mulf %gather3A_1265, %gather3A_1266 : vector<16xf32>
      %add3A_1268 = arith.addf %broadcast_in_dim3A_1261, %mul3A_1267 : vector<16xf32>
      %add3A_1269 = arith.constant 16 : i32
      %add3A_1270 = vector.broadcast %add3A_1269 : i32 to vector<16xi32>
      %add3A_1271 = arith.addi %iota3A, %add3A_1270 : vector<16xi32>
      %gather3A_1272 = tpu.vector_load_idx %arg12[%broadcast_in_dim3A_1259, %add3A_1271, %broadcast_in_dim3A_1248] : memref<7x64x128xf32, #tpu.memory_space<vmem>>[vector<16xi32>, vector<16xi32>, vector<16xi32>], vector<16xf32>,
      %gather3A_1273 = tpu.vector_load_idx %arg13[%broadcast_in_dim3A_1259, %add3A_1271, %broadcast_in_dim3A_1257] : memref<7x64x128xf32, #tpu.memory_space<vmem>>[vector<16xi32>, vector<16xi32>, vector<16xi32>], vector<16xf32>,
      %mul3A_1274 = arith.mulf %gather3A_1272, %gather3A_1273 : vector<16xf32>
      %add3A_1275 = arith.addf %add3A_1268, %mul3A_1274 : vector<16xf32>
      %add3A_1276 = arith.constant 32 : i32
      %add3A_1277 = vector.broadcast %add3A_1276 : i32 to vector<16xi32>
      %add3A_1278 = arith.addi %iota3A, %add3A_1277 : vector<16xi32>
      %gather3A_1279 = tpu.vector_load_idx %arg12[%broadcast_in_dim3A_1259, %add3A_1278, %broadcast_in_dim3A_1248] : memref<7x64x128xf32, #tpu.memory_space<vmem>>[vector<16xi32>, vector<16xi32>, vector<16xi32>], vector<16xf32>,
      %gather3A_1280 = tpu.vector_load_idx %arg13[%broadcast_in_dim3A_1259, %add3A_1278, %broadcast_in_dim3A_1257] : memref<7x64x128xf32, #tpu.memory_space<vmem>>[vector<16xi32>, vector<16xi32>, vector<16xi32>], vector<16xf32>,
      %mul3A_1281 = arith.mulf %gather3A_1279, %gather3A_1280 : vector<16xf32>
      %add3A_1282 = arith.addf %add3A_1275, %mul3A_1281 : vector<16xf32>
      %add3A_1283 = arith.constant 48 : i32
      %add3A_1284 = vector.broadcast %add3A_1283 : i32 to vector<16xi32>
      %add3A_1285 = arith.addi %iota3A, %add3A_1284 : vector<16xi32>
      %gather3A_1286 = tpu.vector_load_idx %arg12[%broadcast_in_dim3A_1259, %add3A_1285, %broadcast_in_dim3A_1248] : memref<7x64x128xf32, #tpu.memory_space<vmem>>[vector<16xi32>, vector<16xi32>, vector<16xi32>], vector<16xf32>,
      %gather3A_1287 = tpu.vector_load_idx %arg13[%broadcast_in_dim3A_1259, %add3A_1285, %broadcast_in_dim3A_1257] : memref<7x64x128xf32, #tpu.memory_space<vmem>>[vector<16xi32>, vector<16xi32>, vector<16xi32>], vector<16xf32>,
      %mul3A_1288 = arith.mulf %gather3A_1286, %gather3A_1287 : vector<16xf32>
      %add3A_1289 = arith.addf %add3A_1282, %mul3A_1288 : vector<16xf32>
      %eq3A_1290 = vector.broadcast %select_n3A_1232 : i32 to vector<16xi32>
      %eq3A_1291 = arith.cmpi eq, %iota3A, %eq3A_1290 : vector<16xi32>
      %reduce_sum3A_1292 = arith.constant true
      %reduce_sum3A_1293 = vector.broadcast %reduce_sum3A_1292 : i1 to vector<16xi1>
      %reduce_sum3A_1294 = tpu.scan <sum>, %add3A_1289 masked %reduce_sum3A_1293 : vector<16xf32>, vector<16xi1> -> vector<16xf32>
      %reduce_sum3A_1295 = vector.extract %reduce_sum3A_1294[15] : f32 from vector<16xf32>
      %broadcast_in_dim3A_1296 = vector.broadcast %reduce_sum3A_1295 : f32 to vector<16xf32>
      %select_n3A_1297 = arith.select %eq3A_1291, %broadcast_in_dim3A_1296, %scan3A_1126 : vector<16xi1>, vector<16xf32>
      %add3A_1298 = arith.constant 7 : i32
      %add3A_1299 = arith.addi %add3A_1130, %add3A_1298 : i32
      %lt3A_1300 = arith.constant 512 : i32
      %lt3A_1301 = arith.cmpi slt, %add3A_1299, %lt3A_1300 : i32
      %convert_element_type3A_1302 = arith.extui %lt3A_1301 : i1 to i32
      %cond3A_1303 = arith.constant 0 : i32
      %cond3A_1304 = arith.cmpi ne, %convert_element_type3A_1302, %cond3A_1303 : i32
      scf.if %cond3A_1304 {
        %add3A_2436 = arith.constant 7 : i32
        %add3A_2437 = arith.addi %add3A_1130, %add3A_2436 : i32
        %jit3A_2438 = arith.constant 16 : i32
        %div3A_2439 = arith.divsi %add3A_2437, %jit3A_2438 : i32
        %sign3A_2440 = arith.constant 0 : i32
        %sign3A_2441 = arith.cmpi sgt, %add3A_2437, %sign3A_2440 : i32
        %sign3A_2442 = arith.extui %sign3A_2441 : i1 to i32
        %sign3A_2443 = arith.constant 0 : i32
        %sign3A_2444 = arith.cmpi slt, %add3A_2437, %sign3A_2443 : i32
        %sign3A_2445 = arith.extui %sign3A_2444 : i1 to i32
        %sign3A_2446 = arith.subi %sign3A_2442, %sign3A_2445 : i32
        %sign3A_2447 = arith.constant 0 : i32
        %sign3A_2448 = arith.cmpi sgt, %jit3A_2438, %sign3A_2447 : i32
        %sign3A_2449 = arith.extui %sign3A_2448 : i1 to i32
        %sign3A_2450 = arith.constant 0 : i32
        %sign3A_2451 = arith.cmpi slt, %jit3A_2438, %sign3A_2450 : i32
        %sign3A_2452 = arith.extui %sign3A_2451 : i1 to i32
        %sign3A_2453 = arith.subi %sign3A_2449, %sign3A_2452 : i32
        %ne3A_2454 = arith.cmpi ne, %sign3A_2446, %sign3A_2453 : i32
        %rem3A_2455 = arith.remsi %add3A_2437, %jit3A_2438 : i32
        %ne3A_2456 = arith.constant 0 : i32
        %ne3A_2457 = arith.cmpi ne, %rem3A_2455, %ne3A_2456 : i32
        %and3A_2458 = arith.andi %ne3A_2454, %ne3A_2457 : i1
        %sub3A_2459 = arith.constant 1 : i32
        %sub3A_2460 = arith.subi %div3A_2439, %sub3A_2459 : i32
        %select_n3A_2461 = arith.select %and3A_2458, %sub3A_2460, %div3A_2439 : i32
        %mul3A_2462 = arith.constant 16 : i32
        %mul3A_2463 = arith.muli %select_n3A_2461, %mul3A_2462 : i32
        %get3A_2464 = arith.index_cast %mul3A_2463 : i32 to index
        %get3A_2465 = tpu.vector_load %arg10[%get3A_2464] {strides = array<i32>} : memref<512xi32, #tpu.memory_space<vmem>>, vector<16xi32>,
        %jit3A_2466 = arith.constant 16 : i32
        %div3A_2467 = arith.divsi %add3A_2437, %jit3A_2466 : i32
        %sign3A_2468 = arith.constant 0 : i32
        %sign3A_2469 = arith.cmpi sgt, %add3A_2437, %sign3A_2468 : i32
        %sign3A_2470 = arith.extui %sign3A_2469 : i1 to i32
        %sign3A_2471 = arith.constant 0 : i32
        %sign3A_2472 = arith.cmpi slt, %add3A_2437, %sign3A_2471 : i32
        %sign3A_2473 = arith.extui %sign3A_2472 : i1 to i32
        %sign3A_2474 = arith.subi %sign3A_2470, %sign3A_2473 : i32
        %sign3A_2475 = arith.constant 0 : i32
        %sign3A_2476 = arith.cmpi sgt, %jit3A_2466, %sign3A_2475 : i32
        %sign3A_2477 = arith.extui %sign3A_2476 : i1 to i32
        %sign3A_2478 = arith.constant 0 : i32
        %sign3A_2479 = arith.cmpi slt, %jit3A_2466, %sign3A_2478 : i32
        %sign3A_2480 = arith.extui %sign3A_2479 : i1 to i32
        %sign3A_2481 = arith.subi %sign3A_2477, %sign3A_2480 : i32
        %ne3A_2482 = arith.cmpi ne, %sign3A_2474, %sign3A_2481 : i32
        %rem3A_2483 = arith.remsi %add3A_2437, %jit3A_2466 : i32
        %ne3A_2484 = arith.constant 0 : i32
        %ne3A_2485 = arith.cmpi ne, %rem3A_2483, %ne3A_2484 : i32
        %and3A_2486 = arith.andi %ne3A_2482, %ne3A_2485 : i1
        %sub3A_2487 = arith.constant 1 : i32
        %sub3A_2488 = arith.subi %div3A_2467, %sub3A_2487 : i32
        %select_n3A_2489 = arith.select %and3A_2486, %sub3A_2488, %div3A_2467 : i32
        %mul3A_2490 = arith.constant 16 : i32
        %mul3A_2491 = arith.muli %select_n3A_2489, %mul3A_2490 : i32
        %get3A_2492 = arith.index_cast %mul3A_2491 : i32 to index
        %get3A_2493 = tpu.vector_load %arg11[%get3A_2492] {strides = array<i32>} : memref<512xi32, #tpu.memory_space<vmem>>, vector<16xi32>,
        %jit3A_2494 = arith.constant 16 : i32
        %eq3A_2495 = arith.constant 0 : i32
        %eq3A_2496 = arith.cmpi eq, %jit3A_2494, %eq3A_2495 : i32
        %jit3A_2497 = arith.constant 1 : i32
        %select_n3A_2498 = arith.select %eq3A_2496, %jit3A_2497, %jit3A_2494 : i32
        %rem3A_2499 = arith.remsi %add3A_2437, %select_n3A_2498 : i32
        %ne3A_2500 = arith.constant 0 : i32
        %ne3A_2501 = arith.cmpi ne, %rem3A_2499, %ne3A_2500 : i32
        %lt3A_2502 = arith.constant 0 : i32
        %lt3A_2503 = arith.cmpi slt, %rem3A_2499, %lt3A_2502 : i32
        %lt3A_2504 = arith.constant 0 : i32
        %lt3A_2505 = arith.cmpi slt, %select_n3A_2498, %lt3A_2504 : i32
        %ne3A_2506 = arith.xori %lt3A_2503, %lt3A_2505 : i1
        %and3A_2507 = arith.andi %ne3A_2506, %ne3A_2501 : i1
        %add3A_2508 = arith.addi %rem3A_2499, %select_n3A_2498 : i32
        %select_n3A_2509 = arith.select %and3A_2507, %add3A_2508, %rem3A_2499 : i32
        %eq3A_2510 = vector.broadcast %select_n3A_2509 : i32 to vector<16xi32>
        %eq3A_2511 = arith.cmpi eq, %iota3A, %eq3A_2510 : vector<16xi32>
        %jit3A_2512 = arith.constant 1 : i32
        %jit3A_2513 = arith.constant 0 : i32
        %broadcast_in_dim3A_2514 = vector.broadcast %jit3A_2512 : i32 to vector<16xi32>
        %broadcast_in_dim3A_2515 = vector.broadcast %jit3A_2513 : i32 to vector<16xi32>
        %select_n3A_2516 = arith.select %eq3A_2511, %broadcast_in_dim3A_2514, %broadcast_in_dim3A_2515 : vector<16xi1>, vector<16xi32>
        %mul3A_2517 = arith.muli %get3A_2465, %select_n3A_2516 : vector<16xi32>
        %reduce_sum3A_2518 = arith.constant true
        %reduce_sum3A_2519 = vector.broadcast %reduce_sum3A_2518 : i1 to vector<16xi1>
        %reduce_sum3A_2520 = tpu.scan <sum>, %mul3A_2517 masked %reduce_sum3A_2519 : vector<16xi32>, vector<16xi1> -> vector<16xi32>
        %reduce_sum3A_2521 = vector.extract %reduce_sum3A_2520[15] : i32 from vector<16xi32>
        %and3A_2522 = arith.andi %reduce_sum3A_2521, %not3A_5 : i32
        %multiple_of3A_2523 = tpu.assume_multiple %and3A_2522, 128 : i32
        %mul3A_2524 = arith.muli %get3A_2493, %select_n3A_2516 : vector<16xi32>
        %reduce_sum3A_2525 = arith.constant true
        %reduce_sum3A_2526 = vector.broadcast %reduce_sum3A_2525 : i1 to vector<16xi1>
        %reduce_sum3A_2527 = tpu.scan <sum>, %mul3A_2524 masked %reduce_sum3A_2526 : vector<16xi32>, vector<16xi1> -> vector<16xi32>
        %reduce_sum3A_2528 = vector.extract %reduce_sum3A_2527[15] : i32 from vector<16xi32>
        %and3A_2529 = arith.andi %reduce_sum3A_2528, %not3A_5 : i32
        %multiple_of3A_2530 = tpu.assume_multiple %and3A_2529, 128 : i32
        %dma_start3A_2531 = arith.constant 0 : i32
        %dma_start3A_2532 = arith.constant 0 : i32
        %dma_start3A_2533 = arith.constant 0 : i32
        %dma_start3A_2534 = tpu.memref_slice %arg12[%dma_start3A_2531, %dma_start3A_2532, %dma_start3A_2533] : memref<7x64x128xf32, #tpu.memory_space<vmem>> -> memref<1x64x128xf32, #tpu.memory_space<vmem>>
        %dma_start3A_2535 = tpu.memref_squeeze %dma_start3A_2534 : memref<1x64x128xf32, #tpu.memory_space<vmem>> -> memref<64x128xf32, #tpu.memory_space<vmem>>
        %dma_start3A_2536 = arith.constant 0 : i32
        %dma_start3A_2537 = tpu.memref_slice %arg4[%dma_start3A_2536, %multiple_of3A_2523] : memref<64x1000000xf32, #tpu.memory_space<hbm>> -> memref<64x128xf32, #tpu.memory_space<hbm>>
        %dma_start3A_2538 = arith.constant 0 : i32
        %dma_start3A_2539 = arith.constant 0 : i32
        %dma_start3A_2540 = tpu.memref_slice %arg12[%dma_start3A_2531, %dma_start3A_2538, %dma_start3A_2539] : memref<7x64x128xf32, #tpu.memory_space<vmem>> -> memref<1x64x128xf32, #tpu.memory_space<vmem>>
        %dma_start3A_2541 = tpu.memref_squeeze %dma_start3A_2540 : memref<1x64x128xf32, #tpu.memory_space<vmem>> -> memref<64x128xf32, #tpu.memory_space<vmem>>
        %dma_start3A_2542 = arith.constant 0 : i32
        %dma_start3A_2543 = tpu.memref_slice %arg4[%dma_start3A_2542, %multiple_of3A_2523] : memref<64x1000000xf32, #tpu.memory_space<hbm>> -> memref<64x128xf32, #tpu.memory_space<hbm>>
        tpu.enqueue_dma source(%dma_start3A_2543 : memref<64x128xf32, #tpu.memory_space<hbm>>) target(%dma_start3A_2541 : memref<64x128xf32, #tpu.memory_space<vmem>>) target_semaphore(%arg19 : memref<!tpu.dma_semaphore, #tpu.memory_space<semaphore_mem>>)
        %dma_start3A_2544 = arith.constant 0 : i32
        %dma_start3A_2545 = arith.constant 0 : i32
        %dma_start3A_2546 = arith.constant 0 : i32
        %dma_start3A_2547 = tpu.memref_slice %arg13[%dma_start3A_2544, %dma_start3A_2545, %dma_start3A_2546] : memref<7x64x128xf32, #tpu.memory_space<vmem>> -> memref<1x64x128xf32, #tpu.memory_space<vmem>>
        %dma_start3A_2548 = tpu.memref_squeeze %dma_start3A_2547 : memref<1x64x128xf32, #tpu.memory_space<vmem>> -> memref<64x128xf32, #tpu.memory_space<vmem>>
        %dma_start3A_2549 = arith.constant 0 : i32
        %dma_start3A_2550 = tpu.memref_slice %arg5[%dma_start3A_2549, %multiple_of3A_2530] : memref<64x1000000xf32, #tpu.memory_space<hbm>> -> memref<64x128xf32, #tpu.memory_space<hbm>>
        %dma_start3A_2551 = arith.constant 0 : i32
        %dma_start3A_2552 = arith.constant 0 : i32
        %dma_start3A_2553 = tpu.memref_slice %arg13[%dma_start3A_2544, %dma_start3A_2551, %dma_start3A_2552] : memref<7x64x128xf32, #tpu.memory_space<vmem>> -> memref<1x64x128xf32, #tpu.memory_space<vmem>>
        %dma_start3A_2554 = tpu.memref_squeeze %dma_start3A_2553 : memref<1x64x128xf32, #tpu.memory_space<vmem>> -> memref<64x128xf32, #tpu.memory_space<vmem>>
        %dma_start3A_2555 = arith.constant 0 : i32
        %dma_start3A_2556 = tpu.memref_slice %arg5[%dma_start3A_2555, %multiple_of3A_2530] : memref<64x1000000xf32, #tpu.memory_space<hbm>> -> memref<64x128xf32, #tpu.memory_space<hbm>>
        tpu.enqueue_dma source(%dma_start3A_2556 : memref<64x128xf32, #tpu.memory_space<hbm>>) target(%dma_start3A_2554 : memref<64x128xf32, #tpu.memory_space<vmem>>) target_semaphore(%arg19 : memref<!tpu.dma_semaphore, #tpu.memory_space<semaphore_mem>>)
      } else {
      }
      %eq3A_1305 = arith.constant 15 : i32
      %eq3A_1306 = arith.cmpi eq, %select_n3A_1232, %eq3A_1305 : i32
      %convert_element_type3A_1307 = arith.extui %eq3A_1306 : i1 to i32
      %cond3A_1308 = arith.constant 0 : i32
      %cond3A_1309 = arith.cmpi ne, %convert_element_type3A_1307, %cond3A_1308 : i32
      scf.if %cond3A_1309 {
        %jit3A_2436 = arith.constant 16 : i32
        %div3A_2437 = arith.divsi %add3A_1130, %jit3A_2436 : i32
        %sign3A_2438 = arith.constant 0 : i32
        %sign3A_2439 = arith.cmpi sgt, %add3A_1130, %sign3A_2438 : i32
        %sign3A_2440 = arith.extui %sign3A_2439 : i1 to i32
        %sign3A_2441 = arith.constant 0 : i32
        %sign3A_2442 = arith.cmpi slt, %add3A_1130, %sign3A_2441 : i32
        %sign3A_2443 = arith.extui %sign3A_2442 : i1 to i32
        %sign3A_2444 = arith.subi %sign3A_2440, %sign3A_2443 : i32
        %sign3A_2445 = arith.constant 0 : i32
        %sign3A_2446 = arith.cmpi sgt, %jit3A_2436, %sign3A_2445 : i32
        %sign3A_2447 = arith.extui %sign3A_2446 : i1 to i32
        %sign3A_2448 = arith.constant 0 : i32
        %sign3A_2449 = arith.cmpi slt, %jit3A_2436, %sign3A_2448 : i32
        %sign3A_2450 = arith.extui %sign3A_2449 : i1 to i32
        %sign3A_2451 = arith.subi %sign3A_2447, %sign3A_2450 : i32
        %ne3A_2452 = arith.cmpi ne, %sign3A_2444, %sign3A_2451 : i32
        %rem3A_2453 = arith.remsi %add3A_1130, %jit3A_2436 : i32
        %ne3A_2454 = arith.constant 0 : i32
        %ne3A_2455 = arith.cmpi ne, %rem3A_2453, %ne3A_2454 : i32
        %and3A_2456 = arith.andi %ne3A_2452, %ne3A_2455 : i1
        %sub3A_2457 = arith.constant 1 : i32
        %sub3A_2458 = arith.subi %div3A_2437, %sub3A_2457 : i32
        %select_n3A_2459 = arith.select %and3A_2456, %sub3A_2458, %div3A_2437 : i32
        %mul3A_2460 = arith.constant 16 : i32
        %mul3A_2461 = arith.muli %select_n3A_2459, %mul3A_2460 : i32
        %get3A_2462 = arith.index_cast %mul3A_2461 : i32 to index
        %get3A_2463 = tpu.vector_load %arg14[%get3A_2462] {strides = array<i32>} : memref<512xf32, #tpu.memory_space<vmem>>, vector<16xf32>,
        %add3A_2464 = arith.addf %select_n3A_1297, %get3A_2463 : vector<16xf32>
        %mul3A_2465 = arith.constant 16 : i32
        %mul3A_2466 = arith.muli %select_n3A_2459, %mul3A_2465 : i32
        %get3A_2467 = arith.index_cast %mul3A_2466 : i32 to index
        %get3A_2468 = tpu.vector_load %arg15[%get3A_2467] {strides = array<i32>} : memref<512xf32, #tpu.memory_space<vmem>>, vector<16xf32>,
        %add3A_2469 = arith.addf %add3A_2464, %get3A_2468 : vector<16xf32>
        %add3A_2470 = arith.addf %add3A_2469, %get3A_3 : vector<16xf32>
        %mul3A_2471 = arith.constant 16 : i32
        %mul3A_2472 = arith.muli %select_n3A_2459, %mul3A_2471 : i32
        %swap3A = arith.index_cast %mul3A_2472 : i32 to index
        %swap3A_2473 = tpu.vector_load %arg16[%swap3A] {strides = array<i32>} : memref<512xf32, #tpu.memory_space<vmem>>, vector<16xf32>,
        tpu.vector_store %arg16[%swap3A], %add3A_2470 {strides = array<i32>} : memref<512xf32, #tpu.memory_space<vmem>>, vector<16xf32>,
      } else {
      }
      %broadcast_in_dim3A_1310 = vector.broadcast %eq3A_1306 : i1 to vector<16xi1>
      %broadcast_in_dim3A_1311 = arith.constant 0.000000e+00 : f32
      %broadcast_in_dim3A_1312 = vector.broadcast %broadcast_in_dim3A_1311 : f32 to vector<16xf32>
      %select_n3A_1313 = arith.select %broadcast_in_dim3A_1310, %broadcast_in_dim3A_1312, %select_n3A_1297 : vector<16xi1>, vector<16xf32>
      %mul3A_1314 = arith.constant 7 : i32
      %mul3A_1315 = arith.muli %scan3A_1125, %mul3A_1314 : i32
      %add3A_1316 = arith.constant 1 : i32
      %add3A_1317 = arith.addi %mul3A_1315, %add3A_1316 : i32
      %dma_wait3A_1318 = arith.constant 1 : i32
      %dma_wait3A_1319 = arith.constant 0 : i32
      %dma_wait3A_1320 = arith.constant 0 : i32
      %dma_wait3A_1321 = tpu.memref_slice %arg12[%dma_wait3A_1318, %dma_wait3A_1319, %dma_wait3A_1320] : memref<7x64x128xf32, #tpu.memory_space<vmem>> -> memref<1x64x128xf32, #tpu.memory_space<vmem>>
      %dma_wait3A_1322 = tpu.memref_squeeze %dma_wait3A_1321 : memref<1x64x128xf32, #tpu.memory_space<vmem>> -> memref<64x128xf32, #tpu.memory_space<vmem>>
      %dma_wait3A_1323 = arith.constant 0 : i32
      %dma_wait3A_1324 = arith.constant 0 : i32
      %dma_wait3A_1325 = tpu.memref_slice %arg4[%dma_wait3A_1323, %dma_wait3A_1324] : memref<64x1000000xf32, #tpu.memory_space<hbm>> -> memref<64x128xf32, #tpu.memory_space<hbm>>
      %dma_wait3A_1326 = arith.constant 0 : i32
      %dma_wait3A_1327 = arith.constant 0 : i32
      %dma_wait3A_1328 = tpu.memref_slice %arg12[%dma_wait3A_1318, %dma_wait3A_1326, %dma_wait3A_1327] : memref<7x64x128xf32, #tpu.memory_space<vmem>> -> memref<1x64x128xf32, #tpu.memory_space<vmem>>
      %dma_wait3A_1329 = tpu.memref_squeeze %dma_wait3A_1328 : memref<1x64x128xf32, #tpu.memory_space<vmem>> -> memref<64x128xf32, #tpu.memory_space<vmem>>
      %dma_wait3A_1330 = arith.constant 0 : i32
      %dma_wait3A_1331 = arith.constant 0 : i32
      %dma_wait3A_1332 = tpu.memref_slice %arg4[%dma_wait3A_1330, %dma_wait3A_1331] : memref<64x1000000xf32, #tpu.memory_space<hbm>> -> memref<64x128xf32, #tpu.memory_space<hbm>>
      tpu.wait_dma2 semaphore(%arg20 : memref<!tpu.dma_semaphore, #tpu.memory_space<semaphore_mem>>) src(%dma_wait3A_1332 : memref<64x128xf32, #tpu.memory_space<hbm>>) dst(%dma_wait3A_1329 : memref<64x128xf32, #tpu.memory_space<vmem>>)
      %dma_wait3A_1333 = arith.constant 1 : i32
      %dma_wait3A_1334 = arith.constant 0 : i32
      %dma_wait3A_1335 = arith.constant 0 : i32
      %dma_wait3A_1336 = tpu.memref_slice %arg13[%dma_wait3A_1333, %dma_wait3A_1334, %dma_wait3A_1335] : memref<7x64x128xf32, #tpu.memory_space<vmem>> -> memref<1x64x128xf32, #tpu.memory_space<vmem>>
      %dma_wait3A_1337 = tpu.memref_squeeze %dma_wait3A_1336 : memref<1x64x128xf32, #tpu.memory_space<vmem>> -> memref<64x128xf32, #tpu.memory_space<vmem>>
      %dma_wait3A_1338 = arith.constant 0 : i32
      %dma_wait3A_1339 = arith.constant 0 : i32
      %dma_wait3A_1340 = tpu.memref_slice %arg5[%dma_wait3A_1338, %dma_wait3A_1339] : memref<64x1000000xf32, #tpu.memory_space<hbm>> -> memref<64x128xf32, #tpu.memory_space<hbm>>
      %dma_wait3A_1341 = arith.constant 0 : i32
      %dma_wait3A_1342 = arith.constant 0 : i32
      %dma_wait3A_1343 = tpu.memref_slice %arg13[%dma_wait3A_1333, %dma_wait3A_1341, %dma_wait3A_1342] : memref<7x64x128xf32, #tpu.memory_space<vmem>> -> memref<1x64x128xf32, #tpu.memory_space<vmem>>
      %dma_wait3A_1344 = tpu.memref_squeeze %dma_wait3A_1343 : memref<1x64x128xf32, #tpu.memory_space<vmem>> -> memref<64x128xf32, #tpu.memory_space<vmem>>
      %dma_wait3A_1345 = arith.constant 0 : i32
      %dma_wait3A_1346 = arith.constant 0 : i32
      %dma_wait3A_1347 = tpu.memref_slice %arg5[%dma_wait3A_1345, %dma_wait3A_1346] : memref<64x1000000xf32, #tpu.memory_space<hbm>> -> memref<64x128xf32, #tpu.memory_space<hbm>>
      tpu.wait_dma2 semaphore(%arg20 : memref<!tpu.dma_semaphore, #tpu.memory_space<semaphore_mem>>) src(%dma_wait3A_1347 : memref<64x128xf32, #tpu.memory_space<hbm>>) dst(%dma_wait3A_1344 : memref<64x128xf32, #tpu.memory_space<vmem>>)
      %jit3A_1348 = arith.constant 16 : i32
      %div3A_1349 = arith.divsi %add3A_1317, %jit3A_1348 : i32
      %sign3A_1350 = arith.constant 0 : i32
      %sign3A_1351 = arith.cmpi sgt, %add3A_1317, %sign3A_1350 : i32
      %sign3A_1352 = arith.extui %sign3A_1351 : i1 to i32
      %sign3A_1353 = arith.constant 0 : i32
      %sign3A_1354 = arith.cmpi slt, %add3A_1317, %sign3A_1353 : i32
      %sign3A_1355 = arith.extui %sign3A_1354 : i1 to i32
      %sign3A_1356 = arith.subi %sign3A_1352, %sign3A_1355 : i32
      %sign3A_1357 = arith.constant 0 : i32
      %sign3A_1358 = arith.cmpi sgt, %jit3A_1348, %sign3A_1357 : i32
      %sign3A_1359 = arith.extui %sign3A_1358 : i1 to i32
      %sign3A_1360 = arith.constant 0 : i32
      %sign3A_1361 = arith.cmpi slt, %jit3A_1348, %sign3A_1360 : i32
      %sign3A_1362 = arith.extui %sign3A_1361 : i1 to i32
      %sign3A_1363 = arith.subi %sign3A_1359, %sign3A_1362 : i32
      %ne3A_1364 = arith.cmpi ne, %sign3A_1356, %sign3A_1363 : i32
      %rem3A_1365 = arith.remsi %add3A_1317, %jit3A_1348 : i32
      %ne3A_1366 = arith.constant 0 : i32
      %ne3A_1367 = arith.cmpi ne, %rem3A_1365, %ne3A_1366 : i32
      %and3A_1368 = arith.andi %ne3A_1364, %ne3A_1367 : i1
      %sub3A_1369 = arith.constant 1 : i32
      %sub3A_1370 = arith.subi %div3A_1349, %sub3A_1369 : i32
      %select_n3A_1371 = arith.select %and3A_1368, %sub3A_1370, %div3A_1349 : i32
      %mul3A_1372 = arith.constant 16 : i32
      %mul3A_1373 = arith.muli %select_n3A_1371, %mul3A_1372 : i32
      %get3A_1374 = arith.index_cast %mul3A_1373 : i32 to index
      %get3A_1375 = tpu.vector_load %arg10[%get3A_1374] {strides = array<i32>} : memref<512xi32, #tpu.memory_space<vmem>>, vector<16xi32>,
      %jit3A_1376 = arith.constant 16 : i32
      %div3A_1377 = arith.divsi %add3A_1317, %jit3A_1376 : i32
      %sign3A_1378 = arith.constant 0 : i32
      %sign3A_1379 = arith.cmpi sgt, %add3A_1317, %sign3A_1378 : i32
      %sign3A_1380 = arith.extui %sign3A_1379 : i1 to i32
      %sign3A_1381 = arith.constant 0 : i32
      %sign3A_1382 = arith.cmpi slt, %add3A_1317, %sign3A_1381 : i32
      %sign3A_1383 = arith.extui %sign3A_1382 : i1 to i32
      %sign3A_1384 = arith.subi %sign3A_1380, %sign3A_1383 : i32
      %sign3A_1385 = arith.constant 0 : i32
      %sign3A_1386 = arith.cmpi sgt, %jit3A_1376, %sign3A_1385 : i32
      %sign3A_1387 = arith.extui %sign3A_1386 : i1 to i32
      %sign3A_1388 = arith.constant 0 : i32
      %sign3A_1389 = arith.cmpi slt, %jit3A_1376, %sign3A_1388 : i32
      %sign3A_1390 = arith.extui %sign3A_1389 : i1 to i32
      %sign3A_1391 = arith.subi %sign3A_1387, %sign3A_1390 : i32
      %ne3A_1392 = arith.cmpi ne, %sign3A_1384, %sign3A_1391 : i32
      %rem3A_1393 = arith.remsi %add3A_1317, %jit3A_1376 : i32
      %ne3A_1394 = arith.constant 0 : i32
      %ne3A_1395 = arith.cmpi ne, %rem3A_1393, %ne3A_1394 : i32
      %and3A_1396 = arith.andi %ne3A_1392, %ne3A_1395 : i1
      %sub3A_1397 = arith.constant 1 : i32
      %sub3A_1398 = arith.subi %div3A_1377, %sub3A_1397 : i32
      %select_n3A_1399 = arith.select %and3A_1396, %sub3A_1398, %div3A_1377 : i32
      %mul3A_1400 = arith.constant 16 : i32
      %mul3A_1401 = arith.muli %select_n3A_1399, %mul3A_1400 : i32
      %get3A_1402 = arith.index_cast %mul3A_1401 : i32 to index
      %get3A_1403 = tpu.vector_load %arg11[%get3A_1402] {strides = array<i32>} : memref<512xi32, #tpu.memory_space<vmem>>, vector<16xi32>,
      %jit3A_1404 = arith.constant 16 : i32
      %eq3A_1405 = arith.constant 0 : i32
      %eq3A_1406 = arith.cmpi eq, %jit3A_1404, %eq3A_1405 : i32
      %jit3A_1407 = arith.constant 1 : i32
      %select_n3A_1408 = arith.select %eq3A_1406, %jit3A_1407, %jit3A_1404 : i32
      %rem3A_1409 = arith.remsi %add3A_1317, %select_n3A_1408 : i32
      %ne3A_1410 = arith.constant 0 : i32
      %ne3A_1411 = arith.cmpi ne, %rem3A_1409, %ne3A_1410 : i32
      %lt3A_1412 = arith.constant 0 : i32
      %lt3A_1413 = arith.cmpi slt, %rem3A_1409, %lt3A_1412 : i32
      %lt3A_1414 = arith.constant 0 : i32
      %lt3A_1415 = arith.cmpi slt, %select_n3A_1408, %lt3A_1414 : i32
      %ne3A_1416 = arith.xori %lt3A_1413, %lt3A_1415 : i1
      %and3A_1417 = arith.andi %ne3A_1416, %ne3A_1411 : i1
      %add3A_1418 = arith.addi %rem3A_1409, %select_n3A_1408 : i32
      %select_n3A_1419 = arith.select %and3A_1417, %add3A_1418, %rem3A_1409 : i32
      %eq3A_1420 = vector.broadcast %select_n3A_1419 : i32 to vector<16xi32>
      %eq3A_1421 = arith.cmpi eq, %iota3A, %eq3A_1420 : vector<16xi32>
      %jit3A_1422 = arith.constant 1 : i32
      %jit3A_1423 = arith.constant 0 : i32
      %broadcast_in_dim3A_1424 = vector.broadcast %jit3A_1422 : i32 to vector<16xi32>
      %broadcast_in_dim3A_1425 = vector.broadcast %jit3A_1423 : i32 to vector<16xi32>
      %select_n3A_1426 = arith.select %eq3A_1421, %broadcast_in_dim3A_1424, %broadcast_in_dim3A_1425 : vector<16xi1>, vector<16xi32>
      %and3A_1427 = arith.constant 127 : i32
      %and3A_1428 = vector.broadcast %and3A_1427 : i32 to vector<16xi32>
      %and3A_1429 = arith.andi %get3A_1375, %and3A_1428 : vector<16xi32>
      %mul3A_1430 = arith.muli %and3A_1429, %select_n3A_1426 : vector<16xi32>
      %reduce_sum3A_1431 = arith.constant true
      %reduce_sum3A_1432 = vector.broadcast %reduce_sum3A_1431 : i1 to vector<16xi1>
      %reduce_sum3A_1433 = tpu.scan <sum>, %mul3A_1430 masked %reduce_sum3A_1432 : vector<16xi32>, vector<16xi1> -> vector<16xi32>
      %reduce_sum3A_1434 = vector.extract %reduce_sum3A_1433[15] : i32 from vector<16xi32>
      %broadcast_in_dim3A_1435 = vector.broadcast %reduce_sum3A_1434 : i32 to vector<16xi32>
      %and3A_1436 = arith.constant 127 : i32
      %and3A_1437 = vector.broadcast %and3A_1436 : i32 to vector<16xi32>
      %and3A_1438 = arith.andi %get3A_1403, %and3A_1437 : vector<16xi32>
      %mul3A_1439 = arith.muli %and3A_1438, %select_n3A_1426 : vector<16xi32>
      %reduce_sum3A_1440 = arith.constant true
      %reduce_sum3A_1441 = vector.broadcast %reduce_sum3A_1440 : i1 to vector<16xi1>
      %reduce_sum3A_1442 = tpu.scan <sum>, %mul3A_1439 masked %reduce_sum3A_1441 : vector<16xi32>, vector<16xi1> -> vector<16xi32>
      %reduce_sum3A_1443 = vector.extract %reduce_sum3A_1442[15] : i32 from vector<16xi32>
      %broadcast_in_dim3A_1444 = vector.broadcast %reduce_sum3A_1443 : i32 to vector<16xi32>
      %broadcast_in_dim3A_1445 = arith.constant 1 : i32
      %broadcast_in_dim3A_1446 = vector.broadcast %broadcast_in_dim3A_1445 : i32 to vector<16xi32>
      %broadcast_in_dim3A_1447 = arith.constant 0.000000e+00 : f32
      %broadcast_in_dim3A_1448 = vector.broadcast %broadcast_in_dim3A_1447 : f32 to vector<16xf32>
      %add3A_1449 = arith.constant 0 : i32
      %add3A_1450 = vector.broadcast %add3A_1449 : i32 to vector<16xi32>
      %add3A_1451 = arith.addi %iota3A, %add3A_1450 : vector<16xi32>
      %gather3A_1452 = tpu.vector_load_idx %arg12[%broadcast_in_dim3A_1446, %add3A_1451, %broadcast_in_dim3A_1435] : memref<7x64x128xf32, #tpu.memory_space<vmem>>[vector<16xi32>, vector<16xi32>, vector<16xi32>], vector<16xf32>,
      %gather3A_1453 = tpu.vector_load_idx %arg13[%broadcast_in_dim3A_1446, %add3A_1451, %broadcast_in_dim3A_1444] : memref<7x64x128xf32, #tpu.memory_space<vmem>>[vector<16xi32>, vector<16xi32>, vector<16xi32>], vector<16xf32>,
      %mul3A_1454 = arith.mulf %gather3A_1452, %gather3A_1453 : vector<16xf32>
      %add3A_1455 = arith.addf %broadcast_in_dim3A_1448, %mul3A_1454 : vector<16xf32>
      %add3A_1456 = arith.constant 16 : i32
      %add3A_1457 = vector.broadcast %add3A_1456 : i32 to vector<16xi32>
      %add3A_1458 = arith.addi %iota3A, %add3A_1457 : vector<16xi32>
      %gather3A_1459 = tpu.vector_load_idx %arg12[%broadcast_in_dim3A_1446, %add3A_1458, %broadcast_in_dim3A_1435] : memref<7x64x128xf32, #tpu.memory_space<vmem>>[vector<16xi32>, vector<16xi32>, vector<16xi32>], vector<16xf32>,
      %gather3A_1460 = tpu.vector_load_idx %arg13[%broadcast_in_dim3A_1446, %add3A_1458, %broadcast_in_dim3A_1444] : memref<7x64x128xf32, #tpu.memory_space<vmem>>[vector<16xi32>, vector<16xi32>, vector<16xi32>], vector<16xf32>,
      %mul3A_1461 = arith.mulf %gather3A_1459, %gather3A_1460 : vector<16xf32>
      %add3A_1462 = arith.addf %add3A_1455, %mul3A_1461 : vector<16xf32>
      %add3A_1463 = arith.constant 32 : i32
      %add3A_1464 = vector.broadcast %add3A_1463 : i32 to vector<16xi32>
      %add3A_1465 = arith.addi %iota3A, %add3A_1464 : vector<16xi32>
      %gather3A_1466 = tpu.vector_load_idx %arg12[%broadcast_in_dim3A_1446, %add3A_1465, %broadcast_in_dim3A_1435] : memref<7x64x128xf32, #tpu.memory_space<vmem>>[vector<16xi32>, vector<16xi32>, vector<16xi32>], vector<16xf32>,
      %gather3A_1467 = tpu.vector_load_idx %arg13[%broadcast_in_dim3A_1446, %add3A_1465, %broadcast_in_dim3A_1444] : memref<7x64x128xf32, #tpu.memory_space<vmem>>[vector<16xi32>, vector<16xi32>, vector<16xi32>], vector<16xf32>,
      %mul3A_1468 = arith.mulf %gather3A_1466, %gather3A_1467 : vector<16xf32>
      %add3A_1469 = arith.addf %add3A_1462, %mul3A_1468 : vector<16xf32>
      %add3A_1470 = arith.constant 48 : i32
      %add3A_1471 = vector.broadcast %add3A_1470 : i32 to vector<16xi32>
      %add3A_1472 = arith.addi %iota3A, %add3A_1471 : vector<16xi32>
      %gather3A_1473 = tpu.vector_load_idx %arg12[%broadcast_in_dim3A_1446, %add3A_1472, %broadcast_in_dim3A_1435] : memref<7x64x128xf32, #tpu.memory_space<vmem>>[vector<16xi32>, vector<16xi32>, vector<16xi32>], vector<16xf32>,
      %gather3A_1474 = tpu.vector_load_idx %arg13[%broadcast_in_dim3A_1446, %add3A_1472, %broadcast_in_dim3A_1444] : memref<7x64x128xf32, #tpu.memory_space<vmem>>[vector<16xi32>, vector<16xi32>, vector<16xi32>], vector<16xf32>,
      %mul3A_1475 = arith.mulf %gather3A_1473, %gather3A_1474 : vector<16xf32>
      %add3A_1476 = arith.addf %add3A_1469, %mul3A_1475 : vector<16xf32>
      %eq3A_1477 = vector.broadcast %select_n3A_1419 : i32 to vector<16xi32>
      %eq3A_1478 = arith.cmpi eq, %iota3A, %eq3A_1477 : vector<16xi32>
      %reduce_sum3A_1479 = arith.constant true
      %reduce_sum3A_1480 = vector.broadcast %reduce_sum3A_1479 : i1 to vector<16xi1>
      %reduce_sum3A_1481 = tpu.scan <sum>, %add3A_1476 masked %reduce_sum3A_1480 : vector<16xf32>, vector<16xi1> -> vector<16xf32>
      %reduce_sum3A_1482 = vector.extract %reduce_sum3A_1481[15] : f32 from vector<16xf32>
      %broadcast_in_dim3A_1483 = vector.broadcast %reduce_sum3A_1482 : f32 to vector<16xf32>
      %select_n3A_1484 = arith.select %eq3A_1478, %broadcast_in_dim3A_1483, %select_n3A_1313 : vector<16xi1>, vector<16xf32>
      %add3A_1485 = arith.constant 7 : i32
      %add3A_1486 = arith.addi %add3A_1317, %add3A_1485 : i32
      %lt3A_1487 = arith.constant 512 : i32
      %lt3A_1488 = arith.cmpi slt, %add3A_1486, %lt3A_1487 : i32
      %convert_element_type3A_1489 = arith.extui %lt3A_1488 : i1 to i32
      %cond3A_1490 = arith.constant 0 : i32
      %cond3A_1491 = arith.cmpi ne, %convert_element_type3A_1489, %cond3A_1490 : i32
      scf.if %cond3A_1491 {
        %add3A_2436 = arith.constant 7 : i32
        %add3A_2437 = arith.addi %add3A_1317, %add3A_2436 : i32
        %jit3A_2438 = arith.constant 16 : i32
        %div3A_2439 = arith.divsi %add3A_2437, %jit3A_2438 : i32
        %sign3A_2440 = arith.constant 0 : i32
        %sign3A_2441 = arith.cmpi sgt, %add3A_2437, %sign3A_2440 : i32
        %sign3A_2442 = arith.extui %sign3A_2441 : i1 to i32
        %sign3A_2443 = arith.constant 0 : i32
        %sign3A_2444 = arith.cmpi slt, %add3A_2437, %sign3A_2443 : i32
        %sign3A_2445 = arith.extui %sign3A_2444 : i1 to i32
        %sign3A_2446 = arith.subi %sign3A_2442, %sign3A_2445 : i32
        %sign3A_2447 = arith.constant 0 : i32
        %sign3A_2448 = arith.cmpi sgt, %jit3A_2438, %sign3A_2447 : i32
        %sign3A_2449 = arith.extui %sign3A_2448 : i1 to i32
        %sign3A_2450 = arith.constant 0 : i32
        %sign3A_2451 = arith.cmpi slt, %jit3A_2438, %sign3A_2450 : i32
        %sign3A_2452 = arith.extui %sign3A_2451 : i1 to i32
        %sign3A_2453 = arith.subi %sign3A_2449, %sign3A_2452 : i32
        %ne3A_2454 = arith.cmpi ne, %sign3A_2446, %sign3A_2453 : i32
        %rem3A_2455 = arith.remsi %add3A_2437, %jit3A_2438 : i32
        %ne3A_2456 = arith.constant 0 : i32
        %ne3A_2457 = arith.cmpi ne, %rem3A_2455, %ne3A_2456 : i32
        %and3A_2458 = arith.andi %ne3A_2454, %ne3A_2457 : i1
        %sub3A_2459 = arith.constant 1 : i32
        %sub3A_2460 = arith.subi %div3A_2439, %sub3A_2459 : i32
        %select_n3A_2461 = arith.select %and3A_2458, %sub3A_2460, %div3A_2439 : i32
        %mul3A_2462 = arith.constant 16 : i32
        %mul3A_2463 = arith.muli %select_n3A_2461, %mul3A_2462 : i32
        %get3A_2464 = arith.index_cast %mul3A_2463 : i32 to index
        %get3A_2465 = tpu.vector_load %arg10[%get3A_2464] {strides = array<i32>} : memref<512xi32, #tpu.memory_space<vmem>>, vector<16xi32>,
        %jit3A_2466 = arith.constant 16 : i32
        %div3A_2467 = arith.divsi %add3A_2437, %jit3A_2466 : i32
        %sign3A_2468 = arith.constant 0 : i32
        %sign3A_2469 = arith.cmpi sgt, %add3A_2437, %sign3A_2468 : i32
        %sign3A_2470 = arith.extui %sign3A_2469 : i1 to i32
        %sign3A_2471 = arith.constant 0 : i32
        %sign3A_2472 = arith.cmpi slt, %add3A_2437, %sign3A_2471 : i32
        %sign3A_2473 = arith.extui %sign3A_2472 : i1 to i32
        %sign3A_2474 = arith.subi %sign3A_2470, %sign3A_2473 : i32
        %sign3A_2475 = arith.constant 0 : i32
        %sign3A_2476 = arith.cmpi sgt, %jit3A_2466, %sign3A_2475 : i32
        %sign3A_2477 = arith.extui %sign3A_2476 : i1 to i32
        %sign3A_2478 = arith.constant 0 : i32
        %sign3A_2479 = arith.cmpi slt, %jit3A_2466, %sign3A_2478 : i32
        %sign3A_2480 = arith.extui %sign3A_2479 : i1 to i32
        %sign3A_2481 = arith.subi %sign3A_2477, %sign3A_2480 : i32
        %ne3A_2482 = arith.cmpi ne, %sign3A_2474, %sign3A_2481 : i32
        %rem3A_2483 = arith.remsi %add3A_2437, %jit3A_2466 : i32
        %ne3A_2484 = arith.constant 0 : i32
        %ne3A_2485 = arith.cmpi ne, %rem3A_2483, %ne3A_2484 : i32
        %and3A_2486 = arith.andi %ne3A_2482, %ne3A_2485 : i1
        %sub3A_2487 = arith.constant 1 : i32
        %sub3A_2488 = arith.subi %div3A_2467, %sub3A_2487 : i32
        %select_n3A_2489 = arith.select %and3A_2486, %sub3A_2488, %div3A_2467 : i32
        %mul3A_2490 = arith.constant 16 : i32
        %mul3A_2491 = arith.muli %select_n3A_2489, %mul3A_2490 : i32
        %get3A_2492 = arith.index_cast %mul3A_2491 : i32 to index
        %get3A_2493 = tpu.vector_load %arg11[%get3A_2492] {strides = array<i32>} : memref<512xi32, #tpu.memory_space<vmem>>, vector<16xi32>,
        %jit3A_2494 = arith.constant 16 : i32
        %eq3A_2495 = arith.constant 0 : i32
        %eq3A_2496 = arith.cmpi eq, %jit3A_2494, %eq3A_2495 : i32
        %jit3A_2497 = arith.constant 1 : i32
        %select_n3A_2498 = arith.select %eq3A_2496, %jit3A_2497, %jit3A_2494 : i32
        %rem3A_2499 = arith.remsi %add3A_2437, %select_n3A_2498 : i32
        %ne3A_2500 = arith.constant 0 : i32
        %ne3A_2501 = arith.cmpi ne, %rem3A_2499, %ne3A_2500 : i32
        %lt3A_2502 = arith.constant 0 : i32
        %lt3A_2503 = arith.cmpi slt, %rem3A_2499, %lt3A_2502 : i32
        %lt3A_2504 = arith.constant 0 : i32
        %lt3A_2505 = arith.cmpi slt, %select_n3A_2498, %lt3A_2504 : i32
        %ne3A_2506 = arith.xori %lt3A_2503, %lt3A_2505 : i1
        %and3A_2507 = arith.andi %ne3A_2506, %ne3A_2501 : i1
        %add3A_2508 = arith.addi %rem3A_2499, %select_n3A_2498 : i32
        %select_n3A_2509 = arith.select %and3A_2507, %add3A_2508, %rem3A_2499 : i32
        %eq3A_2510 = vector.broadcast %select_n3A_2509 : i32 to vector<16xi32>
        %eq3A_2511 = arith.cmpi eq, %iota3A, %eq3A_2510 : vector<16xi32>
        %jit3A_2512 = arith.constant 1 : i32
        %jit3A_2513 = arith.constant 0 : i32
        %broadcast_in_dim3A_2514 = vector.broadcast %jit3A_2512 : i32 to vector<16xi32>
        %broadcast_in_dim3A_2515 = vector.broadcast %jit3A_2513 : i32 to vector<16xi32>
        %select_n3A_2516 = arith.select %eq3A_2511, %broadcast_in_dim3A_2514, %broadcast_in_dim3A_2515 : vector<16xi1>, vector<16xi32>
        %mul3A_2517 = arith.muli %get3A_2465, %select_n3A_2516 : vector<16xi32>
        %reduce_sum3A_2518 = arith.constant true
        %reduce_sum3A_2519 = vector.broadcast %reduce_sum3A_2518 : i1 to vector<16xi1>
        %reduce_sum3A_2520 = tpu.scan <sum>, %mul3A_2517 masked %reduce_sum3A_2519 : vector<16xi32>, vector<16xi1> -> vector<16xi32>
        %reduce_sum3A_2521 = vector.extract %reduce_sum3A_2520[15] : i32 from vector<16xi32>
        %and3A_2522 = arith.andi %reduce_sum3A_2521, %not3A_5 : i32
        %multiple_of3A_2523 = tpu.assume_multiple %and3A_2522, 128 : i32
        %mul3A_2524 = arith.muli %get3A_2493, %select_n3A_2516 : vector<16xi32>
        %reduce_sum3A_2525 = arith.constant true
        %reduce_sum3A_2526 = vector.broadcast %reduce_sum3A_2525 : i1 to vector<16xi1>
        %reduce_sum3A_2527 = tpu.scan <sum>, %mul3A_2524 masked %reduce_sum3A_2526 : vector<16xi32>, vector<16xi1> -> vector<16xi32>
        %reduce_sum3A_2528 = vector.extract %reduce_sum3A_2527[15] : i32 from vector<16xi32>
        %and3A_2529 = arith.andi %reduce_sum3A_2528, %not3A_5 : i32
        %multiple_of3A_2530 = tpu.assume_multiple %and3A_2529, 128 : i32
        %dma_start3A_2531 = arith.constant 1 : i32
        %dma_start3A_2532 = arith.constant 0 : i32
        %dma_start3A_2533 = arith.constant 0 : i32
        %dma_start3A_2534 = tpu.memref_slice %arg12[%dma_start3A_2531, %dma_start3A_2532, %dma_start3A_2533] : memref<7x64x128xf32, #tpu.memory_space<vmem>> -> memref<1x64x128xf32, #tpu.memory_space<vmem>>
        %dma_start3A_2535 = tpu.memref_squeeze %dma_start3A_2534 : memref<1x64x128xf32, #tpu.memory_space<vmem>> -> memref<64x128xf32, #tpu.memory_space<vmem>>
        %dma_start3A_2536 = arith.constant 0 : i32
        %dma_start3A_2537 = tpu.memref_slice %arg4[%dma_start3A_2536, %multiple_of3A_2523] : memref<64x1000000xf32, #tpu.memory_space<hbm>> -> memref<64x128xf32, #tpu.memory_space<hbm>>
        %dma_start3A_2538 = arith.constant 0 : i32
        %dma_start3A_2539 = arith.constant 0 : i32
        %dma_start3A_2540 = tpu.memref_slice %arg12[%dma_start3A_2531, %dma_start3A_2538, %dma_start3A_2539] : memref<7x64x128xf32, #tpu.memory_space<vmem>> -> memref<1x64x128xf32, #tpu.memory_space<vmem>>
        %dma_start3A_2541 = tpu.memref_squeeze %dma_start3A_2540 : memref<1x64x128xf32, #tpu.memory_space<vmem>> -> memref<64x128xf32, #tpu.memory_space<vmem>>
        %dma_start3A_2542 = arith.constant 0 : i32
        %dma_start3A_2543 = tpu.memref_slice %arg4[%dma_start3A_2542, %multiple_of3A_2523] : memref<64x1000000xf32, #tpu.memory_space<hbm>> -> memref<64x128xf32, #tpu.memory_space<hbm>>
        tpu.enqueue_dma source(%dma_start3A_2543 : memref<64x128xf32, #tpu.memory_space<hbm>>) target(%dma_start3A_2541 : memref<64x128xf32, #tpu.memory_space<vmem>>) target_semaphore(%arg20 : memref<!tpu.dma_semaphore, #tpu.memory_space<semaphore_mem>>)
        %dma_start3A_2544 = arith.constant 1 : i32
        %dma_start3A_2545 = arith.constant 0 : i32
        %dma_start3A_2546 = arith.constant 0 : i32
        %dma_start3A_2547 = tpu.memref_slice %arg13[%dma_start3A_2544, %dma_start3A_2545, %dma_start3A_2546] : memref<7x64x128xf32, #tpu.memory_space<vmem>> -> memref<1x64x128xf32, #tpu.memory_space<vmem>>
        %dma_start3A_2548 = tpu.memref_squeeze %dma_start3A_2547 : memref<1x64x128xf32, #tpu.memory_space<vmem>> -> memref<64x128xf32, #tpu.memory_space<vmem>>
        %dma_start3A_2549 = arith.constant 0 : i32
        %dma_start3A_2550 = tpu.memref_slice %arg5[%dma_start3A_2549, %multiple_of3A_2530] : memref<64x1000000xf32, #tpu.memory_space<hbm>> -> memref<64x128xf32, #tpu.memory_space<hbm>>
        %dma_start3A_2551 = arith.constant 0 : i32
        %dma_start3A_2552 = arith.constant 0 : i32
        %dma_start3A_2553 = tpu.memref_slice %arg13[%dma_start3A_2544, %dma_start3A_2551, %dma_start3A_2552] : memref<7x64x128xf32, #tpu.memory_space<vmem>> -> memref<1x64x128xf32, #tpu.memory_space<vmem>>
        %dma_start3A_2554 = tpu.memref_squeeze %dma_start3A_2553 : memref<1x64x128xf32, #tpu.memory_space<vmem>> -> memref<64x128xf32, #tpu.memory_space<vmem>>
        %dma_start3A_2555 = arith.constant 0 : i32
        %dma_start3A_2556 = tpu.memref_slice %arg5[%dma_start3A_2555, %multiple_of3A_2530] : memref<64x1000000xf32, #tpu.memory_space<hbm>> -> memref<64x128xf32, #tpu.memory_space<hbm>>
        tpu.enqueue_dma source(%dma_start3A_2556 : memref<64x128xf32, #tpu.memory_space<hbm>>) target(%dma_start3A_2554 : memref<64x128xf32, #tpu.memory_space<vmem>>) target_semaphore(%arg20 : memref<!tpu.dma_semaphore, #tpu.memory_space<semaphore_mem>>)
      } else {
      }
      %eq3A_1492 = arith.constant 15 : i32
      %eq3A_1493 = arith.cmpi eq, %select_n3A_1419, %eq3A_1492 : i32
      %convert_element_type3A_1494 = arith.extui %eq3A_1493 : i1 to i32
      %cond3A_1495 = arith.constant 0 : i32
      %cond3A_1496 = arith.cmpi ne, %convert_element_type3A_1494, %cond3A_1495 : i32
      scf.if %cond3A_1496 {
        %jit3A_2436 = arith.constant 16 : i32
        %div3A_2437 = arith.divsi %add3A_1317, %jit3A_2436 : i32
        %sign3A_2438 = arith.constant 0 : i32
        %sign3A_2439 = arith.cmpi sgt, %add3A_1317, %sign3A_2438 : i32
        %sign3A_2440 = arith.extui %sign3A_2439 : i1 to i32
        %sign3A_2441 = arith.constant 0 : i32
        %sign3A_2442 = arith.cmpi slt, %add3A_1317, %sign3A_2441 : i32
        %sign3A_2443 = arith.extui %sign3A_2442 : i1 to i32
        %sign3A_2444 = arith.subi %sign3A_2440, %sign3A_2443 : i32
        %sign3A_2445 = arith.constant 0 : i32
        %sign3A_2446 = arith.cmpi sgt, %jit3A_2436, %sign3A_2445 : i32
        %sign3A_2447 = arith.extui %sign3A_2446 : i1 to i32
        %sign3A_2448 = arith.constant 0 : i32
        %sign3A_2449 = arith.cmpi slt, %jit3A_2436, %sign3A_2448 : i32
        %sign3A_2450 = arith.extui %sign3A_2449 : i1 to i32
        %sign3A_2451 = arith.subi %sign3A_2447, %sign3A_2450 : i32
        %ne3A_2452 = arith.cmpi ne, %sign3A_2444, %sign3A_2451 : i32
        %rem3A_2453 = arith.remsi %add3A_1317, %jit3A_2436 : i32
        %ne3A_2454 = arith.constant 0 : i32
        %ne3A_2455 = arith.cmpi ne, %rem3A_2453, %ne3A_2454 : i32
        %and3A_2456 = arith.andi %ne3A_2452, %ne3A_2455 : i1
        %sub3A_2457 = arith.constant 1 : i32
        %sub3A_2458 = arith.subi %div3A_2437, %sub3A_2457 : i32
        %select_n3A_2459 = arith.select %and3A_2456, %sub3A_2458, %div3A_2437 : i32
        %mul3A_2460 = arith.constant 16 : i32
        %mul3A_2461 = arith.muli %select_n3A_2459, %mul3A_2460 : i32
        %get3A_2462 = arith.index_cast %mul3A_2461 : i32 to index
        %get3A_2463 = tpu.vector_load %arg14[%get3A_2462] {strides = array<i32>} : memref<512xf32, #tpu.memory_space<vmem>>, vector<16xf32>,
        %add3A_2464 = arith.addf %select_n3A_1484, %get3A_2463 : vector<16xf32>
        %mul3A_2465 = arith.constant 16 : i32
        %mul3A_2466 = arith.muli %select_n3A_2459, %mul3A_2465 : i32
        %get3A_2467 = arith.index_cast %mul3A_2466 : i32 to index
        %get3A_2468 = tpu.vector_load %arg15[%get3A_2467] {strides = array<i32>} : memref<512xf32, #tpu.memory_space<vmem>>, vector<16xf32>,
        %add3A_2469 = arith.addf %add3A_2464, %get3A_2468 : vector<16xf32>
        %add3A_2470 = arith.addf %add3A_2469, %get3A_3 : vector<16xf32>
        %mul3A_2471 = arith.constant 16 : i32
        %mul3A_2472 = arith.muli %select_n3A_2459, %mul3A_2471 : i32
        %swap3A = arith.index_cast %mul3A_2472 : i32 to index
        %swap3A_2473 = tpu.vector_load %arg16[%swap3A] {strides = array<i32>} : memref<512xf32, #tpu.memory_space<vmem>>, vector<16xf32>,
        tpu.vector_store %arg16[%swap3A], %add3A_2470 {strides = array<i32>} : memref<512xf32, #tpu.memory_space<vmem>>, vector<16xf32>,
      } else {
      }
      %broadcast_in_dim3A_1497 = vector.broadcast %eq3A_1493 : i1 to vector<16xi1>
      %broadcast_in_dim3A_1498 = arith.constant 0.000000e+00 : f32
      %broadcast_in_dim3A_1499 = vector.broadcast %broadcast_in_dim3A_1498 : f32 to vector<16xf32>
      %select_n3A_1500 = arith.select %broadcast_in_dim3A_1497, %broadcast_in_dim3A_1499, %select_n3A_1484 : vector<16xi1>, vector<16xf32>
      %mul3A_1501 = arith.constant 7 : i32
      %mul3A_1502 = arith.muli %scan3A_1125, %mul3A_1501 : i32
      %add3A_1503 = arith.constant 2 : i32
      %add3A_1504 = arith.addi %mul3A_1502, %add3A_1503 : i32
      %dma_wait3A_1505 = arith.constant 2 : i32
      %dma_wait3A_1506 = arith.constant 0 : i32
      %dma_wait3A_1507 = arith.constant 0 : i32
      %dma_wait3A_1508 = tpu.memref_slice %arg12[%dma_wait3A_1505, %dma_wait3A_1506, %dma_wait3A_1507] : memref<7x64x128xf32, #tpu.memory_space<vmem>> -> memref<1x64x128xf32, #tpu.memory_space<vmem>>
      %dma_wait3A_1509 = tpu.memref_squeeze %dma_wait3A_1508 : memref<1x64x128xf32, #tpu.memory_space<vmem>> -> memref<64x128xf32, #tpu.memory_space<vmem>>
      %dma_wait3A_1510 = arith.constant 0 : i32
      %dma_wait3A_1511 = arith.constant 0 : i32
      %dma_wait3A_1512 = tpu.memref_slice %arg4[%dma_wait3A_1510, %dma_wait3A_1511] : memref<64x1000000xf32, #tpu.memory_space<hbm>> -> memref<64x128xf32, #tpu.memory_space<hbm>>
      %dma_wait3A_1513 = arith.constant 0 : i32
      %dma_wait3A_1514 = arith.constant 0 : i32
      %dma_wait3A_1515 = tpu.memref_slice %arg12[%dma_wait3A_1505, %dma_wait3A_1513, %dma_wait3A_1514] : memref<7x64x128xf32, #tpu.memory_space<vmem>> -> memref<1x64x128xf32, #tpu.memory_space<vmem>>
      %dma_wait3A_1516 = tpu.memref_squeeze %dma_wait3A_1515 : memref<1x64x128xf32, #tpu.memory_space<vmem>> -> memref<64x128xf32, #tpu.memory_space<vmem>>
      %dma_wait3A_1517 = arith.constant 0 : i32
      %dma_wait3A_1518 = arith.constant 0 : i32
      %dma_wait3A_1519 = tpu.memref_slice %arg4[%dma_wait3A_1517, %dma_wait3A_1518] : memref<64x1000000xf32, #tpu.memory_space<hbm>> -> memref<64x128xf32, #tpu.memory_space<hbm>>
      tpu.wait_dma2 semaphore(%arg21 : memref<!tpu.dma_semaphore, #tpu.memory_space<semaphore_mem>>) src(%dma_wait3A_1519 : memref<64x128xf32, #tpu.memory_space<hbm>>) dst(%dma_wait3A_1516 : memref<64x128xf32, #tpu.memory_space<vmem>>)
      %dma_wait3A_1520 = arith.constant 2 : i32
      %dma_wait3A_1521 = arith.constant 0 : i32
      %dma_wait3A_1522 = arith.constant 0 : i32
      %dma_wait3A_1523 = tpu.memref_slice %arg13[%dma_wait3A_1520, %dma_wait3A_1521, %dma_wait3A_1522] : memref<7x64x128xf32, #tpu.memory_space<vmem>> -> memref<1x64x128xf32, #tpu.memory_space<vmem>>
      %dma_wait3A_1524 = tpu.memref_squeeze %dma_wait3A_1523 : memref<1x64x128xf32, #tpu.memory_space<vmem>> -> memref<64x128xf32, #tpu.memory_space<vmem>>
      %dma_wait3A_1525 = arith.constant 0 : i32
      %dma_wait3A_1526 = arith.constant 0 : i32
      %dma_wait3A_1527 = tpu.memref_slice %arg5[%dma_wait3A_1525, %dma_wait3A_1526] : memref<64x1000000xf32, #tpu.memory_space<hbm>> -> memref<64x128xf32, #tpu.memory_space<hbm>>
      %dma_wait3A_1528 = arith.constant 0 : i32
      %dma_wait3A_1529 = arith.constant 0 : i32
      %dma_wait3A_1530 = tpu.memref_slice %arg13[%dma_wait3A_1520, %dma_wait3A_1528, %dma_wait3A_1529] : memref<7x64x128xf32, #tpu.memory_space<vmem>> -> memref<1x64x128xf32, #tpu.memory_space<vmem>>
      %dma_wait3A_1531 = tpu.memref_squeeze %dma_wait3A_1530 : memref<1x64x128xf32, #tpu.memory_space<vmem>> -> memref<64x128xf32, #tpu.memory_space<vmem>>
      %dma_wait3A_1532 = arith.constant 0 : i32
      %dma_wait3A_1533 = arith.constant 0 : i32
      %dma_wait3A_1534 = tpu.memref_slice %arg5[%dma_wait3A_1532, %dma_wait3A_1533] : memref<64x1000000xf32, #tpu.memory_space<hbm>> -> memref<64x128xf32, #tpu.memory_space<hbm>>
      tpu.wait_dma2 semaphore(%arg21 : memref<!tpu.dma_semaphore, #tpu.memory_space<semaphore_mem>>) src(%dma_wait3A_1534 : memref<64x128xf32, #tpu.memory_space<hbm>>) dst(%dma_wait3A_1531 : memref<64x128xf32, #tpu.memory_space<vmem>>)
      %jit3A_1535 = arith.constant 16 : i32
      %div3A_1536 = arith.divsi %add3A_1504, %jit3A_1535 : i32
      %sign3A_1537 = arith.constant 0 : i32
      %sign3A_1538 = arith.cmpi sgt, %add3A_1504, %sign3A_1537 : i32
      %sign3A_1539 = arith.extui %sign3A_1538 : i1 to i32
      %sign3A_1540 = arith.constant 0 : i32
      %sign3A_1541 = arith.cmpi slt, %add3A_1504, %sign3A_1540 : i32
      %sign3A_1542 = arith.extui %sign3A_1541 : i1 to i32
      %sign3A_1543 = arith.subi %sign3A_1539, %sign3A_1542 : i32
      %sign3A_1544 = arith.constant 0 : i32
      %sign3A_1545 = arith.cmpi sgt, %jit3A_1535, %sign3A_1544 : i32
      %sign3A_1546 = arith.extui %sign3A_1545 : i1 to i32
      %sign3A_1547 = arith.constant 0 : i32
      %sign3A_1548 = arith.cmpi slt, %jit3A_1535, %sign3A_1547 : i32
      %sign3A_1549 = arith.extui %sign3A_1548 : i1 to i32
      %sign3A_1550 = arith.subi %sign3A_1546, %sign3A_1549 : i32
      %ne3A_1551 = arith.cmpi ne, %sign3A_1543, %sign3A_1550 : i32
      %rem3A_1552 = arith.remsi %add3A_1504, %jit3A_1535 : i32
      %ne3A_1553 = arith.constant 0 : i32
      %ne3A_1554 = arith.cmpi ne, %rem3A_1552, %ne3A_1553 : i32
      %and3A_1555 = arith.andi %ne3A_1551, %ne3A_1554 : i1
      %sub3A_1556 = arith.constant 1 : i32
      %sub3A_1557 = arith.subi %div3A_1536, %sub3A_1556 : i32
      %select_n3A_1558 = arith.select %and3A_1555, %sub3A_1557, %div3A_1536 : i32
      %mul3A_1559 = arith.constant 16 : i32
      %mul3A_1560 = arith.muli %select_n3A_1558, %mul3A_1559 : i32
      %get3A_1561 = arith.index_cast %mul3A_1560 : i32 to index
      %get3A_1562 = tpu.vector_load %arg10[%get3A_1561] {strides = array<i32>} : memref<512xi32, #tpu.memory_space<vmem>>, vector<16xi32>,
      %jit3A_1563 = arith.constant 16 : i32
      %div3A_1564 = arith.divsi %add3A_1504, %jit3A_1563 : i32
      %sign3A_1565 = arith.constant 0 : i32
      %sign3A_1566 = arith.cmpi sgt, %add3A_1504, %sign3A_1565 : i32
      %sign3A_1567 = arith.extui %sign3A_1566 : i1 to i32
      %sign3A_1568 = arith.constant 0 : i32
      %sign3A_1569 = arith.cmpi slt, %add3A_1504, %sign3A_1568 : i32
      %sign3A_1570 = arith.extui %sign3A_1569 : i1 to i32
      %sign3A_1571 = arith.subi %sign3A_1567, %sign3A_1570 : i32
      %sign3A_1572 = arith.constant 0 : i32
      %sign3A_1573 = arith.cmpi sgt, %jit3A_1563, %sign3A_1572 : i32
      %sign3A_1574 = arith.extui %sign3A_1573 : i1 to i32
      %sign3A_1575 = arith.constant 0 : i32
      %sign3A_1576 = arith.cmpi slt, %jit3A_1563, %sign3A_1575 : i32
      %sign3A_1577 = arith.extui %sign3A_1576 : i1 to i32
      %sign3A_1578 = arith.subi %sign3A_1574, %sign3A_1577 : i32
      %ne3A_1579 = arith.cmpi ne, %sign3A_1571, %sign3A_1578 : i32
      %rem3A_1580 = arith.remsi %add3A_1504, %jit3A_1563 : i32
      %ne3A_1581 = arith.constant 0 : i32
      %ne3A_1582 = arith.cmpi ne, %rem3A_1580, %ne3A_1581 : i32
      %and3A_1583 = arith.andi %ne3A_1579, %ne3A_1582 : i1
      %sub3A_1584 = arith.constant 1 : i32
      %sub3A_1585 = arith.subi %div3A_1564, %sub3A_1584 : i32
      %select_n3A_1586 = arith.select %and3A_1583, %sub3A_1585, %div3A_1564 : i32
      %mul3A_1587 = arith.constant 16 : i32
      %mul3A_1588 = arith.muli %select_n3A_1586, %mul3A_1587 : i32
      %get3A_1589 = arith.index_cast %mul3A_1588 : i32 to index
      %get3A_1590 = tpu.vector_load %arg11[%get3A_1589] {strides = array<i32>} : memref<512xi32, #tpu.memory_space<vmem>>, vector<16xi32>,
      %jit3A_1591 = arith.constant 16 : i32
      %eq3A_1592 = arith.constant 0 : i32
      %eq3A_1593 = arith.cmpi eq, %jit3A_1591, %eq3A_1592 : i32
      %jit3A_1594 = arith.constant 1 : i32
      %select_n3A_1595 = arith.select %eq3A_1593, %jit3A_1594, %jit3A_1591 : i32
      %rem3A_1596 = arith.remsi %add3A_1504, %select_n3A_1595 : i32
      %ne3A_1597 = arith.constant 0 : i32
      %ne3A_1598 = arith.cmpi ne, %rem3A_1596, %ne3A_1597 : i32
      %lt3A_1599 = arith.constant 0 : i32
      %lt3A_1600 = arith.cmpi slt, %rem3A_1596, %lt3A_1599 : i32
      %lt3A_1601 = arith.constant 0 : i32
      %lt3A_1602 = arith.cmpi slt, %select_n3A_1595, %lt3A_1601 : i32
      %ne3A_1603 = arith.xori %lt3A_1600, %lt3A_1602 : i1
      %and3A_1604 = arith.andi %ne3A_1603, %ne3A_1598 : i1
      %add3A_1605 = arith.addi %rem3A_1596, %select_n3A_1595 : i32
      %select_n3A_1606 = arith.select %and3A_1604, %add3A_1605, %rem3A_1596 : i32
      %eq3A_1607 = vector.broadcast %select_n3A_1606 : i32 to vector<16xi32>
      %eq3A_1608 = arith.cmpi eq, %iota3A, %eq3A_1607 : vector<16xi32>
      %jit3A_1609 = arith.constant 1 : i32
      %jit3A_1610 = arith.constant 0 : i32
      %broadcast_in_dim3A_1611 = vector.broadcast %jit3A_1609 : i32 to vector<16xi32>
      %broadcast_in_dim3A_1612 = vector.broadcast %jit3A_1610 : i32 to vector<16xi32>
      %select_n3A_1613 = arith.select %eq3A_1608, %broadcast_in_dim3A_1611, %broadcast_in_dim3A_1612 : vector<16xi1>, vector<16xi32>
      %and3A_1614 = arith.constant 127 : i32
      %and3A_1615 = vector.broadcast %and3A_1614 : i32 to vector<16xi32>
      %and3A_1616 = arith.andi %get3A_1562, %and3A_1615 : vector<16xi32>
      %mul3A_1617 = arith.muli %and3A_1616, %select_n3A_1613 : vector<16xi32>
      %reduce_sum3A_1618 = arith.constant true
      %reduce_sum3A_1619 = vector.broadcast %reduce_sum3A_1618 : i1 to vector<16xi1>
      %reduce_sum3A_1620 = tpu.scan <sum>, %mul3A_1617 masked %reduce_sum3A_1619 : vector<16xi32>, vector<16xi1> -> vector<16xi32>
      %reduce_sum3A_1621 = vector.extract %reduce_sum3A_1620[15] : i32 from vector<16xi32>
      %broadcast_in_dim3A_1622 = vector.broadcast %reduce_sum3A_1621 : i32 to vector<16xi32>
      %and3A_1623 = arith.constant 127 : i32
      %and3A_1624 = vector.broadcast %and3A_1623 : i32 to vector<16xi32>
      %and3A_1625 = arith.andi %get3A_1590, %and3A_1624 : vector<16xi32>
      %mul3A_1626 = arith.muli %and3A_1625, %select_n3A_1613 : vector<16xi32>
      %reduce_sum3A_1627 = arith.constant true
      %reduce_sum3A_1628 = vector.broadcast %reduce_sum3A_1627 : i1 to vector<16xi1>
      %reduce_sum3A_1629 = tpu.scan <sum>, %mul3A_1626 masked %reduce_sum3A_1628 : vector<16xi32>, vector<16xi1> -> vector<16xi32>
      %reduce_sum3A_1630 = vector.extract %reduce_sum3A_1629[15] : i32 from vector<16xi32>
      %broadcast_in_dim3A_1631 = vector.broadcast %reduce_sum3A_1630 : i32 to vector<16xi32>
      %broadcast_in_dim3A_1632 = arith.constant 2 : i32
      %broadcast_in_dim3A_1633 = vector.broadcast %broadcast_in_dim3A_1632 : i32 to vector<16xi32>
      %broadcast_in_dim3A_1634 = arith.constant 0.000000e+00 : f32
      %broadcast_in_dim3A_1635 = vector.broadcast %broadcast_in_dim3A_1634 : f32 to vector<16xf32>
      %add3A_1636 = arith.constant 0 : i32
      %add3A_1637 = vector.broadcast %add3A_1636 : i32 to vector<16xi32>
      %add3A_1638 = arith.addi %iota3A, %add3A_1637 : vector<16xi32>
      %gather3A_1639 = tpu.vector_load_idx %arg12[%broadcast_in_dim3A_1633, %add3A_1638, %broadcast_in_dim3A_1622] : memref<7x64x128xf32, #tpu.memory_space<vmem>>[vector<16xi32>, vector<16xi32>, vector<16xi32>], vector<16xf32>,
      %gather3A_1640 = tpu.vector_load_idx %arg13[%broadcast_in_dim3A_1633, %add3A_1638, %broadcast_in_dim3A_1631] : memref<7x64x128xf32, #tpu.memory_space<vmem>>[vector<16xi32>, vector<16xi32>, vector<16xi32>], vector<16xf32>,
      %mul3A_1641 = arith.mulf %gather3A_1639, %gather3A_1640 : vector<16xf32>
      %add3A_1642 = arith.addf %broadcast_in_dim3A_1635, %mul3A_1641 : vector<16xf32>
      %add3A_1643 = arith.constant 16 : i32
      %add3A_1644 = vector.broadcast %add3A_1643 : i32 to vector<16xi32>
      %add3A_1645 = arith.addi %iota3A, %add3A_1644 : vector<16xi32>
      %gather3A_1646 = tpu.vector_load_idx %arg12[%broadcast_in_dim3A_1633, %add3A_1645, %broadcast_in_dim3A_1622] : memref<7x64x128xf32, #tpu.memory_space<vmem>>[vector<16xi32>, vector<16xi32>, vector<16xi32>], vector<16xf32>,
      %gather3A_1647 = tpu.vector_load_idx %arg13[%broadcast_in_dim3A_1633, %add3A_1645, %broadcast_in_dim3A_1631] : memref<7x64x128xf32, #tpu.memory_space<vmem>>[vector<16xi32>, vector<16xi32>, vector<16xi32>], vector<16xf32>,
      %mul3A_1648 = arith.mulf %gather3A_1646, %gather3A_1647 : vector<16xf32>
      %add3A_1649 = arith.addf %add3A_1642, %mul3A_1648 : vector<16xf32>
      %add3A_1650 = arith.constant 32 : i32
      %add3A_1651 = vector.broadcast %add3A_1650 : i32 to vector<16xi32>
      %add3A_1652 = arith.addi %iota3A, %add3A_1651 : vector<16xi32>
      %gather3A_1653 = tpu.vector_load_idx %arg12[%broadcast_in_dim3A_1633, %add3A_1652, %broadcast_in_dim3A_1622] : memref<7x64x128xf32, #tpu.memory_space<vmem>>[vector<16xi32>, vector<16xi32>, vector<16xi32>], vector<16xf32>,
      %gather3A_1654 = tpu.vector_load_idx %arg13[%broadcast_in_dim3A_1633, %add3A_1652, %broadcast_in_dim3A_1631] : memref<7x64x128xf32, #tpu.memory_space<vmem>>[vector<16xi32>, vector<16xi32>, vector<16xi32>], vector<16xf32>,
      %mul3A_1655 = arith.mulf %gather3A_1653, %gather3A_1654 : vector<16xf32>
      %add3A_1656 = arith.addf %add3A_1649, %mul3A_1655 : vector<16xf32>
      %add3A_1657 = arith.constant 48 : i32
      %add3A_1658 = vector.broadcast %add3A_1657 : i32 to vector<16xi32>
      %add3A_1659 = arith.addi %iota3A, %add3A_1658 : vector<16xi32>
      %gather3A_1660 = tpu.vector_load_idx %arg12[%broadcast_in_dim3A_1633, %add3A_1659, %broadcast_in_dim3A_1622] : memref<7x64x128xf32, #tpu.memory_space<vmem>>[vector<16xi32>, vector<16xi32>, vector<16xi32>], vector<16xf32>,
      %gather3A_1661 = tpu.vector_load_idx %arg13[%broadcast_in_dim3A_1633, %add3A_1659, %broadcast_in_dim3A_1631] : memref<7x64x128xf32, #tpu.memory_space<vmem>>[vector<16xi32>, vector<16xi32>, vector<16xi32>], vector<16xf32>,
      %mul3A_1662 = arith.mulf %gather3A_1660, %gather3A_1661 : vector<16xf32>
      %add3A_1663 = arith.addf %add3A_1656, %mul3A_1662 : vector<16xf32>
      %eq3A_1664 = vector.broadcast %select_n3A_1606 : i32 to vector<16xi32>
      %eq3A_1665 = arith.cmpi eq, %iota3A, %eq3A_1664 : vector<16xi32>
      %reduce_sum3A_1666 = arith.constant true
      %reduce_sum3A_1667 = vector.broadcast %reduce_sum3A_1666 : i1 to vector<16xi1>
      %reduce_sum3A_1668 = tpu.scan <sum>, %add3A_1663 masked %reduce_sum3A_1667 : vector<16xf32>, vector<16xi1> -> vector<16xf32>
      %reduce_sum3A_1669 = vector.extract %reduce_sum3A_1668[15] : f32 from vector<16xf32>
      %broadcast_in_dim3A_1670 = vector.broadcast %reduce_sum3A_1669 : f32 to vector<16xf32>
      %select_n3A_1671 = arith.select %eq3A_1665, %broadcast_in_dim3A_1670, %select_n3A_1500 : vector<16xi1>, vector<16xf32>
      %add3A_1672 = arith.constant 7 : i32
      %add3A_1673 = arith.addi %add3A_1504, %add3A_1672 : i32
      %lt3A_1674 = arith.constant 512 : i32
      %lt3A_1675 = arith.cmpi slt, %add3A_1673, %lt3A_1674 : i32
      %convert_element_type3A_1676 = arith.extui %lt3A_1675 : i1 to i32
      %cond3A_1677 = arith.constant 0 : i32
      %cond3A_1678 = arith.cmpi ne, %convert_element_type3A_1676, %cond3A_1677 : i32
      scf.if %cond3A_1678 {
        %add3A_2436 = arith.constant 7 : i32
        %add3A_2437 = arith.addi %add3A_1504, %add3A_2436 : i32
        %jit3A_2438 = arith.constant 16 : i32
        %div3A_2439 = arith.divsi %add3A_2437, %jit3A_2438 : i32
        %sign3A_2440 = arith.constant 0 : i32
        %sign3A_2441 = arith.cmpi sgt, %add3A_2437, %sign3A_2440 : i32
        %sign3A_2442 = arith.extui %sign3A_2441 : i1 to i32
        %sign3A_2443 = arith.constant 0 : i32
        %sign3A_2444 = arith.cmpi slt, %add3A_2437, %sign3A_2443 : i32
        %sign3A_2445 = arith.extui %sign3A_2444 : i1 to i32
        %sign3A_2446 = arith.subi %sign3A_2442, %sign3A_2445 : i32
        %sign3A_2447 = arith.constant 0 : i32
        %sign3A_2448 = arith.cmpi sgt, %jit3A_2438, %sign3A_2447 : i32
        %sign3A_2449 = arith.extui %sign3A_2448 : i1 to i32
        %sign3A_2450 = arith.constant 0 : i32
        %sign3A_2451 = arith.cmpi slt, %jit3A_2438, %sign3A_2450 : i32
        %sign3A_2452 = arith.extui %sign3A_2451 : i1 to i32
        %sign3A_2453 = arith.subi %sign3A_2449, %sign3A_2452 : i32
        %ne3A_2454 = arith.cmpi ne, %sign3A_2446, %sign3A_2453 : i32
        %rem3A_2455 = arith.remsi %add3A_2437, %jit3A_2438 : i32
        %ne3A_2456 = arith.constant 0 : i32
        %ne3A_2457 = arith.cmpi ne, %rem3A_2455, %ne3A_2456 : i32
        %and3A_2458 = arith.andi %ne3A_2454, %ne3A_2457 : i1
        %sub3A_2459 = arith.constant 1 : i32
        %sub3A_2460 = arith.subi %div3A_2439, %sub3A_2459 : i32
        %select_n3A_2461 = arith.select %and3A_2458, %sub3A_2460, %div3A_2439 : i32
        %mul3A_2462 = arith.constant 16 : i32
        %mul3A_2463 = arith.muli %select_n3A_2461, %mul3A_2462 : i32
        %get3A_2464 = arith.index_cast %mul3A_2463 : i32 to index
        %get3A_2465 = tpu.vector_load %arg10[%get3A_2464] {strides = array<i32>} : memref<512xi32, #tpu.memory_space<vmem>>, vector<16xi32>,
        %jit3A_2466 = arith.constant 16 : i32
        %div3A_2467 = arith.divsi %add3A_2437, %jit3A_2466 : i32
        %sign3A_2468 = arith.constant 0 : i32
        %sign3A_2469 = arith.cmpi sgt, %add3A_2437, %sign3A_2468 : i32
        %sign3A_2470 = arith.extui %sign3A_2469 : i1 to i32
        %sign3A_2471 = arith.constant 0 : i32
        %sign3A_2472 = arith.cmpi slt, %add3A_2437, %sign3A_2471 : i32
        %sign3A_2473 = arith.extui %sign3A_2472 : i1 to i32
        %sign3A_2474 = arith.subi %sign3A_2470, %sign3A_2473 : i32
        %sign3A_2475 = arith.constant 0 : i32
        %sign3A_2476 = arith.cmpi sgt, %jit3A_2466, %sign3A_2475 : i32
        %sign3A_2477 = arith.extui %sign3A_2476 : i1 to i32
        %sign3A_2478 = arith.constant 0 : i32
        %sign3A_2479 = arith.cmpi slt, %jit3A_2466, %sign3A_2478 : i32
        %sign3A_2480 = arith.extui %sign3A_2479 : i1 to i32
        %sign3A_2481 = arith.subi %sign3A_2477, %sign3A_2480 : i32
        %ne3A_2482 = arith.cmpi ne, %sign3A_2474, %sign3A_2481 : i32
        %rem3A_2483 = arith.remsi %add3A_2437, %jit3A_2466 : i32
        %ne3A_2484 = arith.constant 0 : i32
        %ne3A_2485 = arith.cmpi ne, %rem3A_2483, %ne3A_2484 : i32
        %and3A_2486 = arith.andi %ne3A_2482, %ne3A_2485 : i1
        %sub3A_2487 = arith.constant 1 : i32
        %sub3A_2488 = arith.subi %div3A_2467, %sub3A_2487 : i32
        %select_n3A_2489 = arith.select %and3A_2486, %sub3A_2488, %div3A_2467 : i32
        %mul3A_2490 = arith.constant 16 : i32
        %mul3A_2491 = arith.muli %select_n3A_2489, %mul3A_2490 : i32
        %get3A_2492 = arith.index_cast %mul3A_2491 : i32 to index
        %get3A_2493 = tpu.vector_load %arg11[%get3A_2492] {strides = array<i32>} : memref<512xi32, #tpu.memory_space<vmem>>, vector<16xi32>,
        %jit3A_2494 = arith.constant 16 : i32
        %eq3A_2495 = arith.constant 0 : i32
        %eq3A_2496 = arith.cmpi eq, %jit3A_2494, %eq3A_2495 : i32
        %jit3A_2497 = arith.constant 1 : i32
        %select_n3A_2498 = arith.select %eq3A_2496, %jit3A_2497, %jit3A_2494 : i32
        %rem3A_2499 = arith.remsi %add3A_2437, %select_n3A_2498 : i32
        %ne3A_2500 = arith.constant 0 : i32
        %ne3A_2501 = arith.cmpi ne, %rem3A_2499, %ne3A_2500 : i32
        %lt3A_2502 = arith.constant 0 : i32
        %lt3A_2503 = arith.cmpi slt, %rem3A_2499, %lt3A_2502 : i32
        %lt3A_2504 = arith.constant 0 : i32
        %lt3A_2505 = arith.cmpi slt, %select_n3A_2498, %lt3A_2504 : i32
        %ne3A_2506 = arith.xori %lt3A_2503, %lt3A_2505 : i1
        %and3A_2507 = arith.andi %ne3A_2506, %ne3A_2501 : i1
        %add3A_2508 = arith.addi %rem3A_2499, %select_n3A_2498 : i32
        %select_n3A_2509 = arith.select %and3A_2507, %add3A_2508, %rem3A_2499 : i32
        %eq3A_2510 = vector.broadcast %select_n3A_2509 : i32 to vector<16xi32>
        %eq3A_2511 = arith.cmpi eq, %iota3A, %eq3A_2510 : vector<16xi32>
        %jit3A_2512 = arith.constant 1 : i32
        %jit3A_2513 = arith.constant 0 : i32
        %broadcast_in_dim3A_2514 = vector.broadcast %jit3A_2512 : i32 to vector<16xi32>
        %broadcast_in_dim3A_2515 = vector.broadcast %jit3A_2513 : i32 to vector<16xi32>
        %select_n3A_2516 = arith.select %eq3A_2511, %broadcast_in_dim3A_2514, %broadcast_in_dim3A_2515 : vector<16xi1>, vector<16xi32>
        %mul3A_2517 = arith.muli %get3A_2465, %select_n3A_2516 : vector<16xi32>
        %reduce_sum3A_2518 = arith.constant true
        %reduce_sum3A_2519 = vector.broadcast %reduce_sum3A_2518 : i1 to vector<16xi1>
        %reduce_sum3A_2520 = tpu.scan <sum>, %mul3A_2517 masked %reduce_sum3A_2519 : vector<16xi32>, vector<16xi1> -> vector<16xi32>
        %reduce_sum3A_2521 = vector.extract %reduce_sum3A_2520[15] : i32 from vector<16xi32>
        %and3A_2522 = arith.andi %reduce_sum3A_2521, %not3A_5 : i32
        %multiple_of3A_2523 = tpu.assume_multiple %and3A_2522, 128 : i32
        %mul3A_2524 = arith.muli %get3A_2493, %select_n3A_2516 : vector<16xi32>
        %reduce_sum3A_2525 = arith.constant true
        %reduce_sum3A_2526 = vector.broadcast %reduce_sum3A_2525 : i1 to vector<16xi1>
        %reduce_sum3A_2527 = tpu.scan <sum>, %mul3A_2524 masked %reduce_sum3A_2526 : vector<16xi32>, vector<16xi1> -> vector<16xi32>
        %reduce_sum3A_2528 = vector.extract %reduce_sum3A_2527[15] : i32 from vector<16xi32>
        %and3A_2529 = arith.andi %reduce_sum3A_2528, %not3A_5 : i32
        %multiple_of3A_2530 = tpu.assume_multiple %and3A_2529, 128 : i32
        %dma_start3A_2531 = arith.constant 2 : i32
        %dma_start3A_2532 = arith.constant 0 : i32
        %dma_start3A_2533 = arith.constant 0 : i32
        %dma_start3A_2534 = tpu.memref_slice %arg12[%dma_start3A_2531, %dma_start3A_2532, %dma_start3A_2533] : memref<7x64x128xf32, #tpu.memory_space<vmem>> -> memref<1x64x128xf32, #tpu.memory_space<vmem>>
        %dma_start3A_2535 = tpu.memref_squeeze %dma_start3A_2534 : memref<1x64x128xf32, #tpu.memory_space<vmem>> -> memref<64x128xf32, #tpu.memory_space<vmem>>
        %dma_start3A_2536 = arith.constant 0 : i32
        %dma_start3A_2537 = tpu.memref_slice %arg4[%dma_start3A_2536, %multiple_of3A_2523] : memref<64x1000000xf32, #tpu.memory_space<hbm>> -> memref<64x128xf32, #tpu.memory_space<hbm>>
        %dma_start3A_2538 = arith.constant 0 : i32
        %dma_start3A_2539 = arith.constant 0 : i32
        %dma_start3A_2540 = tpu.memref_slice %arg12[%dma_start3A_2531, %dma_start3A_2538, %dma_start3A_2539] : memref<7x64x128xf32, #tpu.memory_space<vmem>> -> memref<1x64x128xf32, #tpu.memory_space<vmem>>
        %dma_start3A_2541 = tpu.memref_squeeze %dma_start3A_2540 : memref<1x64x128xf32, #tpu.memory_space<vmem>> -> memref<64x128xf32, #tpu.memory_space<vmem>>
        %dma_start3A_2542 = arith.constant 0 : i32
        %dma_start3A_2543 = tpu.memref_slice %arg4[%dma_start3A_2542, %multiple_of3A_2523] : memref<64x1000000xf32, #tpu.memory_space<hbm>> -> memref<64x128xf32, #tpu.memory_space<hbm>>
        tpu.enqueue_dma source(%dma_start3A_2543 : memref<64x128xf32, #tpu.memory_space<hbm>>) target(%dma_start3A_2541 : memref<64x128xf32, #tpu.memory_space<vmem>>) target_semaphore(%arg21 : memref<!tpu.dma_semaphore, #tpu.memory_space<semaphore_mem>>)
        %dma_start3A_2544 = arith.constant 2 : i32
        %dma_start3A_2545 = arith.constant 0 : i32
        %dma_start3A_2546 = arith.constant 0 : i32
        %dma_start3A_2547 = tpu.memref_slice %arg13[%dma_start3A_2544, %dma_start3A_2545, %dma_start3A_2546] : memref<7x64x128xf32, #tpu.memory_space<vmem>> -> memref<1x64x128xf32, #tpu.memory_space<vmem>>
        %dma_start3A_2548 = tpu.memref_squeeze %dma_start3A_2547 : memref<1x64x128xf32, #tpu.memory_space<vmem>> -> memref<64x128xf32, #tpu.memory_space<vmem>>
        %dma_start3A_2549 = arith.constant 0 : i32
        %dma_start3A_2550 = tpu.memref_slice %arg5[%dma_start3A_2549, %multiple_of3A_2530] : memref<64x1000000xf32, #tpu.memory_space<hbm>> -> memref<64x128xf32, #tpu.memory_space<hbm>>
        %dma_start3A_2551 = arith.constant 0 : i32
        %dma_start3A_2552 = arith.constant 0 : i32
        %dma_start3A_2553 = tpu.memref_slice %arg13[%dma_start3A_2544, %dma_start3A_2551, %dma_start3A_2552] : memref<7x64x128xf32, #tpu.memory_space<vmem>> -> memref<1x64x128xf32, #tpu.memory_space<vmem>>
        %dma_start3A_2554 = tpu.memref_squeeze %dma_start3A_2553 : memref<1x64x128xf32, #tpu.memory_space<vmem>> -> memref<64x128xf32, #tpu.memory_space<vmem>>
        %dma_start3A_2555 = arith.constant 0 : i32
        %dma_start3A_2556 = tpu.memref_slice %arg5[%dma_start3A_2555, %multiple_of3A_2530] : memref<64x1000000xf32, #tpu.memory_space<hbm>> -> memref<64x128xf32, #tpu.memory_space<hbm>>
        tpu.enqueue_dma source(%dma_start3A_2556 : memref<64x128xf32, #tpu.memory_space<hbm>>) target(%dma_start3A_2554 : memref<64x128xf32, #tpu.memory_space<vmem>>) target_semaphore(%arg21 : memref<!tpu.dma_semaphore, #tpu.memory_space<semaphore_mem>>)
      } else {
      }
      %eq3A_1679 = arith.constant 15 : i32
      %eq3A_1680 = arith.cmpi eq, %select_n3A_1606, %eq3A_1679 : i32
      %convert_element_type3A_1681 = arith.extui %eq3A_1680 : i1 to i32
      %cond3A_1682 = arith.constant 0 : i32
      %cond3A_1683 = arith.cmpi ne, %convert_element_type3A_1681, %cond3A_1682 : i32
      scf.if %cond3A_1683 {
        %jit3A_2436 = arith.constant 16 : i32
        %div3A_2437 = arith.divsi %add3A_1504, %jit3A_2436 : i32
        %sign3A_2438 = arith.constant 0 : i32
        %sign3A_2439 = arith.cmpi sgt, %add3A_1504, %sign3A_2438 : i32
        %sign3A_2440 = arith.extui %sign3A_2439 : i1 to i32
        %sign3A_2441 = arith.constant 0 : i32
        %sign3A_2442 = arith.cmpi slt, %add3A_1504, %sign3A_2441 : i32
        %sign3A_2443 = arith.extui %sign3A_2442 : i1 to i32
        %sign3A_2444 = arith.subi %sign3A_2440, %sign3A_2443 : i32
        %sign3A_2445 = arith.constant 0 : i32
        %sign3A_2446 = arith.cmpi sgt, %jit3A_2436, %sign3A_2445 : i32
        %sign3A_2447 = arith.extui %sign3A_2446 : i1 to i32
        %sign3A_2448 = arith.constant 0 : i32
        %sign3A_2449 = arith.cmpi slt, %jit3A_2436, %sign3A_2448 : i32
        %sign3A_2450 = arith.extui %sign3A_2449 : i1 to i32
        %sign3A_2451 = arith.subi %sign3A_2447, %sign3A_2450 : i32
        %ne3A_2452 = arith.cmpi ne, %sign3A_2444, %sign3A_2451 : i32
        %rem3A_2453 = arith.remsi %add3A_1504, %jit3A_2436 : i32
        %ne3A_2454 = arith.constant 0 : i32
        %ne3A_2455 = arith.cmpi ne, %rem3A_2453, %ne3A_2454 : i32
        %and3A_2456 = arith.andi %ne3A_2452, %ne3A_2455 : i1
        %sub3A_2457 = arith.constant 1 : i32
        %sub3A_2458 = arith.subi %div3A_2437, %sub3A_2457 : i32
        %select_n3A_2459 = arith.select %and3A_2456, %sub3A_2458, %div3A_2437 : i32
        %mul3A_2460 = arith.constant 16 : i32
        %mul3A_2461 = arith.muli %select_n3A_2459, %mul3A_2460 : i32
        %get3A_2462 = arith.index_cast %mul3A_2461 : i32 to index
        %get3A_2463 = tpu.vector_load %arg14[%get3A_2462] {strides = array<i32>} : memref<512xf32, #tpu.memory_space<vmem>>, vector<16xf32>,
        %add3A_2464 = arith.addf %select_n3A_1671, %get3A_2463 : vector<16xf32>
        %mul3A_2465 = arith.constant 16 : i32
        %mul3A_2466 = arith.muli %select_n3A_2459, %mul3A_2465 : i32
        %get3A_2467 = arith.index_cast %mul3A_2466 : i32 to index
        %get3A_2468 = tpu.vector_load %arg15[%get3A_2467] {strides = array<i32>} : memref<512xf32, #tpu.memory_space<vmem>>, vector<16xf32>,
        %add3A_2469 = arith.addf %add3A_2464, %get3A_2468 : vector<16xf32>
        %add3A_2470 = arith.addf %add3A_2469, %get3A_3 : vector<16xf32>
        %mul3A_2471 = arith.constant 16 : i32
        %mul3A_2472 = arith.muli %select_n3A_2459, %mul3A_2471 : i32
        %swap3A = arith.index_cast %mul3A_2472 : i32 to index
        %swap3A_2473 = tpu.vector_load %arg16[%swap3A] {strides = array<i32>} : memref<512xf32, #tpu.memory_space<vmem>>, vector<16xf32>,
        tpu.vector_store %arg16[%swap3A], %add3A_2470 {strides = array<i32>} : memref<512xf32, #tpu.memory_space<vmem>>, vector<16xf32>,
      } else {
      }
      %broadcast_in_dim3A_1684 = vector.broadcast %eq3A_1680 : i1 to vector<16xi1>
      %broadcast_in_dim3A_1685 = arith.constant 0.000000e+00 : f32
      %broadcast_in_dim3A_1686 = vector.broadcast %broadcast_in_dim3A_1685 : f32 to vector<16xf32>
      %select_n3A_1687 = arith.select %broadcast_in_dim3A_1684, %broadcast_in_dim3A_1686, %select_n3A_1671 : vector<16xi1>, vector<16xf32>
      %mul3A_1688 = arith.constant 7 : i32
      %mul3A_1689 = arith.muli %scan3A_1125, %mul3A_1688 : i32
      %add3A_1690 = arith.constant 3 : i32
      %add3A_1691 = arith.addi %mul3A_1689, %add3A_1690 : i32
      %dma_wait3A_1692 = arith.constant 3 : i32
      %dma_wait3A_1693 = arith.constant 0 : i32
      %dma_wait3A_1694 = arith.constant 0 : i32
      %dma_wait3A_1695 = tpu.memref_slice %arg12[%dma_wait3A_1692, %dma_wait3A_1693, %dma_wait3A_1694] : memref<7x64x128xf32, #tpu.memory_space<vmem>> -> memref<1x64x128xf32, #tpu.memory_space<vmem>>
      %dma_wait3A_1696 = tpu.memref_squeeze %dma_wait3A_1695 : memref<1x64x128xf32, #tpu.memory_space<vmem>> -> memref<64x128xf32, #tpu.memory_space<vmem>>
      %dma_wait3A_1697 = arith.constant 0 : i32
      %dma_wait3A_1698 = arith.constant 0 : i32
      %dma_wait3A_1699 = tpu.memref_slice %arg4[%dma_wait3A_1697, %dma_wait3A_1698] : memref<64x1000000xf32, #tpu.memory_space<hbm>> -> memref<64x128xf32, #tpu.memory_space<hbm>>
      %dma_wait3A_1700 = arith.constant 0 : i32
      %dma_wait3A_1701 = arith.constant 0 : i32
      %dma_wait3A_1702 = tpu.memref_slice %arg12[%dma_wait3A_1692, %dma_wait3A_1700, %dma_wait3A_1701] : memref<7x64x128xf32, #tpu.memory_space<vmem>> -> memref<1x64x128xf32, #tpu.memory_space<vmem>>
      %dma_wait3A_1703 = tpu.memref_squeeze %dma_wait3A_1702 : memref<1x64x128xf32, #tpu.memory_space<vmem>> -> memref<64x128xf32, #tpu.memory_space<vmem>>
      %dma_wait3A_1704 = arith.constant 0 : i32
      %dma_wait3A_1705 = arith.constant 0 : i32
      %dma_wait3A_1706 = tpu.memref_slice %arg4[%dma_wait3A_1704, %dma_wait3A_1705] : memref<64x1000000xf32, #tpu.memory_space<hbm>> -> memref<64x128xf32, #tpu.memory_space<hbm>>
      tpu.wait_dma2 semaphore(%arg22 : memref<!tpu.dma_semaphore, #tpu.memory_space<semaphore_mem>>) src(%dma_wait3A_1706 : memref<64x128xf32, #tpu.memory_space<hbm>>) dst(%dma_wait3A_1703 : memref<64x128xf32, #tpu.memory_space<vmem>>)
      %dma_wait3A_1707 = arith.constant 3 : i32
      %dma_wait3A_1708 = arith.constant 0 : i32
      %dma_wait3A_1709 = arith.constant 0 : i32
      %dma_wait3A_1710 = tpu.memref_slice %arg13[%dma_wait3A_1707, %dma_wait3A_1708, %dma_wait3A_1709] : memref<7x64x128xf32, #tpu.memory_space<vmem>> -> memref<1x64x128xf32, #tpu.memory_space<vmem>>
      %dma_wait3A_1711 = tpu.memref_squeeze %dma_wait3A_1710 : memref<1x64x128xf32, #tpu.memory_space<vmem>> -> memref<64x128xf32, #tpu.memory_space<vmem>>
      %dma_wait3A_1712 = arith.constant 0 : i32
      %dma_wait3A_1713 = arith.constant 0 : i32
      %dma_wait3A_1714 = tpu.memref_slice %arg5[%dma_wait3A_1712, %dma_wait3A_1713] : memref<64x1000000xf32, #tpu.memory_space<hbm>> -> memref<64x128xf32, #tpu.memory_space<hbm>>
      %dma_wait3A_1715 = arith.constant 0 : i32
      %dma_wait3A_1716 = arith.constant 0 : i32
      %dma_wait3A_1717 = tpu.memref_slice %arg13[%dma_wait3A_1707, %dma_wait3A_1715, %dma_wait3A_1716] : memref<7x64x128xf32, #tpu.memory_space<vmem>> -> memref<1x64x128xf32, #tpu.memory_space<vmem>>
      %dma_wait3A_1718 = tpu.memref_squeeze %dma_wait3A_1717 : memref<1x64x128xf32, #tpu.memory_space<vmem>> -> memref<64x128xf32, #tpu.memory_space<vmem>>
      %dma_wait3A_1719 = arith.constant 0 : i32
      %dma_wait3A_1720 = arith.constant 0 : i32
      %dma_wait3A_1721 = tpu.memref_slice %arg5[%dma_wait3A_1719, %dma_wait3A_1720] : memref<64x1000000xf32, #tpu.memory_space<hbm>> -> memref<64x128xf32, #tpu.memory_space<hbm>>
      tpu.wait_dma2 semaphore(%arg22 : memref<!tpu.dma_semaphore, #tpu.memory_space<semaphore_mem>>) src(%dma_wait3A_1721 : memref<64x128xf32, #tpu.memory_space<hbm>>) dst(%dma_wait3A_1718 : memref<64x128xf32, #tpu.memory_space<vmem>>)
      %jit3A_1722 = arith.constant 16 : i32
      %div3A_1723 = arith.divsi %add3A_1691, %jit3A_1722 : i32
      %sign3A_1724 = arith.constant 0 : i32
      %sign3A_1725 = arith.cmpi sgt, %add3A_1691, %sign3A_1724 : i32
      %sign3A_1726 = arith.extui %sign3A_1725 : i1 to i32
      %sign3A_1727 = arith.constant 0 : i32
      %sign3A_1728 = arith.cmpi slt, %add3A_1691, %sign3A_1727 : i32
      %sign3A_1729 = arith.extui %sign3A_1728 : i1 to i32
      %sign3A_1730 = arith.subi %sign3A_1726, %sign3A_1729 : i32
      %sign3A_1731 = arith.constant 0 : i32
      %sign3A_1732 = arith.cmpi sgt, %jit3A_1722, %sign3A_1731 : i32
      %sign3A_1733 = arith.extui %sign3A_1732 : i1 to i32
      %sign3A_1734 = arith.constant 0 : i32
      %sign3A_1735 = arith.cmpi slt, %jit3A_1722, %sign3A_1734 : i32
      %sign3A_1736 = arith.extui %sign3A_1735 : i1 to i32
      %sign3A_1737 = arith.subi %sign3A_1733, %sign3A_1736 : i32
      %ne3A_1738 = arith.cmpi ne, %sign3A_1730, %sign3A_1737 : i32
      %rem3A_1739 = arith.remsi %add3A_1691, %jit3A_1722 : i32
      %ne3A_1740 = arith.constant 0 : i32
      %ne3A_1741 = arith.cmpi ne, %rem3A_1739, %ne3A_1740 : i32
      %and3A_1742 = arith.andi %ne3A_1738, %ne3A_1741 : i1
      %sub3A_1743 = arith.constant 1 : i32
      %sub3A_1744 = arith.subi %div3A_1723, %sub3A_1743 : i32
      %select_n3A_1745 = arith.select %and3A_1742, %sub3A_1744, %div3A_1723 : i32
      %mul3A_1746 = arith.constant 16 : i32
      %mul3A_1747 = arith.muli %select_n3A_1745, %mul3A_1746 : i32
      %get3A_1748 = arith.index_cast %mul3A_1747 : i32 to index
      %get3A_1749 = tpu.vector_load %arg10[%get3A_1748] {strides = array<i32>} : memref<512xi32, #tpu.memory_space<vmem>>, vector<16xi32>,
      %jit3A_1750 = arith.constant 16 : i32
      %div3A_1751 = arith.divsi %add3A_1691, %jit3A_1750 : i32
      %sign3A_1752 = arith.constant 0 : i32
      %sign3A_1753 = arith.cmpi sgt, %add3A_1691, %sign3A_1752 : i32
      %sign3A_1754 = arith.extui %sign3A_1753 : i1 to i32
      %sign3A_1755 = arith.constant 0 : i32
      %sign3A_1756 = arith.cmpi slt, %add3A_1691, %sign3A_1755 : i32
      %sign3A_1757 = arith.extui %sign3A_1756 : i1 to i32
      %sign3A_1758 = arith.subi %sign3A_1754, %sign3A_1757 : i32
      %sign3A_1759 = arith.constant 0 : i32
      %sign3A_1760 = arith.cmpi sgt, %jit3A_1750, %sign3A_1759 : i32
      %sign3A_1761 = arith.extui %sign3A_1760 : i1 to i32
      %sign3A_1762 = arith.constant 0 : i32
      %sign3A_1763 = arith.cmpi slt, %jit3A_1750, %sign3A_1762 : i32
      %sign3A_1764 = arith.extui %sign3A_1763 : i1 to i32
      %sign3A_1765 = arith.subi %sign3A_1761, %sign3A_1764 : i32
      %ne3A_1766 = arith.cmpi ne, %sign3A_1758, %sign3A_1765 : i32
      %rem3A_1767 = arith.remsi %add3A_1691, %jit3A_1750 : i32
      %ne3A_1768 = arith.constant 0 : i32
      %ne3A_1769 = arith.cmpi ne, %rem3A_1767, %ne3A_1768 : i32
      %and3A_1770 = arith.andi %ne3A_1766, %ne3A_1769 : i1
      %sub3A_1771 = arith.constant 1 : i32
      %sub3A_1772 = arith.subi %div3A_1751, %sub3A_1771 : i32
      %select_n3A_1773 = arith.select %and3A_1770, %sub3A_1772, %div3A_1751 : i32
      %mul3A_1774 = arith.constant 16 : i32
      %mul3A_1775 = arith.muli %select_n3A_1773, %mul3A_1774 : i32
      %get3A_1776 = arith.index_cast %mul3A_1775 : i32 to index
      %get3A_1777 = tpu.vector_load %arg11[%get3A_1776] {strides = array<i32>} : memref<512xi32, #tpu.memory_space<vmem>>, vector<16xi32>,
      %jit3A_1778 = arith.constant 16 : i32
      %eq3A_1779 = arith.constant 0 : i32
      %eq3A_1780 = arith.cmpi eq, %jit3A_1778, %eq3A_1779 : i32
      %jit3A_1781 = arith.constant 1 : i32
      %select_n3A_1782 = arith.select %eq3A_1780, %jit3A_1781, %jit3A_1778 : i32
      %rem3A_1783 = arith.remsi %add3A_1691, %select_n3A_1782 : i32
      %ne3A_1784 = arith.constant 0 : i32
      %ne3A_1785 = arith.cmpi ne, %rem3A_1783, %ne3A_1784 : i32
      %lt3A_1786 = arith.constant 0 : i32
      %lt3A_1787 = arith.cmpi slt, %rem3A_1783, %lt3A_1786 : i32
      %lt3A_1788 = arith.constant 0 : i32
      %lt3A_1789 = arith.cmpi slt, %select_n3A_1782, %lt3A_1788 : i32
      %ne3A_1790 = arith.xori %lt3A_1787, %lt3A_1789 : i1
      %and3A_1791 = arith.andi %ne3A_1790, %ne3A_1785 : i1
      %add3A_1792 = arith.addi %rem3A_1783, %select_n3A_1782 : i32
      %select_n3A_1793 = arith.select %and3A_1791, %add3A_1792, %rem3A_1783 : i32
      %eq3A_1794 = vector.broadcast %select_n3A_1793 : i32 to vector<16xi32>
      %eq3A_1795 = arith.cmpi eq, %iota3A, %eq3A_1794 : vector<16xi32>
      %jit3A_1796 = arith.constant 1 : i32
      %jit3A_1797 = arith.constant 0 : i32
      %broadcast_in_dim3A_1798 = vector.broadcast %jit3A_1796 : i32 to vector<16xi32>
      %broadcast_in_dim3A_1799 = vector.broadcast %jit3A_1797 : i32 to vector<16xi32>
      %select_n3A_1800 = arith.select %eq3A_1795, %broadcast_in_dim3A_1798, %broadcast_in_dim3A_1799 : vector<16xi1>, vector<16xi32>
      %and3A_1801 = arith.constant 127 : i32
      %and3A_1802 = vector.broadcast %and3A_1801 : i32 to vector<16xi32>
      %and3A_1803 = arith.andi %get3A_1749, %and3A_1802 : vector<16xi32>
      %mul3A_1804 = arith.muli %and3A_1803, %select_n3A_1800 : vector<16xi32>
      %reduce_sum3A_1805 = arith.constant true
      %reduce_sum3A_1806 = vector.broadcast %reduce_sum3A_1805 : i1 to vector<16xi1>
      %reduce_sum3A_1807 = tpu.scan <sum>, %mul3A_1804 masked %reduce_sum3A_1806 : vector<16xi32>, vector<16xi1> -> vector<16xi32>
      %reduce_sum3A_1808 = vector.extract %reduce_sum3A_1807[15] : i32 from vector<16xi32>
      %broadcast_in_dim3A_1809 = vector.broadcast %reduce_sum3A_1808 : i32 to vector<16xi32>
      %and3A_1810 = arith.constant 127 : i32
      %and3A_1811 = vector.broadcast %and3A_1810 : i32 to vector<16xi32>
      %and3A_1812 = arith.andi %get3A_1777, %and3A_1811 : vector<16xi32>
      %mul3A_1813 = arith.muli %and3A_1812, %select_n3A_1800 : vector<16xi32>
      %reduce_sum3A_1814 = arith.constant true
      %reduce_sum3A_1815 = vector.broadcast %reduce_sum3A_1814 : i1 to vector<16xi1>
      %reduce_sum3A_1816 = tpu.scan <sum>, %mul3A_1813 masked %reduce_sum3A_1815 : vector<16xi32>, vector<16xi1> -> vector<16xi32>
      %reduce_sum3A_1817 = vector.extract %reduce_sum3A_1816[15] : i32 from vector<16xi32>
      %broadcast_in_dim3A_1818 = vector.broadcast %reduce_sum3A_1817 : i32 to vector<16xi32>
      %broadcast_in_dim3A_1819 = arith.constant 3 : i32
      %broadcast_in_dim3A_1820 = vector.broadcast %broadcast_in_dim3A_1819 : i32 to vector<16xi32>
      %broadcast_in_dim3A_1821 = arith.constant 0.000000e+00 : f32
      %broadcast_in_dim3A_1822 = vector.broadcast %broadcast_in_dim3A_1821 : f32 to vector<16xf32>
      %add3A_1823 = arith.constant 0 : i32
      %add3A_1824 = vector.broadcast %add3A_1823 : i32 to vector<16xi32>
      %add3A_1825 = arith.addi %iota3A, %add3A_1824 : vector<16xi32>
      %gather3A_1826 = tpu.vector_load_idx %arg12[%broadcast_in_dim3A_1820, %add3A_1825, %broadcast_in_dim3A_1809] : memref<7x64x128xf32, #tpu.memory_space<vmem>>[vector<16xi32>, vector<16xi32>, vector<16xi32>], vector<16xf32>,
      %gather3A_1827 = tpu.vector_load_idx %arg13[%broadcast_in_dim3A_1820, %add3A_1825, %broadcast_in_dim3A_1818] : memref<7x64x128xf32, #tpu.memory_space<vmem>>[vector<16xi32>, vector<16xi32>, vector<16xi32>], vector<16xf32>,
      %mul3A_1828 = arith.mulf %gather3A_1826, %gather3A_1827 : vector<16xf32>
      %add3A_1829 = arith.addf %broadcast_in_dim3A_1822, %mul3A_1828 : vector<16xf32>
      %add3A_1830 = arith.constant 16 : i32
      %add3A_1831 = vector.broadcast %add3A_1830 : i32 to vector<16xi32>
      %add3A_1832 = arith.addi %iota3A, %add3A_1831 : vector<16xi32>
      %gather3A_1833 = tpu.vector_load_idx %arg12[%broadcast_in_dim3A_1820, %add3A_1832, %broadcast_in_dim3A_1809] : memref<7x64x128xf32, #tpu.memory_space<vmem>>[vector<16xi32>, vector<16xi32>, vector<16xi32>], vector<16xf32>,
      %gather3A_1834 = tpu.vector_load_idx %arg13[%broadcast_in_dim3A_1820, %add3A_1832, %broadcast_in_dim3A_1818] : memref<7x64x128xf32, #tpu.memory_space<vmem>>[vector<16xi32>, vector<16xi32>, vector<16xi32>], vector<16xf32>,
      %mul3A_1835 = arith.mulf %gather3A_1833, %gather3A_1834 : vector<16xf32>
      %add3A_1836 = arith.addf %add3A_1829, %mul3A_1835 : vector<16xf32>
      %add3A_1837 = arith.constant 32 : i32
      %add3A_1838 = vector.broadcast %add3A_1837 : i32 to vector<16xi32>
      %add3A_1839 = arith.addi %iota3A, %add3A_1838 : vector<16xi32>
      %gather3A_1840 = tpu.vector_load_idx %arg12[%broadcast_in_dim3A_1820, %add3A_1839, %broadcast_in_dim3A_1809] : memref<7x64x128xf32, #tpu.memory_space<vmem>>[vector<16xi32>, vector<16xi32>, vector<16xi32>], vector<16xf32>,
      %gather3A_1841 = tpu.vector_load_idx %arg13[%broadcast_in_dim3A_1820, %add3A_1839, %broadcast_in_dim3A_1818] : memref<7x64x128xf32, #tpu.memory_space<vmem>>[vector<16xi32>, vector<16xi32>, vector<16xi32>], vector<16xf32>,
      %mul3A_1842 = arith.mulf %gather3A_1840, %gather3A_1841 : vector<16xf32>
      %add3A_1843 = arith.addf %add3A_1836, %mul3A_1842 : vector<16xf32>
      %add3A_1844 = arith.constant 48 : i32
      %add3A_1845 = vector.broadcast %add3A_1844 : i32 to vector<16xi32>
      %add3A_1846 = arith.addi %iota3A, %add3A_1845 : vector<16xi32>
      %gather3A_1847 = tpu.vector_load_idx %arg12[%broadcast_in_dim3A_1820, %add3A_1846, %broadcast_in_dim3A_1809] : memref<7x64x128xf32, #tpu.memory_space<vmem>>[vector<16xi32>, vector<16xi32>, vector<16xi32>], vector<16xf32>,
      %gather3A_1848 = tpu.vector_load_idx %arg13[%broadcast_in_dim3A_1820, %add3A_1846, %broadcast_in_dim3A_1818] : memref<7x64x128xf32, #tpu.memory_space<vmem>>[vector<16xi32>, vector<16xi32>, vector<16xi32>], vector<16xf32>,
      %mul3A_1849 = arith.mulf %gather3A_1847, %gather3A_1848 : vector<16xf32>
      %add3A_1850 = arith.addf %add3A_1843, %mul3A_1849 : vector<16xf32>
      %eq3A_1851 = vector.broadcast %select_n3A_1793 : i32 to vector<16xi32>
      %eq3A_1852 = arith.cmpi eq, %iota3A, %eq3A_1851 : vector<16xi32>
      %reduce_sum3A_1853 = arith.constant true
      %reduce_sum3A_1854 = vector.broadcast %reduce_sum3A_1853 : i1 to vector<16xi1>
      %reduce_sum3A_1855 = tpu.scan <sum>, %add3A_1850 masked %reduce_sum3A_1854 : vector<16xf32>, vector<16xi1> -> vector<16xf32>
      %reduce_sum3A_1856 = vector.extract %reduce_sum3A_1855[15] : f32 from vector<16xf32>
      %broadcast_in_dim3A_1857 = vector.broadcast %reduce_sum3A_1856 : f32 to vector<16xf32>
      %select_n3A_1858 = arith.select %eq3A_1852, %broadcast_in_dim3A_1857, %select_n3A_1687 : vector<16xi1>, vector<16xf32>
      %add3A_1859 = arith.constant 7 : i32
      %add3A_1860 = arith.addi %add3A_1691, %add3A_1859 : i32
      %lt3A_1861 = arith.constant 512 : i32
      %lt3A_1862 = arith.cmpi slt, %add3A_1860, %lt3A_1861 : i32
      %convert_element_type3A_1863 = arith.extui %lt3A_1862 : i1 to i32
      %cond3A_1864 = arith.constant 0 : i32
      %cond3A_1865 = arith.cmpi ne, %convert_element_type3A_1863, %cond3A_1864 : i32
      scf.if %cond3A_1865 {
        %add3A_2436 = arith.constant 7 : i32
        %add3A_2437 = arith.addi %add3A_1691, %add3A_2436 : i32
        %jit3A_2438 = arith.constant 16 : i32
        %div3A_2439 = arith.divsi %add3A_2437, %jit3A_2438 : i32
        %sign3A_2440 = arith.constant 0 : i32
        %sign3A_2441 = arith.cmpi sgt, %add3A_2437, %sign3A_2440 : i32
        %sign3A_2442 = arith.extui %sign3A_2441 : i1 to i32
        %sign3A_2443 = arith.constant 0 : i32
        %sign3A_2444 = arith.cmpi slt, %add3A_2437, %sign3A_2443 : i32
        %sign3A_2445 = arith.extui %sign3A_2444 : i1 to i32
        %sign3A_2446 = arith.subi %sign3A_2442, %sign3A_2445 : i32
        %sign3A_2447 = arith.constant 0 : i32
        %sign3A_2448 = arith.cmpi sgt, %jit3A_2438, %sign3A_2447 : i32
        %sign3A_2449 = arith.extui %sign3A_2448 : i1 to i32
        %sign3A_2450 = arith.constant 0 : i32
        %sign3A_2451 = arith.cmpi slt, %jit3A_2438, %sign3A_2450 : i32
        %sign3A_2452 = arith.extui %sign3A_2451 : i1 to i32
        %sign3A_2453 = arith.subi %sign3A_2449, %sign3A_2452 : i32
        %ne3A_2454 = arith.cmpi ne, %sign3A_2446, %sign3A_2453 : i32
        %rem3A_2455 = arith.remsi %add3A_2437, %jit3A_2438 : i32
        %ne3A_2456 = arith.constant 0 : i32
        %ne3A_2457 = arith.cmpi ne, %rem3A_2455, %ne3A_2456 : i32
        %and3A_2458 = arith.andi %ne3A_2454, %ne3A_2457 : i1
        %sub3A_2459 = arith.constant 1 : i32
        %sub3A_2460 = arith.subi %div3A_2439, %sub3A_2459 : i32
        %select_n3A_2461 = arith.select %and3A_2458, %sub3A_2460, %div3A_2439 : i32
        %mul3A_2462 = arith.constant 16 : i32
        %mul3A_2463 = arith.muli %select_n3A_2461, %mul3A_2462 : i32
        %get3A_2464 = arith.index_cast %mul3A_2463 : i32 to index
        %get3A_2465 = tpu.vector_load %arg10[%get3A_2464] {strides = array<i32>} : memref<512xi32, #tpu.memory_space<vmem>>, vector<16xi32>,
        %jit3A_2466 = arith.constant 16 : i32
        %div3A_2467 = arith.divsi %add3A_2437, %jit3A_2466 : i32
        %sign3A_2468 = arith.constant 0 : i32
        %sign3A_2469 = arith.cmpi sgt, %add3A_2437, %sign3A_2468 : i32
        %sign3A_2470 = arith.extui %sign3A_2469 : i1 to i32
        %sign3A_2471 = arith.constant 0 : i32
        %sign3A_2472 = arith.cmpi slt, %add3A_2437, %sign3A_2471 : i32
        %sign3A_2473 = arith.extui %sign3A_2472 : i1 to i32
        %sign3A_2474 = arith.subi %sign3A_2470, %sign3A_2473 : i32
        %sign3A_2475 = arith.constant 0 : i32
        %sign3A_2476 = arith.cmpi sgt, %jit3A_2466, %sign3A_2475 : i32
        %sign3A_2477 = arith.extui %sign3A_2476 : i1 to i32
        %sign3A_2478 = arith.constant 0 : i32
        %sign3A_2479 = arith.cmpi slt, %jit3A_2466, %sign3A_2478 : i32
        %sign3A_2480 = arith.extui %sign3A_2479 : i1 to i32
        %sign3A_2481 = arith.subi %sign3A_2477, %sign3A_2480 : i32
        %ne3A_2482 = arith.cmpi ne, %sign3A_2474, %sign3A_2481 : i32
        %rem3A_2483 = arith.remsi %add3A_2437, %jit3A_2466 : i32
        %ne3A_2484 = arith.constant 0 : i32
        %ne3A_2485 = arith.cmpi ne, %rem3A_2483, %ne3A_2484 : i32
        %and3A_2486 = arith.andi %ne3A_2482, %ne3A_2485 : i1
        %sub3A_2487 = arith.constant 1 : i32
        %sub3A_2488 = arith.subi %div3A_2467, %sub3A_2487 : i32
        %select_n3A_2489 = arith.select %and3A_2486, %sub3A_2488, %div3A_2467 : i32
        %mul3A_2490 = arith.constant 16 : i32
        %mul3A_2491 = arith.muli %select_n3A_2489, %mul3A_2490 : i32
        %get3A_2492 = arith.index_cast %mul3A_2491 : i32 to index
        %get3A_2493 = tpu.vector_load %arg11[%get3A_2492] {strides = array<i32>} : memref<512xi32, #tpu.memory_space<vmem>>, vector<16xi32>,
        %jit3A_2494 = arith.constant 16 : i32
        %eq3A_2495 = arith.constant 0 : i32
        %eq3A_2496 = arith.cmpi eq, %jit3A_2494, %eq3A_2495 : i32
        %jit3A_2497 = arith.constant 1 : i32
        %select_n3A_2498 = arith.select %eq3A_2496, %jit3A_2497, %jit3A_2494 : i32
        %rem3A_2499 = arith.remsi %add3A_2437, %select_n3A_2498 : i32
        %ne3A_2500 = arith.constant 0 : i32
        %ne3A_2501 = arith.cmpi ne, %rem3A_2499, %ne3A_2500 : i32
        %lt3A_2502 = arith.constant 0 : i32
        %lt3A_2503 = arith.cmpi slt, %rem3A_2499, %lt3A_2502 : i32
        %lt3A_2504 = arith.constant 0 : i32
        %lt3A_2505 = arith.cmpi slt, %select_n3A_2498, %lt3A_2504 : i32
        %ne3A_2506 = arith.xori %lt3A_2503, %lt3A_2505 : i1
        %and3A_2507 = arith.andi %ne3A_2506, %ne3A_2501 : i1
        %add3A_2508 = arith.addi %rem3A_2499, %select_n3A_2498 : i32
        %select_n3A_2509 = arith.select %and3A_2507, %add3A_2508, %rem3A_2499 : i32
        %eq3A_2510 = vector.broadcast %select_n3A_2509 : i32 to vector<16xi32>
        %eq3A_2511 = arith.cmpi eq, %iota3A, %eq3A_2510 : vector<16xi32>
        %jit3A_2512 = arith.constant 1 : i32
        %jit3A_2513 = arith.constant 0 : i32
        %broadcast_in_dim3A_2514 = vector.broadcast %jit3A_2512 : i32 to vector<16xi32>
        %broadcast_in_dim3A_2515 = vector.broadcast %jit3A_2513 : i32 to vector<16xi32>
        %select_n3A_2516 = arith.select %eq3A_2511, %broadcast_in_dim3A_2514, %broadcast_in_dim3A_2515 : vector<16xi1>, vector<16xi32>
        %mul3A_2517 = arith.muli %get3A_2465, %select_n3A_2516 : vector<16xi32>
        %reduce_sum3A_2518 = arith.constant true
        %reduce_sum3A_2519 = vector.broadcast %reduce_sum3A_2518 : i1 to vector<16xi1>
        %reduce_sum3A_2520 = tpu.scan <sum>, %mul3A_2517 masked %reduce_sum3A_2519 : vector<16xi32>, vector<16xi1> -> vector<16xi32>
        %reduce_sum3A_2521 = vector.extract %reduce_sum3A_2520[15] : i32 from vector<16xi32>
        %and3A_2522 = arith.andi %reduce_sum3A_2521, %not3A_5 : i32
        %multiple_of3A_2523 = tpu.assume_multiple %and3A_2522, 128 : i32
        %mul3A_2524 = arith.muli %get3A_2493, %select_n3A_2516 : vector<16xi32>
        %reduce_sum3A_2525 = arith.constant true
        %reduce_sum3A_2526 = vector.broadcast %reduce_sum3A_2525 : i1 to vector<16xi1>
        %reduce_sum3A_2527 = tpu.scan <sum>, %mul3A_2524 masked %reduce_sum3A_2526 : vector<16xi32>, vector<16xi1> -> vector<16xi32>
        %reduce_sum3A_2528 = vector.extract %reduce_sum3A_2527[15] : i32 from vector<16xi32>
        %and3A_2529 = arith.andi %reduce_sum3A_2528, %not3A_5 : i32
        %multiple_of3A_2530 = tpu.assume_multiple %and3A_2529, 128 : i32
        %dma_start3A_2531 = arith.constant 3 : i32
        %dma_start3A_2532 = arith.constant 0 : i32
        %dma_start3A_2533 = arith.constant 0 : i32
        %dma_start3A_2534 = tpu.memref_slice %arg12[%dma_start3A_2531, %dma_start3A_2532, %dma_start3A_2533] : memref<7x64x128xf32, #tpu.memory_space<vmem>> -> memref<1x64x128xf32, #tpu.memory_space<vmem>>
        %dma_start3A_2535 = tpu.memref_squeeze %dma_start3A_2534 : memref<1x64x128xf32, #tpu.memory_space<vmem>> -> memref<64x128xf32, #tpu.memory_space<vmem>>
        %dma_start3A_2536 = arith.constant 0 : i32
        %dma_start3A_2537 = tpu.memref_slice %arg4[%dma_start3A_2536, %multiple_of3A_2523] : memref<64x1000000xf32, #tpu.memory_space<hbm>> -> memref<64x128xf32, #tpu.memory_space<hbm>>
        %dma_start3A_2538 = arith.constant 0 : i32
        %dma_start3A_2539 = arith.constant 0 : i32
        %dma_start3A_2540 = tpu.memref_slice %arg12[%dma_start3A_2531, %dma_start3A_2538, %dma_start3A_2539] : memref<7x64x128xf32, #tpu.memory_space<vmem>> -> memref<1x64x128xf32, #tpu.memory_space<vmem>>
        %dma_start3A_2541 = tpu.memref_squeeze %dma_start3A_2540 : memref<1x64x128xf32, #tpu.memory_space<vmem>> -> memref<64x128xf32, #tpu.memory_space<vmem>>
        %dma_start3A_2542 = arith.constant 0 : i32
        %dma_start3A_2543 = tpu.memref_slice %arg4[%dma_start3A_2542, %multiple_of3A_2523] : memref<64x1000000xf32, #tpu.memory_space<hbm>> -> memref<64x128xf32, #tpu.memory_space<hbm>>
        tpu.enqueue_dma source(%dma_start3A_2543 : memref<64x128xf32, #tpu.memory_space<hbm>>) target(%dma_start3A_2541 : memref<64x128xf32, #tpu.memory_space<vmem>>) target_semaphore(%arg22 : memref<!tpu.dma_semaphore, #tpu.memory_space<semaphore_mem>>)
        %dma_start3A_2544 = arith.constant 3 : i32
        %dma_start3A_2545 = arith.constant 0 : i32
        %dma_start3A_2546 = arith.constant 0 : i32
        %dma_start3A_2547 = tpu.memref_slice %arg13[%dma_start3A_2544, %dma_start3A_2545, %dma_start3A_2546] : memref<7x64x128xf32, #tpu.memory_space<vmem>> -> memref<1x64x128xf32, #tpu.memory_space<vmem>>
        %dma_start3A_2548 = tpu.memref_squeeze %dma_start3A_2547 : memref<1x64x128xf32, #tpu.memory_space<vmem>> -> memref<64x128xf32, #tpu.memory_space<vmem>>
        %dma_start3A_2549 = arith.constant 0 : i32
        %dma_start3A_2550 = tpu.memref_slice %arg5[%dma_start3A_2549, %multiple_of3A_2530] : memref<64x1000000xf32, #tpu.memory_space<hbm>> -> memref<64x128xf32, #tpu.memory_space<hbm>>
        %dma_start3A_2551 = arith.constant 0 : i32
        %dma_start3A_2552 = arith.constant 0 : i32
        %dma_start3A_2553 = tpu.memref_slice %arg13[%dma_start3A_2544, %dma_start3A_2551, %dma_start3A_2552] : memref<7x64x128xf32, #tpu.memory_space<vmem>> -> memref<1x64x128xf32, #tpu.memory_space<vmem>>
        %dma_start3A_2554 = tpu.memref_squeeze %dma_start3A_2553 : memref<1x64x128xf32, #tpu.memory_space<vmem>> -> memref<64x128xf32, #tpu.memory_space<vmem>>
        %dma_start3A_2555 = arith.constant 0 : i32
        %dma_start3A_2556 = tpu.memref_slice %arg5[%dma_start3A_2555, %multiple_of3A_2530] : memref<64x1000000xf32, #tpu.memory_space<hbm>> -> memref<64x128xf32, #tpu.memory_space<hbm>>
        tpu.enqueue_dma source(%dma_start3A_2556 : memref<64x128xf32, #tpu.memory_space<hbm>>) target(%dma_start3A_2554 : memref<64x128xf32, #tpu.memory_space<vmem>>) target_semaphore(%arg22 : memref<!tpu.dma_semaphore, #tpu.memory_space<semaphore_mem>>)
      } else {
      }
      %eq3A_1866 = arith.constant 15 : i32
      %eq3A_1867 = arith.cmpi eq, %select_n3A_1793, %eq3A_1866 : i32
      %convert_element_type3A_1868 = arith.extui %eq3A_1867 : i1 to i32
      %cond3A_1869 = arith.constant 0 : i32
      %cond3A_1870 = arith.cmpi ne, %convert_element_type3A_1868, %cond3A_1869 : i32
      scf.if %cond3A_1870 {
        %jit3A_2436 = arith.constant 16 : i32
        %div3A_2437 = arith.divsi %add3A_1691, %jit3A_2436 : i32
        %sign3A_2438 = arith.constant 0 : i32
        %sign3A_2439 = arith.cmpi sgt, %add3A_1691, %sign3A_2438 : i32
        %sign3A_2440 = arith.extui %sign3A_2439 : i1 to i32
        %sign3A_2441 = arith.constant 0 : i32
        %sign3A_2442 = arith.cmpi slt, %add3A_1691, %sign3A_2441 : i32
        %sign3A_2443 = arith.extui %sign3A_2442 : i1 to i32
        %sign3A_2444 = arith.subi %sign3A_2440, %sign3A_2443 : i32
        %sign3A_2445 = arith.constant 0 : i32
        %sign3A_2446 = arith.cmpi sgt, %jit3A_2436, %sign3A_2445 : i32
        %sign3A_2447 = arith.extui %sign3A_2446 : i1 to i32
        %sign3A_2448 = arith.constant 0 : i32
        %sign3A_2449 = arith.cmpi slt, %jit3A_2436, %sign3A_2448 : i32
        %sign3A_2450 = arith.extui %sign3A_2449 : i1 to i32
        %sign3A_2451 = arith.subi %sign3A_2447, %sign3A_2450 : i32
        %ne3A_2452 = arith.cmpi ne, %sign3A_2444, %sign3A_2451 : i32
        %rem3A_2453 = arith.remsi %add3A_1691, %jit3A_2436 : i32
        %ne3A_2454 = arith.constant 0 : i32
        %ne3A_2455 = arith.cmpi ne, %rem3A_2453, %ne3A_2454 : i32
        %and3A_2456 = arith.andi %ne3A_2452, %ne3A_2455 : i1
        %sub3A_2457 = arith.constant 1 : i32
        %sub3A_2458 = arith.subi %div3A_2437, %sub3A_2457 : i32
        %select_n3A_2459 = arith.select %and3A_2456, %sub3A_2458, %div3A_2437 : i32
        %mul3A_2460 = arith.constant 16 : i32
        %mul3A_2461 = arith.muli %select_n3A_2459, %mul3A_2460 : i32
        %get3A_2462 = arith.index_cast %mul3A_2461 : i32 to index
        %get3A_2463 = tpu.vector_load %arg14[%get3A_2462] {strides = array<i32>} : memref<512xf32, #tpu.memory_space<vmem>>, vector<16xf32>,
        %add3A_2464 = arith.addf %select_n3A_1858, %get3A_2463 : vector<16xf32>
        %mul3A_2465 = arith.constant 16 : i32
        %mul3A_2466 = arith.muli %select_n3A_2459, %mul3A_2465 : i32
        %get3A_2467 = arith.index_cast %mul3A_2466 : i32 to index
        %get3A_2468 = tpu.vector_load %arg15[%get3A_2467] {strides = array<i32>} : memref<512xf32, #tpu.memory_space<vmem>>, vector<16xf32>,
        %add3A_2469 = arith.addf %add3A_2464, %get3A_2468 : vector<16xf32>
        %add3A_2470 = arith.addf %add3A_2469, %get3A_3 : vector<16xf32>
        %mul3A_2471 = arith.constant 16 : i32
        %mul3A_2472 = arith.muli %select_n3A_2459, %mul3A_2471 : i32
        %swap3A = arith.index_cast %mul3A_2472 : i32 to index
        %swap3A_2473 = tpu.vector_load %arg16[%swap3A] {strides = array<i32>} : memref<512xf32, #tpu.memory_space<vmem>>, vector<16xf32>,
        tpu.vector_store %arg16[%swap3A], %add3A_2470 {strides = array<i32>} : memref<512xf32, #tpu.memory_space<vmem>>, vector<16xf32>,
      } else {
      }
      %broadcast_in_dim3A_1871 = vector.broadcast %eq3A_1867 : i1 to vector<16xi1>
      %broadcast_in_dim3A_1872 = arith.constant 0.000000e+00 : f32
      %broadcast_in_dim3A_1873 = vector.broadcast %broadcast_in_dim3A_1872 : f32 to vector<16xf32>
      %select_n3A_1874 = arith.select %broadcast_in_dim3A_1871, %broadcast_in_dim3A_1873, %select_n3A_1858 : vector<16xi1>, vector<16xf32>
      %mul3A_1875 = arith.constant 7 : i32
      %mul3A_1876 = arith.muli %scan3A_1125, %mul3A_1875 : i32
      %add3A_1877 = arith.constant 4 : i32
      %add3A_1878 = arith.addi %mul3A_1876, %add3A_1877 : i32
      %dma_wait3A_1879 = arith.constant 4 : i32
      %dma_wait3A_1880 = arith.constant 0 : i32
      %dma_wait3A_1881 = arith.constant 0 : i32
      %dma_wait3A_1882 = tpu.memref_slice %arg12[%dma_wait3A_1879, %dma_wait3A_1880, %dma_wait3A_1881] : memref<7x64x128xf32, #tpu.memory_space<vmem>> -> memref<1x64x128xf32, #tpu.memory_space<vmem>>
      %dma_wait3A_1883 = tpu.memref_squeeze %dma_wait3A_1882 : memref<1x64x128xf32, #tpu.memory_space<vmem>> -> memref<64x128xf32, #tpu.memory_space<vmem>>
      %dma_wait3A_1884 = arith.constant 0 : i32
      %dma_wait3A_1885 = arith.constant 0 : i32
      %dma_wait3A_1886 = tpu.memref_slice %arg4[%dma_wait3A_1884, %dma_wait3A_1885] : memref<64x1000000xf32, #tpu.memory_space<hbm>> -> memref<64x128xf32, #tpu.memory_space<hbm>>
      %dma_wait3A_1887 = arith.constant 0 : i32
      %dma_wait3A_1888 = arith.constant 0 : i32
      %dma_wait3A_1889 = tpu.memref_slice %arg12[%dma_wait3A_1879, %dma_wait3A_1887, %dma_wait3A_1888] : memref<7x64x128xf32, #tpu.memory_space<vmem>> -> memref<1x64x128xf32, #tpu.memory_space<vmem>>
      %dma_wait3A_1890 = tpu.memref_squeeze %dma_wait3A_1889 : memref<1x64x128xf32, #tpu.memory_space<vmem>> -> memref<64x128xf32, #tpu.memory_space<vmem>>
      %dma_wait3A_1891 = arith.constant 0 : i32
      %dma_wait3A_1892 = arith.constant 0 : i32
      %dma_wait3A_1893 = tpu.memref_slice %arg4[%dma_wait3A_1891, %dma_wait3A_1892] : memref<64x1000000xf32, #tpu.memory_space<hbm>> -> memref<64x128xf32, #tpu.memory_space<hbm>>
      tpu.wait_dma2 semaphore(%arg23 : memref<!tpu.dma_semaphore, #tpu.memory_space<semaphore_mem>>) src(%dma_wait3A_1893 : memref<64x128xf32, #tpu.memory_space<hbm>>) dst(%dma_wait3A_1890 : memref<64x128xf32, #tpu.memory_space<vmem>>)
      %dma_wait3A_1894 = arith.constant 4 : i32
      %dma_wait3A_1895 = arith.constant 0 : i32
      %dma_wait3A_1896 = arith.constant 0 : i32
      %dma_wait3A_1897 = tpu.memref_slice %arg13[%dma_wait3A_1894, %dma_wait3A_1895, %dma_wait3A_1896] : memref<7x64x128xf32, #tpu.memory_space<vmem>> -> memref<1x64x128xf32, #tpu.memory_space<vmem>>
      %dma_wait3A_1898 = tpu.memref_squeeze %dma_wait3A_1897 : memref<1x64x128xf32, #tpu.memory_space<vmem>> -> memref<64x128xf32, #tpu.memory_space<vmem>>
      %dma_wait3A_1899 = arith.constant 0 : i32
      %dma_wait3A_1900 = arith.constant 0 : i32
      %dma_wait3A_1901 = tpu.memref_slice %arg5[%dma_wait3A_1899, %dma_wait3A_1900] : memref<64x1000000xf32, #tpu.memory_space<hbm>> -> memref<64x128xf32, #tpu.memory_space<hbm>>
      %dma_wait3A_1902 = arith.constant 0 : i32
      %dma_wait3A_1903 = arith.constant 0 : i32
      %dma_wait3A_1904 = tpu.memref_slice %arg13[%dma_wait3A_1894, %dma_wait3A_1902, %dma_wait3A_1903] : memref<7x64x128xf32, #tpu.memory_space<vmem>> -> memref<1x64x128xf32, #tpu.memory_space<vmem>>
      %dma_wait3A_1905 = tpu.memref_squeeze %dma_wait3A_1904 : memref<1x64x128xf32, #tpu.memory_space<vmem>> -> memref<64x128xf32, #tpu.memory_space<vmem>>
      %dma_wait3A_1906 = arith.constant 0 : i32
      %dma_wait3A_1907 = arith.constant 0 : i32
      %dma_wait3A_1908 = tpu.memref_slice %arg5[%dma_wait3A_1906, %dma_wait3A_1907] : memref<64x1000000xf32, #tpu.memory_space<hbm>> -> memref<64x128xf32, #tpu.memory_space<hbm>>
      tpu.wait_dma2 semaphore(%arg23 : memref<!tpu.dma_semaphore, #tpu.memory_space<semaphore_mem>>) src(%dma_wait3A_1908 : memref<64x128xf32, #tpu.memory_space<hbm>>) dst(%dma_wait3A_1905 : memref<64x128xf32, #tpu.memory_space<vmem>>)
      %jit3A_1909 = arith.constant 16 : i32
      %div3A_1910 = arith.divsi %add3A_1878, %jit3A_1909 : i32
      %sign3A_1911 = arith.constant 0 : i32
      %sign3A_1912 = arith.cmpi sgt, %add3A_1878, %sign3A_1911 : i32
      %sign3A_1913 = arith.extui %sign3A_1912 : i1 to i32
      %sign3A_1914 = arith.constant 0 : i32
      %sign3A_1915 = arith.cmpi slt, %add3A_1878, %sign3A_1914 : i32
      %sign3A_1916 = arith.extui %sign3A_1915 : i1 to i32
      %sign3A_1917 = arith.subi %sign3A_1913, %sign3A_1916 : i32
      %sign3A_1918 = arith.constant 0 : i32
      %sign3A_1919 = arith.cmpi sgt, %jit3A_1909, %sign3A_1918 : i32
      %sign3A_1920 = arith.extui %sign3A_1919 : i1 to i32
      %sign3A_1921 = arith.constant 0 : i32
      %sign3A_1922 = arith.cmpi slt, %jit3A_1909, %sign3A_1921 : i32
      %sign3A_1923 = arith.extui %sign3A_1922 : i1 to i32
      %sign3A_1924 = arith.subi %sign3A_1920, %sign3A_1923 : i32
      %ne3A_1925 = arith.cmpi ne, %sign3A_1917, %sign3A_1924 : i32
      %rem3A_1926 = arith.remsi %add3A_1878, %jit3A_1909 : i32
      %ne3A_1927 = arith.constant 0 : i32
      %ne3A_1928 = arith.cmpi ne, %rem3A_1926, %ne3A_1927 : i32
      %and3A_1929 = arith.andi %ne3A_1925, %ne3A_1928 : i1
      %sub3A_1930 = arith.constant 1 : i32
      %sub3A_1931 = arith.subi %div3A_1910, %sub3A_1930 : i32
      %select_n3A_1932 = arith.select %and3A_1929, %sub3A_1931, %div3A_1910 : i32
      %mul3A_1933 = arith.constant 16 : i32
      %mul3A_1934 = arith.muli %select_n3A_1932, %mul3A_1933 : i32
      %get3A_1935 = arith.index_cast %mul3A_1934 : i32 to index
      %get3A_1936 = tpu.vector_load %arg10[%get3A_1935] {strides = array<i32>} : memref<512xi32, #tpu.memory_space<vmem>>, vector<16xi32>,
      %jit3A_1937 = arith.constant 16 : i32
      %div3A_1938 = arith.divsi %add3A_1878, %jit3A_1937 : i32
      %sign3A_1939 = arith.constant 0 : i32
      %sign3A_1940 = arith.cmpi sgt, %add3A_1878, %sign3A_1939 : i32
      %sign3A_1941 = arith.extui %sign3A_1940 : i1 to i32
      %sign3A_1942 = arith.constant 0 : i32
      %sign3A_1943 = arith.cmpi slt, %add3A_1878, %sign3A_1942 : i32
      %sign3A_1944 = arith.extui %sign3A_1943 : i1 to i32
      %sign3A_1945 = arith.subi %sign3A_1941, %sign3A_1944 : i32
      %sign3A_1946 = arith.constant 0 : i32
      %sign3A_1947 = arith.cmpi sgt, %jit3A_1937, %sign3A_1946 : i32
      %sign3A_1948 = arith.extui %sign3A_1947 : i1 to i32
      %sign3A_1949 = arith.constant 0 : i32
      %sign3A_1950 = arith.cmpi slt, %jit3A_1937, %sign3A_1949 : i32
      %sign3A_1951 = arith.extui %sign3A_1950 : i1 to i32
      %sign3A_1952 = arith.subi %sign3A_1948, %sign3A_1951 : i32
      %ne3A_1953 = arith.cmpi ne, %sign3A_1945, %sign3A_1952 : i32
      %rem3A_1954 = arith.remsi %add3A_1878, %jit3A_1937 : i32
      %ne3A_1955 = arith.constant 0 : i32
      %ne3A_1956 = arith.cmpi ne, %rem3A_1954, %ne3A_1955 : i32
      %and3A_1957 = arith.andi %ne3A_1953, %ne3A_1956 : i1
      %sub3A_1958 = arith.constant 1 : i32
      %sub3A_1959 = arith.subi %div3A_1938, %sub3A_1958 : i32
      %select_n3A_1960 = arith.select %and3A_1957, %sub3A_1959, %div3A_1938 : i32
      %mul3A_1961 = arith.constant 16 : i32
      %mul3A_1962 = arith.muli %select_n3A_1960, %mul3A_1961 : i32
      %get3A_1963 = arith.index_cast %mul3A_1962 : i32 to index
      %get3A_1964 = tpu.vector_load %arg11[%get3A_1963] {strides = array<i32>} : memref<512xi32, #tpu.memory_space<vmem>>, vector<16xi32>,
      %jit3A_1965 = arith.constant 16 : i32
      %eq3A_1966 = arith.constant 0 : i32
      %eq3A_1967 = arith.cmpi eq, %jit3A_1965, %eq3A_1966 : i32
      %jit3A_1968 = arith.constant 1 : i32
      %select_n3A_1969 = arith.select %eq3A_1967, %jit3A_1968, %jit3A_1965 : i32
      %rem3A_1970 = arith.remsi %add3A_1878, %select_n3A_1969 : i32
      %ne3A_1971 = arith.constant 0 : i32
      %ne3A_1972 = arith.cmpi ne, %rem3A_1970, %ne3A_1971 : i32
      %lt3A_1973 = arith.constant 0 : i32
      %lt3A_1974 = arith.cmpi slt, %rem3A_1970, %lt3A_1973 : i32
      %lt3A_1975 = arith.constant 0 : i32
      %lt3A_1976 = arith.cmpi slt, %select_n3A_1969, %lt3A_1975 : i32
      %ne3A_1977 = arith.xori %lt3A_1974, %lt3A_1976 : i1
      %and3A_1978 = arith.andi %ne3A_1977, %ne3A_1972 : i1
      %add3A_1979 = arith.addi %rem3A_1970, %select_n3A_1969 : i32
      %select_n3A_1980 = arith.select %and3A_1978, %add3A_1979, %rem3A_1970 : i32
      %eq3A_1981 = vector.broadcast %select_n3A_1980 : i32 to vector<16xi32>
      %eq3A_1982 = arith.cmpi eq, %iota3A, %eq3A_1981 : vector<16xi32>
      %jit3A_1983 = arith.constant 1 : i32
      %jit3A_1984 = arith.constant 0 : i32
      %broadcast_in_dim3A_1985 = vector.broadcast %jit3A_1983 : i32 to vector<16xi32>
      %broadcast_in_dim3A_1986 = vector.broadcast %jit3A_1984 : i32 to vector<16xi32>
      %select_n3A_1987 = arith.select %eq3A_1982, %broadcast_in_dim3A_1985, %broadcast_in_dim3A_1986 : vector<16xi1>, vector<16xi32>
      %and3A_1988 = arith.constant 127 : i32
      %and3A_1989 = vector.broadcast %and3A_1988 : i32 to vector<16xi32>
      %and3A_1990 = arith.andi %get3A_1936, %and3A_1989 : vector<16xi32>
      %mul3A_1991 = arith.muli %and3A_1990, %select_n3A_1987 : vector<16xi32>
      %reduce_sum3A_1992 = arith.constant true
      %reduce_sum3A_1993 = vector.broadcast %reduce_sum3A_1992 : i1 to vector<16xi1>
      %reduce_sum3A_1994 = tpu.scan <sum>, %mul3A_1991 masked %reduce_sum3A_1993 : vector<16xi32>, vector<16xi1> -> vector<16xi32>
      %reduce_sum3A_1995 = vector.extract %reduce_sum3A_1994[15] : i32 from vector<16xi32>
      %broadcast_in_dim3A_1996 = vector.broadcast %reduce_sum3A_1995 : i32 to vector<16xi32>
      %and3A_1997 = arith.constant 127 : i32
      %and3A_1998 = vector.broadcast %and3A_1997 : i32 to vector<16xi32>
      %and3A_1999 = arith.andi %get3A_1964, %and3A_1998 : vector<16xi32>
      %mul3A_2000 = arith.muli %and3A_1999, %select_n3A_1987 : vector<16xi32>
      %reduce_sum3A_2001 = arith.constant true
      %reduce_sum3A_2002 = vector.broadcast %reduce_sum3A_2001 : i1 to vector<16xi1>
      %reduce_sum3A_2003 = tpu.scan <sum>, %mul3A_2000 masked %reduce_sum3A_2002 : vector<16xi32>, vector<16xi1> -> vector<16xi32>
      %reduce_sum3A_2004 = vector.extract %reduce_sum3A_2003[15] : i32 from vector<16xi32>
      %broadcast_in_dim3A_2005 = vector.broadcast %reduce_sum3A_2004 : i32 to vector<16xi32>
      %broadcast_in_dim3A_2006 = arith.constant 4 : i32
      %broadcast_in_dim3A_2007 = vector.broadcast %broadcast_in_dim3A_2006 : i32 to vector<16xi32>
      %broadcast_in_dim3A_2008 = arith.constant 0.000000e+00 : f32
      %broadcast_in_dim3A_2009 = vector.broadcast %broadcast_in_dim3A_2008 : f32 to vector<16xf32>
      %add3A_2010 = arith.constant 0 : i32
      %add3A_2011 = vector.broadcast %add3A_2010 : i32 to vector<16xi32>
      %add3A_2012 = arith.addi %iota3A, %add3A_2011 : vector<16xi32>
      %gather3A_2013 = tpu.vector_load_idx %arg12[%broadcast_in_dim3A_2007, %add3A_2012, %broadcast_in_dim3A_1996] : memref<7x64x128xf32, #tpu.memory_space<vmem>>[vector<16xi32>, vector<16xi32>, vector<16xi32>], vector<16xf32>,
      %gather3A_2014 = tpu.vector_load_idx %arg13[%broadcast_in_dim3A_2007, %add3A_2012, %broadcast_in_dim3A_2005] : memref<7x64x128xf32, #tpu.memory_space<vmem>>[vector<16xi32>, vector<16xi32>, vector<16xi32>], vector<16xf32>,
      %mul3A_2015 = arith.mulf %gather3A_2013, %gather3A_2014 : vector<16xf32>
      %add3A_2016 = arith.addf %broadcast_in_dim3A_2009, %mul3A_2015 : vector<16xf32>
      %add3A_2017 = arith.constant 16 : i32
      %add3A_2018 = vector.broadcast %add3A_2017 : i32 to vector<16xi32>
      %add3A_2019 = arith.addi %iota3A, %add3A_2018 : vector<16xi32>
      %gather3A_2020 = tpu.vector_load_idx %arg12[%broadcast_in_dim3A_2007, %add3A_2019, %broadcast_in_dim3A_1996] : memref<7x64x128xf32, #tpu.memory_space<vmem>>[vector<16xi32>, vector<16xi32>, vector<16xi32>], vector<16xf32>,
      %gather3A_2021 = tpu.vector_load_idx %arg13[%broadcast_in_dim3A_2007, %add3A_2019, %broadcast_in_dim3A_2005] : memref<7x64x128xf32, #tpu.memory_space<vmem>>[vector<16xi32>, vector<16xi32>, vector<16xi32>], vector<16xf32>,
      %mul3A_2022 = arith.mulf %gather3A_2020, %gather3A_2021 : vector<16xf32>
      %add3A_2023 = arith.addf %add3A_2016, %mul3A_2022 : vector<16xf32>
      %add3A_2024 = arith.constant 32 : i32
      %add3A_2025 = vector.broadcast %add3A_2024 : i32 to vector<16xi32>
      %add3A_2026 = arith.addi %iota3A, %add3A_2025 : vector<16xi32>
      %gather3A_2027 = tpu.vector_load_idx %arg12[%broadcast_in_dim3A_2007, %add3A_2026, %broadcast_in_dim3A_1996] : memref<7x64x128xf32, #tpu.memory_space<vmem>>[vector<16xi32>, vector<16xi32>, vector<16xi32>], vector<16xf32>,
      %gather3A_2028 = tpu.vector_load_idx %arg13[%broadcast_in_dim3A_2007, %add3A_2026, %broadcast_in_dim3A_2005] : memref<7x64x128xf32, #tpu.memory_space<vmem>>[vector<16xi32>, vector<16xi32>, vector<16xi32>], vector<16xf32>,
      %mul3A_2029 = arith.mulf %gather3A_2027, %gather3A_2028 : vector<16xf32>
      %add3A_2030 = arith.addf %add3A_2023, %mul3A_2029 : vector<16xf32>
      %add3A_2031 = arith.constant 48 : i32
      %add3A_2032 = vector.broadcast %add3A_2031 : i32 to vector<16xi32>
      %add3A_2033 = arith.addi %iota3A, %add3A_2032 : vector<16xi32>
      %gather3A_2034 = tpu.vector_load_idx %arg12[%broadcast_in_dim3A_2007, %add3A_2033, %broadcast_in_dim3A_1996] : memref<7x64x128xf32, #tpu.memory_space<vmem>>[vector<16xi32>, vector<16xi32>, vector<16xi32>], vector<16xf32>,
      %gather3A_2035 = tpu.vector_load_idx %arg13[%broadcast_in_dim3A_2007, %add3A_2033, %broadcast_in_dim3A_2005] : memref<7x64x128xf32, #tpu.memory_space<vmem>>[vector<16xi32>, vector<16xi32>, vector<16xi32>], vector<16xf32>,
      %mul3A_2036 = arith.mulf %gather3A_2034, %gather3A_2035 : vector<16xf32>
      %add3A_2037 = arith.addf %add3A_2030, %mul3A_2036 : vector<16xf32>
      %eq3A_2038 = vector.broadcast %select_n3A_1980 : i32 to vector<16xi32>
      %eq3A_2039 = arith.cmpi eq, %iota3A, %eq3A_2038 : vector<16xi32>
      %reduce_sum3A_2040 = arith.constant true
      %reduce_sum3A_2041 = vector.broadcast %reduce_sum3A_2040 : i1 to vector<16xi1>
      %reduce_sum3A_2042 = tpu.scan <sum>, %add3A_2037 masked %reduce_sum3A_2041 : vector<16xf32>, vector<16xi1> -> vector<16xf32>
      %reduce_sum3A_2043 = vector.extract %reduce_sum3A_2042[15] : f32 from vector<16xf32>
      %broadcast_in_dim3A_2044 = vector.broadcast %reduce_sum3A_2043 : f32 to vector<16xf32>
      %select_n3A_2045 = arith.select %eq3A_2039, %broadcast_in_dim3A_2044, %select_n3A_1874 : vector<16xi1>, vector<16xf32>
      %add3A_2046 = arith.constant 7 : i32
      %add3A_2047 = arith.addi %add3A_1878, %add3A_2046 : i32
      %lt3A_2048 = arith.constant 512 : i32
      %lt3A_2049 = arith.cmpi slt, %add3A_2047, %lt3A_2048 : i32
      %convert_element_type3A_2050 = arith.extui %lt3A_2049 : i1 to i32
      %cond3A_2051 = arith.constant 0 : i32
      %cond3A_2052 = arith.cmpi ne, %convert_element_type3A_2050, %cond3A_2051 : i32
      scf.if %cond3A_2052 {
        %add3A_2436 = arith.constant 7 : i32
        %add3A_2437 = arith.addi %add3A_1878, %add3A_2436 : i32
        %jit3A_2438 = arith.constant 16 : i32
        %div3A_2439 = arith.divsi %add3A_2437, %jit3A_2438 : i32
        %sign3A_2440 = arith.constant 0 : i32
        %sign3A_2441 = arith.cmpi sgt, %add3A_2437, %sign3A_2440 : i32
        %sign3A_2442 = arith.extui %sign3A_2441 : i1 to i32
        %sign3A_2443 = arith.constant 0 : i32
        %sign3A_2444 = arith.cmpi slt, %add3A_2437, %sign3A_2443 : i32
        %sign3A_2445 = arith.extui %sign3A_2444 : i1 to i32
        %sign3A_2446 = arith.subi %sign3A_2442, %sign3A_2445 : i32
        %sign3A_2447 = arith.constant 0 : i32
        %sign3A_2448 = arith.cmpi sgt, %jit3A_2438, %sign3A_2447 : i32
        %sign3A_2449 = arith.extui %sign3A_2448 : i1 to i32
        %sign3A_2450 = arith.constant 0 : i32
        %sign3A_2451 = arith.cmpi slt, %jit3A_2438, %sign3A_2450 : i32
        %sign3A_2452 = arith.extui %sign3A_2451 : i1 to i32
        %sign3A_2453 = arith.subi %sign3A_2449, %sign3A_2452 : i32
        %ne3A_2454 = arith.cmpi ne, %sign3A_2446, %sign3A_2453 : i32
        %rem3A_2455 = arith.remsi %add3A_2437, %jit3A_2438 : i32
        %ne3A_2456 = arith.constant 0 : i32
        %ne3A_2457 = arith.cmpi ne, %rem3A_2455, %ne3A_2456 : i32
        %and3A_2458 = arith.andi %ne3A_2454, %ne3A_2457 : i1
        %sub3A_2459 = arith.constant 1 : i32
        %sub3A_2460 = arith.subi %div3A_2439, %sub3A_2459 : i32
        %select_n3A_2461 = arith.select %and3A_2458, %sub3A_2460, %div3A_2439 : i32
        %mul3A_2462 = arith.constant 16 : i32
        %mul3A_2463 = arith.muli %select_n3A_2461, %mul3A_2462 : i32
        %get3A_2464 = arith.index_cast %mul3A_2463 : i32 to index
        %get3A_2465 = tpu.vector_load %arg10[%get3A_2464] {strides = array<i32>} : memref<512xi32, #tpu.memory_space<vmem>>, vector<16xi32>,
        %jit3A_2466 = arith.constant 16 : i32
        %div3A_2467 = arith.divsi %add3A_2437, %jit3A_2466 : i32
        %sign3A_2468 = arith.constant 0 : i32
        %sign3A_2469 = arith.cmpi sgt, %add3A_2437, %sign3A_2468 : i32
        %sign3A_2470 = arith.extui %sign3A_2469 : i1 to i32
        %sign3A_2471 = arith.constant 0 : i32
        %sign3A_2472 = arith.cmpi slt, %add3A_2437, %sign3A_2471 : i32
        %sign3A_2473 = arith.extui %sign3A_2472 : i1 to i32
        %sign3A_2474 = arith.subi %sign3A_2470, %sign3A_2473 : i32
        %sign3A_2475 = arith.constant 0 : i32
        %sign3A_2476 = arith.cmpi sgt, %jit3A_2466, %sign3A_2475 : i32
        %sign3A_2477 = arith.extui %sign3A_2476 : i1 to i32
        %sign3A_2478 = arith.constant 0 : i32
        %sign3A_2479 = arith.cmpi slt, %jit3A_2466, %sign3A_2478 : i32
        %sign3A_2480 = arith.extui %sign3A_2479 : i1 to i32
        %sign3A_2481 = arith.subi %sign3A_2477, %sign3A_2480 : i32
        %ne3A_2482 = arith.cmpi ne, %sign3A_2474, %sign3A_2481 : i32
        %rem3A_2483 = arith.remsi %add3A_2437, %jit3A_2466 : i32
        %ne3A_2484 = arith.constant 0 : i32
        %ne3A_2485 = arith.cmpi ne, %rem3A_2483, %ne3A_2484 : i32
        %and3A_2486 = arith.andi %ne3A_2482, %ne3A_2485 : i1
        %sub3A_2487 = arith.constant 1 : i32
        %sub3A_2488 = arith.subi %div3A_2467, %sub3A_2487 : i32
        %select_n3A_2489 = arith.select %and3A_2486, %sub3A_2488, %div3A_2467 : i32
        %mul3A_2490 = arith.constant 16 : i32
        %mul3A_2491 = arith.muli %select_n3A_2489, %mul3A_2490 : i32
        %get3A_2492 = arith.index_cast %mul3A_2491 : i32 to index
        %get3A_2493 = tpu.vector_load %arg11[%get3A_2492] {strides = array<i32>} : memref<512xi32, #tpu.memory_space<vmem>>, vector<16xi32>,
        %jit3A_2494 = arith.constant 16 : i32
        %eq3A_2495 = arith.constant 0 : i32
        %eq3A_2496 = arith.cmpi eq, %jit3A_2494, %eq3A_2495 : i32
        %jit3A_2497 = arith.constant 1 : i32
        %select_n3A_2498 = arith.select %eq3A_2496, %jit3A_2497, %jit3A_2494 : i32
        %rem3A_2499 = arith.remsi %add3A_2437, %select_n3A_2498 : i32
        %ne3A_2500 = arith.constant 0 : i32
        %ne3A_2501 = arith.cmpi ne, %rem3A_2499, %ne3A_2500 : i32
        %lt3A_2502 = arith.constant 0 : i32
        %lt3A_2503 = arith.cmpi slt, %rem3A_2499, %lt3A_2502 : i32
        %lt3A_2504 = arith.constant 0 : i32
        %lt3A_2505 = arith.cmpi slt, %select_n3A_2498, %lt3A_2504 : i32
        %ne3A_2506 = arith.xori %lt3A_2503, %lt3A_2505 : i1
        %and3A_2507 = arith.andi %ne3A_2506, %ne3A_2501 : i1
        %add3A_2508 = arith.addi %rem3A_2499, %select_n3A_2498 : i32
        %select_n3A_2509 = arith.select %and3A_2507, %add3A_2508, %rem3A_2499 : i32
        %eq3A_2510 = vector.broadcast %select_n3A_2509 : i32 to vector<16xi32>
        %eq3A_2511 = arith.cmpi eq, %iota3A, %eq3A_2510 : vector<16xi32>
        %jit3A_2512 = arith.constant 1 : i32
        %jit3A_2513 = arith.constant 0 : i32
        %broadcast_in_dim3A_2514 = vector.broadcast %jit3A_2512 : i32 to vector<16xi32>
        %broadcast_in_dim3A_2515 = vector.broadcast %jit3A_2513 : i32 to vector<16xi32>
        %select_n3A_2516 = arith.select %eq3A_2511, %broadcast_in_dim3A_2514, %broadcast_in_dim3A_2515 : vector<16xi1>, vector<16xi32>
        %mul3A_2517 = arith.muli %get3A_2465, %select_n3A_2516 : vector<16xi32>
        %reduce_sum3A_2518 = arith.constant true
        %reduce_sum3A_2519 = vector.broadcast %reduce_sum3A_2518 : i1 to vector<16xi1>
        %reduce_sum3A_2520 = tpu.scan <sum>, %mul3A_2517 masked %reduce_sum3A_2519 : vector<16xi32>, vector<16xi1> -> vector<16xi32>
        %reduce_sum3A_2521 = vector.extract %reduce_sum3A_2520[15] : i32 from vector<16xi32>
        %and3A_2522 = arith.andi %reduce_sum3A_2521, %not3A_5 : i32
        %multiple_of3A_2523 = tpu.assume_multiple %and3A_2522, 128 : i32
        %mul3A_2524 = arith.muli %get3A_2493, %select_n3A_2516 : vector<16xi32>
        %reduce_sum3A_2525 = arith.constant true
        %reduce_sum3A_2526 = vector.broadcast %reduce_sum3A_2525 : i1 to vector<16xi1>
        %reduce_sum3A_2527 = tpu.scan <sum>, %mul3A_2524 masked %reduce_sum3A_2526 : vector<16xi32>, vector<16xi1> -> vector<16xi32>
        %reduce_sum3A_2528 = vector.extract %reduce_sum3A_2527[15] : i32 from vector<16xi32>
        %and3A_2529 = arith.andi %reduce_sum3A_2528, %not3A_5 : i32
        %multiple_of3A_2530 = tpu.assume_multiple %and3A_2529, 128 : i32
        %dma_start3A_2531 = arith.constant 4 : i32
        %dma_start3A_2532 = arith.constant 0 : i32
        %dma_start3A_2533 = arith.constant 0 : i32
        %dma_start3A_2534 = tpu.memref_slice %arg12[%dma_start3A_2531, %dma_start3A_2532, %dma_start3A_2533] : memref<7x64x128xf32, #tpu.memory_space<vmem>> -> memref<1x64x128xf32, #tpu.memory_space<vmem>>
        %dma_start3A_2535 = tpu.memref_squeeze %dma_start3A_2534 : memref<1x64x128xf32, #tpu.memory_space<vmem>> -> memref<64x128xf32, #tpu.memory_space<vmem>>
        %dma_start3A_2536 = arith.constant 0 : i32
        %dma_start3A_2537 = tpu.memref_slice %arg4[%dma_start3A_2536, %multiple_of3A_2523] : memref<64x1000000xf32, #tpu.memory_space<hbm>> -> memref<64x128xf32, #tpu.memory_space<hbm>>
        %dma_start3A_2538 = arith.constant 0 : i32
        %dma_start3A_2539 = arith.constant 0 : i32
        %dma_start3A_2540 = tpu.memref_slice %arg12[%dma_start3A_2531, %dma_start3A_2538, %dma_start3A_2539] : memref<7x64x128xf32, #tpu.memory_space<vmem>> -> memref<1x64x128xf32, #tpu.memory_space<vmem>>
        %dma_start3A_2541 = tpu.memref_squeeze %dma_start3A_2540 : memref<1x64x128xf32, #tpu.memory_space<vmem>> -> memref<64x128xf32, #tpu.memory_space<vmem>>
        %dma_start3A_2542 = arith.constant 0 : i32
        %dma_start3A_2543 = tpu.memref_slice %arg4[%dma_start3A_2542, %multiple_of3A_2523] : memref<64x1000000xf32, #tpu.memory_space<hbm>> -> memref<64x128xf32, #tpu.memory_space<hbm>>
        tpu.enqueue_dma source(%dma_start3A_2543 : memref<64x128xf32, #tpu.memory_space<hbm>>) target(%dma_start3A_2541 : memref<64x128xf32, #tpu.memory_space<vmem>>) target_semaphore(%arg23 : memref<!tpu.dma_semaphore, #tpu.memory_space<semaphore_mem>>)
        %dma_start3A_2544 = arith.constant 4 : i32
        %dma_start3A_2545 = arith.constant 0 : i32
        %dma_start3A_2546 = arith.constant 0 : i32
        %dma_start3A_2547 = tpu.memref_slice %arg13[%dma_start3A_2544, %dma_start3A_2545, %dma_start3A_2546] : memref<7x64x128xf32, #tpu.memory_space<vmem>> -> memref<1x64x128xf32, #tpu.memory_space<vmem>>
        %dma_start3A_2548 = tpu.memref_squeeze %dma_start3A_2547 : memref<1x64x128xf32, #tpu.memory_space<vmem>> -> memref<64x128xf32, #tpu.memory_space<vmem>>
        %dma_start3A_2549 = arith.constant 0 : i32
        %dma_start3A_2550 = tpu.memref_slice %arg5[%dma_start3A_2549, %multiple_of3A_2530] : memref<64x1000000xf32, #tpu.memory_space<hbm>> -> memref<64x128xf32, #tpu.memory_space<hbm>>
        %dma_start3A_2551 = arith.constant 0 : i32
        %dma_start3A_2552 = arith.constant 0 : i32
        %dma_start3A_2553 = tpu.memref_slice %arg13[%dma_start3A_2544, %dma_start3A_2551, %dma_start3A_2552] : memref<7x64x128xf32, #tpu.memory_space<vmem>> -> memref<1x64x128xf32, #tpu.memory_space<vmem>>
        %dma_start3A_2554 = tpu.memref_squeeze %dma_start3A_2553 : memref<1x64x128xf32, #tpu.memory_space<vmem>> -> memref<64x128xf32, #tpu.memory_space<vmem>>
        %dma_start3A_2555 = arith.constant 0 : i32
        %dma_start3A_2556 = tpu.memref_slice %arg5[%dma_start3A_2555, %multiple_of3A_2530] : memref<64x1000000xf32, #tpu.memory_space<hbm>> -> memref<64x128xf32, #tpu.memory_space<hbm>>
        tpu.enqueue_dma source(%dma_start3A_2556 : memref<64x128xf32, #tpu.memory_space<hbm>>) target(%dma_start3A_2554 : memref<64x128xf32, #tpu.memory_space<vmem>>) target_semaphore(%arg23 : memref<!tpu.dma_semaphore, #tpu.memory_space<semaphore_mem>>)
      } else {
      }
      %eq3A_2053 = arith.constant 15 : i32
      %eq3A_2054 = arith.cmpi eq, %select_n3A_1980, %eq3A_2053 : i32
      %convert_element_type3A_2055 = arith.extui %eq3A_2054 : i1 to i32
      %cond3A_2056 = arith.constant 0 : i32
      %cond3A_2057 = arith.cmpi ne, %convert_element_type3A_2055, %cond3A_2056 : i32
      scf.if %cond3A_2057 {
        %jit3A_2436 = arith.constant 16 : i32
        %div3A_2437 = arith.divsi %add3A_1878, %jit3A_2436 : i32
        %sign3A_2438 = arith.constant 0 : i32
        %sign3A_2439 = arith.cmpi sgt, %add3A_1878, %sign3A_2438 : i32
        %sign3A_2440 = arith.extui %sign3A_2439 : i1 to i32
        %sign3A_2441 = arith.constant 0 : i32
        %sign3A_2442 = arith.cmpi slt, %add3A_1878, %sign3A_2441 : i32
        %sign3A_2443 = arith.extui %sign3A_2442 : i1 to i32
        %sign3A_2444 = arith.subi %sign3A_2440, %sign3A_2443 : i32
        %sign3A_2445 = arith.constant 0 : i32
        %sign3A_2446 = arith.cmpi sgt, %jit3A_2436, %sign3A_2445 : i32
        %sign3A_2447 = arith.extui %sign3A_2446 : i1 to i32
        %sign3A_2448 = arith.constant 0 : i32
        %sign3A_2449 = arith.cmpi slt, %jit3A_2436, %sign3A_2448 : i32
        %sign3A_2450 = arith.extui %sign3A_2449 : i1 to i32
        %sign3A_2451 = arith.subi %sign3A_2447, %sign3A_2450 : i32
        %ne3A_2452 = arith.cmpi ne, %sign3A_2444, %sign3A_2451 : i32
        %rem3A_2453 = arith.remsi %add3A_1878, %jit3A_2436 : i32
        %ne3A_2454 = arith.constant 0 : i32
        %ne3A_2455 = arith.cmpi ne, %rem3A_2453, %ne3A_2454 : i32
        %and3A_2456 = arith.andi %ne3A_2452, %ne3A_2455 : i1
        %sub3A_2457 = arith.constant 1 : i32
        %sub3A_2458 = arith.subi %div3A_2437, %sub3A_2457 : i32
        %select_n3A_2459 = arith.select %and3A_2456, %sub3A_2458, %div3A_2437 : i32
        %mul3A_2460 = arith.constant 16 : i32
        %mul3A_2461 = arith.muli %select_n3A_2459, %mul3A_2460 : i32
        %get3A_2462 = arith.index_cast %mul3A_2461 : i32 to index
        %get3A_2463 = tpu.vector_load %arg14[%get3A_2462] {strides = array<i32>} : memref<512xf32, #tpu.memory_space<vmem>>, vector<16xf32>,
        %add3A_2464 = arith.addf %select_n3A_2045, %get3A_2463 : vector<16xf32>
        %mul3A_2465 = arith.constant 16 : i32
        %mul3A_2466 = arith.muli %select_n3A_2459, %mul3A_2465 : i32
        %get3A_2467 = arith.index_cast %mul3A_2466 : i32 to index
        %get3A_2468 = tpu.vector_load %arg15[%get3A_2467] {strides = array<i32>} : memref<512xf32, #tpu.memory_space<vmem>>, vector<16xf32>,
        %add3A_2469 = arith.addf %add3A_2464, %get3A_2468 : vector<16xf32>
        %add3A_2470 = arith.addf %add3A_2469, %get3A_3 : vector<16xf32>
        %mul3A_2471 = arith.constant 16 : i32
        %mul3A_2472 = arith.muli %select_n3A_2459, %mul3A_2471 : i32
        %swap3A = arith.index_cast %mul3A_2472 : i32 to index
        %swap3A_2473 = tpu.vector_load %arg16[%swap3A] {strides = array<i32>} : memref<512xf32, #tpu.memory_space<vmem>>, vector<16xf32>,
        tpu.vector_store %arg16[%swap3A], %add3A_2470 {strides = array<i32>} : memref<512xf32, #tpu.memory_space<vmem>>, vector<16xf32>,
      } else {
      }
      %broadcast_in_dim3A_2058 = vector.broadcast %eq3A_2054 : i1 to vector<16xi1>
      %broadcast_in_dim3A_2059 = arith.constant 0.000000e+00 : f32
      %broadcast_in_dim3A_2060 = vector.broadcast %broadcast_in_dim3A_2059 : f32 to vector<16xf32>
      %select_n3A_2061 = arith.select %broadcast_in_dim3A_2058, %broadcast_in_dim3A_2060, %select_n3A_2045 : vector<16xi1>, vector<16xf32>
      %mul3A_2062 = arith.constant 7 : i32
      %mul3A_2063 = arith.muli %scan3A_1125, %mul3A_2062 : i32
      %add3A_2064 = arith.constant 5 : i32
      %add3A_2065 = arith.addi %mul3A_2063, %add3A_2064 : i32
      %dma_wait3A_2066 = arith.constant 5 : i32
      %dma_wait3A_2067 = arith.constant 0 : i32
      %dma_wait3A_2068 = arith.constant 0 : i32
      %dma_wait3A_2069 = tpu.memref_slice %arg12[%dma_wait3A_2066, %dma_wait3A_2067, %dma_wait3A_2068] : memref<7x64x128xf32, #tpu.memory_space<vmem>> -> memref<1x64x128xf32, #tpu.memory_space<vmem>>
      %dma_wait3A_2070 = tpu.memref_squeeze %dma_wait3A_2069 : memref<1x64x128xf32, #tpu.memory_space<vmem>> -> memref<64x128xf32, #tpu.memory_space<vmem>>
      %dma_wait3A_2071 = arith.constant 0 : i32
      %dma_wait3A_2072 = arith.constant 0 : i32
      %dma_wait3A_2073 = tpu.memref_slice %arg4[%dma_wait3A_2071, %dma_wait3A_2072] : memref<64x1000000xf32, #tpu.memory_space<hbm>> -> memref<64x128xf32, #tpu.memory_space<hbm>>
      %dma_wait3A_2074 = arith.constant 0 : i32
      %dma_wait3A_2075 = arith.constant 0 : i32
      %dma_wait3A_2076 = tpu.memref_slice %arg12[%dma_wait3A_2066, %dma_wait3A_2074, %dma_wait3A_2075] : memref<7x64x128xf32, #tpu.memory_space<vmem>> -> memref<1x64x128xf32, #tpu.memory_space<vmem>>
      %dma_wait3A_2077 = tpu.memref_squeeze %dma_wait3A_2076 : memref<1x64x128xf32, #tpu.memory_space<vmem>> -> memref<64x128xf32, #tpu.memory_space<vmem>>
      %dma_wait3A_2078 = arith.constant 0 : i32
      %dma_wait3A_2079 = arith.constant 0 : i32
      %dma_wait3A_2080 = tpu.memref_slice %arg4[%dma_wait3A_2078, %dma_wait3A_2079] : memref<64x1000000xf32, #tpu.memory_space<hbm>> -> memref<64x128xf32, #tpu.memory_space<hbm>>
      tpu.wait_dma2 semaphore(%arg24 : memref<!tpu.dma_semaphore, #tpu.memory_space<semaphore_mem>>) src(%dma_wait3A_2080 : memref<64x128xf32, #tpu.memory_space<hbm>>) dst(%dma_wait3A_2077 : memref<64x128xf32, #tpu.memory_space<vmem>>)
      %dma_wait3A_2081 = arith.constant 5 : i32
      %dma_wait3A_2082 = arith.constant 0 : i32
      %dma_wait3A_2083 = arith.constant 0 : i32
      %dma_wait3A_2084 = tpu.memref_slice %arg13[%dma_wait3A_2081, %dma_wait3A_2082, %dma_wait3A_2083] : memref<7x64x128xf32, #tpu.memory_space<vmem>> -> memref<1x64x128xf32, #tpu.memory_space<vmem>>
      %dma_wait3A_2085 = tpu.memref_squeeze %dma_wait3A_2084 : memref<1x64x128xf32, #tpu.memory_space<vmem>> -> memref<64x128xf32, #tpu.memory_space<vmem>>
      %dma_wait3A_2086 = arith.constant 0 : i32
      %dma_wait3A_2087 = arith.constant 0 : i32
      %dma_wait3A_2088 = tpu.memref_slice %arg5[%dma_wait3A_2086, %dma_wait3A_2087] : memref<64x1000000xf32, #tpu.memory_space<hbm>> -> memref<64x128xf32, #tpu.memory_space<hbm>>
      %dma_wait3A_2089 = arith.constant 0 : i32
      %dma_wait3A_2090 = arith.constant 0 : i32
      %dma_wait3A_2091 = tpu.memref_slice %arg13[%dma_wait3A_2081, %dma_wait3A_2089, %dma_wait3A_2090] : memref<7x64x128xf32, #tpu.memory_space<vmem>> -> memref<1x64x128xf32, #tpu.memory_space<vmem>>
      %dma_wait3A_2092 = tpu.memref_squeeze %dma_wait3A_2091 : memref<1x64x128xf32, #tpu.memory_space<vmem>> -> memref<64x128xf32, #tpu.memory_space<vmem>>
      %dma_wait3A_2093 = arith.constant 0 : i32
      %dma_wait3A_2094 = arith.constant 0 : i32
      %dma_wait3A_2095 = tpu.memref_slice %arg5[%dma_wait3A_2093, %dma_wait3A_2094] : memref<64x1000000xf32, #tpu.memory_space<hbm>> -> memref<64x128xf32, #tpu.memory_space<hbm>>
      tpu.wait_dma2 semaphore(%arg24 : memref<!tpu.dma_semaphore, #tpu.memory_space<semaphore_mem>>) src(%dma_wait3A_2095 : memref<64x128xf32, #tpu.memory_space<hbm>>) dst(%dma_wait3A_2092 : memref<64x128xf32, #tpu.memory_space<vmem>>)
      %jit3A_2096 = arith.constant 16 : i32
      %div3A_2097 = arith.divsi %add3A_2065, %jit3A_2096 : i32
      %sign3A_2098 = arith.constant 0 : i32
      %sign3A_2099 = arith.cmpi sgt, %add3A_2065, %sign3A_2098 : i32
      %sign3A_2100 = arith.extui %sign3A_2099 : i1 to i32
      %sign3A_2101 = arith.constant 0 : i32
      %sign3A_2102 = arith.cmpi slt, %add3A_2065, %sign3A_2101 : i32
      %sign3A_2103 = arith.extui %sign3A_2102 : i1 to i32
      %sign3A_2104 = arith.subi %sign3A_2100, %sign3A_2103 : i32
      %sign3A_2105 = arith.constant 0 : i32
      %sign3A_2106 = arith.cmpi sgt, %jit3A_2096, %sign3A_2105 : i32
      %sign3A_2107 = arith.extui %sign3A_2106 : i1 to i32
      %sign3A_2108 = arith.constant 0 : i32
      %sign3A_2109 = arith.cmpi slt, %jit3A_2096, %sign3A_2108 : i32
      %sign3A_2110 = arith.extui %sign3A_2109 : i1 to i32
      %sign3A_2111 = arith.subi %sign3A_2107, %sign3A_2110 : i32
      %ne3A_2112 = arith.cmpi ne, %sign3A_2104, %sign3A_2111 : i32
      %rem3A_2113 = arith.remsi %add3A_2065, %jit3A_2096 : i32
      %ne3A_2114 = arith.constant 0 : i32
      %ne3A_2115 = arith.cmpi ne, %rem3A_2113, %ne3A_2114 : i32
      %and3A_2116 = arith.andi %ne3A_2112, %ne3A_2115 : i1
      %sub3A_2117 = arith.constant 1 : i32
      %sub3A_2118 = arith.subi %div3A_2097, %sub3A_2117 : i32
      %select_n3A_2119 = arith.select %and3A_2116, %sub3A_2118, %div3A_2097 : i32
      %mul3A_2120 = arith.constant 16 : i32
      %mul3A_2121 = arith.muli %select_n3A_2119, %mul3A_2120 : i32
      %get3A_2122 = arith.index_cast %mul3A_2121 : i32 to index
      %get3A_2123 = tpu.vector_load %arg10[%get3A_2122] {strides = array<i32>} : memref<512xi32, #tpu.memory_space<vmem>>, vector<16xi32>,
      %jit3A_2124 = arith.constant 16 : i32
      %div3A_2125 = arith.divsi %add3A_2065, %jit3A_2124 : i32
      %sign3A_2126 = arith.constant 0 : i32
      %sign3A_2127 = arith.cmpi sgt, %add3A_2065, %sign3A_2126 : i32
      %sign3A_2128 = arith.extui %sign3A_2127 : i1 to i32
      %sign3A_2129 = arith.constant 0 : i32
      %sign3A_2130 = arith.cmpi slt, %add3A_2065, %sign3A_2129 : i32
      %sign3A_2131 = arith.extui %sign3A_2130 : i1 to i32
      %sign3A_2132 = arith.subi %sign3A_2128, %sign3A_2131 : i32
      %sign3A_2133 = arith.constant 0 : i32
      %sign3A_2134 = arith.cmpi sgt, %jit3A_2124, %sign3A_2133 : i32
      %sign3A_2135 = arith.extui %sign3A_2134 : i1 to i32
      %sign3A_2136 = arith.constant 0 : i32
      %sign3A_2137 = arith.cmpi slt, %jit3A_2124, %sign3A_2136 : i32
      %sign3A_2138 = arith.extui %sign3A_2137 : i1 to i32
      %sign3A_2139 = arith.subi %sign3A_2135, %sign3A_2138 : i32
      %ne3A_2140 = arith.cmpi ne, %sign3A_2132, %sign3A_2139 : i32
      %rem3A_2141 = arith.remsi %add3A_2065, %jit3A_2124 : i32
      %ne3A_2142 = arith.constant 0 : i32
      %ne3A_2143 = arith.cmpi ne, %rem3A_2141, %ne3A_2142 : i32
      %and3A_2144 = arith.andi %ne3A_2140, %ne3A_2143 : i1
      %sub3A_2145 = arith.constant 1 : i32
      %sub3A_2146 = arith.subi %div3A_2125, %sub3A_2145 : i32
      %select_n3A_2147 = arith.select %and3A_2144, %sub3A_2146, %div3A_2125 : i32
      %mul3A_2148 = arith.constant 16 : i32
      %mul3A_2149 = arith.muli %select_n3A_2147, %mul3A_2148 : i32
      %get3A_2150 = arith.index_cast %mul3A_2149 : i32 to index
      %get3A_2151 = tpu.vector_load %arg11[%get3A_2150] {strides = array<i32>} : memref<512xi32, #tpu.memory_space<vmem>>, vector<16xi32>,
      %jit3A_2152 = arith.constant 16 : i32
      %eq3A_2153 = arith.constant 0 : i32
      %eq3A_2154 = arith.cmpi eq, %jit3A_2152, %eq3A_2153 : i32
      %jit3A_2155 = arith.constant 1 : i32
      %select_n3A_2156 = arith.select %eq3A_2154, %jit3A_2155, %jit3A_2152 : i32
      %rem3A_2157 = arith.remsi %add3A_2065, %select_n3A_2156 : i32
      %ne3A_2158 = arith.constant 0 : i32
      %ne3A_2159 = arith.cmpi ne, %rem3A_2157, %ne3A_2158 : i32
      %lt3A_2160 = arith.constant 0 : i32
      %lt3A_2161 = arith.cmpi slt, %rem3A_2157, %lt3A_2160 : i32
      %lt3A_2162 = arith.constant 0 : i32
      %lt3A_2163 = arith.cmpi slt, %select_n3A_2156, %lt3A_2162 : i32
      %ne3A_2164 = arith.xori %lt3A_2161, %lt3A_2163 : i1
      %and3A_2165 = arith.andi %ne3A_2164, %ne3A_2159 : i1
      %add3A_2166 = arith.addi %rem3A_2157, %select_n3A_2156 : i32
      %select_n3A_2167 = arith.select %and3A_2165, %add3A_2166, %rem3A_2157 : i32
      %eq3A_2168 = vector.broadcast %select_n3A_2167 : i32 to vector<16xi32>
      %eq3A_2169 = arith.cmpi eq, %iota3A, %eq3A_2168 : vector<16xi32>
      %jit3A_2170 = arith.constant 1 : i32
      %jit3A_2171 = arith.constant 0 : i32
      %broadcast_in_dim3A_2172 = vector.broadcast %jit3A_2170 : i32 to vector<16xi32>
      %broadcast_in_dim3A_2173 = vector.broadcast %jit3A_2171 : i32 to vector<16xi32>
      %select_n3A_2174 = arith.select %eq3A_2169, %broadcast_in_dim3A_2172, %broadcast_in_dim3A_2173 : vector<16xi1>, vector<16xi32>
      %and3A_2175 = arith.constant 127 : i32
      %and3A_2176 = vector.broadcast %and3A_2175 : i32 to vector<16xi32>
      %and3A_2177 = arith.andi %get3A_2123, %and3A_2176 : vector<16xi32>
      %mul3A_2178 = arith.muli %and3A_2177, %select_n3A_2174 : vector<16xi32>
      %reduce_sum3A_2179 = arith.constant true
      %reduce_sum3A_2180 = vector.broadcast %reduce_sum3A_2179 : i1 to vector<16xi1>
      %reduce_sum3A_2181 = tpu.scan <sum>, %mul3A_2178 masked %reduce_sum3A_2180 : vector<16xi32>, vector<16xi1> -> vector<16xi32>
      %reduce_sum3A_2182 = vector.extract %reduce_sum3A_2181[15] : i32 from vector<16xi32>
      %broadcast_in_dim3A_2183 = vector.broadcast %reduce_sum3A_2182 : i32 to vector<16xi32>
      %and3A_2184 = arith.constant 127 : i32
      %and3A_2185 = vector.broadcast %and3A_2184 : i32 to vector<16xi32>
      %and3A_2186 = arith.andi %get3A_2151, %and3A_2185 : vector<16xi32>
      %mul3A_2187 = arith.muli %and3A_2186, %select_n3A_2174 : vector<16xi32>
      %reduce_sum3A_2188 = arith.constant true
      %reduce_sum3A_2189 = vector.broadcast %reduce_sum3A_2188 : i1 to vector<16xi1>
      %reduce_sum3A_2190 = tpu.scan <sum>, %mul3A_2187 masked %reduce_sum3A_2189 : vector<16xi32>, vector<16xi1> -> vector<16xi32>
      %reduce_sum3A_2191 = vector.extract %reduce_sum3A_2190[15] : i32 from vector<16xi32>
      %broadcast_in_dim3A_2192 = vector.broadcast %reduce_sum3A_2191 : i32 to vector<16xi32>
      %broadcast_in_dim3A_2193 = arith.constant 5 : i32
      %broadcast_in_dim3A_2194 = vector.broadcast %broadcast_in_dim3A_2193 : i32 to vector<16xi32>
      %broadcast_in_dim3A_2195 = arith.constant 0.000000e+00 : f32
      %broadcast_in_dim3A_2196 = vector.broadcast %broadcast_in_dim3A_2195 : f32 to vector<16xf32>
      %add3A_2197 = arith.constant 0 : i32
      %add3A_2198 = vector.broadcast %add3A_2197 : i32 to vector<16xi32>
      %add3A_2199 = arith.addi %iota3A, %add3A_2198 : vector<16xi32>
      %gather3A_2200 = tpu.vector_load_idx %arg12[%broadcast_in_dim3A_2194, %add3A_2199, %broadcast_in_dim3A_2183] : memref<7x64x128xf32, #tpu.memory_space<vmem>>[vector<16xi32>, vector<16xi32>, vector<16xi32>], vector<16xf32>,
      %gather3A_2201 = tpu.vector_load_idx %arg13[%broadcast_in_dim3A_2194, %add3A_2199, %broadcast_in_dim3A_2192] : memref<7x64x128xf32, #tpu.memory_space<vmem>>[vector<16xi32>, vector<16xi32>, vector<16xi32>], vector<16xf32>,
      %mul3A_2202 = arith.mulf %gather3A_2200, %gather3A_2201 : vector<16xf32>
      %add3A_2203 = arith.addf %broadcast_in_dim3A_2196, %mul3A_2202 : vector<16xf32>
      %add3A_2204 = arith.constant 16 : i32
      %add3A_2205 = vector.broadcast %add3A_2204 : i32 to vector<16xi32>
      %add3A_2206 = arith.addi %iota3A, %add3A_2205 : vector<16xi32>
      %gather3A_2207 = tpu.vector_load_idx %arg12[%broadcast_in_dim3A_2194, %add3A_2206, %broadcast_in_dim3A_2183] : memref<7x64x128xf32, #tpu.memory_space<vmem>>[vector<16xi32>, vector<16xi32>, vector<16xi32>], vector<16xf32>,
      %gather3A_2208 = tpu.vector_load_idx %arg13[%broadcast_in_dim3A_2194, %add3A_2206, %broadcast_in_dim3A_2192] : memref<7x64x128xf32, #tpu.memory_space<vmem>>[vector<16xi32>, vector<16xi32>, vector<16xi32>], vector<16xf32>,
      %mul3A_2209 = arith.mulf %gather3A_2207, %gather3A_2208 : vector<16xf32>
      %add3A_2210 = arith.addf %add3A_2203, %mul3A_2209 : vector<16xf32>
      %add3A_2211 = arith.constant 32 : i32
      %add3A_2212 = vector.broadcast %add3A_2211 : i32 to vector<16xi32>
      %add3A_2213 = arith.addi %iota3A, %add3A_2212 : vector<16xi32>
      %gather3A_2214 = tpu.vector_load_idx %arg12[%broadcast_in_dim3A_2194, %add3A_2213, %broadcast_in_dim3A_2183] : memref<7x64x128xf32, #tpu.memory_space<vmem>>[vector<16xi32>, vector<16xi32>, vector<16xi32>], vector<16xf32>,
      %gather3A_2215 = tpu.vector_load_idx %arg13[%broadcast_in_dim3A_2194, %add3A_2213, %broadcast_in_dim3A_2192] : memref<7x64x128xf32, #tpu.memory_space<vmem>>[vector<16xi32>, vector<16xi32>, vector<16xi32>], vector<16xf32>,
      %mul3A_2216 = arith.mulf %gather3A_2214, %gather3A_2215 : vector<16xf32>
      %add3A_2217 = arith.addf %add3A_2210, %mul3A_2216 : vector<16xf32>
      %add3A_2218 = arith.constant 48 : i32
      %add3A_2219 = vector.broadcast %add3A_2218 : i32 to vector<16xi32>
      %add3A_2220 = arith.addi %iota3A, %add3A_2219 : vector<16xi32>
      %gather3A_2221 = tpu.vector_load_idx %arg12[%broadcast_in_dim3A_2194, %add3A_2220, %broadcast_in_dim3A_2183] : memref<7x64x128xf32, #tpu.memory_space<vmem>>[vector<16xi32>, vector<16xi32>, vector<16xi32>], vector<16xf32>,
      %gather3A_2222 = tpu.vector_load_idx %arg13[%broadcast_in_dim3A_2194, %add3A_2220, %broadcast_in_dim3A_2192] : memref<7x64x128xf32, #tpu.memory_space<vmem>>[vector<16xi32>, vector<16xi32>, vector<16xi32>], vector<16xf32>,
      %mul3A_2223 = arith.mulf %gather3A_2221, %gather3A_2222 : vector<16xf32>
      %add3A_2224 = arith.addf %add3A_2217, %mul3A_2223 : vector<16xf32>
      %eq3A_2225 = vector.broadcast %select_n3A_2167 : i32 to vector<16xi32>
      %eq3A_2226 = arith.cmpi eq, %iota3A, %eq3A_2225 : vector<16xi32>
      %reduce_sum3A_2227 = arith.constant true
      %reduce_sum3A_2228 = vector.broadcast %reduce_sum3A_2227 : i1 to vector<16xi1>
      %reduce_sum3A_2229 = tpu.scan <sum>, %add3A_2224 masked %reduce_sum3A_2228 : vector<16xf32>, vector<16xi1> -> vector<16xf32>
      %reduce_sum3A_2230 = vector.extract %reduce_sum3A_2229[15] : f32 from vector<16xf32>
      %broadcast_in_dim3A_2231 = vector.broadcast %reduce_sum3A_2230 : f32 to vector<16xf32>
      %select_n3A_2232 = arith.select %eq3A_2226, %broadcast_in_dim3A_2231, %select_n3A_2061 : vector<16xi1>, vector<16xf32>
      %add3A_2233 = arith.constant 7 : i32
      %add3A_2234 = arith.addi %add3A_2065, %add3A_2233 : i32
      %lt3A_2235 = arith.constant 512 : i32
      %lt3A_2236 = arith.cmpi slt, %add3A_2234, %lt3A_2235 : i32
      %convert_element_type3A_2237 = arith.extui %lt3A_2236 : i1 to i32
      %cond3A_2238 = arith.constant 0 : i32
      %cond3A_2239 = arith.cmpi ne, %convert_element_type3A_2237, %cond3A_2238 : i32
      scf.if %cond3A_2239 {
        %add3A_2436 = arith.constant 7 : i32
        %add3A_2437 = arith.addi %add3A_2065, %add3A_2436 : i32
        %jit3A_2438 = arith.constant 16 : i32
        %div3A_2439 = arith.divsi %add3A_2437, %jit3A_2438 : i32
        %sign3A_2440 = arith.constant 0 : i32
        %sign3A_2441 = arith.cmpi sgt, %add3A_2437, %sign3A_2440 : i32
        %sign3A_2442 = arith.extui %sign3A_2441 : i1 to i32
        %sign3A_2443 = arith.constant 0 : i32
        %sign3A_2444 = arith.cmpi slt, %add3A_2437, %sign3A_2443 : i32
        %sign3A_2445 = arith.extui %sign3A_2444 : i1 to i32
        %sign3A_2446 = arith.subi %sign3A_2442, %sign3A_2445 : i32
        %sign3A_2447 = arith.constant 0 : i32
        %sign3A_2448 = arith.cmpi sgt, %jit3A_2438, %sign3A_2447 : i32
        %sign3A_2449 = arith.extui %sign3A_2448 : i1 to i32
        %sign3A_2450 = arith.constant 0 : i32
        %sign3A_2451 = arith.cmpi slt, %jit3A_2438, %sign3A_2450 : i32
        %sign3A_2452 = arith.extui %sign3A_2451 : i1 to i32
        %sign3A_2453 = arith.subi %sign3A_2449, %sign3A_2452 : i32
        %ne3A_2454 = arith.cmpi ne, %sign3A_2446, %sign3A_2453 : i32
        %rem3A_2455 = arith.remsi %add3A_2437, %jit3A_2438 : i32
        %ne3A_2456 = arith.constant 0 : i32
        %ne3A_2457 = arith.cmpi ne, %rem3A_2455, %ne3A_2456 : i32
        %and3A_2458 = arith.andi %ne3A_2454, %ne3A_2457 : i1
        %sub3A_2459 = arith.constant 1 : i32
        %sub3A_2460 = arith.subi %div3A_2439, %sub3A_2459 : i32
        %select_n3A_2461 = arith.select %and3A_2458, %sub3A_2460, %div3A_2439 : i32
        %mul3A_2462 = arith.constant 16 : i32
        %mul3A_2463 = arith.muli %select_n3A_2461, %mul3A_2462 : i32
        %get3A_2464 = arith.index_cast %mul3A_2463 : i32 to index
        %get3A_2465 = tpu.vector_load %arg10[%get3A_2464] {strides = array<i32>} : memref<512xi32, #tpu.memory_space<vmem>>, vector<16xi32>,
        %jit3A_2466 = arith.constant 16 : i32
        %div3A_2467 = arith.divsi %add3A_2437, %jit3A_2466 : i32
        %sign3A_2468 = arith.constant 0 : i32
        %sign3A_2469 = arith.cmpi sgt, %add3A_2437, %sign3A_2468 : i32
        %sign3A_2470 = arith.extui %sign3A_2469 : i1 to i32
        %sign3A_2471 = arith.constant 0 : i32
        %sign3A_2472 = arith.cmpi slt, %add3A_2437, %sign3A_2471 : i32
        %sign3A_2473 = arith.extui %sign3A_2472 : i1 to i32
        %sign3A_2474 = arith.subi %sign3A_2470, %sign3A_2473 : i32
        %sign3A_2475 = arith.constant 0 : i32
        %sign3A_2476 = arith.cmpi sgt, %jit3A_2466, %sign3A_2475 : i32
        %sign3A_2477 = arith.extui %sign3A_2476 : i1 to i32
        %sign3A_2478 = arith.constant 0 : i32
        %sign3A_2479 = arith.cmpi slt, %jit3A_2466, %sign3A_2478 : i32
        %sign3A_2480 = arith.extui %sign3A_2479 : i1 to i32
        %sign3A_2481 = arith.subi %sign3A_2477, %sign3A_2480 : i32
        %ne3A_2482 = arith.cmpi ne, %sign3A_2474, %sign3A_2481 : i32
        %rem3A_2483 = arith.remsi %add3A_2437, %jit3A_2466 : i32
        %ne3A_2484 = arith.constant 0 : i32
        %ne3A_2485 = arith.cmpi ne, %rem3A_2483, %ne3A_2484 : i32
        %and3A_2486 = arith.andi %ne3A_2482, %ne3A_2485 : i1
        %sub3A_2487 = arith.constant 1 : i32
        %sub3A_2488 = arith.subi %div3A_2467, %sub3A_2487 : i32
        %select_n3A_2489 = arith.select %and3A_2486, %sub3A_2488, %div3A_2467 : i32
        %mul3A_2490 = arith.constant 16 : i32
        %mul3A_2491 = arith.muli %select_n3A_2489, %mul3A_2490 : i32
        %get3A_2492 = arith.index_cast %mul3A_2491 : i32 to index
        %get3A_2493 = tpu.vector_load %arg11[%get3A_2492] {strides = array<i32>} : memref<512xi32, #tpu.memory_space<vmem>>, vector<16xi32>,
        %jit3A_2494 = arith.constant 16 : i32
        %eq3A_2495 = arith.constant 0 : i32
        %eq3A_2496 = arith.cmpi eq, %jit3A_2494, %eq3A_2495 : i32
        %jit3A_2497 = arith.constant 1 : i32
        %select_n3A_2498 = arith.select %eq3A_2496, %jit3A_2497, %jit3A_2494 : i32
        %rem3A_2499 = arith.remsi %add3A_2437, %select_n3A_2498 : i32
        %ne3A_2500 = arith.constant 0 : i32
        %ne3A_2501 = arith.cmpi ne, %rem3A_2499, %ne3A_2500 : i32
        %lt3A_2502 = arith.constant 0 : i32
        %lt3A_2503 = arith.cmpi slt, %rem3A_2499, %lt3A_2502 : i32
        %lt3A_2504 = arith.constant 0 : i32
        %lt3A_2505 = arith.cmpi slt, %select_n3A_2498, %lt3A_2504 : i32
        %ne3A_2506 = arith.xori %lt3A_2503, %lt3A_2505 : i1
        %and3A_2507 = arith.andi %ne3A_2506, %ne3A_2501 : i1
        %add3A_2508 = arith.addi %rem3A_2499, %select_n3A_2498 : i32
        %select_n3A_2509 = arith.select %and3A_2507, %add3A_2508, %rem3A_2499 : i32
        %eq3A_2510 = vector.broadcast %select_n3A_2509 : i32 to vector<16xi32>
        %eq3A_2511 = arith.cmpi eq, %iota3A, %eq3A_2510 : vector<16xi32>
        %jit3A_2512 = arith.constant 1 : i32
        %jit3A_2513 = arith.constant 0 : i32
        %broadcast_in_dim3A_2514 = vector.broadcast %jit3A_2512 : i32 to vector<16xi32>
        %broadcast_in_dim3A_2515 = vector.broadcast %jit3A_2513 : i32 to vector<16xi32>
        %select_n3A_2516 = arith.select %eq3A_2511, %broadcast_in_dim3A_2514, %broadcast_in_dim3A_2515 : vector<16xi1>, vector<16xi32>
        %mul3A_2517 = arith.muli %get3A_2465, %select_n3A_2516 : vector<16xi32>
        %reduce_sum3A_2518 = arith.constant true
        %reduce_sum3A_2519 = vector.broadcast %reduce_sum3A_2518 : i1 to vector<16xi1>
        %reduce_sum3A_2520 = tpu.scan <sum>, %mul3A_2517 masked %reduce_sum3A_2519 : vector<16xi32>, vector<16xi1> -> vector<16xi32>
        %reduce_sum3A_2521 = vector.extract %reduce_sum3A_2520[15] : i32 from vector<16xi32>
        %and3A_2522 = arith.andi %reduce_sum3A_2521, %not3A_5 : i32
        %multiple_of3A_2523 = tpu.assume_multiple %and3A_2522, 128 : i32
        %mul3A_2524 = arith.muli %get3A_2493, %select_n3A_2516 : vector<16xi32>
        %reduce_sum3A_2525 = arith.constant true
        %reduce_sum3A_2526 = vector.broadcast %reduce_sum3A_2525 : i1 to vector<16xi1>
        %reduce_sum3A_2527 = tpu.scan <sum>, %mul3A_2524 masked %reduce_sum3A_2526 : vector<16xi32>, vector<16xi1> -> vector<16xi32>
        %reduce_sum3A_2528 = vector.extract %reduce_sum3A_2527[15] : i32 from vector<16xi32>
        %and3A_2529 = arith.andi %reduce_sum3A_2528, %not3A_5 : i32
        %multiple_of3A_2530 = tpu.assume_multiple %and3A_2529, 128 : i32
        %dma_start3A_2531 = arith.constant 5 : i32
        %dma_start3A_2532 = arith.constant 0 : i32
        %dma_start3A_2533 = arith.constant 0 : i32
        %dma_start3A_2534 = tpu.memref_slice %arg12[%dma_start3A_2531, %dma_start3A_2532, %dma_start3A_2533] : memref<7x64x128xf32, #tpu.memory_space<vmem>> -> memref<1x64x128xf32, #tpu.memory_space<vmem>>
        %dma_start3A_2535 = tpu.memref_squeeze %dma_start3A_2534 : memref<1x64x128xf32, #tpu.memory_space<vmem>> -> memref<64x128xf32, #tpu.memory_space<vmem>>
        %dma_start3A_2536 = arith.constant 0 : i32
        %dma_start3A_2537 = tpu.memref_slice %arg4[%dma_start3A_2536, %multiple_of3A_2523] : memref<64x1000000xf32, #tpu.memory_space<hbm>> -> memref<64x128xf32, #tpu.memory_space<hbm>>
        %dma_start3A_2538 = arith.constant 0 : i32
        %dma_start3A_2539 = arith.constant 0 : i32
        %dma_start3A_2540 = tpu.memref_slice %arg12[%dma_start3A_2531, %dma_start3A_2538, %dma_start3A_2539] : memref<7x64x128xf32, #tpu.memory_space<vmem>> -> memref<1x64x128xf32, #tpu.memory_space<vmem>>
        %dma_start3A_2541 = tpu.memref_squeeze %dma_start3A_2540 : memref<1x64x128xf32, #tpu.memory_space<vmem>> -> memref<64x128xf32, #tpu.memory_space<vmem>>
        %dma_start3A_2542 = arith.constant 0 : i32
        %dma_start3A_2543 = tpu.memref_slice %arg4[%dma_start3A_2542, %multiple_of3A_2523] : memref<64x1000000xf32, #tpu.memory_space<hbm>> -> memref<64x128xf32, #tpu.memory_space<hbm>>
        tpu.enqueue_dma source(%dma_start3A_2543 : memref<64x128xf32, #tpu.memory_space<hbm>>) target(%dma_start3A_2541 : memref<64x128xf32, #tpu.memory_space<vmem>>) target_semaphore(%arg24 : memref<!tpu.dma_semaphore, #tpu.memory_space<semaphore_mem>>)
        %dma_start3A_2544 = arith.constant 5 : i32
        %dma_start3A_2545 = arith.constant 0 : i32
        %dma_start3A_2546 = arith.constant 0 : i32
        %dma_start3A_2547 = tpu.memref_slice %arg13[%dma_start3A_2544, %dma_start3A_2545, %dma_start3A_2546] : memref<7x64x128xf32, #tpu.memory_space<vmem>> -> memref<1x64x128xf32, #tpu.memory_space<vmem>>
        %dma_start3A_2548 = tpu.memref_squeeze %dma_start3A_2547 : memref<1x64x128xf32, #tpu.memory_space<vmem>> -> memref<64x128xf32, #tpu.memory_space<vmem>>
        %dma_start3A_2549 = arith.constant 0 : i32
        %dma_start3A_2550 = tpu.memref_slice %arg5[%dma_start3A_2549, %multiple_of3A_2530] : memref<64x1000000xf32, #tpu.memory_space<hbm>> -> memref<64x128xf32, #tpu.memory_space<hbm>>
        %dma_start3A_2551 = arith.constant 0 : i32
        %dma_start3A_2552 = arith.constant 0 : i32
        %dma_start3A_2553 = tpu.memref_slice %arg13[%dma_start3A_2544, %dma_start3A_2551, %dma_start3A_2552] : memref<7x64x128xf32, #tpu.memory_space<vmem>> -> memref<1x64x128xf32, #tpu.memory_space<vmem>>
        %dma_start3A_2554 = tpu.memref_squeeze %dma_start3A_2553 : memref<1x64x128xf32, #tpu.memory_space<vmem>> -> memref<64x128xf32, #tpu.memory_space<vmem>>
        %dma_start3A_2555 = arith.constant 0 : i32
        %dma_start3A_2556 = tpu.memref_slice %arg5[%dma_start3A_2555, %multiple_of3A_2530] : memref<64x1000000xf32, #tpu.memory_space<hbm>> -> memref<64x128xf32, #tpu.memory_space<hbm>>
        tpu.enqueue_dma source(%dma_start3A_2556 : memref<64x128xf32, #tpu.memory_space<hbm>>) target(%dma_start3A_2554 : memref<64x128xf32, #tpu.memory_space<vmem>>) target_semaphore(%arg24 : memref<!tpu.dma_semaphore, #tpu.memory_space<semaphore_mem>>)
      } else {
      }
      %eq3A_2240 = arith.constant 15 : i32
      %eq3A_2241 = arith.cmpi eq, %select_n3A_2167, %eq3A_2240 : i32
      %convert_element_type3A_2242 = arith.extui %eq3A_2241 : i1 to i32
      %cond3A_2243 = arith.constant 0 : i32
      %cond3A_2244 = arith.cmpi ne, %convert_element_type3A_2242, %cond3A_2243 : i32
      scf.if %cond3A_2244 {
        %jit3A_2436 = arith.constant 16 : i32
        %div3A_2437 = arith.divsi %add3A_2065, %jit3A_2436 : i32
        %sign3A_2438 = arith.constant 0 : i32
        %sign3A_2439 = arith.cmpi sgt, %add3A_2065, %sign3A_2438 : i32
        %sign3A_2440 = arith.extui %sign3A_2439 : i1 to i32
        %sign3A_2441 = arith.constant 0 : i32
        %sign3A_2442 = arith.cmpi slt, %add3A_2065, %sign3A_2441 : i32
        %sign3A_2443 = arith.extui %sign3A_2442 : i1 to i32
        %sign3A_2444 = arith.subi %sign3A_2440, %sign3A_2443 : i32
        %sign3A_2445 = arith.constant 0 : i32
        %sign3A_2446 = arith.cmpi sgt, %jit3A_2436, %sign3A_2445 : i32
        %sign3A_2447 = arith.extui %sign3A_2446 : i1 to i32
        %sign3A_2448 = arith.constant 0 : i32
        %sign3A_2449 = arith.cmpi slt, %jit3A_2436, %sign3A_2448 : i32
        %sign3A_2450 = arith.extui %sign3A_2449 : i1 to i32
        %sign3A_2451 = arith.subi %sign3A_2447, %sign3A_2450 : i32
        %ne3A_2452 = arith.cmpi ne, %sign3A_2444, %sign3A_2451 : i32
        %rem3A_2453 = arith.remsi %add3A_2065, %jit3A_2436 : i32
        %ne3A_2454 = arith.constant 0 : i32
        %ne3A_2455 = arith.cmpi ne, %rem3A_2453, %ne3A_2454 : i32
        %and3A_2456 = arith.andi %ne3A_2452, %ne3A_2455 : i1
        %sub3A_2457 = arith.constant 1 : i32
        %sub3A_2458 = arith.subi %div3A_2437, %sub3A_2457 : i32
        %select_n3A_2459 = arith.select %and3A_2456, %sub3A_2458, %div3A_2437 : i32
        %mul3A_2460 = arith.constant 16 : i32
        %mul3A_2461 = arith.muli %select_n3A_2459, %mul3A_2460 : i32
        %get3A_2462 = arith.index_cast %mul3A_2461 : i32 to index
        %get3A_2463 = tpu.vector_load %arg14[%get3A_2462] {strides = array<i32>} : memref<512xf32, #tpu.memory_space<vmem>>, vector<16xf32>,
        %add3A_2464 = arith.addf %select_n3A_2232, %get3A_2463 : vector<16xf32>
        %mul3A_2465 = arith.constant 16 : i32
        %mul3A_2466 = arith.muli %select_n3A_2459, %mul3A_2465 : i32
        %get3A_2467 = arith.index_cast %mul3A_2466 : i32 to index
        %get3A_2468 = tpu.vector_load %arg15[%get3A_2467] {strides = array<i32>} : memref<512xf32, #tpu.memory_space<vmem>>, vector<16xf32>,
        %add3A_2469 = arith.addf %add3A_2464, %get3A_2468 : vector<16xf32>
        %add3A_2470 = arith.addf %add3A_2469, %get3A_3 : vector<16xf32>
        %mul3A_2471 = arith.constant 16 : i32
        %mul3A_2472 = arith.muli %select_n3A_2459, %mul3A_2471 : i32
        %swap3A = arith.index_cast %mul3A_2472 : i32 to index
        %swap3A_2473 = tpu.vector_load %arg16[%swap3A] {strides = array<i32>} : memref<512xf32, #tpu.memory_space<vmem>>, vector<16xf32>,
        tpu.vector_store %arg16[%swap3A], %add3A_2470 {strides = array<i32>} : memref<512xf32, #tpu.memory_space<vmem>>, vector<16xf32>,
      } else {
      }
      %broadcast_in_dim3A_2245 = vector.broadcast %eq3A_2241 : i1 to vector<16xi1>
      %broadcast_in_dim3A_2246 = arith.constant 0.000000e+00 : f32
      %broadcast_in_dim3A_2247 = vector.broadcast %broadcast_in_dim3A_2246 : f32 to vector<16xf32>
      %select_n3A_2248 = arith.select %broadcast_in_dim3A_2245, %broadcast_in_dim3A_2247, %select_n3A_2232 : vector<16xi1>, vector<16xf32>
      %mul3A_2249 = arith.constant 7 : i32
      %mul3A_2250 = arith.muli %scan3A_1125, %mul3A_2249 : i32
      %add3A_2251 = arith.constant 6 : i32
      %add3A_2252 = arith.addi %mul3A_2250, %add3A_2251 : i32
      %dma_wait3A_2253 = arith.constant 6 : i32
      %dma_wait3A_2254 = arith.constant 0 : i32
      %dma_wait3A_2255 = arith.constant 0 : i32
      %dma_wait3A_2256 = tpu.memref_slice %arg12[%dma_wait3A_2253, %dma_wait3A_2254, %dma_wait3A_2255] : memref<7x64x128xf32, #tpu.memory_space<vmem>> -> memref<1x64x128xf32, #tpu.memory_space<vmem>>
      %dma_wait3A_2257 = tpu.memref_squeeze %dma_wait3A_2256 : memref<1x64x128xf32, #tpu.memory_space<vmem>> -> memref<64x128xf32, #tpu.memory_space<vmem>>
      %dma_wait3A_2258 = arith.constant 0 : i32
      %dma_wait3A_2259 = arith.constant 0 : i32
      %dma_wait3A_2260 = tpu.memref_slice %arg4[%dma_wait3A_2258, %dma_wait3A_2259] : memref<64x1000000xf32, #tpu.memory_space<hbm>> -> memref<64x128xf32, #tpu.memory_space<hbm>>
      %dma_wait3A_2261 = arith.constant 0 : i32
      %dma_wait3A_2262 = arith.constant 0 : i32
      %dma_wait3A_2263 = tpu.memref_slice %arg12[%dma_wait3A_2253, %dma_wait3A_2261, %dma_wait3A_2262] : memref<7x64x128xf32, #tpu.memory_space<vmem>> -> memref<1x64x128xf32, #tpu.memory_space<vmem>>
      %dma_wait3A_2264 = tpu.memref_squeeze %dma_wait3A_2263 : memref<1x64x128xf32, #tpu.memory_space<vmem>> -> memref<64x128xf32, #tpu.memory_space<vmem>>
      %dma_wait3A_2265 = arith.constant 0 : i32
      %dma_wait3A_2266 = arith.constant 0 : i32
      %dma_wait3A_2267 = tpu.memref_slice %arg4[%dma_wait3A_2265, %dma_wait3A_2266] : memref<64x1000000xf32, #tpu.memory_space<hbm>> -> memref<64x128xf32, #tpu.memory_space<hbm>>
      tpu.wait_dma2 semaphore(%arg25 : memref<!tpu.dma_semaphore, #tpu.memory_space<semaphore_mem>>) src(%dma_wait3A_2267 : memref<64x128xf32, #tpu.memory_space<hbm>>) dst(%dma_wait3A_2264 : memref<64x128xf32, #tpu.memory_space<vmem>>)
      %dma_wait3A_2268 = arith.constant 6 : i32
      %dma_wait3A_2269 = arith.constant 0 : i32
      %dma_wait3A_2270 = arith.constant 0 : i32
      %dma_wait3A_2271 = tpu.memref_slice %arg13[%dma_wait3A_2268, %dma_wait3A_2269, %dma_wait3A_2270] : memref<7x64x128xf32, #tpu.memory_space<vmem>> -> memref<1x64x128xf32, #tpu.memory_space<vmem>>
      %dma_wait3A_2272 = tpu.memref_squeeze %dma_wait3A_2271 : memref<1x64x128xf32, #tpu.memory_space<vmem>> -> memref<64x128xf32, #tpu.memory_space<vmem>>
      %dma_wait3A_2273 = arith.constant 0 : i32
      %dma_wait3A_2274 = arith.constant 0 : i32
      %dma_wait3A_2275 = tpu.memref_slice %arg5[%dma_wait3A_2273, %dma_wait3A_2274] : memref<64x1000000xf32, #tpu.memory_space<hbm>> -> memref<64x128xf32, #tpu.memory_space<hbm>>
      %dma_wait3A_2276 = arith.constant 0 : i32
      %dma_wait3A_2277 = arith.constant 0 : i32
      %dma_wait3A_2278 = tpu.memref_slice %arg13[%dma_wait3A_2268, %dma_wait3A_2276, %dma_wait3A_2277] : memref<7x64x128xf32, #tpu.memory_space<vmem>> -> memref<1x64x128xf32, #tpu.memory_space<vmem>>
      %dma_wait3A_2279 = tpu.memref_squeeze %dma_wait3A_2278 : memref<1x64x128xf32, #tpu.memory_space<vmem>> -> memref<64x128xf32, #tpu.memory_space<vmem>>
      %dma_wait3A_2280 = arith.constant 0 : i32
      %dma_wait3A_2281 = arith.constant 0 : i32
      %dma_wait3A_2282 = tpu.memref_slice %arg5[%dma_wait3A_2280, %dma_wait3A_2281] : memref<64x1000000xf32, #tpu.memory_space<hbm>> -> memref<64x128xf32, #tpu.memory_space<hbm>>
      tpu.wait_dma2 semaphore(%arg25 : memref<!tpu.dma_semaphore, #tpu.memory_space<semaphore_mem>>) src(%dma_wait3A_2282 : memref<64x128xf32, #tpu.memory_space<hbm>>) dst(%dma_wait3A_2279 : memref<64x128xf32, #tpu.memory_space<vmem>>)
      %jit3A_2283 = arith.constant 16 : i32
      %div3A_2284 = arith.divsi %add3A_2252, %jit3A_2283 : i32
      %sign3A_2285 = arith.constant 0 : i32
      %sign3A_2286 = arith.cmpi sgt, %add3A_2252, %sign3A_2285 : i32
      %sign3A_2287 = arith.extui %sign3A_2286 : i1 to i32
      %sign3A_2288 = arith.constant 0 : i32
      %sign3A_2289 = arith.cmpi slt, %add3A_2252, %sign3A_2288 : i32
      %sign3A_2290 = arith.extui %sign3A_2289 : i1 to i32
      %sign3A_2291 = arith.subi %sign3A_2287, %sign3A_2290 : i32
      %sign3A_2292 = arith.constant 0 : i32
      %sign3A_2293 = arith.cmpi sgt, %jit3A_2283, %sign3A_2292 : i32
      %sign3A_2294 = arith.extui %sign3A_2293 : i1 to i32
      %sign3A_2295 = arith.constant 0 : i32
      %sign3A_2296 = arith.cmpi slt, %jit3A_2283, %sign3A_2295 : i32
      %sign3A_2297 = arith.extui %sign3A_2296 : i1 to i32
      %sign3A_2298 = arith.subi %sign3A_2294, %sign3A_2297 : i32
      %ne3A_2299 = arith.cmpi ne, %sign3A_2291, %sign3A_2298 : i32
      %rem3A_2300 = arith.remsi %add3A_2252, %jit3A_2283 : i32
      %ne3A_2301 = arith.constant 0 : i32
      %ne3A_2302 = arith.cmpi ne, %rem3A_2300, %ne3A_2301 : i32
      %and3A_2303 = arith.andi %ne3A_2299, %ne3A_2302 : i1
      %sub3A_2304 = arith.constant 1 : i32
      %sub3A_2305 = arith.subi %div3A_2284, %sub3A_2304 : i32
      %select_n3A_2306 = arith.select %and3A_2303, %sub3A_2305, %div3A_2284 : i32
      %mul3A_2307 = arith.constant 16 : i32
      %mul3A_2308 = arith.muli %select_n3A_2306, %mul3A_2307 : i32
      %get3A_2309 = arith.index_cast %mul3A_2308 : i32 to index
      %get3A_2310 = tpu.vector_load %arg10[%get3A_2309] {strides = array<i32>} : memref<512xi32, #tpu.memory_space<vmem>>, vector<16xi32>,
      %jit3A_2311 = arith.constant 16 : i32
      %div3A_2312 = arith.divsi %add3A_2252, %jit3A_2311 : i32
      %sign3A_2313 = arith.constant 0 : i32
      %sign3A_2314 = arith.cmpi sgt, %add3A_2252, %sign3A_2313 : i32
      %sign3A_2315 = arith.extui %sign3A_2314 : i1 to i32
      %sign3A_2316 = arith.constant 0 : i32
      %sign3A_2317 = arith.cmpi slt, %add3A_2252, %sign3A_2316 : i32
      %sign3A_2318 = arith.extui %sign3A_2317 : i1 to i32
      %sign3A_2319 = arith.subi %sign3A_2315, %sign3A_2318 : i32
      %sign3A_2320 = arith.constant 0 : i32
      %sign3A_2321 = arith.cmpi sgt, %jit3A_2311, %sign3A_2320 : i32
      %sign3A_2322 = arith.extui %sign3A_2321 : i1 to i32
      %sign3A_2323 = arith.constant 0 : i32
      %sign3A_2324 = arith.cmpi slt, %jit3A_2311, %sign3A_2323 : i32
      %sign3A_2325 = arith.extui %sign3A_2324 : i1 to i32
      %sign3A_2326 = arith.subi %sign3A_2322, %sign3A_2325 : i32
      %ne3A_2327 = arith.cmpi ne, %sign3A_2319, %sign3A_2326 : i32
      %rem3A_2328 = arith.remsi %add3A_2252, %jit3A_2311 : i32
      %ne3A_2329 = arith.constant 0 : i32
      %ne3A_2330 = arith.cmpi ne, %rem3A_2328, %ne3A_2329 : i32
      %and3A_2331 = arith.andi %ne3A_2327, %ne3A_2330 : i1
      %sub3A_2332 = arith.constant 1 : i32
      %sub3A_2333 = arith.subi %div3A_2312, %sub3A_2332 : i32
      %select_n3A_2334 = arith.select %and3A_2331, %sub3A_2333, %div3A_2312 : i32
      %mul3A_2335 = arith.constant 16 : i32
      %mul3A_2336 = arith.muli %select_n3A_2334, %mul3A_2335 : i32
      %get3A_2337 = arith.index_cast %mul3A_2336 : i32 to index
      %get3A_2338 = tpu.vector_load %arg11[%get3A_2337] {strides = array<i32>} : memref<512xi32, #tpu.memory_space<vmem>>, vector<16xi32>,
      %jit3A_2339 = arith.constant 16 : i32
      %eq3A_2340 = arith.constant 0 : i32
      %eq3A_2341 = arith.cmpi eq, %jit3A_2339, %eq3A_2340 : i32
      %jit3A_2342 = arith.constant 1 : i32
      %select_n3A_2343 = arith.select %eq3A_2341, %jit3A_2342, %jit3A_2339 : i32
      %rem3A_2344 = arith.remsi %add3A_2252, %select_n3A_2343 : i32
      %ne3A_2345 = arith.constant 0 : i32
      %ne3A_2346 = arith.cmpi ne, %rem3A_2344, %ne3A_2345 : i32
      %lt3A_2347 = arith.constant 0 : i32
      %lt3A_2348 = arith.cmpi slt, %rem3A_2344, %lt3A_2347 : i32
      %lt3A_2349 = arith.constant 0 : i32
      %lt3A_2350 = arith.cmpi slt, %select_n3A_2343, %lt3A_2349 : i32
      %ne3A_2351 = arith.xori %lt3A_2348, %lt3A_2350 : i1
      %and3A_2352 = arith.andi %ne3A_2351, %ne3A_2346 : i1
      %add3A_2353 = arith.addi %rem3A_2344, %select_n3A_2343 : i32
      %select_n3A_2354 = arith.select %and3A_2352, %add3A_2353, %rem3A_2344 : i32
      %eq3A_2355 = vector.broadcast %select_n3A_2354 : i32 to vector<16xi32>
      %eq3A_2356 = arith.cmpi eq, %iota3A, %eq3A_2355 : vector<16xi32>
      %jit3A_2357 = arith.constant 1 : i32
      %jit3A_2358 = arith.constant 0 : i32
      %broadcast_in_dim3A_2359 = vector.broadcast %jit3A_2357 : i32 to vector<16xi32>
      %broadcast_in_dim3A_2360 = vector.broadcast %jit3A_2358 : i32 to vector<16xi32>
      %select_n3A_2361 = arith.select %eq3A_2356, %broadcast_in_dim3A_2359, %broadcast_in_dim3A_2360 : vector<16xi1>, vector<16xi32>
      %and3A_2362 = arith.constant 127 : i32
      %and3A_2363 = vector.broadcast %and3A_2362 : i32 to vector<16xi32>
      %and3A_2364 = arith.andi %get3A_2310, %and3A_2363 : vector<16xi32>
      %mul3A_2365 = arith.muli %and3A_2364, %select_n3A_2361 : vector<16xi32>
      %reduce_sum3A_2366 = arith.constant true
      %reduce_sum3A_2367 = vector.broadcast %reduce_sum3A_2366 : i1 to vector<16xi1>
      %reduce_sum3A_2368 = tpu.scan <sum>, %mul3A_2365 masked %reduce_sum3A_2367 : vector<16xi32>, vector<16xi1> -> vector<16xi32>
      %reduce_sum3A_2369 = vector.extract %reduce_sum3A_2368[15] : i32 from vector<16xi32>
      %broadcast_in_dim3A_2370 = vector.broadcast %reduce_sum3A_2369 : i32 to vector<16xi32>
      %and3A_2371 = arith.constant 127 : i32
      %and3A_2372 = vector.broadcast %and3A_2371 : i32 to vector<16xi32>
      %and3A_2373 = arith.andi %get3A_2338, %and3A_2372 : vector<16xi32>
      %mul3A_2374 = arith.muli %and3A_2373, %select_n3A_2361 : vector<16xi32>
      %reduce_sum3A_2375 = arith.constant true
      %reduce_sum3A_2376 = vector.broadcast %reduce_sum3A_2375 : i1 to vector<16xi1>
      %reduce_sum3A_2377 = tpu.scan <sum>, %mul3A_2374 masked %reduce_sum3A_2376 : vector<16xi32>, vector<16xi1> -> vector<16xi32>
      %reduce_sum3A_2378 = vector.extract %reduce_sum3A_2377[15] : i32 from vector<16xi32>
      %broadcast_in_dim3A_2379 = vector.broadcast %reduce_sum3A_2378 : i32 to vector<16xi32>
      %broadcast_in_dim3A_2380 = arith.constant 6 : i32
      %broadcast_in_dim3A_2381 = vector.broadcast %broadcast_in_dim3A_2380 : i32 to vector<16xi32>
      %broadcast_in_dim3A_2382 = arith.constant 0.000000e+00 : f32
      %broadcast_in_dim3A_2383 = vector.broadcast %broadcast_in_dim3A_2382 : f32 to vector<16xf32>
      %add3A_2384 = arith.constant 0 : i32
      %add3A_2385 = vector.broadcast %add3A_2384 : i32 to vector<16xi32>
      %add3A_2386 = arith.addi %iota3A, %add3A_2385 : vector<16xi32>
      %gather3A_2387 = tpu.vector_load_idx %arg12[%broadcast_in_dim3A_2381, %add3A_2386, %broadcast_in_dim3A_2370] : memref<7x64x128xf32, #tpu.memory_space<vmem>>[vector<16xi32>, vector<16xi32>, vector<16xi32>], vector<16xf32>,
      %gather3A_2388 = tpu.vector_load_idx %arg13[%broadcast_in_dim3A_2381, %add3A_2386, %broadcast_in_dim3A_2379] : memref<7x64x128xf32, #tpu.memory_space<vmem>>[vector<16xi32>, vector<16xi32>, vector<16xi32>], vector<16xf32>,
      %mul3A_2389 = arith.mulf %gather3A_2387, %gather3A_2388 : vector<16xf32>
      %add3A_2390 = arith.addf %broadcast_in_dim3A_2383, %mul3A_2389 : vector<16xf32>
      %add3A_2391 = arith.constant 16 : i32
      %add3A_2392 = vector.broadcast %add3A_2391 : i32 to vector<16xi32>
      %add3A_2393 = arith.addi %iota3A, %add3A_2392 : vector<16xi32>
      %gather3A_2394 = tpu.vector_load_idx %arg12[%broadcast_in_dim3A_2381, %add3A_2393, %broadcast_in_dim3A_2370] : memref<7x64x128xf32, #tpu.memory_space<vmem>>[vector<16xi32>, vector<16xi32>, vector<16xi32>], vector<16xf32>,
      %gather3A_2395 = tpu.vector_load_idx %arg13[%broadcast_in_dim3A_2381, %add3A_2393, %broadcast_in_dim3A_2379] : memref<7x64x128xf32, #tpu.memory_space<vmem>>[vector<16xi32>, vector<16xi32>, vector<16xi32>], vector<16xf32>,
      %mul3A_2396 = arith.mulf %gather3A_2394, %gather3A_2395 : vector<16xf32>
      %add3A_2397 = arith.addf %add3A_2390, %mul3A_2396 : vector<16xf32>
      %add3A_2398 = arith.constant 32 : i32
      %add3A_2399 = vector.broadcast %add3A_2398 : i32 to vector<16xi32>
      %add3A_2400 = arith.addi %iota3A, %add3A_2399 : vector<16xi32>
      %gather3A_2401 = tpu.vector_load_idx %arg12[%broadcast_in_dim3A_2381, %add3A_2400, %broadcast_in_dim3A_2370] : memref<7x64x128xf32, #tpu.memory_space<vmem>>[vector<16xi32>, vector<16xi32>, vector<16xi32>], vector<16xf32>,
      %gather3A_2402 = tpu.vector_load_idx %arg13[%broadcast_in_dim3A_2381, %add3A_2400, %broadcast_in_dim3A_2379] : memref<7x64x128xf32, #tpu.memory_space<vmem>>[vector<16xi32>, vector<16xi32>, vector<16xi32>], vector<16xf32>,
      %mul3A_2403 = arith.mulf %gather3A_2401, %gather3A_2402 : vector<16xf32>
      %add3A_2404 = arith.addf %add3A_2397, %mul3A_2403 : vector<16xf32>
      %add3A_2405 = arith.constant 48 : i32
      %add3A_2406 = vector.broadcast %add3A_2405 : i32 to vector<16xi32>
      %add3A_2407 = arith.addi %iota3A, %add3A_2406 : vector<16xi32>
      %gather3A_2408 = tpu.vector_load_idx %arg12[%broadcast_in_dim3A_2381, %add3A_2407, %broadcast_in_dim3A_2370] : memref<7x64x128xf32, #tpu.memory_space<vmem>>[vector<16xi32>, vector<16xi32>, vector<16xi32>], vector<16xf32>,
      %gather3A_2409 = tpu.vector_load_idx %arg13[%broadcast_in_dim3A_2381, %add3A_2407, %broadcast_in_dim3A_2379] : memref<7x64x128xf32, #tpu.memory_space<vmem>>[vector<16xi32>, vector<16xi32>, vector<16xi32>], vector<16xf32>,
      %mul3A_2410 = arith.mulf %gather3A_2408, %gather3A_2409 : vector<16xf32>
      %add3A_2411 = arith.addf %add3A_2404, %mul3A_2410 : vector<16xf32>
      %eq3A_2412 = vector.broadcast %select_n3A_2354 : i32 to vector<16xi32>
      %eq3A_2413 = arith.cmpi eq, %iota3A, %eq3A_2412 : vector<16xi32>
      %reduce_sum3A_2414 = arith.constant true
      %reduce_sum3A_2415 = vector.broadcast %reduce_sum3A_2414 : i1 to vector<16xi1>
      %reduce_sum3A_2416 = tpu.scan <sum>, %add3A_2411 masked %reduce_sum3A_2415 : vector<16xf32>, vector<16xi1> -> vector<16xf32>
      %reduce_sum3A_2417 = vector.extract %reduce_sum3A_2416[15] : f32 from vector<16xf32>
      %broadcast_in_dim3A_2418 = vector.broadcast %reduce_sum3A_2417 : f32 to vector<16xf32>
      %select_n3A_2419 = arith.select %eq3A_2413, %broadcast_in_dim3A_2418, %select_n3A_2248 : vector<16xi1>, vector<16xf32>
      %add3A_2420 = arith.constant 7 : i32
      %add3A_2421 = arith.addi %add3A_2252, %add3A_2420 : i32
      %lt3A_2422 = arith.constant 512 : i32
      %lt3A_2423 = arith.cmpi slt, %add3A_2421, %lt3A_2422 : i32
      %convert_element_type3A_2424 = arith.extui %lt3A_2423 : i1 to i32
      %cond3A_2425 = arith.constant 0 : i32
      %cond3A_2426 = arith.cmpi ne, %convert_element_type3A_2424, %cond3A_2425 : i32
      scf.if %cond3A_2426 {
        %add3A_2436 = arith.constant 7 : i32
        %add3A_2437 = arith.addi %add3A_2252, %add3A_2436 : i32
        %jit3A_2438 = arith.constant 16 : i32
        %div3A_2439 = arith.divsi %add3A_2437, %jit3A_2438 : i32
        %sign3A_2440 = arith.constant 0 : i32
        %sign3A_2441 = arith.cmpi sgt, %add3A_2437, %sign3A_2440 : i32
        %sign3A_2442 = arith.extui %sign3A_2441 : i1 to i32
        %sign3A_2443 = arith.constant 0 : i32
        %sign3A_2444 = arith.cmpi slt, %add3A_2437, %sign3A_2443 : i32
        %sign3A_2445 = arith.extui %sign3A_2444 : i1 to i32
        %sign3A_2446 = arith.subi %sign3A_2442, %sign3A_2445 : i32
        %sign3A_2447 = arith.constant 0 : i32
        %sign3A_2448 = arith.cmpi sgt, %jit3A_2438, %sign3A_2447 : i32
        %sign3A_2449 = arith.extui %sign3A_2448 : i1 to i32
        %sign3A_2450 = arith.constant 0 : i32
        %sign3A_2451 = arith.cmpi slt, %jit3A_2438, %sign3A_2450 : i32
        %sign3A_2452 = arith.extui %sign3A_2451 : i1 to i32
        %sign3A_2453 = arith.subi %sign3A_2449, %sign3A_2452 : i32
        %ne3A_2454 = arith.cmpi ne, %sign3A_2446, %sign3A_2453 : i32
        %rem3A_2455 = arith.remsi %add3A_2437, %jit3A_2438 : i32
        %ne3A_2456 = arith.constant 0 : i32
        %ne3A_2457 = arith.cmpi ne, %rem3A_2455, %ne3A_2456 : i32
        %and3A_2458 = arith.andi %ne3A_2454, %ne3A_2457 : i1
        %sub3A_2459 = arith.constant 1 : i32
        %sub3A_2460 = arith.subi %div3A_2439, %sub3A_2459 : i32
        %select_n3A_2461 = arith.select %and3A_2458, %sub3A_2460, %div3A_2439 : i32
        %mul3A_2462 = arith.constant 16 : i32
        %mul3A_2463 = arith.muli %select_n3A_2461, %mul3A_2462 : i32
        %get3A_2464 = arith.index_cast %mul3A_2463 : i32 to index
        %get3A_2465 = tpu.vector_load %arg10[%get3A_2464] {strides = array<i32>} : memref<512xi32, #tpu.memory_space<vmem>>, vector<16xi32>,
        %jit3A_2466 = arith.constant 16 : i32
        %div3A_2467 = arith.divsi %add3A_2437, %jit3A_2466 : i32
        %sign3A_2468 = arith.constant 0 : i32
        %sign3A_2469 = arith.cmpi sgt, %add3A_2437, %sign3A_2468 : i32
        %sign3A_2470 = arith.extui %sign3A_2469 : i1 to i32
        %sign3A_2471 = arith.constant 0 : i32
        %sign3A_2472 = arith.cmpi slt, %add3A_2437, %sign3A_2471 : i32
        %sign3A_2473 = arith.extui %sign3A_2472 : i1 to i32
        %sign3A_2474 = arith.subi %sign3A_2470, %sign3A_2473 : i32
        %sign3A_2475 = arith.constant 0 : i32
        %sign3A_2476 = arith.cmpi sgt, %jit3A_2466, %sign3A_2475 : i32
        %sign3A_2477 = arith.extui %sign3A_2476 : i1 to i32
        %sign3A_2478 = arith.constant 0 : i32
        %sign3A_2479 = arith.cmpi slt, %jit3A_2466, %sign3A_2478 : i32
        %sign3A_2480 = arith.extui %sign3A_2479 : i1 to i32
        %sign3A_2481 = arith.subi %sign3A_2477, %sign3A_2480 : i32
        %ne3A_2482 = arith.cmpi ne, %sign3A_2474, %sign3A_2481 : i32
        %rem3A_2483 = arith.remsi %add3A_2437, %jit3A_2466 : i32
        %ne3A_2484 = arith.constant 0 : i32
        %ne3A_2485 = arith.cmpi ne, %rem3A_2483, %ne3A_2484 : i32
        %and3A_2486 = arith.andi %ne3A_2482, %ne3A_2485 : i1
        %sub3A_2487 = arith.constant 1 : i32
        %sub3A_2488 = arith.subi %div3A_2467, %sub3A_2487 : i32
        %select_n3A_2489 = arith.select %and3A_2486, %sub3A_2488, %div3A_2467 : i32
        %mul3A_2490 = arith.constant 16 : i32
        %mul3A_2491 = arith.muli %select_n3A_2489, %mul3A_2490 : i32
        %get3A_2492 = arith.index_cast %mul3A_2491 : i32 to index
        %get3A_2493 = tpu.vector_load %arg11[%get3A_2492] {strides = array<i32>} : memref<512xi32, #tpu.memory_space<vmem>>, vector<16xi32>,
        %jit3A_2494 = arith.constant 16 : i32
        %eq3A_2495 = arith.constant 0 : i32
        %eq3A_2496 = arith.cmpi eq, %jit3A_2494, %eq3A_2495 : i32
        %jit3A_2497 = arith.constant 1 : i32
        %select_n3A_2498 = arith.select %eq3A_2496, %jit3A_2497, %jit3A_2494 : i32
        %rem3A_2499 = arith.remsi %add3A_2437, %select_n3A_2498 : i32
        %ne3A_2500 = arith.constant 0 : i32
        %ne3A_2501 = arith.cmpi ne, %rem3A_2499, %ne3A_2500 : i32
        %lt3A_2502 = arith.constant 0 : i32
        %lt3A_2503 = arith.cmpi slt, %rem3A_2499, %lt3A_2502 : i32
        %lt3A_2504 = arith.constant 0 : i32
        %lt3A_2505 = arith.cmpi slt, %select_n3A_2498, %lt3A_2504 : i32
        %ne3A_2506 = arith.xori %lt3A_2503, %lt3A_2505 : i1
        %and3A_2507 = arith.andi %ne3A_2506, %ne3A_2501 : i1
        %add3A_2508 = arith.addi %rem3A_2499, %select_n3A_2498 : i32
        %select_n3A_2509 = arith.select %and3A_2507, %add3A_2508, %rem3A_2499 : i32
        %eq3A_2510 = vector.broadcast %select_n3A_2509 : i32 to vector<16xi32>
        %eq3A_2511 = arith.cmpi eq, %iota3A, %eq3A_2510 : vector<16xi32>
        %jit3A_2512 = arith.constant 1 : i32
        %jit3A_2513 = arith.constant 0 : i32
        %broadcast_in_dim3A_2514 = vector.broadcast %jit3A_2512 : i32 to vector<16xi32>
        %broadcast_in_dim3A_2515 = vector.broadcast %jit3A_2513 : i32 to vector<16xi32>
        %select_n3A_2516 = arith.select %eq3A_2511, %broadcast_in_dim3A_2514, %broadcast_in_dim3A_2515 : vector<16xi1>, vector<16xi32>
        %mul3A_2517 = arith.muli %get3A_2465, %select_n3A_2516 : vector<16xi32>
        %reduce_sum3A_2518 = arith.constant true
        %reduce_sum3A_2519 = vector.broadcast %reduce_sum3A_2518 : i1 to vector<16xi1>
        %reduce_sum3A_2520 = tpu.scan <sum>, %mul3A_2517 masked %reduce_sum3A_2519 : vector<16xi32>, vector<16xi1> -> vector<16xi32>
        %reduce_sum3A_2521 = vector.extract %reduce_sum3A_2520[15] : i32 from vector<16xi32>
        %and3A_2522 = arith.andi %reduce_sum3A_2521, %not3A_5 : i32
        %multiple_of3A_2523 = tpu.assume_multiple %and3A_2522, 128 : i32
        %mul3A_2524 = arith.muli %get3A_2493, %select_n3A_2516 : vector<16xi32>
        %reduce_sum3A_2525 = arith.constant true
        %reduce_sum3A_2526 = vector.broadcast %reduce_sum3A_2525 : i1 to vector<16xi1>
        %reduce_sum3A_2527 = tpu.scan <sum>, %mul3A_2524 masked %reduce_sum3A_2526 : vector<16xi32>, vector<16xi1> -> vector<16xi32>
        %reduce_sum3A_2528 = vector.extract %reduce_sum3A_2527[15] : i32 from vector<16xi32>
        %and3A_2529 = arith.andi %reduce_sum3A_2528, %not3A_5 : i32
        %multiple_of3A_2530 = tpu.assume_multiple %and3A_2529, 128 : i32
        %dma_start3A_2531 = arith.constant 6 : i32
        %dma_start3A_2532 = arith.constant 0 : i32
        %dma_start3A_2533 = arith.constant 0 : i32
        %dma_start3A_2534 = tpu.memref_slice %arg12[%dma_start3A_2531, %dma_start3A_2532, %dma_start3A_2533] : memref<7x64x128xf32, #tpu.memory_space<vmem>> -> memref<1x64x128xf32, #tpu.memory_space<vmem>>
        %dma_start3A_2535 = tpu.memref_squeeze %dma_start3A_2534 : memref<1x64x128xf32, #tpu.memory_space<vmem>> -> memref<64x128xf32, #tpu.memory_space<vmem>>
        %dma_start3A_2536 = arith.constant 0 : i32
        %dma_start3A_2537 = tpu.memref_slice %arg4[%dma_start3A_2536, %multiple_of3A_2523] : memref<64x1000000xf32, #tpu.memory_space<hbm>> -> memref<64x128xf32, #tpu.memory_space<hbm>>
        %dma_start3A_2538 = arith.constant 0 : i32
        %dma_start3A_2539 = arith.constant 0 : i32
        %dma_start3A_2540 = tpu.memref_slice %arg12[%dma_start3A_2531, %dma_start3A_2538, %dma_start3A_2539] : memref<7x64x128xf32, #tpu.memory_space<vmem>> -> memref<1x64x128xf32, #tpu.memory_space<vmem>>
        %dma_start3A_2541 = tpu.memref_squeeze %dma_start3A_2540 : memref<1x64x128xf32, #tpu.memory_space<vmem>> -> memref<64x128xf32, #tpu.memory_space<vmem>>
        %dma_start3A_2542 = arith.constant 0 : i32
        %dma_start3A_2543 = tpu.memref_slice %arg4[%dma_start3A_2542, %multiple_of3A_2523] : memref<64x1000000xf32, #tpu.memory_space<hbm>> -> memref<64x128xf32, #tpu.memory_space<hbm>>
        tpu.enqueue_dma source(%dma_start3A_2543 : memref<64x128xf32, #tpu.memory_space<hbm>>) target(%dma_start3A_2541 : memref<64x128xf32, #tpu.memory_space<vmem>>) target_semaphore(%arg25 : memref<!tpu.dma_semaphore, #tpu.memory_space<semaphore_mem>>)
        %dma_start3A_2544 = arith.constant 6 : i32
        %dma_start3A_2545 = arith.constant 0 : i32
        %dma_start3A_2546 = arith.constant 0 : i32
        %dma_start3A_2547 = tpu.memref_slice %arg13[%dma_start3A_2544, %dma_start3A_2545, %dma_start3A_2546] : memref<7x64x128xf32, #tpu.memory_space<vmem>> -> memref<1x64x128xf32, #tpu.memory_space<vmem>>
        %dma_start3A_2548 = tpu.memref_squeeze %dma_start3A_2547 : memref<1x64x128xf32, #tpu.memory_space<vmem>> -> memref<64x128xf32, #tpu.memory_space<vmem>>
        %dma_start3A_2549 = arith.constant 0 : i32
        %dma_start3A_2550 = tpu.memref_slice %arg5[%dma_start3A_2549, %multiple_of3A_2530] : memref<64x1000000xf32, #tpu.memory_space<hbm>> -> memref<64x128xf32, #tpu.memory_space<hbm>>
        %dma_start3A_2551 = arith.constant 0 : i32
        %dma_start3A_2552 = arith.constant 0 : i32
        %dma_start3A_2553 = tpu.memref_slice %arg13[%dma_start3A_2544, %dma_start3A_2551, %dma_start3A_2552] : memref<7x64x128xf32, #tpu.memory_space<vmem>> -> memref<1x64x128xf32, #tpu.memory_space<vmem>>
        %dma_start3A_2554 = tpu.memref_squeeze %dma_start3A_2553 : memref<1x64x128xf32, #tpu.memory_space<vmem>> -> memref<64x128xf32, #tpu.memory_space<vmem>>
        %dma_start3A_2555 = arith.constant 0 : i32
        %dma_start3A_2556 = tpu.memref_slice %arg5[%dma_start3A_2555, %multiple_of3A_2530] : memref<64x1000000xf32, #tpu.memory_space<hbm>> -> memref<64x128xf32, #tpu.memory_space<hbm>>
        tpu.enqueue_dma source(%dma_start3A_2556 : memref<64x128xf32, #tpu.memory_space<hbm>>) target(%dma_start3A_2554 : memref<64x128xf32, #tpu.memory_space<vmem>>) target_semaphore(%arg25 : memref<!tpu.dma_semaphore, #tpu.memory_space<semaphore_mem>>)
      } else {
      }
      %eq3A_2427 = arith.constant 15 : i32
      %eq3A_2428 = arith.cmpi eq, %select_n3A_2354, %eq3A_2427 : i32
      %convert_element_type3A_2429 = arith.extui %eq3A_2428 : i1 to i32
      %cond3A_2430 = arith.constant 0 : i32
      %cond3A_2431 = arith.cmpi ne, %convert_element_type3A_2429, %cond3A_2430 : i32
      scf.if %cond3A_2431 {
        %jit3A_2436 = arith.constant 16 : i32
        %div3A_2437 = arith.divsi %add3A_2252, %jit3A_2436 : i32
        %sign3A_2438 = arith.constant 0 : i32
        %sign3A_2439 = arith.cmpi sgt, %add3A_2252, %sign3A_2438 : i32
        %sign3A_2440 = arith.extui %sign3A_2439 : i1 to i32
        %sign3A_2441 = arith.constant 0 : i32
        %sign3A_2442 = arith.cmpi slt, %add3A_2252, %sign3A_2441 : i32
        %sign3A_2443 = arith.extui %sign3A_2442 : i1 to i32
        %sign3A_2444 = arith.subi %sign3A_2440, %sign3A_2443 : i32
        %sign3A_2445 = arith.constant 0 : i32
        %sign3A_2446 = arith.cmpi sgt, %jit3A_2436, %sign3A_2445 : i32
        %sign3A_2447 = arith.extui %sign3A_2446 : i1 to i32
        %sign3A_2448 = arith.constant 0 : i32
        %sign3A_2449 = arith.cmpi slt, %jit3A_2436, %sign3A_2448 : i32
        %sign3A_2450 = arith.extui %sign3A_2449 : i1 to i32
        %sign3A_2451 = arith.subi %sign3A_2447, %sign3A_2450 : i32
        %ne3A_2452 = arith.cmpi ne, %sign3A_2444, %sign3A_2451 : i32
        %rem3A_2453 = arith.remsi %add3A_2252, %jit3A_2436 : i32
        %ne3A_2454 = arith.constant 0 : i32
        %ne3A_2455 = arith.cmpi ne, %rem3A_2453, %ne3A_2454 : i32
        %and3A_2456 = arith.andi %ne3A_2452, %ne3A_2455 : i1
        %sub3A_2457 = arith.constant 1 : i32
        %sub3A_2458 = arith.subi %div3A_2437, %sub3A_2457 : i32
        %select_n3A_2459 = arith.select %and3A_2456, %sub3A_2458, %div3A_2437 : i32
        %mul3A_2460 = arith.constant 16 : i32
        %mul3A_2461 = arith.muli %select_n3A_2459, %mul3A_2460 : i32
        %get3A_2462 = arith.index_cast %mul3A_2461 : i32 to index
        %get3A_2463 = tpu.vector_load %arg14[%get3A_2462] {strides = array<i32>} : memref<512xf32, #tpu.memory_space<vmem>>, vector<16xf32>,
        %add3A_2464 = arith.addf %select_n3A_2419, %get3A_2463 : vector<16xf32>
        %mul3A_2465 = arith.constant 16 : i32
        %mul3A_2466 = arith.muli %select_n3A_2459, %mul3A_2465 : i32
        %get3A_2467 = arith.index_cast %mul3A_2466 : i32 to index
        %get3A_2468 = tpu.vector_load %arg15[%get3A_2467] {strides = array<i32>} : memref<512xf32, #tpu.memory_space<vmem>>, vector<16xf32>,
        %add3A_2469 = arith.addf %add3A_2464, %get3A_2468 : vector<16xf32>
        %add3A_2470 = arith.addf %add3A_2469, %get3A_3 : vector<16xf32>
        %mul3A_2471 = arith.constant 16 : i32
        %mul3A_2472 = arith.muli %select_n3A_2459, %mul3A_2471 : i32
        %swap3A = arith.index_cast %mul3A_2472 : i32 to index
        %swap3A_2473 = tpu.vector_load %arg16[%swap3A] {strides = array<i32>} : memref<512xf32, #tpu.memory_space<vmem>>, vector<16xf32>,
        tpu.vector_store %arg16[%swap3A], %add3A_2470 {strides = array<i32>} : memref<512xf32, #tpu.memory_space<vmem>>, vector<16xf32>,
      } else {
      }
      %broadcast_in_dim3A_2432 = vector.broadcast %eq3A_2428 : i1 to vector<16xi1>
      %broadcast_in_dim3A_2433 = arith.constant 0.000000e+00 : f32
      %broadcast_in_dim3A_2434 = vector.broadcast %broadcast_in_dim3A_2433 : f32 to vector<16xf32>
      %select_n3A_2435 = arith.select %broadcast_in_dim3A_2432, %broadcast_in_dim3A_2434, %select_n3A_2419 : vector<16xi1>, vector<16xf32>
      scf.yield %select_n3A_2435 : vector<16xf32>
    }
    %scan3A_947 = arith.constant 73 : i32
    %dma_wait3A_948 = arith.constant 0 : i32
    %dma_wait3A_949 = arith.constant 0 : i32
    %dma_wait3A_950 = arith.constant 0 : i32
    %dma_wait3A_951 = tpu.memref_slice %arg12[%dma_wait3A_948, %dma_wait3A_949, %dma_wait3A_950] : memref<7x64x128xf32, #tpu.memory_space<vmem>> -> memref<1x64x128xf32, #tpu.memory_space<vmem>>
    %dma_wait3A_952 = tpu.memref_squeeze %dma_wait3A_951 : memref<1x64x128xf32, #tpu.memory_space<vmem>> -> memref<64x128xf32, #tpu.memory_space<vmem>>
    %dma_wait3A_953 = arith.constant 0 : i32
    %dma_wait3A_954 = arith.constant 0 : i32
    %dma_wait3A_955 = tpu.memref_slice %arg4[%dma_wait3A_953, %dma_wait3A_954] : memref<64x1000000xf32, #tpu.memory_space<hbm>> -> memref<64x128xf32, #tpu.memory_space<hbm>>
    %dma_wait3A_956 = arith.constant 0 : i32
    %dma_wait3A_957 = arith.constant 0 : i32
    %dma_wait3A_958 = tpu.memref_slice %arg12[%dma_wait3A_948, %dma_wait3A_956, %dma_wait3A_957] : memref<7x64x128xf32, #tpu.memory_space<vmem>> -> memref<1x64x128xf32, #tpu.memory_space<vmem>>
    %dma_wait3A_959 = tpu.memref_squeeze %dma_wait3A_958 : memref<1x64x128xf32, #tpu.memory_space<vmem>> -> memref<64x128xf32, #tpu.memory_space<vmem>>
    %dma_wait3A_960 = arith.constant 0 : i32
    %dma_wait3A_961 = arith.constant 0 : i32
    %dma_wait3A_962 = tpu.memref_slice %arg4[%dma_wait3A_960, %dma_wait3A_961] : memref<64x1000000xf32, #tpu.memory_space<hbm>> -> memref<64x128xf32, #tpu.memory_space<hbm>>
    tpu.wait_dma2 semaphore(%arg19 : memref<!tpu.dma_semaphore, #tpu.memory_space<semaphore_mem>>) src(%dma_wait3A_962 : memref<64x128xf32, #tpu.memory_space<hbm>>) dst(%dma_wait3A_959 : memref<64x128xf32, #tpu.memory_space<vmem>>)
    %dma_wait3A_963 = arith.constant 0 : i32
    %dma_wait3A_964 = arith.constant 0 : i32
    %dma_wait3A_965 = arith.constant 0 : i32
    %dma_wait3A_966 = tpu.memref_slice %arg13[%dma_wait3A_963, %dma_wait3A_964, %dma_wait3A_965] : memref<7x64x128xf32, #tpu.memory_space<vmem>> -> memref<1x64x128xf32, #tpu.memory_space<vmem>>
    %dma_wait3A_967 = tpu.memref_squeeze %dma_wait3A_966 : memref<1x64x128xf32, #tpu.memory_space<vmem>> -> memref<64x128xf32, #tpu.memory_space<vmem>>
    %dma_wait3A_968 = arith.constant 0 : i32
    %dma_wait3A_969 = arith.constant 0 : i32
    %dma_wait3A_970 = tpu.memref_slice %arg5[%dma_wait3A_968, %dma_wait3A_969] : memref<64x1000000xf32, #tpu.memory_space<hbm>> -> memref<64x128xf32, #tpu.memory_space<hbm>>
    %dma_wait3A_971 = arith.constant 0 : i32
    %dma_wait3A_972 = arith.constant 0 : i32
    %dma_wait3A_973 = tpu.memref_slice %arg13[%dma_wait3A_963, %dma_wait3A_971, %dma_wait3A_972] : memref<7x64x128xf32, #tpu.memory_space<vmem>> -> memref<1x64x128xf32, #tpu.memory_space<vmem>>
    %dma_wait3A_974 = tpu.memref_squeeze %dma_wait3A_973 : memref<1x64x128xf32, #tpu.memory_space<vmem>> -> memref<64x128xf32, #tpu.memory_space<vmem>>
    %dma_wait3A_975 = arith.constant 0 : i32
    %dma_wait3A_976 = arith.constant 0 : i32
    %dma_wait3A_977 = tpu.memref_slice %arg5[%dma_wait3A_975, %dma_wait3A_976] : memref<64x1000000xf32, #tpu.memory_space<hbm>> -> memref<64x128xf32, #tpu.memory_space<hbm>>
    tpu.wait_dma2 semaphore(%arg19 : memref<!tpu.dma_semaphore, #tpu.memory_space<semaphore_mem>>) src(%dma_wait3A_977 : memref<64x128xf32, #tpu.memory_space<hbm>>) dst(%dma_wait3A_974 : memref<64x128xf32, #tpu.memory_space<vmem>>)
    %jit3A_978 = arith.constant 511 : i32
    %jit3A_979 = arith.constant 16 : i32
    %div3A_980 = arith.divsi %jit3A_978, %jit3A_979 : i32
    %sign3A_981 = arith.constant 0 : i32
    %sign3A_982 = arith.cmpi sgt, %jit3A_978, %sign3A_981 : i32
    %sign3A_983 = arith.extui %sign3A_982 : i1 to i32
    %sign3A_984 = arith.constant 0 : i32
    %sign3A_985 = arith.cmpi slt, %jit3A_978, %sign3A_984 : i32
    %sign3A_986 = arith.extui %sign3A_985 : i1 to i32
    %sign3A_987 = arith.subi %sign3A_983, %sign3A_986 : i32
    %sign3A_988 = arith.constant 0 : i32
    %sign3A_989 = arith.cmpi sgt, %jit3A_979, %sign3A_988 : i32
    %sign3A_990 = arith.extui %sign3A_989 : i1 to i32
    %sign3A_991 = arith.constant 0 : i32
    %sign3A_992 = arith.cmpi slt, %jit3A_979, %sign3A_991 : i32
    %sign3A_993 = arith.extui %sign3A_992 : i1 to i32
    %sign3A_994 = arith.subi %sign3A_990, %sign3A_993 : i32
    %ne3A_995 = arith.cmpi ne, %sign3A_987, %sign3A_994 : i32
    %rem3A_996 = arith.remsi %jit3A_978, %jit3A_979 : i32
    %ne3A_997 = arith.constant 0 : i32
    %ne3A_998 = arith.cmpi ne, %rem3A_996, %ne3A_997 : i32
    %and3A_999 = arith.andi %ne3A_995, %ne3A_998 : i1
    %sub3A_1000 = arith.constant 1 : i32
    %sub3A_1001 = arith.subi %div3A_980, %sub3A_1000 : i32
    %select_n3A_1002 = arith.select %and3A_999, %sub3A_1001, %div3A_980 : i32
    %mul3A_1003 = arith.constant 16 : i32
    %mul3A_1004 = arith.muli %select_n3A_1002, %mul3A_1003 : i32
    %get3A_1005 = arith.index_cast %mul3A_1004 : i32 to index
    %get3A_1006 = tpu.vector_load %arg10[%get3A_1005] {strides = array<i32>} : memref<512xi32, #tpu.memory_space<vmem>>, vector<16xi32>,
    %jit3A_1007 = arith.constant 511 : i32
    %jit3A_1008 = arith.constant 16 : i32
    %div3A_1009 = arith.divsi %jit3A_1007, %jit3A_1008 : i32
    %sign3A_1010 = arith.constant 0 : i32
    %sign3A_1011 = arith.cmpi sgt, %jit3A_1007, %sign3A_1010 : i32
    %sign3A_1012 = arith.extui %sign3A_1011 : i1 to i32
    %sign3A_1013 = arith.constant 0 : i32
    %sign3A_1014 = arith.cmpi slt, %jit3A_1007, %sign3A_1013 : i32
    %sign3A_1015 = arith.extui %sign3A_1014 : i1 to i32
    %sign3A_1016 = arith.subi %sign3A_1012, %sign3A_1015 : i32
    %sign3A_1017 = arith.constant 0 : i32
    %sign3A_1018 = arith.cmpi sgt, %jit3A_1008, %sign3A_1017 : i32
    %sign3A_1019 = arith.extui %sign3A_1018 : i1 to i32
    %sign3A_1020 = arith.constant 0 : i32
    %sign3A_1021 = arith.cmpi slt, %jit3A_1008, %sign3A_1020 : i32
    %sign3A_1022 = arith.extui %sign3A_1021 : i1 to i32
    %sign3A_1023 = arith.subi %sign3A_1019, %sign3A_1022 : i32
    %ne3A_1024 = arith.cmpi ne, %sign3A_1016, %sign3A_1023 : i32
    %rem3A_1025 = arith.remsi %jit3A_1007, %jit3A_1008 : i32
    %ne3A_1026 = arith.constant 0 : i32
    %ne3A_1027 = arith.cmpi ne, %rem3A_1025, %ne3A_1026 : i32
    %and3A_1028 = arith.andi %ne3A_1024, %ne3A_1027 : i1
    %sub3A_1029 = arith.constant 1 : i32
    %sub3A_1030 = arith.subi %div3A_1009, %sub3A_1029 : i32
    %select_n3A_1031 = arith.select %and3A_1028, %sub3A_1030, %div3A_1009 : i32
    %mul3A_1032 = arith.constant 16 : i32
    %mul3A_1033 = arith.muli %select_n3A_1031, %mul3A_1032 : i32
    %get3A_1034 = arith.index_cast %mul3A_1033 : i32 to index
    %get3A_1035 = tpu.vector_load %arg11[%get3A_1034] {strides = array<i32>} : memref<512xi32, #tpu.memory_space<vmem>>, vector<16xi32>,
    %jit3A_1036 = arith.constant 511 : i32
    %jit3A_1037 = arith.constant 16 : i32
    %eq3A_1038 = arith.constant 0 : i32
    %eq3A_1039 = arith.cmpi eq, %jit3A_1037, %eq3A_1038 : i32
    %jit3A_1040 = arith.constant 1 : i32
    %select_n3A_1041 = arith.select %eq3A_1039, %jit3A_1040, %jit3A_1037 : i32
    %rem3A_1042 = arith.remsi %jit3A_1036, %select_n3A_1041 : i32
    %ne3A_1043 = arith.constant 0 : i32
    %ne3A_1044 = arith.cmpi ne, %rem3A_1042, %ne3A_1043 : i32
    %lt3A_1045 = arith.constant 0 : i32
    %lt3A_1046 = arith.cmpi slt, %rem3A_1042, %lt3A_1045 : i32
    %lt3A_1047 = arith.constant 0 : i32
    %lt3A_1048 = arith.cmpi slt, %select_n3A_1041, %lt3A_1047 : i32
    %ne3A_1049 = arith.xori %lt3A_1046, %lt3A_1048 : i1
    %and3A_1050 = arith.andi %ne3A_1049, %ne3A_1044 : i1
    %add3A_1051 = arith.addi %rem3A_1042, %select_n3A_1041 : i32
    %select_n3A_1052 = arith.select %and3A_1050, %add3A_1051, %rem3A_1042 : i32
    %eq3A_1053 = vector.broadcast %select_n3A_1052 : i32 to vector<16xi32>
    %eq3A_1054 = arith.cmpi eq, %iota3A, %eq3A_1053 : vector<16xi32>
    %jit3A_1055 = arith.constant 1 : i32
    %jit3A_1056 = arith.constant 0 : i32
    %broadcast_in_dim3A_1057 = vector.broadcast %jit3A_1055 : i32 to vector<16xi32>
    %broadcast_in_dim3A_1058 = vector.broadcast %jit3A_1056 : i32 to vector<16xi32>
    %select_n3A_1059 = arith.select %eq3A_1054, %broadcast_in_dim3A_1057, %broadcast_in_dim3A_1058 : vector<16xi1>, vector<16xi32>
    %and3A_1060 = arith.constant 127 : i32
    %and3A_1061 = vector.broadcast %and3A_1060 : i32 to vector<16xi32>
    %and3A_1062 = arith.andi %get3A_1006, %and3A_1061 : vector<16xi32>
    %mul3A_1063 = arith.muli %and3A_1062, %select_n3A_1059 : vector<16xi32>
    %reduce_sum3A_1064 = arith.constant true
    %reduce_sum3A_1065 = vector.broadcast %reduce_sum3A_1064 : i1 to vector<16xi1>
    %reduce_sum3A_1066 = tpu.scan <sum>, %mul3A_1063 masked %reduce_sum3A_1065 : vector<16xi32>, vector<16xi1> -> vector<16xi32>
    %reduce_sum3A_1067 = vector.extract %reduce_sum3A_1066[15] : i32 from vector<16xi32>
    %broadcast_in_dim3A_1068 = vector.broadcast %reduce_sum3A_1067 : i32 to vector<16xi32>
    %and3A_1069 = arith.constant 127 : i32
    %and3A_1070 = vector.broadcast %and3A_1069 : i32 to vector<16xi32>
    %and3A_1071 = arith.andi %get3A_1035, %and3A_1070 : vector<16xi32>
    %mul3A_1072 = arith.muli %and3A_1071, %select_n3A_1059 : vector<16xi32>
    %reduce_sum3A_1073 = arith.constant true
    %reduce_sum3A_1074 = vector.broadcast %reduce_sum3A_1073 : i1 to vector<16xi1>
    %reduce_sum3A_1075 = tpu.scan <sum>, %mul3A_1072 masked %reduce_sum3A_1074 : vector<16xi32>, vector<16xi1> -> vector<16xi32>
    %reduce_sum3A_1076 = vector.extract %reduce_sum3A_1075[15] : i32 from vector<16xi32>
    %broadcast_in_dim3A_1077 = vector.broadcast %reduce_sum3A_1076 : i32 to vector<16xi32>
    %broadcast_in_dim3A_1078 = arith.constant 0 : i32
    %broadcast_in_dim3A_1079 = vector.broadcast %broadcast_in_dim3A_1078 : i32 to vector<16xi32>
    %broadcast_in_dim3A_1080 = arith.constant 0.000000e+00 : f32
    %broadcast_in_dim3A_1081 = vector.broadcast %broadcast_in_dim3A_1080 : f32 to vector<16xf32>
    %add3A_1082 = arith.constant 0 : i32
    %add3A_1083 = vector.broadcast %add3A_1082 : i32 to vector<16xi32>
    %add3A_1084 = arith.addi %iota3A, %add3A_1083 : vector<16xi32>
    %gather3A = tpu.vector_load_idx %arg12[%broadcast_in_dim3A_1079, %add3A_1084, %broadcast_in_dim3A_1068] : memref<7x64x128xf32, #tpu.memory_space<vmem>>[vector<16xi32>, vector<16xi32>, vector<16xi32>], vector<16xf32>,
    %gather3A_1085 = tpu.vector_load_idx %arg13[%broadcast_in_dim3A_1079, %add3A_1084, %broadcast_in_dim3A_1077] : memref<7x64x128xf32, #tpu.memory_space<vmem>>[vector<16xi32>, vector<16xi32>, vector<16xi32>], vector<16xf32>,
    %mul3A_1086 = arith.mulf %gather3A, %gather3A_1085 : vector<16xf32>
    %add3A_1087 = arith.addf %broadcast_in_dim3A_1081, %mul3A_1086 : vector<16xf32>
    %add3A_1088 = arith.constant 16 : i32
    %add3A_1089 = vector.broadcast %add3A_1088 : i32 to vector<16xi32>
    %add3A_1090 = arith.addi %iota3A, %add3A_1089 : vector<16xi32>
    %gather3A_1091 = tpu.vector_load_idx %arg12[%broadcast_in_dim3A_1079, %add3A_1090, %broadcast_in_dim3A_1068] : memref<7x64x128xf32, #tpu.memory_space<vmem>>[vector<16xi32>, vector<16xi32>, vector<16xi32>], vector<16xf32>,
    %gather3A_1092 = tpu.vector_load_idx %arg13[%broadcast_in_dim3A_1079, %add3A_1090, %broadcast_in_dim3A_1077] : memref<7x64x128xf32, #tpu.memory_space<vmem>>[vector<16xi32>, vector<16xi32>, vector<16xi32>], vector<16xf32>,
    %mul3A_1093 = arith.mulf %gather3A_1091, %gather3A_1092 : vector<16xf32>
    %add3A_1094 = arith.addf %add3A_1087, %mul3A_1093 : vector<16xf32>
    %add3A_1095 = arith.constant 32 : i32
    %add3A_1096 = vector.broadcast %add3A_1095 : i32 to vector<16xi32>
    %add3A_1097 = arith.addi %iota3A, %add3A_1096 : vector<16xi32>
    %gather3A_1098 = tpu.vector_load_idx %arg12[%broadcast_in_dim3A_1079, %add3A_1097, %broadcast_in_dim3A_1068] : memref<7x64x128xf32, #tpu.memory_space<vmem>>[vector<16xi32>, vector<16xi32>, vector<16xi32>], vector<16xf32>,
    %gather3A_1099 = tpu.vector_load_idx %arg13[%broadcast_in_dim3A_1079, %add3A_1097, %broadcast_in_dim3A_1077] : memref<7x64x128xf32, #tpu.memory_space<vmem>>[vector<16xi32>, vector<16xi32>, vector<16xi32>], vector<16xf32>,
    %mul3A_1100 = arith.mulf %gather3A_1098, %gather3A_1099 : vector<16xf32>
    %add3A_1101 = arith.addf %add3A_1094, %mul3A_1100 : vector<16xf32>
    %add3A_1102 = arith.constant 48 : i32
    %add3A_1103 = vector.broadcast %add3A_1102 : i32 to vector<16xi32>
    %add3A_1104 = arith.addi %iota3A, %add3A_1103 : vector<16xi32>
    %gather3A_1105 = tpu.vector_load_idx %arg12[%broadcast_in_dim3A_1079, %add3A_1104, %broadcast_in_dim3A_1068] : memref<7x64x128xf32, #tpu.memory_space<vmem>>[vector<16xi32>, vector<16xi32>, vector<16xi32>], vector<16xf32>,
    %gather3A_1106 = tpu.vector_load_idx %arg13[%broadcast_in_dim3A_1079, %add3A_1104, %broadcast_in_dim3A_1077] : memref<7x64x128xf32, #tpu.memory_space<vmem>>[vector<16xi32>, vector<16xi32>, vector<16xi32>], vector<16xf32>,
    %mul3A_1107 = arith.mulf %gather3A_1105, %gather3A_1106 : vector<16xf32>
    %add3A_1108 = arith.addf %add3A_1101, %mul3A_1107 : vector<16xf32>
    %eq3A_1109 = vector.broadcast %select_n3A_1052 : i32 to vector<16xi32>
    %eq3A_1110 = arith.cmpi eq, %iota3A, %eq3A_1109 : vector<16xi32>
    %reduce_sum3A_1111 = arith.constant true
    %reduce_sum3A_1112 = vector.broadcast %reduce_sum3A_1111 : i1 to vector<16xi1>
    %reduce_sum3A_1113 = tpu.scan <sum>, %add3A_1108 masked %reduce_sum3A_1112 : vector<16xf32>, vector<16xi1> -> vector<16xf32>
    %reduce_sum3A_1114 = vector.extract %reduce_sum3A_1113[15] : f32 from vector<16xf32>
    %broadcast_in_dim3A_1115 = vector.broadcast %reduce_sum3A_1114 : f32 to vector<16xf32>
    %select_n3A_1116 = arith.select %eq3A_1110, %broadcast_in_dim3A_1115, %scan3A_946 : vector<16xi1>, vector<16xf32>
    %eq3A_1117 = arith.constant 15 : i32
    %eq3A_1118 = arith.cmpi eq, %select_n3A_1052, %eq3A_1117 : i32
    %convert_element_type3A = arith.extui %eq3A_1118 : i1 to i32
    %cond3A = arith.constant 511 : i32
    %cond3A_1119 = arith.constant 0 : i32
    %cond3A_1120 = arith.cmpi ne, %convert_element_type3A, %cond3A_1119 : i32
    scf.if %cond3A_1120 {
      %jit3A_1125 = arith.constant 16 : i32
      %div3A_1126 = arith.divsi %cond3A, %jit3A_1125 : i32
      %sign3A_1127 = arith.constant 0 : i32
      %sign3A_1128 = arith.cmpi sgt, %cond3A, %sign3A_1127 : i32
      %sign3A_1129 = arith.extui %sign3A_1128 : i1 to i32
      %sign3A_1130 = arith.constant 0 : i32
      %sign3A_1131 = arith.cmpi slt, %cond3A, %sign3A_1130 : i32
      %sign3A_1132 = arith.extui %sign3A_1131 : i1 to i32
      %sign3A_1133 = arith.subi %sign3A_1129, %sign3A_1132 : i32
      %sign3A_1134 = arith.constant 0 : i32
      %sign3A_1135 = arith.cmpi sgt, %jit3A_1125, %sign3A_1134 : i32
      %sign3A_1136 = arith.extui %sign3A_1135 : i1 to i32
      %sign3A_1137 = arith.constant 0 : i32
      %sign3A_1138 = arith.cmpi slt, %jit3A_1125, %sign3A_1137 : i32
      %sign3A_1139 = arith.extui %sign3A_1138 : i1 to i32
      %sign3A_1140 = arith.subi %sign3A_1136, %sign3A_1139 : i32
      %ne3A_1141 = arith.cmpi ne, %sign3A_1133, %sign3A_1140 : i32
      %rem3A_1142 = arith.remsi %cond3A, %jit3A_1125 : i32
      %ne3A_1143 = arith.constant 0 : i32
      %ne3A_1144 = arith.cmpi ne, %rem3A_1142, %ne3A_1143 : i32
      %and3A_1145 = arith.andi %ne3A_1141, %ne3A_1144 : i1
      %sub3A_1146 = arith.constant 1 : i32
      %sub3A_1147 = arith.subi %div3A_1126, %sub3A_1146 : i32
      %select_n3A_1148 = arith.select %and3A_1145, %sub3A_1147, %div3A_1126 : i32
      %mul3A_1149 = arith.constant 16 : i32
      %mul3A_1150 = arith.muli %select_n3A_1148, %mul3A_1149 : i32
      %get3A_1151 = arith.index_cast %mul3A_1150 : i32 to index
      %get3A_1152 = tpu.vector_load %arg14[%get3A_1151] {strides = array<i32>} : memref<512xf32, #tpu.memory_space<vmem>>, vector<16xf32>,
      %add3A_1153 = arith.addf %select_n3A_1116, %get3A_1152 : vector<16xf32>
      %mul3A_1154 = arith.constant 16 : i32
      %mul3A_1155 = arith.muli %select_n3A_1148, %mul3A_1154 : i32
      %get3A_1156 = arith.index_cast %mul3A_1155 : i32 to index
      %get3A_1157 = tpu.vector_load %arg15[%get3A_1156] {strides = array<i32>} : memref<512xf32, #tpu.memory_space<vmem>>, vector<16xf32>,
      %add3A_1158 = arith.addf %add3A_1153, %get3A_1157 : vector<16xf32>
      %add3A_1159 = arith.addf %add3A_1158, %get3A_3 : vector<16xf32>
      %mul3A_1160 = arith.constant 16 : i32
      %mul3A_1161 = arith.muli %select_n3A_1148, %mul3A_1160 : i32
      %swap3A = arith.index_cast %mul3A_1161 : i32 to index
      %swap3A_1162 = tpu.vector_load %arg16[%swap3A] {strides = array<i32>} : memref<512xf32, #tpu.memory_space<vmem>>, vector<16xf32>,
      tpu.vector_store %arg16[%swap3A], %add3A_1159 {strides = array<i32>} : memref<512xf32, #tpu.memory_space<vmem>>, vector<16xf32>,
    } else {
    }
    %broadcast_in_dim3A_1121 = vector.broadcast %eq3A_1118 : i1 to vector<16xi1>
    %broadcast_in_dim3A_1122 = arith.constant 0.000000e+00 : f32
    %broadcast_in_dim3A_1123 = vector.broadcast %broadcast_in_dim3A_1122 : f32 to vector<16xf32>
    %select_n3A_1124 = arith.select %broadcast_in_dim3A_1121, %broadcast_in_dim3A_1123, %select_n3A_1116 : vector<16xi1>, vector<16xf32>
    "tpu.region"() ({
      %run_scoped3A = tpu.sem_alloc : memref<!tpu.dma_semaphore, #tpu.memory_space<semaphore_mem>>
      %dma_start3A_1125 = tpu.memref_slice %arg9[%mul3A_2] : memref<16384xf32, #tpu.memory_space<hbm>> -> memref<512xf32, #tpu.memory_space<hbm>>
      %dma_start3A_1126 = tpu.memref_slice %arg9[%mul3A_2] : memref<16384xf32, #tpu.memory_space<hbm>> -> memref<512xf32, #tpu.memory_space<hbm>>
      tpu.enqueue_dma source(%arg16 : memref<512xf32, #tpu.memory_space<vmem>>) target(%dma_start3A_1126 : memref<512xf32, #tpu.memory_space<hbm>>) target_semaphore(%run_scoped3A : memref<!tpu.dma_semaphore, #tpu.memory_space<semaphore_mem>>)
      %dma_wait3A_1127 = tpu.memref_slice %arg9[%mul3A_2] : memref<16384xf32, #tpu.memory_space<hbm>> -> memref<512xf32, #tpu.memory_space<hbm>>
      %dma_wait3A_1128 = tpu.memref_slice %arg9[%mul3A_2] : memref<16384xf32, #tpu.memory_space<hbm>> -> memref<512xf32, #tpu.memory_space<hbm>>
      tpu.wait_dma2 semaphore(%run_scoped3A : memref<!tpu.dma_semaphore, #tpu.memory_space<semaphore_mem>>) src(%arg16 : memref<512xf32, #tpu.memory_space<vmem>>) dst(%dma_wait3A_1128 : memref<512xf32, #tpu.memory_space<hbm>>)
      tpu.yield
    }) : () -> ()
    return
  }
}

</mosaic_0001>

<sc_bundles>
// kernel: _mf_scores.3.cloned.1.call-start
scs
__scs_entry_jumppad:
0x0: {  	(pc) =	sbr.rel $0x88, $3  }
0x1: {  	(tag) =	ssettag $0x0;
	lr =	simm.s32 $0x1  }
0x2: {  	[smem:$0x3F9A] =	sst lr;
	_ =	strace $0xD0000000  }
0x3: {  	_ = 	snop  }
0x4: {  	_ = 	snop  }
0x5: {  	_ = 	snop  }
0x6: {  	_ = 	snop  }
0x7: {  	_ = 	snop  }
__scs_overlays_trampoline_lowered:
0x8: {  	[smem:$0x3FA9] =	sst s0  }
0x9: {  	[smem:$0x3FAA] =	sst s1  }
0xa: {  	[smem:$0x3FAB] =	sst s2  }
0xb: {  	[smem:$0x3FAC] =	sst s3  }
0xc: {  	[smem:$0x3FAD] =	sst s4  }
0xd: {  	[smem:$0x3FAE] =	sst s5  }
0xe: {  	[smem:$0x3FAF] =	sst s6  }
0xf: {  	[smem:$0x3FB0] =	sst s7  }
0x10: {  	[smem:$0x3FB1] =	sst s8  }
0x11: {  	[smem:$0x3FB2] =	sst s9;
	s0 =	simm.s32 @!p0 $0x0  }
0x12: {  	s1 =	sld [smem:$0x3F98];
	s0 =	simm.s32 @p0 $0x1  }
0x13: {  	[smem:$0x3FB3] =	sst s0;
	s0 =	simm.s32 @!p1 $0x0  }
0x14: {  	s2 =	sld [smem:$0x3F97];
	s0 =	simm.s32 @p1 $0x1  }
0x15: {  	[smem:$0x3FB4] =	sst s0;
	s0 =	simm.s32 @!p2 $0x0  }
0x16: {  	s3 =	sld [smem:$0x3FDB];
	s0 =	simm.s32 @p2 $0x1  }
0x17: {  	s4 =	simm.s32 $0x1BF5;
	[smem:$0x3FB6] =	sst s0  }
0x18: {  	s0 =	sld [smem:$0x3F99];
	_ =	swait.ge [sflag:s4], $0x0  }
0x19: {  	s7 =	sld [smem:$0x3F9A]  }
0x1a: {  	s8 =	sadd.s32 $0xFFFFE003, lr  }
0x1b: {  	s9 =	sadd.s32 $0xFFFFFEF7, lr;
	s5 =	simm.s32 $0xFFFFFFFF;
	p2 =	slt.u32 s8, $0xFFFFF086  }
0x1c: {  	p1 =	slt.u32 s9, $0xF7A;
	s5 =	simm.s32 @!p2 $0x0  }
0x1d: {  	s5 =	simm.s32 @p1 $0x1;
	p0 =	seq.s32 s7, s2  }
0x1e: {  	s7 =	smul.u32 @!p0 $0xF7A, s2;
	p2 =	seq.s32 @!p0 s5, $0x0  }
0x1f: {  	s9 =	smul.u32 $0xF7A, s1;
	s8 =	simm.s32 @!p0 $0x1BF5;
	p2 =	por !p2, p0  }
0x20: {  	[sflag:s8] =	ssyncset.s32 @!p0 $0xFFFFF086;
	s6 =	sadd.s32 @!p0 s3, s7;
	s7 =	simm.s32 @!p0 $0x108  }
0x21: {  	s3 =	sadd.s32 s3, s9;
	s6 =	sadd.s32 @!p0 $0x88, s6;
	s7 =	simm.s32 @p2 $0x1082  }
0x22: {  	[simem:s7], [sflag:s8] =	dma.local @!p0 [hbm:s6], $0xF7A  }
0x23: {  	s9 =	sor.u32 $0xD0000000, s2;
	s6 =	simm.s32 $0x108;
	_ =	swait.ge @!p0 [sflag:s8], $0x0  }
0x24: {  	s3 =	sadd.s32 $0x88, s3;
	s6 =	simm.s32 @!p1 $0x1082;
	[sflag:s4] =	ssyncset.s32 $0xFFFFF086  }
0x25: {  	[simem:s6], [sflag:s4] =	dma.local [hbm:s3], $0xF7A  }
0x26: {  	[smem:$0x3F9A] =	sst s1;
	(tag) =	ssettag s2;
	_ =	strace s9  }
0x27: {  	s1 =	sld [smem:$0x3FAA]  }
0x28: {  	s2 =	sld [smem:$0x3FAB]  }
0x29: {  	s4 =	sld [smem:$0x3FAD]  }
0x2a: {  	p0 =	seq.s32 s5, $0x0;
	s5 =	sld [smem:$0x3FAE]  }
0x2b: {  	s6 =	sld [smem:$0x3FAF]  }
0x2c: {  	s7 =	sld [smem:$0x3FB0]  }
0x2d: {  	s3 =	simm.s32 $0x108;
	s8 =	sld [smem:$0x3FB1]  }
0x2e: {  	s3 =	simm.s32 @!p0 $0x1082;
	s9 =	sld [smem:$0x3FB2]  }
0x2f: {  	lr =	sadd.s32 s0, s3;
	s0 =	sld [smem:$0x3FA9]  }
0x30: {  	s3 =	sld [smem:$0x3FAC]  }
0x31: {  	[smem:$0x3FB5] =	sst s10  }
0x32: {  	s10 =	sld [smem:$0x3FB3];
	_ =	sdelay $0x3  }
0x33: {  	p0 =	seq.s32 s10, $0x1;
	s10 =	sld [smem:$0x3FB5];
	_ =	sdelay $0x3  }
0x34: {  	[smem:$0x3FB5] =	sst s10  }
0x35: {  	s10 =	sld [smem:$0x3FB4];
	_ =	sdelay $0x3  }
0x36: {  	p1 =	seq.s32 s10, $0x1;
	s10 =	sld [smem:$0x3FB5];
	_ =	sdelay $0x3  }
0x37: {  	[smem:$0x3FB5] =	sst s10  }
0x38: {  	s10 =	sld [smem:$0x3FB6]  }
0x39: {  	_ = 	snop;
	(pc) =	sbr.ind lr, $3  }
0x3a: {  	_ = 	snop  }
0x3b: {  	_ = 	snop  }
0x3c: {  	p2 =	seq.s32 s10, $0x1;
	s10 =	sld [smem:$0x3FB5]  }
0x3d: {  	_ =	shalt  }
0x3e: {  	_ =	shalt  }
0x3f: {  	_ =	shalt  }
0x40: {  	_ =	shalt  }
0x41: {  	_ =	shalt  }
0x42: {  	_ =	shalt  }
0x43: {  	_ =	shalt  }
0x44: {  	_ =	shalt  }
0x45: {  	_ =	shalt  }
0x46: {  	_ =	shalt  }
0x47: {  	_ =	shalt  }
0x48: {  	_ =	shalt  }
0x49: {  	_ =	shalt  }
0x4a: {  	_ =	shalt  }
0x4b: {  	_ =	shalt  }
0x4c: {  	_ =	shalt  }
0x4d: {  	_ =	shalt  }
0x4e: {  	_ =	shalt  }
0x4f: {  	_ =	shalt  }
0x50: {  	_ =	shalt  }
0x51: {  	_ =	shalt  }
0x52: {  	_ =	shalt  }
0x53: {  	_ =	shalt  }
0x54: {  	_ =	shalt  }
0x55: {  	_ =	shalt  }
0x56: {  	_ =	shalt  }
0x57: {  	_ =	shalt  }
0x58: {  	_ =	shalt  }
0x59: {  	_ =	shalt  }
0x5a: {  	_ =	shalt  }
0x5b: {  	_ =	shalt  }
0x5c: {  	_ =	shalt  }
0x5d: {  	_ =	shalt  }
0x5e: {  	_ =	shalt  }
0x5f: {  	_ =	shalt  }
0x60: {  	_ =	shalt  }
0x61: {  	_ =	shalt  }
0x62: {  	_ =	shalt  }
0x63: {  	_ =	shalt  }
0x64: {  	_ =	shalt  }
0x65: {  	_ =	shalt  }
0x66: {  	_ =	shalt  }
0x67: {  	_ =	shalt  }
0x68: {  	_ =	shalt  }
0x69: {  	_ =	shalt  }
0x6a: {  	_ =	shalt  }
0x6b: {  	_ =	shalt  }
0x6c: {  	_ =	shalt  }
0x6d: {  	_ =	shalt  }
0x6e: {  	_ =	shalt  }
0x6f: {  	_ =	shalt  }
0x70: {  	_ =	shalt  }
0x71: {  	_ =	shalt  }
0x72: {  	_ =	shalt  }
0x73: {  	_ =	shalt  }
0x74: {  	_ =	shalt  }
0x75: {  	_ =	shalt  }
0x76: {  	_ =	shalt  }
0x77: {  	_ =	shalt  }
0x78: {  	_ =	shalt  }
0x79: {  	_ =	shalt  }
0x7a: {  	_ =	shalt  }
0x7b: {  	_ =	shalt  }
0x7c: {  	_ =	shalt  }
0x7d: {  	_ =	shalt  }
0x7e: {  	_ =	shalt  }
0x7f: {  	_ =	shalt  }
0x80: {  	_ =	shalt  }
0x81: {  	_ =	shalt  }
0x82: {  	_ =	shalt  }
0x83: {  	_ =	shalt  }
0x84: {  	_ =	shalt  }
0x85: {  	_ =	shalt  }
0x86: {  	_ =	shalt  }
0x87: {  	_ =	shalt  }
.Lfunc_end0:
.L_simem_size_0:
called_computation_lowered:
.L_overlay_start_0:
0x88: {  	s2 =	sld [smem:$0x3FD9]  }
0x89: {  	s3 =	sld [smem:$0x3FFE];
	_ =	sdelay $0x1  }
0x8a: {  	s1 =	srdreg.scid  }
0x8b: {  	s0 =	sand.u32 $0x1, s1  }
0x8c: {  	s18 =	sshll.u32 s0, $0xA;
	s2 =	sadd.s32 s3, s2  }
0x8d: {  	s2 =	sadd.s32 s2, s18  }
0x8e: {  	[smem:$0x3FC1] =	sst s2  }
0x8f: {  	_ = 	snop  }
0x90: {  	s2 =	sld [smem:$0x3FC9]  }
0x91: {  	s19 =	sld [smem:$0x3FC8]  }
0x92: {  	s4 =	sld [smem:$0x3FC7]  }
0x93: {  	s5 =	sld [smem:$0x3FC6]  }
0x94: {  	s6 =	sld [smem:$0x3FC5]  }
0x95: {  	s7 =	sld [smem:$0x3FC4]  }
0x96: {  	s8 =	sld [smem:$0x3FC3]  }
0x97: {  	s9 =	sld [smem:$0x3FD0];
	(tm) =	ssettm $0x1  }
0x98: {  	s10 =	sld [smem:$0x3FFB];
	_ =	sdelay $0x3  }
0x99: {  	_ =	strace s10  }
0x9a: {  	s10 =	sld [smem:$0x3FFC];
	_ =	sdelay $0x3  }
0x9b: {  	_ =	strace s10  }
0x9c: {  	s10 =	sld [smem:$0x3FFD];
	_ =	sdelay $0x3  }
0x9d: {  	_ =	strace s10  }
0x9e: {  	_ =	strace $0x8FFFFFFF  }
0x9f: {  	s20 =	sld [smem:$0x3FDB];
	_ =	sdelay $0x1  }
0xa0: {  	s11 =	simm.s32 $_scs_section_size  }
0xa1: {  	s12 =	simm.s32 $_size__tile_overlayer_lowered;
	s13 =	simm.s32 $_tile_overlayer_lowered  }
0xa2: {  	s23 =	simm.s32 $0x1BFF;
	s22 =	sshll.u32 s13, $0x1;
	s10 =	sadd.s32 s11, s20  }
0xa3: {  	s14 =	simm.s32 $0x0;
	s21 =	sshll.u32 s12, $0x1;
	s12 =	sadd.s32 s22, s10  }
0xa4: {  	[timem:s14], [sflag:s23] =	dma.local [hbm:s12], s21  }
0xa5: {  	_ =	swait.ge [sflag:s23], s21  }
0xa6: {  	s11 =	ssub.s32 $0x0, s21;
	[sflag:s23] =	ssyncset.done $0x0  }
0xa7: {  	[sflag:s23] =	ssyncadd.s32 s11;
	_ =	sdelay $0x1  }
0xa8: {  	s24 =	simm.s32 $0x1B8B  }
0xa9: {  	_ =	swait.ge [sflag:s24], $0x1  }
0xaa: {  	[sflag:s24] =	ssyncset.done $0x0  }
0xab: {  	s25 =	simm.s32 $0x1B8E;
	[sflag:s24] =	ssyncadd.s32 $0xFFFFFFFF  }
0xac: {  	s26 =	simm.s32 $execute0_lowered;
	[smem:$0x3FD2] =	sst s25  }
0xad: {  	s11 =	sshll.u32 s26, $0x1;
	_ =	strace $0x80000046;
	[dreg:$0x1] =	wrdreg $0xFFFFFFFF  }
0xae: {  	s28 =	simm.s32 $_size_execute0_lowered;
	s10 =	sadd.s32 s10, s11;
	[dreg:$0x0] =	wrdreg $0x0  }
0xaf: {  	s11 =	sshll.u32 s28, $0x1;
	[dreg:$0x2] =	wrdreg s10  }
0xb0: {  	[dreg:$0x3] =	wrdreg s11  }
0xb1: {  	[dreg:$0x4] =	wrdreg $0xC0  }
0xb2: {  	_ =	task [dreg:s14], $0x5FFFF  }
0xb3: {  	[dreg:$0x1] =	wrdreg $0xFFFFFFFF  }
0xb4: {  	[dreg:$0x0] =	wrdreg $0x60  }
0xb5: {  	[dreg:$0x2] =	wrdreg s2  }
0xb6: {  	[dreg:$0x3] =	wrdreg s19  }
0xb7: {  	[dreg:$0x4] =	wrdreg s4  }
0xb8: {  	[dreg:$0x5] =	wrdreg s5  }
0xb9: {  	[dreg:$0x6] =	wrdreg s6  }
0xba: {  	[dreg:$0x7] =	wrdreg s7  }
0xbb: {  	[dreg:$0x8] =	wrdreg s8  }
0xbc: {  	[dreg:$0x9] =	wrdreg s9  }
0xbd: {  	[dreg:$0xa] =	wrdreg $0x9  }
0xbe: {  	_ =	task.clear_ibuf [dreg:s14], $0xBFFFF;
	_ =	strace $0x90000046  }
0xbf: {  	s29 =	simm.s32 $0x9;
	_ =	strace $0x80000048  }
0xc0: {  	_ =	swait.ge [sflag:s29], $0x1  }
0xc1: {  	[sflag:s29] =	ssyncadd.s32 $0xFFFFFFFF  }
0xc2: {  	_ =	strace $0x90000048  }
0xc3: {  	_ =	sfence  }
0xc4: {  	s30 =	sld [smem:$0x0];
	_ =	sdelay $0x2  }
0xc5: {  	s31 =	sshll.u32 s1, $0xD;
	s1 =	sshrl.u32 s1, $0x2  }
0xc6: {  	s3 =	sand.u32 $0x4000, s31;
	s1 =	sadd.s32 s1, s30  }
0xc7: {  	s0 =	sor.u32 s3, s0;
	s1 =	sshll.u32 s1, $0x11  }
0xc8: {  	s0 =	sor.u32 s1, s0  }
0xc9: {  	s0 =	sadd.s32 $0x8F2B, s0  }
0xca: {  	[sflag:s0] =	ssyncadd.remote.s32 $0x1  }
0xcb: {  	_ =	sfence.sel $0xFFFF  }
0xcc: {  	[dreg:$0x0] =	wrdreg $0xFFFFFFFF;
	(pc) =	sbr.abs _section_cstart, $3  }
0xcd: {  	[dreg:$0x1] =	wrdreg $0xFFFFFFFF  }
0xce: {  	_ =	task.clear_ibuf [dreg:s14], $0x2FFFF;
	_ =	strace $0x9FFFFFFF  }
0xcf: {  	(tm) =	ssettm $0x7FFFFFFF  }
tec
execute0_lowered:
.L_overlay_start_1:
0x0: {  	(tag) =	ssettag $0x1  }
0x1: {  	s2 =	rddreg [dreg:$0x0]  }
0x2: {  	s5 =	rddreg [dreg:$0x1]  }
0x3: {  	s0 =	rddreg [dreg:$0x2];
	vm0 =	vcmask $0x300;
	v8 =	vimm.s32 $0x0  }
0x4: {  	s1 =	rddreg [dreg:$0x3];
	vm11 =	vcmask $0x704;
	vm1 =	vcmask $0xB08;
	vm12 =	vcmask $0xF0C  }
0x5: {  	s3 =	rddreg [dreg:$0x4];
	vm13 =	vcmask $0x1310;
	v4 =	vlaneseq.u32;
	vm14 =	vcmask $0x1714  }
0x6: {  	s4 =	rddreg [dreg:$0x5];
	s6 =	srdreg.scid;
	vm2 =	vcmask $0x1B18;
	vm15 =	vcmask $0x3B00;
	v36 =	vimm.s32 $0x7F  }
0x7: {  	s8 =	stileid.u32;
	s10 =	rddreg [dreg:$0x7];
	v0 =	vsel vm0, $0xFFFFFFFF, v8;
	v1 =	vsel vm11, $0xFFFFFFFF, v8;
	v2 =	vsel vm1, $0xFFFFFFFF, v8  }
0x8: {  	s13 =	simm.s32 $0x400;
	s14 =	simm.s32 $0x9;
	s17 =	simm.s32 $0x7A1400;
	v3 =	vsel vm12, $0xFFFFFFFF, v8;
	v5 =	vmul.u32 $0x80, v4;
	v6 =	vsel vm13, $0xFFFFFFFF, v8  }
0x9: {  	s18 =	simm.s32 $0xE400;
	s29 =	simm.s32 $0x1;
	s30 =	simm.s32 $0x2;
	v7 =	vsel vm14, $0xFFFFFFFF, v8;
	v8 =	vsel vm2, $0xFFFFFFFF, v8;
	v36 =	vsel vm15, $0x0, v36  }
0xa: {  	s31 =	simm.s32 $0x3;
	s16 =	simm.s32 $0x7;
	s19 =	simm.s32 $0x8;
	v9 =	vor.u32 $0x800, v5;
	v10 =	vor.u32 $0x1000, v5;
	v11 =	vor.u32 $0x1800, v5  }
0xb: {  	s21 =	simm.s32 $0x0;
	s6 =	sand.u32 $0x1, s6;
	s7 =	sshll.u32 s8, $0x1;
	v12 =	vor.u32 $0x2000, v5;
	v13 =	vor.u32 $0x2800, v5;
	v14 =	vor.u32 $0x3000, v5  }
0xc: {  	s8 =	sshll.u32 s8, $0x7;
	s9 =	sor.u32 s6, s7;
	s7 =	simm.s32 $0x0;
	v15 =	vor.u32 $0x3800, v5;
	v16 =	vor.u32 $0x4000, v5;
	v17 =	vor.u32 $0x4800, v5  }
0xd: {  	s6 =	ssub.s32 $0x2, s6;
	s11 =	sshll.u32 s9, $0x4;
	[smem:$0x7FF] =	sst s7;
	v18 =	vor.u32 $0x5000, v5;
	v19 =	vor.u32 $0x5800, v5;
	v20 =	vor.u32 $0x6000, v5  }
0xe: {  	s26 =	sshrl.u32 s6, $0x1;
	s28 =	sshll.u32 s9, $0x6;
	v21 =	vor.u32 $0x6800, v5;
	v22 =	vor.u32 $0x7000, v5;
	v23 =	vor.u32 $0x7800, v5;
	s8 =	sor.u32 s8, s11  }
0xf: {  	v24 =	vor.u32 $0x8000, v5;
	v25 =	vor.u32 $0x8800, v5;
	v26 =	vor.u32 $0x9000, v5;
	_ =	strace $0x80000047;
	s6 =	ssub.s32 s6, s26;
	s10 =	sadd.s32 s10, s28  }
0x10: {  	v27 =	vor.u32 $0x9800, v5;
	v28 =	vor.u32 $0xA000, v5;
	v29 =	vor.u32 $0xA800, v5;
	s12 =	sand.u32 $0x670, s8;
	s11 =	smax.u32 s6, $0x1;
	s6 =	simm.s32 $0x6  }
0x11: {  	v30 =	vor.u32 $0xB000, v5;
	v31 =	vor.u32 $0xB800, v5;
	v32 =	vor.u32 $0xC000, v5;
	s2 =	sadd.s32 s2, s12;
	s9 =	sadd.s32 s5, s12;
	s12 =	simm.s32 $0x80  }
0x12: {  	v33 =	vor.u32 $0xC800, v5;
	v34 =	vor.u32 $0xD000, v5;
	v35 =	vor.u32 $0xD800, v5;
	s5 =	simm.s32 $0x4;
	[dreg:$0x9] =	wrdreg s2;
	s2 =	simm.s32 $0x5  }
.LBB2_1:
0x13: {  	s8 =	rddreg [dreg:$0x9]  }
0x14: {  	[tilespmem:s7], [sflag:$0x9] =	stream.strided.gather [hbm4b:s8+s12], $0x200, s13, s12, $0x38;
	[tilespmem:$0x1CA80] =	vst v63  }
0x15: {  	_ =	swait.ge [sflag:s14], $0x200  }
0x16: {  	[sflag:s14] =	ssyncset.done $0x0  }
0x17: {  	s15 =	simm.s32 $0x200;
	[sflag:s14] =	ssyncadd.s32 $0xFFFFFE00  }
0x18: {  	[tilespmem:s15], [sflag:$0x9] =	stream.strided.gather [hbm4b:s9+s12], $0x200, s13, s12, $0x38;
	[tilespmem:$0x1CA80] =	vst v63  }
0x19: {  	_ =	swait.ge [sflag:s14], $0x200  }
0x1a: {  	[sflag:s14] =	ssyncset.done $0x0  }
0x1b: {  	[sflag:s14] =	ssyncadd.s32 $0xFFFFFE00  }
0x1c: {  	s20 =	simm.s32 $0x1CA00;
	s28 =	rddreg [dreg:$0x6]  }
0x1d: {  	[tilespmem:s20], [sflag:$0x9] =	stream.linear.gather [hbm4b:s28+s7], $0x80, $0x38;
	[tilespmem:$0x1CA80] =	vst v63  }
0x1e: {  	_ =	swait.ge [sflag:s14], $0x80  }
0x1f: {  	[sflag:s14] =	ssyncset.done $0x0  }
0x20: {  	[sflag:s14] =	ssyncadd.s32 $0xFFFFFF80  }
0x21: {  	v37 =	vld [tilespmem:$0x0];
	_ =	sdelay $0x1  }
0x22: {  	v38 =	vld [tilespmem:$0x200];
	_ =	sdelay $0x2  }
0x23: {  	v37 =	vand.u32 v0, v37  }
0x24: {  	(xrf0) =	vadd.scan.msk.s32 $0xffff, v37  }
0x25: {  	v55 =	vand.u32 v0, v38  }
0x26: {  	(xrf0) =	vadd.scan.msk.s32 $0xffff, v55;
	_ =	sdelay $0x3  }
0x27: {  	v56, _, _ =	vpop (xrf0)  }
0x28: {  	(v2sf) =	vpush v56, $0xF  }
0x29: {  	v57, _, _ =	vpop (xrf0)  }
0x2a: {  	(v2sf) =	vpush v57, $0xF;
	_ =	sdelay $0xc  }
0x2b: {  	s22 =	spop (v2sf)  }
0x2c: {  	s20 =	sand.u32 $0xFFFFF80, s22  }
0x2d: {  	s23 =	spop (v2sf);
	s20 =	sadd.s32 s0, s20  }
0x2e: {  	v37 =	vld [tilespmem:$0x1CA00];
	[tilespmem:s13], [sflag:$0x2] =	stream.strided.gather [hbm4b:s20+s13], $0x2000, s17, s13, $0x38  }
0x2f: {  	s20 =	sand.u32 $0xFFFFF80, s23  }
0x30: {  	s20 =	sadd.s32 s1, s20  }
0x31: {  	[tilespmem:s18], [sflag:$0x2] =	stream.strided.gather [hbm4b:s20+s13], $0x2000, s17, s13, $0x38;
	[tilespmem:$0x1CA80] =	vst v63  }
0x32: {  	v58 =	vld [tilespmem:$0x0];
	_ =	sdelay $0x1  }
0x33: {  	v39 =	vld [tilespmem:$0x200];
	_ =	sdelay $0x2  }
0x34: {  	v38 =	vand.u32 v1, v58  }
0x35: {  	(xrf0) =	vadd.scan.msk.s32 $0xffff, v38  }
0x36: {  	v59 =	vand.u32 v1, v39  }
0x37: {  	(xrf0) =	vadd.scan.msk.s32 $0xffff, v59;
	_ =	sdelay $0x3  }
0x38: {  	v60, _, _ =	vpop (xrf0)  }
0x39: {  	(v2sf) =	vpush v60, $0xF  }
0x3a: {  	v61, _, _ =	vpop (xrf0)  }
0x3b: {  	(v2sf) =	vpush v61, $0xF;
	_ =	sdelay $0xc  }
0x3c: {  	s24 =	spop (v2sf)  }
0x3d: {  	s20 =	sand.u32 $0xFFFFF80, s24  }
0x3e: {  	s25 =	simm.s32 $0x2400;
	s26 =	spop (v2sf);
	s20 =	sadd.s32 s0, s20  }
0x3f: {  	[tilespmem:s25], [sflag:$0x3] =	stream.strided.gather [hbm4b:s20+s13], $0x2000, s17, s13, $0x38;
	[tilespmem:$0x1CA80] =	vst v63  }
0x40: {  	s20 =	sand.u32 $0xFFFFF80, s26  }
0x41: {  	s28 =	simm.s32 $0x10400;
	s20 =	sadd.s32 s1, s20  }
0x42: {  	[tilespmem:s28], [sflag:$0x3] =	stream.strided.gather [hbm4b:s20+s13], $0x2000, s17, s13, $0x38;
	[tilespmem:$0x1CA80] =	vst v63  }
0x43: {  	v62 =	vld [tilespmem:$0x0];
	_ =	sdelay $0x1  }
0x44: {  	v63 =	vld [tilespmem:$0x200];
	_ =	sdelay $0x2  }
0x45: {  	v38 =	vand.u32 v2, v62  }
0x46: {  	(xrf0) =	vadd.scan.msk.s32 $0xffff, v38  }
0x47: {  	v41 =	vand.u32 v2, v63  }
0x48: {  	(xrf0) =	vadd.scan.msk.s32 $0xffff, v41;
	_ =	sdelay $0x3  }
0x49: {  	v42, _, _ =	vpop (xrf0)  }
0x4a: {  	(v2sf) =	vpush v42, $0xF  }
0x4b: {  	v43, _, _ =	vpop (xrf0)  }
0x4c: {  	(v2sf) =	vpush v43, $0xF;
	_ =	sdelay $0xc  }
0x4d: {  	s22 =	spop (v2sf)  }
0x4e: {  	s20 =	sand.u32 $0xFFFFF80, s22  }
0x4f: {  	s23 =	simm.s32 $0x4400;
	s24 =	spop (v2sf);
	s20 =	sadd.s32 s0, s20  }
0x50: {  	[tilespmem:s23], [sflag:$0x4] =	stream.strided.gather [hbm4b:s20+s13], $0x2000, s17, s13, $0x38;
	[tilespmem:$0x1CA80] =	vst v63  }
0x51: {  	s20 =	sand.u32 $0xFFFFF80, s24  }
0x52: {  	s25 =	simm.s32 $0x12400;
	s20 =	sadd.s32 s1, s20  }
0x53: {  	[tilespmem:s25], [sflag:$0x4] =	stream.strided.gather [hbm4b:s20+s13], $0x2000, s17, s13, $0x38;
	[tilespmem:$0x1CA80] =	vst v63  }
0x54: {  	v44 =	vld [tilespmem:$0x0];
	_ =	sdelay $0x1  }
0x55: {  	v45 =	vld [tilespmem:$0x200];
	_ =	sdelay $0x2  }
0x56: {  	v38 =	vand.u32 v3, v44  }
0x57: {  	(xrf0) =	vadd.scan.msk.s32 $0xffff, v38  }
0x58: {  	v46 =	vand.u32 v3, v45  }
0x59: {  	(xrf0) =	vadd.scan.msk.s32 $0xffff, v46;
	_ =	sdelay $0x3  }
0x5a: {  	v47, _, _ =	vpop (xrf0)  }
0x5b: {  	(v2sf) =	vpush v47, $0xF  }
0x5c: {  	v48, _, _ =	vpop (xrf0)  }
0x5d: {  	(v2sf) =	vpush v48, $0xF;
	_ =	sdelay $0xc  }
0x5e: {  	s26 =	spop (v2sf)  }
0x5f: {  	s20 =	sand.u32 $0xFFFFF80, s26  }
0x60: {  	s28 =	simm.s32 $0x6400;
	s22 =	spop (v2sf);
	s20 =	sadd.s32 s0, s20  }
0x61: {  	[tilespmem:s28], [sflag:$0x5] =	stream.strided.gather [hbm4b:s20+s13], $0x2000, s17, s13, $0x38;
	[tilespmem:$0x1CA80] =	vst v63  }
0x62: {  	s20 =	sand.u32 $0xFFFFF80, s22  }
0x63: {  	s23 =	simm.s32 $0x14400;
	s20 =	sadd.s32 s1, s20  }
0x64: {  	[tilespmem:s23], [sflag:$0x5] =	stream.strided.gather [hbm4b:s20+s13], $0x2000, s17, s13, $0x38;
	[tilespmem:$0x1CA80] =	vst v63  }
0x65: {  	v49 =	vld [tilespmem:$0x0];
	_ =	sdelay $0x1  }
0x66: {  	v50 =	vld [tilespmem:$0x200];
	_ =	sdelay $0x2  }
0x67: {  	v38 =	vand.u32 v6, v49  }
0x68: {  	(xrf0) =	vadd.scan.msk.s32 $0xffff, v38  }
0x69: {  	v51 =	vand.u32 v6, v50  }
0x6a: {  	(xrf0) =	vadd.scan.msk.s32 $0xffff, v51;
	_ =	sdelay $0x3  }
0x6b: {  	v52, _, _ =	vpop (xrf0)  }
0x6c: {  	(v2sf) =	vpush v52, $0xF  }
0x6d: {  	v53, _, _ =	vpop (xrf0)  }
0x6e: {  	(v2sf) =	vpush v53, $0xF;
	_ =	sdelay $0xc  }
0x6f: {  	s24 =	spop (v2sf)  }
0x70: {  	s20 =	sand.u32 $0xFFFFF80, s24  }
0x71: {  	s25 =	simm.s32 $0x8400;
	s26 =	spop (v2sf);
	s20 =	sadd.s32 s0, s20  }
0x72: {  	[tilespmem:s25], [sflag:$0x6] =	stream.strided.gather [hbm4b:s20+s13], $0x2000, s17, s13, $0x38;
	[tilespmem:$0x1CA80] =	vst v63  }
0x73: {  	s20 =	sand.u32 $0xFFFFF80, s26  }
0x74: {  	s28 =	simm.s32 $0x16400;
	s20 =	sadd.s32 s1, s20  }
0x75: {  	[tilespmem:s28], [sflag:$0x6] =	stream.strided.gather [hbm4b:s20+s13], $0x2000, s17, s13, $0x38;
	[tilespmem:$0x1CA80] =	vst v63  }
0x76: {  	v54 =	vld [tilespmem:$0x0];
	_ =	sdelay $0x1  }
0x77: {  	v55 =	vld [tilespmem:$0x200];
	_ =	sdelay $0x2  }
0x78: {  	v38 =	vand.u32 v7, v54  }
0x79: {  	(xrf0) =	vadd.scan.msk.s32 $0xffff, v38  }
0x7a: {  	v56 =	vand.u32 v7, v55  }
0x7b: {  	(xrf0) =	vadd.scan.msk.s32 $0xffff, v56;
	_ =	sdelay $0x3  }
0x7c: {  	v57, _, _ =	vpop (xrf0)  }
0x7d: {  	(v2sf) =	vpush v57, $0xF  }
0x7e: {  	v58, _, _ =	vpop (xrf0)  }
0x7f: {  	(v2sf) =	vpush v58, $0xF;
	_ =	sdelay $0xc  }
0x80: {  	s22 =	spop (v2sf)  }
0x81: {  	s20 =	sand.u32 $0xFFFFF80, s22  }
0x82: {  	s23 =	simm.s32 $0xA400;
	s24 =	spop (v2sf);
	s20 =	sadd.s32 s0, s20  }
0x83: {  	[tilespmem:s23], [sflag:$0x7] =	stream.strided.gather [hbm4b:s20+s13], $0x2000, s17, s13, $0x38;
	[tilespmem:$0x1CA80] =	vst v63  }
0x84: {  	s20 =	sand.u32 $0xFFFFF80, s24  }
0x85: {  	s25 =	simm.s32 $0x18400;
	s20 =	sadd.s32 s1, s20  }
0x86: {  	[tilespmem:s25], [sflag:$0x7] =	stream.strided.gather [hbm4b:s20+s13], $0x2000, s17, s13, $0x38;
	[tilespmem:$0x1CA80] =	vst v63  }
0x87: {  	v59 =	vld [tilespmem:$0x0];
	_ =	sdelay $0x1  }
0x88: {  	v60 =	vld [tilespmem:$0x200];
	_ =	sdelay $0x2  }
0x89: {  	v38 =	vand.u32 v8, v59  }
0x8a: {  	(xrf0) =	vadd.scan.msk.s32 $0xffff, v38  }
0x8b: {  	v61 =	vand.u32 v8, v60  }
0x8c: {  	(xrf0) =	vadd.scan.msk.s32 $0xffff, v61;
	_ =	sdelay $0x3  }
0x8d: {  	v62, _, _ =	vpop (xrf0)  }
0x8e: {  	(v2sf) =	vpush v62, $0xF  }
0x8f: {  	v63, _, _ =	vpop (xrf0)  }
0x90: {  	(v2sf) =	vpush v63, $0xF;
	_ =	sdelay $0xc  }
0x91: {  	s26 =	spop (v2sf)  }
0x92: {  	s20 =	sand.u32 $0xFFFFF80, s26  }
0x93: {  	s28 =	simm.s32 $0xC400;
	s8 =	spop (v2sf);
	s20 =	sadd.s32 s0, s20  }
0x94: {  	[tilespmem:s28], [sflag:$0x8] =	stream.strided.gather [hbm4b:s20+s13], $0x2000, s17, s13, $0x38;
	[tilespmem:$0x1CA80] =	vst v63  }
0x95: {  	s20 =	sand.u32 $0xFFFFF80, s8  }
0x96: {  	s22 =	simm.s32 $0x1A400;
	s20 =	sadd.s32 s1, s20  }
0x97: {  	[tilespmem:s22], [sflag:$0x8] =	stream.strided.gather [hbm4b:s20+s13], $0x2000, s17, s13, $0x38;
	[tilespmem:$0x1CA80] =	vst v63  }
0x98: {  	s23 =	simm.s32 $0x1C400  }
0x99: {  	[tilespmem:s23], [sflag:$0x1] =	stream.indirect.gather [hbm4b:s3+s12], $0x1, s7, s12, $0xb8;
	[tilespmem:$0x1CA80] =	vst v63  }
0x9a: {  	s24 =	simm.s32 $0x1C600  }
0x9b: {  	[tilespmem:s24], [sflag:$0x1] =	stream.indirect.gather [hbm4b:s4+s12], $0x1, s15, s12, $0xb8;
	[tilespmem:$0x1CA80] =	vst v63  }
0x9c: {  	s25 =	simm.s32 $0x1C480  }
0x9d: {  	[tilespmem:s25], [sflag:$0x1] =	stream.indirect.gather [hbm4b:s3+s12], $0x1, s12, s12, $0xb8;
	[tilespmem:$0x1CA80] =	vst v63  }
0x9e: {  	s26 =	simm.s32 $0x280;
	s28 =	simm.s32 $0x1C680  }
0x9f: {  	[tilespmem:s28], [sflag:$0x1] =	stream.indirect.gather [hbm4b:s4+s12], $0x1, s26, s12, $0xb8;
	[tilespmem:$0x1CA80] =	vst v63  }
0xa0: {  	s20 =	simm.s32 $0x1C500;
	s15 =	simm.s32 $0x100  }
0xa1: {  	[tilespmem:s20], [sflag:$0x1] =	stream.indirect.gather [hbm4b:s3+s12], $0x1, s15, s12, $0xb8;
	[tilespmem:$0x1CA80] =	vst v63  }
0xa2: {  	s22 =	simm.s32 $0x300;
	s23 =	simm.s32 $0x1C700  }
0xa3: {  	[tilespmem:s23], [sflag:$0x1] =	stream.indirect.gather [hbm4b:s4+s12], $0x1, s22, s12, $0xb8;
	[tilespmem:$0x1CA80] =	vst v63  }
0xa4: {  	s24 =	simm.s32 $0x180;
	s25 =	simm.s32 $0x1C580  }
0xa5: {  	[tilespmem:s25], [sflag:$0x1] =	stream.indirect.gather [hbm4b:s3+s12], $0x1, s24, s12, $0xb8;
	[tilespmem:$0x1CA80] =	vst v63  }
0xa6: {  	s26 =	simm.s32 $0x380;
	s28 =	simm.s32 $0x1C780  }
0xa7: {  	[tilespmem:s28], [sflag:$0x1] =	stream.indirect.gather [hbm4b:s4+s12], $0x1, s26, s12, $0xb8;
	[tilespmem:$0x1CA80] =	vst v63  }
0xa8: {  	_ =	swait.ge [sflag:s29], $0x80  }
0xa9: {  	[sflag:s29] =	ssyncset.done $0x0  }
0xaa: {  	[sflag:s29] =	ssyncadd.s32 $0xFFFFFF80  }
0xab: {  	_ =	swait.ge [sflag:s29], $0x80  }
0xac: {  	[sflag:s29] =	ssyncset.done $0x0  }
0xad: {  	[sflag:s29] =	ssyncadd.s32 $0xFFFFFF80  }
0xae: {  	_ =	swait.ge [sflag:s29], $0x80  }
0xaf: {  	[sflag:s29] =	ssyncset.done $0x0  }
0xb0: {  	[sflag:s29] =	ssyncadd.s32 $0xFFFFFF80  }
0xb1: {  	_ =	swait.ge [sflag:s29], $0x80  }
0xb2: {  	[sflag:s29] =	ssyncset.done $0x0  }
0xb3: {  	[sflag:s29] =	ssyncadd.s32 $0xFFFFFF80  }
0xb4: {  	_ =	swait.ge [sflag:s29], $0x80  }
0xb5: {  	[sflag:s29] =	ssyncset.done $0x0  }
0xb6: {  	[sflag:s29] =	ssyncadd.s32 $0xFFFFFF80  }
0xb7: {  	_ =	swait.ge [sflag:s29], $0x80  }
0xb8: {  	[sflag:s29] =	ssyncset.done $0x0  }
0xb9: {  	[sflag:s29] =	ssyncadd.s32 $0xFFFFFF80  }
0xba: {  	_ =	swait.ge [sflag:s29], $0x80  }
0xbb: {  	[sflag:s29] =	ssyncset.done $0x0  }
0xbc: {  	[sflag:s29] =	ssyncadd.s32 $0xFFFFFF80  }
0xbd: {  	_ =	swait.ge [sflag:s29], $0x80  }
0xbe: {  	[sflag:s29] =	ssyncset.done $0x0  }
0xbf: {  	v38 =	vimm.f32 $0.0e+00;
	s22 =	simm.s32 $0x0;
	[sflag:s29] =	ssyncadd.s32 $0xFFFFFF80  }
.LBB2_2:
0xc0: {  	_ =	swait.ge [sflag:s30], $0x2000  }
0xc1: {  	[sflag:s30] =	ssyncset.done $0x0  }
0xc2: {  	[sflag:s30] =	ssyncadd.s32 $0xFFFFE000  }
0xc3: {  	_ =	swait.ge [sflag:s30], $0x2000  }
0xc4: {  	[sflag:s30] =	ssyncset.done $0x0  }
0xc5: {  	s20 =	sand.u32 $0x3F0, s22;
	[sflag:s30] =	ssyncadd.s32 $0xFFFFE000  }
0xc6: {  	v39 =	vld [tilespmem:s20+$0x0]  }
0xc7: {  	v40 =	vld [tilespmem:s20+$0x200];
	_ =	sdelay $0x1  }
0xc8: {  	s28 =	sand.u32 $0xF, s22  }
0xc9: {  	v41 =	vmov s28  }
0xca: {  	vm0 =	veq.s32 v41, v4;
	v39 =	vand.u32 $0x7F, v39  }
0xcb: {  	v40 =	vand.u32 $0x7F, v40;
	v39 =	vnsel vm0, $0x0, v39  }
0xcc: {  	v57 =	vnsel vm0, $0x0, v40;
	(xrf0) =	vadd.scan.msk.s32 $0xffff, v39  }
0xcd: {  	(xrf0) =	vadd.scan.msk.s32 $0xffff, v57  }
0xce: {  	s23 =	sadd.s32 $0x7, s22  }
0xcf: {  	s24 =	sand.u32 $0x7F0, s23  }
0xd0: {  	v58 =	vld [tilespmem:s24+$0x0];
	_ =	sdelay $0x1  }
0xd1: {  	s25 =	sand.u32 $0xF, s23;
	v61 =	vld [tilespmem:s24+$0x200];
	v60, _, _ =	vpop (xrf0)  }
0xd2: {  	v59 =	vmov s25;
	v41 =	vbroadcast v60, $0xF;
	v42, _, _ =	vpop (xrf0)  }
0xd3: {  	vm1 =	veq.s32 v59, v4;
	v42 =	vbroadcast v42, $0xF  }
0xd4: {  	v39 =	vnsel vm1, $0x0, v58;
	v62 =	vadd.s32 v5, v41  }
0xd5: {  	(xrf0) =	vadd.scan.msk.s32 $0xffff, v39;
	v43 =	vadd.s32 v5, v42  }
0xd6: {  	v40 =	vnsel vm1, $0x0, v61;
	v44 =	vadd.s32 v9, v41  }
0xd7: {  	(xrf0) =	vadd.scan.msk.s32 $0xffff, v40;
	v45 =	vadd.s32 v9, v42  }
0xd8: {  	v63 =	vadd.s32 v10, v41  }
0xd9: {  	v46 =	vadd.s32 v10, v42;
	v39 =	vld.idx.msk [tilespmem:v62+s13+$0x0], $0xffff  }
0xda: {  	v41 =	vadd.s32 v11, v41;
	v43 =	vld.idx.msk [tilespmem:v43+s18+$0x0], $0xffff  }
0xdb: {  	v42 =	vadd.s32 v11, v42;
	v47, _, _ =	vpop (xrf0);
	v44 =	vld.idx.msk [tilespmem:v44+s13+$0x0], $0xffff  }
0xdc: {  	(v2sf) =	vpush v47, $0xF;
	v45 =	vld.idx.msk [tilespmem:v45+s18+$0x0], $0xffff  }
0xdd: {  	v48, _, _ =	vpop (xrf0);
	v40 =	vld.idx.msk [tilespmem:v63+s13+$0x0], $0xffff  }
0xde: {  	(v2sf) =	vpush v48, $0xF;
	v46 =	vld.idx.msk [tilespmem:v46+s18+$0x0], $0xffff  }
0xdf: {  	v41 =	vld.idx.msk [tilespmem:v41+s13+$0x0], $0xffff;
	v39 =	vmul.f32 v43, v39  }
0xe0: {  	v42 =	vld.idx.msk [tilespmem:v42+s18+$0x0], $0xffff  }
0xe1: {  	v49 =	vmul.f32 v45, v44;
	v39 =	vadd.f32 $0.0e+00, v39;
	_ =	sdelay $0x1  }
0xe2: {  	v40 =	vmul.f32 v46, v40;
	v39 =	vadd.f32 v49, v39;
	_ =	sdelay $0x1  }
0xe3: {  	v50 =	vmul.f32 v42, v41;
	v39 =	vadd.f32 v40, v39;
	_ =	sdelay $0x1  }
0xe4: {  	v39 =	vadd.f32 v50, v39;
	_ =	sdelay $0x1  }
0xe5: {  	(xrf2) =	vadd.scan.msk.f32 $0xffff, v39;
	_ =	sdelay $0x1  }
0xe6: {  	s25 =	spop (v2sf)  }
0xe7: {  	s24 =	sand.u32 $0xFFFFF80, s25  }
0xe8: {  	s26 =	spop (v2sf);
	s24 =	sadd.s32 s0, s24  }
0xe9: {  	[tilespmem:s13], [sflag:$0x2] =	stream.strided.gather [hbm4b:s24+s13], $0x2000, s17, s13, $0x38;
	[tilespmem:$0x1CA80] =	vst v63  }
0xea: {  	s24 =	sand.u32 $0xFFFFF80, s26  }
0xeb: {  	p0 =	sne.s32 s28, $0xF;
	s24 =	sadd.s32 s1, s24  }
0xec: {  	[tilespmem:s18], [sflag:$0x2] =	stream.strided.gather [hbm4b:s24+s13], $0x2000, s17, s13, $0x38;
	[tilespmem:$0x1CA80] =	vst v63  }
0xed: {  	v39 =	vld @!p0 [tilespmem:s20+$0x1C400]  }
0xee: {  	v51, _, _ =	vpop (xrf2)  }
0xef: {  	v41 =	vld @!p0 [tilespmem:s20+$0x1C600];
	v40 =	vbroadcast v51, $0xF;
	_ =	sdelay $0x1  }
0xf0: {  	v40 =	vsel vm0, v40, v38  }
0xf1: {  	v38 =	vadd.f32 @!p0 v39, v40;
	_ =	sdelay $0x1  }
0xf2: {  	v38 =	vadd.f32 @!p0 v41, v38;
	_ =	sdelay $0x1  }
0xf3: {  	v38 =	vadd.f32 @!p0 v38, v37;
	_ =	sdelay $0x1  }
0xf4: {  	[tilespmem:s20+$0x1C800] =	vst @!p0 v38  }
0xf5: {  	_ =	swait.ge [sflag:s31], $0x2000  }
0xf6: {  	[sflag:s31] =	ssyncset.done $0x0  }
0xf7: {  	[sflag:s31] =	ssyncadd.s32 $0xFFFFE000  }
0xf8: {  	_ =	swait.ge [sflag:s31], $0x2000  }
0xf9: {  	s8 =	sadd.s32 $0x1, s22;
	[sflag:s31] =	ssyncset.done $0x0  }
0xfa: {  	s20 =	sand.u32 $0x7F0, s8;
	[sflag:s31] =	ssyncadd.s32 $0xFFFFE000  }
0xfb: {  	v52 =	vld [tilespmem:s20+$0x0]  }
0xfc: {  	v53 =	vld [tilespmem:s20+$0x200];
	_ =	sdelay $0x1  }
0xfd: {  	s26 =	sand.u32 $0xF, s8  }
0xfe: {  	v54 =	vmov s26  }
0xff: {  	vm10 =	veq.s32 v54, v4;
	v38 =	vand.u32 $0x7F, v52  }
0x100: {  	v39 =	vand.u32 $0x7F, v53;
	v38 =	vnsel vm10, $0x0, v38  }
0x101: {  	p0 =	seq.s32 s22, $0x1F8;
	v55 =	vnsel vm10, $0x0, v39;
	(xrf0) =	vadd.scan.msk.s32 $0xffff, v38  }
0x102: {  	s24 =	sadd.s32 @!p0 $0x8, s22;
	(xrf0) =	vadd.scan.msk.s32 $0xffff, v55  }
0x103: {  	s25 =	sand.u32 @!p0 $0x7F0, s24  }
0x104: {  	v39 =	vld @!p0 [tilespmem:s25+$0x0];
	_ =	sdelay $0x1  }
0x105: {  	s24 =	sand.u32 @!p0 $0xF, s24  }
0x106: {  	v41 =	vmov @!p0 s24;
	v38 =	vlaneseq.u32 @!p0;
	v56, _, _ =	vpop (xrf0)  }
0x107: {  	v42 =	vld @!p0 [tilespmem:s25+$0x200];
	vm1 =	veq.s32 @!p0 v41, v38;
	v41 =	vbroadcast v56, $0xF;
	v57, _, _ =	vpop (xrf0)  }
0x108: {  	v39 =	vnsel @!p0 vm1, $0x0, v39;
	v58 =	vbroadcast v57, $0xF  }
0x109: {  	(xrf0) =	vadd.scan.msk.s32 @!p0 $0xffff, v39;
	v59 =	vadd.s32 v12, v41  }
0x10a: {  	v60 =	vadd.s32 v12, v58  }
0x10b: {  	v61 =	vadd.s32 v13, v41  }
0x10c: {  	v42 =	vnsel @!p0 vm1, $0x0, v42;
	v62 =	vadd.s32 v13, v58  }
0x10d: {  	(xrf0) =	vadd.scan.msk.s32 @!p0 $0xffff, v42;
	v63 =	vadd.s32 v14, v41  }
0x10e: {  	v48 =	vadd.s32 v14, v58;
	v43 =	vld.idx.msk [tilespmem:v59+s13+$0x0], $0xffff  }
0x10f: {  	v41 =	vadd.s32 v15, v41;
	v47, _, _ =	vpop @!p0 (xrf0);
	v44 =	vld.idx.msk [tilespmem:v60+s18+$0x0], $0xffff  }
0x110: {  	v39 =	vadd.s32 v15, v58;
	(v2sf) =	vpush @!p0 v47, $0xF;
	v45 =	vld.idx.msk [tilespmem:v61+s13+$0x0], $0xffff  }
0x111: {  	v46 =	vld.idx.msk [tilespmem:v62+s18+$0x0], $0xffff  }
0x112: {  	v42 =	vld.idx.msk [tilespmem:v63+s13+$0x0], $0xffff  }
0x113: {  	v47, _, _ =	vpop @!p0 (xrf0);
	v48 =	vld.idx.msk [tilespmem:v48+s18+$0x0], $0xffff  }
0x114: {  	(v2sf) =	vpush @!p0 v47, $0xF;
	v41 =	vld.idx.msk [tilespmem:v41+s13+$0x0], $0xffff;
	v43 =	vmul.f32 v44, v43  }
0x115: {  	v39 =	vld.idx.msk [tilespmem:v39+s18+$0x0], $0xffff  }
0x116: {  	v50 =	vmul.f32 v46, v45;
	v43 =	vadd.f32 $0.0e+00, v43;
	_ =	sdelay $0x1  }
0x117: {  	v42 =	vmul.f32 v48, v42;
	v43 =	vadd.f32 v50, v43;
	_ =	sdelay $0x1  }
0x118: {  	v39 =	vmul.f32 v39, v41;
	v42 =	vadd.f32 v42, v43;
	_ =	sdelay $0x1  }
0x119: {  	v39 =	vadd.f32 v39, v42;
	_ =	sdelay $0x1  }
0x11a: {  	(xrf2) =	vadd.scan.msk.f32 $0xffff, v39  }
0x11b: {  	s24 =	spop @!p0 (v2sf)  }
0x11c: {  	s15 =	simm.s32 @!p0 $0x2400;
	s24 =	sand.u32 @!p0 $0xFFFFF80, s24  }
0x11d: {  	s25 =	simm.s32 @!p0 $0x7A1400;
	s8 =	sadd.s32 @!p0 s0, s24;
	s24 =	simm.s32 @!p0 $0x400  }
0x11e: {  	[tilespmem:s15], [sflag:$0x3] =	stream.strided.gather @!p0 [hbm4b:s8+s24], $0x2000, s25, s24, $0x38;
	[tilespmem:$0x1CA80] =	vst v63  }
0x11f: {  	s8 =	spop @!p0 (v2sf)  }
0x120: {  	s8 =	sand.u32 @!p0 $0xFFFFF80, s8  }
0x121: {  	p1 =	sne.s32 s26, $0xF;
	s15 =	simm.s32 @!p0 $0x10400;
	s8 =	sadd.s32 @!p0 s1, s8  }
0x122: {  	[tilespmem:s15], [sflag:$0x3] =	stream.strided.gather @!p0 [hbm4b:s8+s24], $0x2000, s25, s24, $0x38;
	[tilespmem:$0x1CA80] =	vst v63  }
0x123: {  	v39 =	vld @!p1 [tilespmem:s20+$0x1C400]  }
0x124: {  	v51, _, _ =	vpop (xrf2)  }
0x125: {  	p2 =	seq.s32 s28, $0xF;
	v42 =	vld @!p1 [tilespmem:s20+$0x1C600];
	v41 =	vbroadcast v51, $0xF  }
0x126: {  	v40 =	vpsel p2, $0x0, v40  }
0x127: {  	v40 =	vsel vm10, v41, v40  }
0x128: {  	v39 =	vadd.f32 @!p1 v39, v40;
	_ =	sdelay $0x1  }
0x129: {  	v39 =	vadd.f32 @!p1 v42, v39;
	_ =	sdelay $0x1  }
0x12a: {  	v39 =	vadd.f32 @!p1 v39, v37;
	_ =	sdelay $0x1  }
0x12b: {  	[tilespmem:s20+$0x1C800] =	vst @!p1 v39  }
0x12c: {  	_ =	swait.ge [sflag:s5], $0x2000  }
0x12d: {  	[sflag:s5] =	ssyncset.done $0x0  }
0x12e: {  	[sflag:s5] =	ssyncadd.s32 $0xFFFFE000  }
0x12f: {  	_ =	swait.ge [sflag:s5], $0x2000  }
0x130: {  	s15 =	sadd.s32 $0x2, s22;
	[sflag:s5] =	ssyncset.done $0x0  }
0x131: {  	s20 =	sand.u32 $0x7F0, s15;
	[sflag:s5] =	ssyncadd.s32 $0xFFFFE000  }
0x132: {  	v52 =	vld [tilespmem:s20+$0x0]  }
0x133: {  	v53 =	vld [tilespmem:s20+$0x200];
	_ =	sdelay $0x1  }
0x134: {  	s28 =	sand.u32 $0xF, s15  }
0x135: {  	v54 =	vmov s28  }
0x136: {  	vm11 =	veq.s32 v54, v4;
	v39 =	vand.u32 $0x7F, v52  }
0x137: {  	v41 =	vand.u32 $0x7F, v53;
	v39 =	vnsel vm11, $0x0, v39  }
0x138: {  	v55 =	vnsel vm11, $0x0, v41;
	(xrf0) =	vadd.scan.msk.s32 $0xffff, v39  }
0x139: {  	s8 =	sadd.s32 @!p0 $0x9, s22;
	(xrf0) =	vadd.scan.msk.s32 $0xffff, v55  }
0x13a: {  	s15 =	sand.u32 @!p0 $0x7F0, s8  }
0x13b: {  	v39 =	vld @!p0 [tilespmem:s15+$0x0];
	_ =	sdelay $0x1  }
0x13c: {  	s8 =	sand.u32 @!p0 $0xF, s8  }
0x13d: {  	v41 =	vmov @!p0 s8;
	v56, _, _ =	vpop (xrf0)  }
0x13e: {  	vm1 =	veq.s32 @!p0 v41, v38;
	v41 =	vld @!p0 [tilespmem:s15+$0x200];
	v42 =	vbroadcast v56, $0xF;
	v57, _, _ =	vpop (xrf0)  }
0x13f: {  	v39 =	vnsel @!p0 vm1, $0x0, v39;
	v43 =	vbroadcast v57, $0xF  }
0x140: {  	(xrf0) =	vadd.scan.msk.s32 @!p0 $0xffff, v39;
	v58 =	vadd.s32 v16, v42  }
0x141: {  	v59 =	vadd.s32 v16, v43  }
0x142: {  	v60 =	vadd.s32 v17, v42  }
0x143: {  	v41 =	vnsel @!p0 vm1, $0x0, v41;
	v61 =	vadd.s32 v17, v43  }
0x144: {  	(xrf0) =	vadd.scan.msk.s32 @!p0 $0xffff, v41;
	v62 =	vadd.s32 v18, v42  }
0x145: {  	v63 =	vadd.s32 v18, v43;
	v39 =	vld.idx.msk [tilespmem:v58+s13+$0x0], $0xffff  }
0x146: {  	v42 =	vadd.s32 v19, v42;
	v48, _, _ =	vpop @!p0 (xrf0);
	v44 =	vld.idx.msk [tilespmem:v59+s18+$0x0], $0xffff  }
0x147: {  	v43 =	vadd.s32 v19, v43;
	(v2sf) =	vpush @!p0 v48, $0xF;
	v45 =	vld.idx.msk [tilespmem:v60+s13+$0x0], $0xffff  }
0x148: {  	v46 =	vld.idx.msk [tilespmem:v61+s18+$0x0], $0xffff  }
0x149: {  	v41 =	vld.idx.msk [tilespmem:v62+s13+$0x0], $0xffff  }
0x14a: {  	v48, _, _ =	vpop @!p0 (xrf0);
	v47 =	vld.idx.msk [tilespmem:v63+s18+$0x0], $0xffff  }
0x14b: {  	(v2sf) =	vpush @!p0 v48, $0xF;
	v42 =	vld.idx.msk [tilespmem:v42+s13+$0x0], $0xffff;
	v39 =	vmul.f32 v44, v39  }
0x14c: {  	v43 =	vld.idx.msk [tilespmem:v43+s18+$0x0], $0xffff  }
0x14d: {  	v49 =	vmul.f32 v46, v45;
	v39 =	vadd.f32 $0.0e+00, v39;
	_ =	sdelay $0x1  }
0x14e: {  	v41 =	vmul.f32 v47, v41;
	v39 =	vadd.f32 v49, v39;
	_ =	sdelay $0x1  }
0x14f: {  	v50 =	vmul.f32 v43, v42;
	v39 =	vadd.f32 v41, v39;
	_ =	sdelay $0x1  }
0x150: {  	v39 =	vadd.f32 v50, v39;
	_ =	sdelay $0x1  }
0x151: {  	(xrf2) =	vadd.scan.msk.f32 $0xffff, v39  }
0x152: {  	s8 =	spop @!p0 (v2sf)  }
0x153: {  	s8 =	sand.u32 @!p0 $0xFFFFF80, s8  }
0x154: {  	s15 =	simm.s32 @!p0 $0x4400;
	s8 =	sadd.s32 @!p0 s0, s8  }
0x155: {  	[tilespmem:s15], [sflag:$0x4] =	stream.strided.gather @!p0 [hbm4b:s8+s24], $0x2000, s25, s24, $0x38;
	[tilespmem:$0x1CA80] =	vst v63  }
0x156: {  	s8 =	spop @!p0 (v2sf)  }
0x157: {  	s8 =	sand.u32 @!p0 $0xFFFFF80, s8  }
0x158: {  	p1 =	sne.s32 s28, $0xF;
	s15 =	simm.s32 @!p0 $0x12400;
	s8 =	sadd.s32 @!p0 s1, s8  }
0x159: {  	[tilespmem:s15], [sflag:$0x4] =	stream.strided.gather @!p0 [hbm4b:s8+s24], $0x2000, s25, s24, $0x38;
	[tilespmem:$0x1CA80] =	vst v63  }
0x15a: {  	v39 =	vld @!p1 [tilespmem:s20+$0x1C400]  }
0x15b: {  	v51, _, _ =	vpop (xrf2)  }
0x15c: {  	p5 =	seq.s32 s26, $0xF;
	v42 =	vld @!p1 [tilespmem:s20+$0x1C600];
	v41 =	vbroadcast v51, $0xF  }
0x15d: {  	v40 =	vpsel p5, $0x0, v40  }
0x15e: {  	v40 =	vsel vm11, v41, v40  }
0x15f: {  	v39 =	vadd.f32 @!p1 v39, v40;
	_ =	sdelay $0x1  }
0x160: {  	v39 =	vadd.f32 @!p1 v42, v39;
	_ =	sdelay $0x1  }
0x161: {  	v39 =	vadd.f32 @!p1 v39, v37;
	_ =	sdelay $0x1  }
0x162: {  	[tilespmem:s20+$0x1C800] =	vst @!p1 v39  }
0x163: {  	_ =	swait.ge [sflag:s2], $0x2000  }
0x164: {  	[sflag:s2] =	ssyncset.done $0x0  }
0x165: {  	[sflag:s2] =	ssyncadd.s32 $0xFFFFE000  }
0x166: {  	_ =	swait.ge [sflag:s2], $0x2000  }
0x167: {  	s26 =	sadd.s32 $0x3, s22;
	[sflag:s2] =	ssyncset.done $0x0  }
0x168: {  	s20 =	sand.u32 $0x7F0, s26;
	[sflag:s2] =	ssyncadd.s32 $0xFFFFE000  }
0x169: {  	v52 =	vld [tilespmem:s20+$0x0]  }
0x16a: {  	v53 =	vld [tilespmem:s20+$0x200];
	_ =	sdelay $0x1  }
0x16b: {  	s26 =	sand.u32 $0xF, s26  }
0x16c: {  	v54 =	vmov s26  }
0x16d: {  	vm12 =	veq.s32 v54, v4;
	v39 =	vand.u32 $0x7F, v52  }
0x16e: {  	v41 =	vand.u32 $0x7F, v53;
	v39 =	vnsel vm12, $0x0, v39  }
0x16f: {  	v55 =	vnsel vm12, $0x0, v41;
	(xrf0) =	vadd.scan.msk.s32 $0xffff, v39  }
0x170: {  	s8 =	sadd.s32 @!p0 $0xA, s22;
	(xrf0) =	vadd.scan.msk.s32 $0xffff, v55  }
0x171: {  	s15 =	sand.u32 @!p0 $0x7F0, s8  }
0x172: {  	v39 =	vld @!p0 [tilespmem:s15+$0x0];
	_ =	sdelay $0x1  }
0x173: {  	s8 =	sand.u32 @!p0 $0xF, s8  }
0x174: {  	v41 =	vmov @!p0 s8;
	v56, _, _ =	vpop (xrf0)  }
0x175: {  	vm1 =	veq.s32 @!p0 v41, v38;
	v41 =	vld @!p0 [tilespmem:s15+$0x200];
	v42 =	vbroadcast v56, $0xF;
	v57, _, _ =	vpop (xrf0)  }
0x176: {  	v39 =	vnsel @!p0 vm1, $0x0, v39;
	v43 =	vbroadcast v57, $0xF  }
0x177: {  	(xrf0) =	vadd.scan.msk.s32 @!p0 $0xffff, v39;
	v58 =	vadd.s32 v20, v42  }
0x178: {  	v59 =	vadd.s32 v20, v43  }
0x179: {  	v60 =	vadd.s32 v21, v42  }
0x17a: {  	v41 =	vnsel @!p0 vm1, $0x0, v41;
	v61 =	vadd.s32 v21, v43  }
0x17b: {  	(xrf0) =	vadd.scan.msk.s32 @!p0 $0xffff, v41;
	v62 =	vadd.s32 v22, v42  }
0x17c: {  	v63 =	vadd.s32 v22, v43;
	v39 =	vld.idx.msk [tilespmem:v58+s13+$0x0], $0xffff  }
0x17d: {  	v42 =	vadd.s32 v23, v42;
	v48, _, _ =	vpop @!p0 (xrf0);
	v44 =	vld.idx.msk [tilespmem:v59+s18+$0x0], $0xffff  }
0x17e: {  	v43 =	vadd.s32 v23, v43;
	(v2sf) =	vpush @!p0 v48, $0xF;
	v45 =	vld.idx.msk [tilespmem:v60+s13+$0x0], $0xffff  }
0x17f: {  	v46 =	vld.idx.msk [tilespmem:v61+s18+$0x0], $0xffff  }
0x180: {  	v41 =	vld.idx.msk [tilespmem:v62+s13+$0x0], $0xffff  }
0x181: {  	v48, _, _ =	vpop @!p0 (xrf0);
	v47 =	vld.idx.msk [tilespmem:v63+s18+$0x0], $0xffff  }
0x182: {  	(v2sf) =	vpush @!p0 v48, $0xF;
	v42 =	vld.idx.msk [tilespmem:v42+s13+$0x0], $0xffff;
	v39 =	vmul.f32 v44, v39  }
0x183: {  	v43 =	vld.idx.msk [tilespmem:v43+s18+$0x0], $0xffff  }
0x184: {  	v49 =	vmul.f32 v46, v45;
	v39 =	vadd.f32 $0.0e+00, v39;
	_ =	sdelay $0x1  }
0x185: {  	v41 =	vmul.f32 v47, v41;
	v39 =	vadd.f32 v49, v39;
	_ =	sdelay $0x1  }
0x186: {  	v50 =	vmul.f32 v43, v42;
	v39 =	vadd.f32 v41, v39;
	_ =	sdelay $0x1  }
0x187: {  	v39 =	vadd.f32 v50, v39;
	_ =	sdelay $0x1  }
0x188: {  	(xrf2) =	vadd.scan.msk.f32 $0xffff, v39  }
0x189: {  	s8 =	spop @!p0 (v2sf)  }
0x18a: {  	s8 =	sand.u32 @!p0 $0xFFFFF80, s8  }
0x18b: {  	s15 =	simm.s32 @!p0 $0x6400;
	s8 =	sadd.s32 @!p0 s0, s8  }
0x18c: {  	[tilespmem:s15], [sflag:$0x5] =	stream.strided.gather @!p0 [hbm4b:s8+s24], $0x2000, s25, s24, $0x38;
	[tilespmem:$0x1CA80] =	vst v63  }
0x18d: {  	s8 =	spop @!p0 (v2sf)  }
0x18e: {  	s8 =	sand.u32 @!p0 $0xFFFFF80, s8  }
0x18f: {  	p1 =	sne.s32 s26, $0xF;
	s15 =	simm.s32 @!p0 $0x14400;
	s8 =	sadd.s32 @!p0 s1, s8  }
0x190: {  	[tilespmem:s15], [sflag:$0x5] =	stream.strided.gather @!p0 [hbm4b:s8+s24], $0x2000, s25, s24, $0x38;
	[tilespmem:$0x1CA80] =	vst v63  }
0x191: {  	v39 =	vld @!p1 [tilespmem:s20+$0x1C400]  }
0x192: {  	v51, _, _ =	vpop (xrf2)  }
0x193: {  	p6 =	seq.s32 s28, $0xF;
	v42 =	vld @!p1 [tilespmem:s20+$0x1C600];
	v41 =	vbroadcast v51, $0xF  }
0x194: {  	v40 =	vpsel p6, $0x0, v40  }
0x195: {  	v40 =	vsel vm12, v41, v40  }
0x196: {  	v39 =	vadd.f32 @!p1 v39, v40;
	_ =	sdelay $0x1  }
0x197: {  	v39 =	vadd.f32 @!p1 v42, v39;
	_ =	sdelay $0x1  }
0x198: {  	v39 =	vadd.f32 @!p1 v39, v37;
	_ =	sdelay $0x1  }
0x199: {  	[tilespmem:s20+$0x1C800] =	vst @!p1 v39  }
0x19a: {  	_ =	swait.ge [sflag:s6], $0x2000  }
0x19b: {  	[sflag:s6] =	ssyncset.done $0x0  }
0x19c: {  	[sflag:s6] =	ssyncadd.s32 $0xFFFFE000  }
0x19d: {  	_ =	swait.ge [sflag:s6], $0x2000  }
0x19e: {  	s15 =	sadd.s32 $0x4, s22;
	[sflag:s6] =	ssyncset.done $0x0  }
0x19f: {  	s20 =	sand.u32 $0x7F0, s15;
	[sflag:s6] =	ssyncadd.s32 $0xFFFFE000  }
0x1a0: {  	v52 =	vld [tilespmem:s20+$0x0]  }
0x1a1: {  	v53 =	vld [tilespmem:s20+$0x200];
	_ =	sdelay $0x1  }
0x1a2: {  	s28 =	sand.u32 $0xF, s15  }
0x1a3: {  	v54 =	vmov s28  }
0x1a4: {  	vm13 =	veq.s32 v54, v4;
	v39 =	vand.u32 $0x7F, v52  }
0x1a5: {  	v41 =	vand.u32 $0x7F, v53;
	v39 =	vnsel vm13, $0x0, v39  }
0x1a6: {  	v55 =	vnsel vm13, $0x0, v41;
	(xrf0) =	vadd.scan.msk.s32 $0xffff, v39  }
0x1a7: {  	s8 =	sadd.s32 @!p0 $0xB, s22;
	(xrf0) =	vadd.scan.msk.s32 $0xffff, v55  }
0x1a8: {  	s15 =	sand.u32 @!p0 $0x7F0, s8  }
0x1a9: {  	v39 =	vld @!p0 [tilespmem:s15+$0x0];
	_ =	sdelay $0x1  }
0x1aa: {  	s8 =	sand.u32 @!p0 $0xF, s8  }
0x1ab: {  	v41 =	vmov @!p0 s8;
	v56, _, _ =	vpop (xrf0)  }
0x1ac: {  	vm1 =	veq.s32 @!p0 v41, v38;
	v41 =	vld @!p0 [tilespmem:s15+$0x200];
	v42 =	vbroadcast v56, $0xF;
	v57, _, _ =	vpop (xrf0)  }
0x1ad: {  	v39 =	vnsel @!p0 vm1, $0x0, v39;
	v43 =	vbroadcast v57, $0xF  }
0x1ae: {  	(xrf0) =	vadd.scan.msk.s32 @!p0 $0xffff, v39;
	v58 =	vadd.s32 v24, v42  }
0x1af: {  	v59 =	vadd.s32 v24, v43  }
0x1b0: {  	v60 =	vadd.s32 v25, v42  }
0x1b1: {  	v41 =	vnsel @!p0 vm1, $0x0, v41;
	v61 =	vadd.s32 v25, v43  }
0x1b2: {  	(xrf0) =	vadd.scan.msk.s32 @!p0 $0xffff, v41;
	v62 =	vadd.s32 v26, v42  }
0x1b3: {  	v63 =	vadd.s32 v26, v43;
	v39 =	vld.idx.msk [tilespmem:v58+s13+$0x0], $0xffff  }
0x1b4: {  	v42 =	vadd.s32 v27, v42;
	v48, _, _ =	vpop @!p0 (xrf0);
	v44 =	vld.idx.msk [tilespmem:v59+s18+$0x0], $0xffff  }
0x1b5: {  	v43 =	vadd.s32 v27, v43;
	(v2sf) =	vpush @!p0 v48, $0xF;
	v45 =	vld.idx.msk [tilespmem:v60+s13+$0x0], $0xffff  }
0x1b6: {  	v46 =	vld.idx.msk [tilespmem:v61+s18+$0x0], $0xffff  }
0x1b7: {  	v41 =	vld.idx.msk [tilespmem:v62+s13+$0x0], $0xffff  }
0x1b8: {  	v48, _, _ =	vpop @!p0 (xrf0);
	v47 =	vld.idx.msk [tilespmem:v63+s18+$0x0], $0xffff  }
0x1b9: {  	(v2sf) =	vpush @!p0 v48, $0xF;
	v42 =	vld.idx.msk [tilespmem:v42+s13+$0x0], $0xffff;
	v39 =	vmul.f32 v44, v39  }
0x1ba: {  	v43 =	vld.idx.msk [tilespmem:v43+s18+$0x0], $0xffff  }
0x1bb: {  	v48 =	vmul.f32 v46, v45;
	v39 =	vadd.f32 $0.0e+00, v39;
	_ =	sdelay $0x1  }
0x1bc: {  	v41 =	vmul.f32 v47, v41;
	v39 =	vadd.f32 v48, v39;
	_ =	sdelay $0x1  }
0x1bd: {  	v49 =	vmul.f32 v43, v42;
	v39 =	vadd.f32 v41, v39;
	_ =	sdelay $0x1  }
0x1be: {  	v39 =	vadd.f32 v49, v39;
	_ =	sdelay $0x1  }
0x1bf: {  	(xrf2) =	vadd.scan.msk.f32 $0xffff, v39  }
0x1c0: {  	s8 =	spop @!p0 (v2sf)  }
0x1c1: {  	s8 =	sand.u32 @!p0 $0xFFFFF80, s8  }
0x1c2: {  	s15 =	simm.s32 @!p0 $0x8400;
	s8 =	sadd.s32 @!p0 s0, s8  }
0x1c3: {  	[tilespmem:s15], [sflag:$0x6] =	stream.strided.gather @!p0 [hbm4b:s8+s24], $0x2000, s25, s24, $0x38;
	[tilespmem:$0x1CA80] =	vst v63  }
0x1c4: {  	s8 =	spop @!p0 (v2sf)  }
0x1c5: {  	s8 =	sand.u32 @!p0 $0xFFFFF80, s8  }
0x1c6: {  	p1 =	sne.s32 s28, $0xF;
	s15 =	simm.s32 @!p0 $0x16400;
	s8 =	sadd.s32 @!p0 s1, s8  }
0x1c7: {  	[tilespmem:s15], [sflag:$0x6] =	stream.strided.gather @!p0 [hbm4b:s8+s24], $0x2000, s25, s24, $0x38;
	[tilespmem:$0x1CA80] =	vst v63  }
0x1c8: {  	v39 =	vld @!p1 [tilespmem:s20+$0x1C400]  }
0x1c9: {  	v50, _, _ =	vpop (xrf2)  }
0x1ca: {  	p3 =	seq.s32 s26, $0xF;
	v42 =	vld @!p1 [tilespmem:s20+$0x1C600];
	v41 =	vbroadcast v50, $0xF  }
0x1cb: {  	v40 =	vpsel p3, $0x0, v40  }
0x1cc: {  	v40 =	vsel vm13, v41, v40  }
0x1cd: {  	v39 =	vadd.f32 @!p1 v39, v40;
	_ =	sdelay $0x1  }
0x1ce: {  	v39 =	vadd.f32 @!p1 v42, v39;
	_ =	sdelay $0x1  }
0x1cf: {  	v39 =	vadd.f32 @!p1 v39, v37;
	_ =	sdelay $0x1  }
0x1d0: {  	[tilespmem:s20+$0x1C800] =	vst @!p1 v39  }
0x1d1: {  	_ =	swait.ge [sflag:s16], $0x2000  }
0x1d2: {  	[sflag:s16] =	ssyncset.done $0x0  }
0x1d3: {  	[sflag:s16] =	ssyncadd.s32 $0xFFFFE000  }
0x1d4: {  	_ =	swait.ge [sflag:s16], $0x2000  }
0x1d5: {  	s26 =	sadd.s32 $0x5, s22;
	[sflag:s16] =	ssyncset.done $0x0  }
0x1d6: {  	s20 =	sand.u32 $0x7F0, s26;
	[sflag:s16] =	ssyncadd.s32 $0xFFFFE000  }
0x1d7: {  	v51 =	vld [tilespmem:s20+$0x0]  }
0x1d8: {  	v52 =	vld [tilespmem:s20+$0x200];
	_ =	sdelay $0x1  }
0x1d9: {  	s26 =	sand.u32 $0xF, s26  }
0x1da: {  	v53 =	vmov s26  }
0x1db: {  	vm14 =	veq.s32 v53, v4;
	v39 =	vand.u32 $0x7F, v51  }
0x1dc: {  	v41 =	vand.u32 $0x7F, v52;
	v39 =	vnsel vm14, $0x0, v39  }
0x1dd: {  	v54 =	vnsel vm14, $0x0, v41;
	(xrf0) =	vadd.scan.msk.s32 $0xffff, v39  }
0x1de: {  	s8 =	sadd.s32 @!p0 $0xC, s22;
	(xrf0) =	vadd.scan.msk.s32 $0xffff, v54  }
0x1df: {  	s15 =	sand.u32 @!p0 $0x7F0, s8  }
0x1e0: {  	v39 =	vld @!p0 [tilespmem:s15+$0x0];
	_ =	sdelay $0x1  }
0x1e1: {  	s8 =	sand.u32 @!p0 $0xF, s8  }
0x1e2: {  	v41 =	vmov @!p0 s8;
	v55, _, _ =	vpop (xrf0)  }
0x1e3: {  	vm1 =	veq.s32 @!p0 v41, v38;
	v41 =	vld @!p0 [tilespmem:s15+$0x200];
	v42 =	vbroadcast v55, $0xF;
	v56, _, _ =	vpop (xrf0)  }
0x1e4: {  	v39 =	vnsel @!p0 vm1, $0x0, v39;
	v43 =	vbroadcast v56, $0xF  }
0x1e5: {  	(xrf0) =	vadd.scan.msk.s32 @!p0 $0xffff, v39;
	v57 =	vadd.s32 v28, v42  }
0x1e6: {  	v58 =	vadd.s32 v28, v43  }
0x1e7: {  	v59 =	vadd.s32 v29, v42  }
0x1e8: {  	v41 =	vnsel @!p0 vm1, $0x0, v41;
	v60 =	vadd.s32 v29, v43  }
0x1e9: {  	(xrf0) =	vadd.scan.msk.s32 @!p0 $0xffff, v41;
	v61 =	vadd.s32 v30, v42  }
0x1ea: {  	v62 =	vadd.s32 v30, v43;
	v39 =	vld.idx.msk [tilespmem:v57+s13+$0x0], $0xffff  }
0x1eb: {  	v42 =	vadd.s32 v31, v42;
	v48, _, _ =	vpop @!p0 (xrf0);
	v44 =	vld.idx.msk [tilespmem:v58+s18+$0x0], $0xffff  }
0x1ec: {  	v43 =	vadd.s32 v31, v43;
	(v2sf) =	vpush @!p0 v48, $0xF;
	v45 =	vld.idx.msk [tilespmem:v59+s13+$0x0], $0xffff  }
0x1ed: {  	v46 =	vld.idx.msk [tilespmem:v60+s18+$0x0], $0xffff  }
0x1ee: {  	v41 =	vld.idx.msk [tilespmem:v61+s13+$0x0], $0xffff  }
0x1ef: {  	v48, _, _ =	vpop @!p0 (xrf0);
	v47 =	vld.idx.msk [tilespmem:v62+s18+$0x0], $0xffff  }
0x1f0: {  	(v2sf) =	vpush @!p0 v48, $0xF;
	v42 =	vld.idx.msk [tilespmem:v42+s13+$0x0], $0xffff;
	v39 =	vmul.f32 v44, v39  }
0x1f1: {  	v43 =	vld.idx.msk [tilespmem:v43+s18+$0x0], $0xffff  }
0x1f2: {  	v63 =	vmul.f32 v46, v45;
	v39 =	vadd.f32 $0.0e+00, v39;
	_ =	sdelay $0x1  }
0x1f3: {  	v41 =	vmul.f32 v47, v41;
	v39 =	vadd.f32 v63, v39;
	_ =	sdelay $0x1  }
0x1f4: {  	v45 =	vmul.f32 v43, v42;
	v39 =	vadd.f32 v41, v39;
	_ =	sdelay $0x1  }
0x1f5: {  	v39 =	vadd.f32 v45, v39;
	_ =	sdelay $0x1  }
0x1f6: {  	(xrf2) =	vadd.scan.msk.f32 $0xffff, v39  }
0x1f7: {  	s8 =	spop @!p0 (v2sf)  }
0x1f8: {  	s8 =	sand.u32 @!p0 $0xFFFFF80, s8  }
0x1f9: {  	s15 =	simm.s32 @!p0 $0xA400;
	s8 =	sadd.s32 @!p0 s0, s8  }
0x1fa: {  	[tilespmem:s15], [sflag:$0x7] =	stream.strided.gather @!p0 [hbm4b:s8+s24], $0x2000, s25, s24, $0x38;
	[tilespmem:$0x1CA80] =	vst v63  }
0x1fb: {  	s8 =	spop @!p0 (v2sf)  }
0x1fc: {  	s8 =	sand.u32 @!p0 $0xFFFFF80, s8  }
0x1fd: {  	p1 =	sne.s32 s26, $0xF;
	s15 =	simm.s32 @!p0 $0x18400;
	s8 =	sadd.s32 @!p0 s1, s8  }
0x1fe: {  	[tilespmem:s15], [sflag:$0x7] =	stream.strided.gather @!p0 [hbm4b:s8+s24], $0x2000, s25, s24, $0x38;
	[tilespmem:$0x1CA80] =	vst v63  }
0x1ff: {  	v39 =	vld @!p1 [tilespmem:s20+$0x1C400]  }
0x200: {  	v46, _, _ =	vpop (xrf2)  }
0x201: {  	p4 =	seq.s32 s28, $0xF;
	v42 =	vld @!p1 [tilespmem:s20+$0x1C600];
	v41 =	vbroadcast v46, $0xF  }
0x202: {  	v40 =	vpsel p4, $0x0, v40  }
0x203: {  	v40 =	vsel vm14, v41, v40  }
0x204: {  	v39 =	vadd.f32 @!p1 v39, v40;
	_ =	sdelay $0x1  }
0x205: {  	v39 =	vadd.f32 @!p1 v42, v39;
	_ =	sdelay $0x1  }
0x206: {  	v39 =	vadd.f32 @!p1 v39, v37;
	_ =	sdelay $0x1  }
0x207: {  	[tilespmem:s20+$0x1C800] =	vst @!p1 v39  }
0x208: {  	_ =	swait.ge [sflag:s19], $0x2000  }
0x209: {  	[sflag:s19] =	ssyncset.done $0x0  }
0x20a: {  	[sflag:s19] =	ssyncadd.s32 $0xFFFFE000  }
0x20b: {  	_ =	swait.ge [sflag:s19], $0x2000  }
0x20c: {  	s28 =	sadd.s32 $0x6, s22;
	[sflag:s19] =	ssyncset.done $0x0  }
0x20d: {  	s20 =	sand.u32 $0x7F0, s28;
	[sflag:s19] =	ssyncadd.s32 $0xFFFFE000  }
0x20e: {  	v47 =	vld [tilespmem:s20+$0x0]  }
0x20f: {  	v48 =	vld [tilespmem:s20+$0x200];
	_ =	sdelay $0x1  }
0x210: {  	s28 =	sand.u32 $0xF, s28  }
0x211: {  	v49 =	vmov s28  }
0x212: {  	vm15 =	veq.s32 v49, v4;
	v39 =	vand.u32 $0x7F, v47  }
0x213: {  	v41 =	vand.u32 $0x7F, v48;
	v39 =	vnsel vm15, $0x0, v39  }
0x214: {  	s8 =	sadd.s32 @!p0 $0xD, s22;
	v50 =	vnsel vm15, $0x0, v41;
	(xrf0) =	vadd.scan.msk.s32 $0xffff, v39  }
0x215: {  	s15 =	sand.u32 @!p0 $0x7F0, s8;
	(xrf0) =	vadd.scan.msk.s32 $0xffff, v50  }
0x216: {  	v39 =	vld @!p0 [tilespmem:s15+$0x0];
	_ =	sdelay $0x1  }
0x217: {  	s8 =	sand.u32 @!p0 $0xF, s8  }
0x218: {  	v41 =	vmov @!p0 s8  }
0x219: {  	vm1 =	veq.s32 @!p0 v41, v38;
	v38 =	vld @!p0 [tilespmem:s15+$0x200];
	v51, _, _ =	vpop (xrf0)  }
0x21a: {  	v39 =	vnsel @!p0 vm1, $0x0, v39;
	v52 =	vbroadcast v51, $0xF;
	v53, _, _ =	vpop (xrf0)  }
0x21b: {  	(xrf0) =	vadd.scan.msk.s32 @!p0 $0xffff, v39;
	v42 =	vbroadcast v53, $0xF  }
0x21c: {  	v54 =	vadd.s32 v32, v52  }
0x21d: {  	v55 =	vadd.s32 v32, v42  }
0x21e: {  	v38 =	vnsel @!p0 vm1, $0x0, v38;
	v56 =	vadd.s32 v33, v52  }
0x21f: {  	(xrf0) =	vadd.scan.msk.s32 @!p0 $0xffff, v38;
	v57 =	vadd.s32 v33, v42  }
0x220: {  	v58 =	vadd.s32 v34, v52  }
0x221: {  	v59 =	vadd.s32 v34, v42;
	v46, _, _ =	vpop @!p0 (xrf0);
	v39 =	vld.idx.msk [tilespmem:v54+s13+$0x0], $0xffff  }
0x222: {  	v41 =	vadd.s32 v35, v52;
	(v2sf) =	vpush @!p0 v46, $0xF;
	v43 =	vld.idx.msk [tilespmem:v55+s18+$0x0], $0xffff  }
0x223: {  	v42 =	vadd.s32 v35, v42;
	v44 =	vld.idx.msk [tilespmem:v56+s13+$0x0], $0xffff  }
0x224: {  	v45 =	vld.idx.msk [tilespmem:v57+s18+$0x0], $0xffff  }
0x225: {  	v46, _, _ =	vpop @!p0 (xrf0);
	v38 =	vld.idx.msk [tilespmem:v58+s13+$0x0], $0xffff  }
0x226: {  	(v2sf) =	vpush @!p0 v46, $0xF;
	v60 =	vld.idx.msk [tilespmem:v59+s18+$0x0], $0xffff  }
0x227: {  	v41 =	vld.idx.msk [tilespmem:v41+s13+$0x0], $0xffff;
	v39 =	vmul.f32 v43, v39  }
0x228: {  	v42 =	vld.idx.msk [tilespmem:v42+s18+$0x0], $0xffff  }
0x229: {  	v61 =	vmul.f32 v45, v44;
	v39 =	vadd.f32 $0.0e+00, v39;
	_ =	sdelay $0x1  }
0x22a: {  	v38 =	vmul.f32 v60, v38;
	v39 =	vadd.f32 v61, v39;
	_ =	sdelay $0x1  }
0x22b: {  	v62 =	vmul.f32 v42, v41;
	v38 =	vadd.f32 v38, v39;
	_ =	sdelay $0x1  }
0x22c: {  	v38 =	vadd.f32 v62, v38;
	_ =	sdelay $0x1  }
0x22d: {  	s8 =	spop @!p0 (v2sf);
	(xrf2) =	vadd.scan.msk.f32 $0xffff, v38  }
0x22e: {  	s8 =	sand.u32 @!p0 $0xFFFFF80, s8  }
0x22f: {  	s15 =	simm.s32 @!p0 $0xC400;
	s8 =	sadd.s32 @!p0 s0, s8  }
0x230: {  	[tilespmem:s15], [sflag:$0x8] =	stream.strided.gather @!p0 [hbm4b:s8+s24], $0x2000, s25, s24, $0x38;
	[tilespmem:$0x1CA80] =	vst v63  }
0x231: {  	s8 =	spop @!p0 (v2sf)  }
0x232: {  	s8 =	sand.u32 @!p0 $0xFFFFF80, s8  }
0x233: {  	s15 =	simm.s32 @!p0 $0x1A400;
	s8 =	sadd.s32 @!p0 s1, s8  }
0x234: {  	[tilespmem:s15], [sflag:$0x8] =	stream.strided.gather @!p0 [hbm4b:s8+s24], $0x2000, s25, s24, $0x38;
	[tilespmem:$0x1CA80] =	vst v63  }
0x235: {  	p0 =	sne.s32 s28, $0xF  }
0x236: {  	v38 =	vld @!p0 [tilespmem:s20+$0x1C400]  }
0x237: {  	v63, _, _ =	vpop (xrf2)  }
0x238: {  	p5 =	seq.s32 s26, $0xF;
	v41 =	vld @!p0 [tilespmem:s20+$0x1C600];
	v39 =	vbroadcast v63, $0xF  }
0x239: {  	v40 =	vpsel p5, $0x0, v40  }
0x23a: {  	v39 =	vsel vm15, v39, v40  }
0x23b: {  	v38 =	vadd.f32 @!p0 v38, v39  }
0x23c: {  	p2 =	sne.s32 s23, $0x1FF  }
.Ltmp0:
0x23d: {  	v38 =	vadd.f32 @!p0 v41, v38;
	(pc) =	sbr.rel @p2 .LBB2_2-.Ltmp0, $4  }
0x23e: {  	_ = 	snop  }
0x23f: {  	v38 =	vadd.f32 @!p0 v38, v37  }
0x240: {  	p6 =	seq.s32 s28, $0xF  }
0x241: {  	s22 =	smov.u32 s23;
	[tilespmem:s20+$0x1C800] =	vst @!p0 v38;
	v38 =	vpsel p6, $0x0, v39  }
0x242: {  	_ =	swait.ge [sflag:s30], $0x2000  }
0x243: {  	[sflag:s30] =	ssyncset.done $0x0  }
0x244: {  	[sflag:s30] =	ssyncadd.s32 $0xFFFFE000  }
0x245: {  	_ =	swait.ge [sflag:s30], $0x2000  }
0x246: {  	[sflag:s30] =	ssyncset.done $0x0  }
0x247: {  	[sflag:s30] =	ssyncadd.s32 $0xFFFFE000  }
0x248: {  	v39 =	vld [tilespmem:$0x1F0]  }
0x249: {  	v40 =	vld [tilespmem:$0x3F0];
	_ =	sdelay $0x3  }
0x24a: {  	v39 =	vand.u32 v36, v39  }
0x24b: {  	v56 =	vand.u32 v36, v40;
	(xrf0) =	vadd.scan.msk.s32 $0xffff, v39  }
0x24c: {  	(xrf0) =	vadd.scan.msk.s32 $0xffff, v56;
	_ =	sdelay $0x4  }
0x24d: {  	v57, _, _ =	vpop (xrf0)  }
0x24e: {  	v39 =	vbroadcast v57, $0xF;
	v58, _, _ =	vpop (xrf0)  }
0x24f: {  	v40 =	vbroadcast v58, $0xF  }
0x250: {  	v41 =	vadd.s32 v5, v39  }
0x251: {  	v42 =	vadd.s32 v5, v40  }
0x252: {  	v43 =	vadd.s32 v9, v39  }
0x253: {  	v44 =	vadd.s32 v9, v40  }
0x254: {  	v45 =	vadd.s32 v10, v39  }
0x255: {  	v46 =	vadd.s32 v10, v40;
	v41 =	vld.idx.msk [tilespmem:v41+s13+$0x0], $0xffff  }
0x256: {  	v39 =	vadd.s32 v11, v39;
	v42 =	vld.idx.msk [tilespmem:v42+s18+$0x0], $0xffff  }
0x257: {  	v40 =	vadd.s32 v11, v40;
	v43 =	vld.idx.msk [tilespmem:v43+s13+$0x0], $0xffff  }
0x258: {  	v44 =	vld.idx.msk [tilespmem:v44+s18+$0x0], $0xffff  }
0x259: {  	v45 =	vld.idx.msk [tilespmem:v45+s13+$0x0], $0xffff  }
0x25a: {  	v46 =	vld.idx.msk [tilespmem:v46+s18+$0x0], $0xffff  }
0x25b: {  	v39 =	vld.idx.msk [tilespmem:v39+s13+$0x0], $0xffff;
	v41 =	vmul.f32 v42, v41  }
0x25c: {  	v40 =	vld.idx.msk [tilespmem:v40+s18+$0x0], $0xffff  }
0x25d: {  	v59 =	vmul.f32 v44, v43;
	v41 =	vadd.f32 $0.0e+00, v41;
	_ =	sdelay $0x1  }
0x25e: {  	v60 =	vmul.f32 v46, v45;
	v41 =	vadd.f32 v59, v41;
	_ =	sdelay $0x1  }
0x25f: {  	v39 =	vmul.f32 v40, v39;
	v41 =	vadd.f32 v60, v41;
	_ =	sdelay $0x1  }
0x260: {  	v39 =	vadd.f32 v39, v41;
	_ =	sdelay $0x1  }
0x261: {  	(xrf2) =	vadd.scan.msk.f32 $0xffff, v39;
	_ =	sdelay $0x6  }
0x262: {  	v61 =	vld [tilespmem:$0x1C5F0];
	_ =	sdelay $0x1  }
0x263: {  	v62 =	vld [tilespmem:$0x1C7F0]  }
0x264: {  	vm0 =	vmmov $0x7fff;
	v63, _, _ =	vpop (xrf2)  }
0x265: {  	v38 =	vsel vm0, v38, v63  }
0x266: {  	v38 =	vadd.f32 v38, v61;
	_ =	sdelay $0x1  }
0x267: {  	v38 =	vadd.f32 v38, v62;
	_ =	sdelay $0x1  }
0x268: {  	s21 =	sadd.s32 $0x1, s21;
	v37 =	vadd.f32 v38, v37  }
0x269: {  	p0 =	sne.s32 s21, s11  }
.Ltmp1:
0x26a: {  	s8 =	simm.s32 $0x1C800;
	[tilespmem:$0x1C9F0] =	vst v37;
	(pc) =	sbr.rel @p0 .LBB2_1-.Ltmp1, $4  }
0x26b: {  	[hbm4b:s10+s7] =	stream.linear.scatter [tilespmem:s8], [sflag:$0x9], $0x200, $0x38;
	[tilespmem:$0x1CA80] =	vst v63  }
0x26c: {  	_ =	swait.ge [sflag:s14], $0x200  }
0x26d: {  	[sflag:s14] =	ssyncset.done $0x0  }
0x26e: {  	[sflag:s14] =	ssyncadd.s32 $0xFFFFFE00  }
0x26f: {  	_ =	sfence.sel $0x180000  }
0x270: {  	[bflag:$0x0] =	sbarrier.arrive $0xFFFF  }
0x271: {  	_ =	strace $0x90000047  }
0x272: {  	s0 =	stileid.u32;
	[bflag:$0x2] =	sbarrier.arrive $0xFFFF  }
0x273: {  	p0 =	sne.s32 s0, $0x0;
	s0 =	rddreg [dreg:$0x8]  }
0x274: {  	s0 =	sadd.s32 @!p0 $0x100000, s0  }
0x275: {  	[sflag:s0] =	ssyncadd.tile.s32 @!p0 $0x1;
	_ =	shalt  }
.Lfunc_end2:
_tile_overlayer_lowered:
.L_overlay_start_2:
0x276: {  	(tag) =	ssettag $0x2  }
0x277: {  	s0 =	rddreg [dreg:$0x0];
	s2 =	stileid.u32  }
0x278: {  	s1 =	rddreg [dreg:$0x1];
	p0 =	sne.s32 s2, $0x0  }
0x279: {  	s3 =	rddreg [dreg:$0x2];
	[bflag:$0x3] =	sbarrier.arrive $0xFFFF;
	s2 =	simm.s32 @!p0 $0x1C09  }
0x27a: {  	[timem:s3], [sflag:s2] =	dma.local @!p0 [hbm:s0], s1  }
0x27b: {  	s0 =	simm.s32 @!p0 $0x9  }
0x27c: {  	_ =	swait.ge @!p0 [sflag:s0], s1  }
0x27d: {  	s1 =	ssub.s32 @!p0 $0x0, s1;
	[sflag:s0] =	ssyncset.done @!p0 $0x0  }
0x27e: {  	[sflag:s0] =	ssyncadd.s32 @!p0 s1  }
0x27f: {  	[bflag:$0x3] =	sbarrier.arrive $0xFFFF  }
0x280: {  	_ =	shalt  }

</sc_bundles>
